<compile_context>
chip_gen: v7x
topology: tpu7x:2x2x1
jax: 0.10.2.dev20260603
libtpu: 0.0.44.dev20260713+nightly
codegen_flags: <defaults>
</compile_context>

<pallas_src>
import jax
import jax.numpy as jnp
from jax import lax
from jax.experimental import pallas as pl
from jax.experimental.pallas import tpu as pltpu
from jax.experimental.pallas import tpu_sc as plsc

N = 10000
E = 320000
D = 128
DE = 16
H = 128
OUT = 100

HX = 144
SSCOL = 129

NC = 2
NS = 16
L = 16
NW = NC * NS
EPW = E // NW
K = 80
NCHUNK = EPW // K
SB = 25
NSB = NCHUNK // SB
NP = N
RPT = NP // NS

_mesh = plsc.VectorSubcoreMesh(core_axis_name="c", subcore_axis_name="s",
                               num_cores=NC, num_subcores=NS)


def _edge_body(hx_hbm, adst_hbm, src_hbm, dst_hbm, ae_hbm, ub_hbm, znum_hbm,
               num_out,
               num_sh, adst_v, ub_v, srcv, dstv, aev, wv,
               rows0, rows1, sg0, sg1, ss0, ss1):
  cid = lax.axis_index("c")
  tid = lax.axis_index("s")
  wid = tid * NC + cid

  pltpu.sync_copy(adst_hbm, adst_v)
  pltpu.sync_copy(ub_hbm, ub_v)

  r0 = tid * RPT
  pltpu.sync_copy(znum_hbm.at[pl.ds(r0, RPT)], num_sh.at[pl.ds(r0, RPT)])
  plsc.subcore_barrier()

  ubv = ub_v[...]
  rows = (rows0, rows1)
  sg = (sg0, sg1)
  ss = (ss0, ss1)
  row0 = wid * NCHUNK

  def start_gather(j, buf):
    pltpu.async_copy(hx_hbm.at[srcv.at[j]], rows[buf], sg[buf])

  def wait_gather(j, buf):
    pltpu.make_async_copy(hx_hbm.at[srcv.at[j]], rows[buf], sg[buf]).wait()

  def start_scatter(j, buf):
    pltpu.async_copy(rows[buf], num_sh.at[dstv.at[j]], ss[buf], add=True)

  def wait_scatter(j, buf):
    pltpu.make_async_copy(rows[buf], num_sh.at[dstv.at[j]], ss[buf]).wait()

  def compute_chunk(j, buf):
    rb = rows[buf]
    for g in range(K // L):
      sl = pl.ds(g * L, L)
      erow = g * L + lax.iota(jnp.int32, L)
      a1 = plsc.load_gather(rb, [erow, jnp.full((L,), H, jnp.int32)])
      a2 = plsc.load_gather(adst_v, [dstv[j, sl]])
      al = a1 + a2 + aev[j, sl]
      al = jnp.maximum(al, 0.2 * al)
      wv[sl] = jnp.exp(al - ubv)

    @plsc.parallel_loop(0, K, 1, unroll=2)
    def _(e):
      wrep = plsc.load_gather(wv, [jnp.full((L,), 0, jnp.int32) + e])
      for q in range(HX // L):
        s2 = pl.ds(q * L, L)
        rb[e, s2] = rb[e, s2] * wrep

  def super_body(s, _):
    base = row0 + s * SB
    pltpu.sync_copy(src_hbm.at[pl.ds(base, SB)], srcv)
    pltpu.sync_copy(dst_hbm.at[pl.ds(base, SB)], dstv)
    pltpu.sync_copy(ae_hbm.at[pl.ds(base, SB)], aev)

    start_gather(0, 0)
    wait_gather(0, 0)
    start_gather(1, 1)
    compute_chunk(0, 0)
    start_scatter(0, 0)

    def pair_body(t, _):
      c1 = 2 * t + 1
      wait_gather(c1, 1)
      wait_scatter(c1 - 1, 0)
      start_gather(c1 + 1, 0)
      compute_chunk(c1, 1)
      start_scatter(c1, 1)

      c2 = 2 * t + 2
      wait_gather(c2, 0)
      wait_scatter(c2 - 1, 1)
      start_gather(c2 + 1, 1)
      compute_chunk(c2, 0)
      start_scatter(c2, 0)
      return 0
    lax.fori_loop(0, (SB - 3) // 2, pair_body, 0)

    wait_gather(SB - 2, 1)
    wait_scatter(SB - 3, 0)
    start_gather(SB - 1, 0)
    compute_chunk(SB - 2, 1)
    start_scatter(SB - 2, 1)

    wait_gather(SB - 1, 0)
    compute_chunk(SB - 1, 0)
    start_scatter(SB - 1, 0)

    wait_scatter(SB - 2, 1)
    wait_scatter(SB - 1, 0)
    return 0

  lax.fori_loop(0, NSB, super_body, 0)
  plsc.subcore_barrier()

  pltpu.sync_copy(num_sh.at[pl.ds(r0, RPT)],
                  num_out.at[cid, pl.ds(r0, RPT)])


_edge = pl.kernel(
    _edge_body,
    out_type=[jax.ShapeDtypeStruct((NC, NP, HX), jnp.float32)],
    mesh=_mesh,
    scratch_types=[
        pltpu.VMEM_SHARED((NP, HX), jnp.float32),
        pltpu.VMEM((N,), jnp.float32),
        pltpu.VMEM((L,), jnp.float32),
        pltpu.VMEM((SB, K), jnp.int32),
        pltpu.VMEM((SB, K), jnp.int32),
        pltpu.VMEM((SB, K), jnp.float32),
        pltpu.VMEM((K,), jnp.float32),
        pltpu.VMEM((K, HX), jnp.float32),
        pltpu.VMEM((K, HX), jnp.float32),
        pltpu.SemaphoreType.DMA,
        pltpu.SemaphoreType.DMA,
        pltpu.SemaphoreType.DMA,
        pltpu.SemaphoreType.DMA,
    ],
    compiler_params=pltpu.CompilerParams(
        needs_layout_passes=False,
        use_tc_tiling_on_sc=False),
)

_HI = lax.Precision.DEFAULT


def _wblk(wev):
  cidx = lax.broadcasted_iota(jnp.int32, (8 * DE, 8), 0)
  kidx = lax.broadcasted_iota(jnp.int32, (8 * DE, 8), 1)
  sel = (cidx >> 4) == kidx
  wevfull = jnp.zeros((8 * DE, 8), jnp.float32)
  for j in range(DE):
    wevfull = wevfull + wev[0, j] * jnp.where((cidx & 15) == j, 1.0, 0.0)
  return jnp.where(sel, wevfull, 0.0)


_EB = 4000


def _packed_ae(wev, ea8):
  kidx = lax.broadcasted_iota(jnp.int32, (8, 8 * DE), 0)
  cidx = lax.broadcasted_iota(jnp.int32, (8, 8 * DE), 1)
  sel = (cidx >> 4) == kidx
  wevfull = jnp.zeros((8, 8 * DE), jnp.float32)
  for j in range(DE):
    wevfull = wevfull + wev[0, j] * jnp.where((cidx & 15) == j, 1.0, 0.0)
  b = jnp.where(sel, wevfull, 0.0)
  return lax.dot_general(b, ea8, (((1,), (1,)), ((), ())),
                         preferred_element_type=jnp.float32, precision=_HI)


def _ae_body(wev1_ref, wev2_ref, ea8_ref, aet1_ref, aet2_ref):
  ea8 = ea8_ref[...]
  aet1_ref[...] = _packed_ae(wev1_ref[...], ea8)
  aet2_ref[...] = _packed_ae(wev2_ref[...], ea8)


_ae = pl.pallas_call(
    _ae_body,
    grid=(E // 8 // _EB,),
    in_specs=[
        pl.BlockSpec((1, DE), lambda i: (0, 0)),
        pl.BlockSpec((1, DE), lambda i: (0, 0)),
        pl.BlockSpec((_EB, 8 * DE), lambda i: (i, 0)),
    ],
    out_specs=[
        pl.BlockSpec((8, _EB), lambda i: (i, 0)),
        pl.BlockSpec((8, _EB), lambda i: (i, 0)),
    ],
    out_shape=[
        jax.ShapeDtypeStruct((8 * (E // 8 // _EB), _EB), jnp.float32),
        jax.ShapeDtypeStruct((8 * (E // 8 // _EB), _EB), jnp.float32),
    ],
)


def _prep_body(x_ref, w1_ref, as1_ref, ad1_ref, we1_ref, ae1_ref, we2_ref,
               ae2_ref, hx_ref, adst_ref, ub_ref, wev1_ref, wev2_ref):
  h = jnp.dot(x_ref[...], w1_ref[...], preferred_element_type=jnp.float32,
              precision=_HI)
  asrc = jnp.dot(h, as1_ref[...], preferred_element_type=jnp.float32,
                 precision=_HI)
  adst = jnp.dot(h, ad1_ref[...], preferred_element_type=jnp.float32,
                 precision=_HI)
  hx_ref[...] = jnp.concatenate(
      [h, asrc, jnp.ones((N, HX - H - 1), jnp.float32)], axis=1)
  adst_ref[...] = adst
  ub = jnp.max(asrc) + jnp.max(adst)
  ub_ref[...] = jnp.full((1, 1), jnp.maximum(ub, 0.2 * ub))
  wev1_ref[...] = jnp.sum(we1_ref[...] * ae1_ref[...], axis=1)[None, :]
  wev2_ref[...] = jnp.sum(we2_ref[...] * ae2_ref[...], axis=1)[None, :]


_prep = pl.pallas_call(
    _prep_body,
    out_shape=[
        jax.ShapeDtypeStruct((N, HX), jnp.float32),
        jax.ShapeDtypeStruct((N, 1), jnp.float32),
        jax.ShapeDtypeStruct((1, 1), jnp.float32),
        jax.ShapeDtypeStruct((1, DE), jnp.float32),
        jax.ShapeDtypeStruct((1, DE), jnp.float32),
    ],
)

_NB = 2000
_NG = N // _NB


def _mid_body(num_ref, b1_ref, w2_ref, as2_ref, ad2_ref, hc1_ref,
              hx_ref, adst_ref, mx1_ref, mx2_ref, ub_ref, natt_ref):
  i = pl.program_id(0)
  acc = num_ref[0] + num_ref[1]
  num = acc[:, :H]
  ssum = acc[:, SSCOL:SSCOL + 1]
  h1 = jax.nn.relu(num / (ssum + 1e-16) + b1_ref[...])
  h2m = jnp.dot(h1, w2_ref[...], preferred_element_type=jnp.float32,
                precision=_HI)
  asrc = jnp.dot(h2m, as2_ref[...], preferred_element_type=jnp.float32,
                 precision=_HI)
  adst = jnp.dot(h2m, ad2_ref[...], preferred_element_type=jnp.float32,
                 precision=_HI)
  hx_ref[...] = jnp.concatenate(
      [h2m, asrc, jnp.ones((_NB, HX - H - 1), jnp.float32)], axis=1)
  adst_ref[...] = adst
  natt_ref[...] = jnp.dot(h1, hc1_ref[...], preferred_element_type=jnp.float32,
                          precision=_HI)

  @pl.when(i == 0)
  def _():
    mx1_ref[...] = jnp.full((1, 1), -jnp.inf)
    mx2_ref[...] = jnp.full((1, 1), -jnp.inf)

  mx1_ref[...] = jnp.maximum(mx1_ref[...], jnp.max(asrc))
  mx2_ref[...] = jnp.maximum(mx2_ref[...], jnp.max(adst))

  @pl.when(i == _NG - 1)
  def _():
    ub = mx1_ref[0, 0] + mx2_ref[0, 0]
    ub_ref[...] = jnp.full((1, 1), jnp.maximum(ub, 0.2 * ub))


_mid = pl.pallas_call(
    _mid_body,
    grid=(_NG,),
    in_specs=[
        pl.BlockSpec((NC, _NB, HX), lambda i: (0, i, 0)),
        pl.BlockSpec((1, H), lambda i: (0, 0)),
        pl.BlockSpec((H, H), lambda i: (0, 0)),
        pl.BlockSpec((H, 1), lambda i: (0, 0)),
        pl.BlockSpec((H, 1), lambda i: (0, 0)),
        pl.BlockSpec((H, 1), lambda i: (0, 0)),
    ],
    out_specs=[
        pl.BlockSpec((_NB, HX), lambda i: (i, 0)),
        pl.BlockSpec((_NB, 1), lambda i: (i, 0)),
        pl.BlockSpec((1, 1), lambda i: (0, 0)),
        pl.BlockSpec((1, 1), lambda i: (0, 0)),
        pl.BlockSpec((1, 1), lambda i: (0, 0)),
        pl.BlockSpec((_NB, 1), lambda i: (i, 0)),
    ],
    out_shape=[
        jax.ShapeDtypeStruct((N, HX), jnp.float32),
        jax.ShapeDtypeStruct((N, 1), jnp.float32),
        jax.ShapeDtypeStruct((1, 1), jnp.float32),
        jax.ShapeDtypeStruct((1, 1), jnp.float32),
        jax.ShapeDtypeStruct((1, 1), jnp.float32),
        jax.ShapeDtypeStruct((N, 1), jnp.float32),
    ],
)


def _post_body(num_ref, b2_ref, fcw_ref, fcb_ref, hc2_ref,
               natt1_ref, out_ref, natt_ref):
  acc = num_ref[0] + num_ref[1]
  num = acc[:, :H]
  ssum = acc[:, SSCOL:SSCOL + 1]
  h2 = jax.nn.relu(num / (ssum + 1e-16) + b2_ref[...])
  out_ref[...] = jnp.dot(h2, fcw_ref[...], preferred_element_type=jnp.float32,
                         precision=_HI) + fcb_ref[...]
  natt_ref[...] = natt1_ref[...] + jnp.dot(
      h2, hc2_ref[...], preferred_element_type=jnp.float32, precision=_HI)


_post = pl.pallas_call(
    _post_body,
    grid=(_NG,),
    in_specs=[
        pl.BlockSpec((NC, _NB, HX), lambda i: (0, i, 0)),
        pl.BlockSpec((1, H), lambda i: (0, 0)),
        pl.BlockSpec((H, OUT), lambda i: (0, 0)),
        pl.BlockSpec((1, OUT), lambda i: (0, 0)),
        pl.BlockSpec((H, 1), lambda i: (0, 0)),
        pl.BlockSpec((_NB, 1), lambda i: (i, 0)),
    ],
    out_specs=[
        pl.BlockSpec((_NB, OUT), lambda i: (i, 0)),
        pl.BlockSpec((_NB, 1), lambda i: (i, 0)),
    ],
    out_shape=[
        jax.ShapeDtypeStruct((N, OUT), jnp.float32),
        jax.ShapeDtypeStruct((N, 1), jnp.float32),
    ],
)


def kernel(x, edge_index, edge_attr, W1, as1, ad1, We1, ae1, b1, W2, as2,
           ad2, We2, ae2, b2, hc1, hc2, fcW, fcb):
  src2 = edge_index[0].reshape(E // K, K)
  dst2 = edge_index[1].reshape(E // K, K)
  znum = jnp.zeros((NP, HX), jnp.float32)

  ea8 = edge_attr.reshape(E // 8, 8 * DE)
  hx1, adst1, ub1, wev1, wev2 = _prep(
      x, W1, as1.reshape(D, 1), ad1.reshape(D, 1), We1, ae1.reshape(1, H),
      We2, ae2.reshape(1, H))
  aet1, aet2 = _ae(wev1, wev2, ea8)
  nblk = E // 8 // _EB
  ae1e = aet1.reshape(nblk, 8, _EB).transpose(0, 2, 1).reshape(E // K, K)
  ae2e = aet2.reshape(nblk, 8, _EB).transpose(0, 2, 1).reshape(E // K, K)

  num1 = _edge(hx1, adst1.reshape(N), src2, dst2, ae1e,
               jnp.full((L,), ub1[0, 0], jnp.float32), znum)[0]

  hx2, adst2, _mx1, _mx2, ub2, natt1 = _mid(
      num1, b1.reshape(1, H), W2, as2.reshape(H, 1), ad2.reshape(H, 1), hc1)

  num2 = _edge(hx2, adst2.reshape(N), src2, dst2, ae2e,
               jnp.full((L,), ub2[0, 0], jnp.float32), znum)[0]

  out, natt = _post(
      num2, b2.reshape(1, H), fcW, fcb.reshape(1, OUT), hc2, natt1)

  return out, natt.reshape(N)

# --- scband reference (transcript-rebuilt; emitter-appended) ---
"""Pipeline reference for scband-mali-vd-5884105196317 (READ-ONLY COPY).

The authoritative reference and input builder live on the scoring server;
editing this copy changes nothing except your own understanding.
"""

import jax, jax.numpy as jnp
import numpy as np

N = 10000
E = 320000
D = 128
DE = 16
H = 128
OUT = 100


def setup_inputs(seed: int = 0) -> dict:
    key = jax.random.key(seed)
    ks = jax.random.split(key, 24)
    s = 0.1
    inp = {}
    inp["x"] = jax.random.normal(ks[0], (N, D), dtype=jnp.float32)
    inp["edge_index"] = jax.random.randint(ks[1], (2, E), 0, N, dtype=jnp.int32)
    inp["edge_attr"] = jax.random.normal(ks[2], (E, DE), dtype=jnp.float32)
    # GAT layer 1 params
    inp["W1"] = jax.random.normal(ks[3], (D, H), dtype=jnp.float32) * s
    inp["as1"] = jax.random.normal(ks[4], (H,), dtype=jnp.float32) * s
    inp["ad1"] = jax.random.normal(ks[5], (H,), dtype=jnp.float32) * s
    inp["We1"] = jax.random.normal(ks[6], (DE, H), dtype=jnp.float32) * s
    inp["ae1"] = jax.random.normal(ks[7], (H,), dtype=jnp.float32) * s
    inp["b1"] = jnp.zeros((H,), dtype=jnp.float32)
    # GAT layer 2 params
    inp["W2"] = jax.random.normal(ks[8], (H, H), dtype=jnp.float32) * s
    inp["as2"] = jax.random.normal(ks[9], (H,), dtype=jnp.float32) * s
    inp["ad2"] = jax.random.normal(ks[10], (H,), dtype=jnp.float32) * s
    inp["We2"] = jax.random.normal(ks[11], (DE, H), dtype=jnp.float32) * s
    inp["ae2"] = jax.random.normal(ks[12], (H,), dtype=jnp.float32) * s
    inp["b2"] = jnp.zeros((H,), dtype=jnp.float32)
    # attention context vectors + final fc
    inp["hc1"] = jax.random.normal(ks[13], (H, 1), dtype=jnp.float32)
    inp["hc2"] = jax.random.normal(ks[14], (H, 1), dtype=jnp.float32)
    inp["fcW"] = jax.random.normal(ks[15], (H, OUT), dtype=jnp.float32) * s
    inp["fcb"] = jnp.zeros((OUT,), dtype=jnp.float32)
    return inp


def gat_layer(x, src, dst, edge_attr, W, a_src, a_dst, We, a_e, b):
    # PyG-style GATConv, heads=1, with edge features
    h = x @ W
    e = edge_attr @ We
    alpha_src = (h * a_src).sum(-1)
    alpha_dst = (h * a_dst).sum(-1)
    alpha_edge = (e * a_e).sum(-1)
    al = jax.nn.leaky_relu(alpha_src[src] + alpha_dst[dst] + alpha_edge, 0.2)
    # segment softmax over destination nodes
    m = jax.ops.segment_max(al, dst, num_segments=N)
    ex = jnp.exp(al - m[dst])
    ssum = jax.ops.segment_sum(ex, dst, num_segments=N)
    alpha = ex / (ssum[dst] + 1e-16)
    out = jax.ops.segment_sum(alpha[:, None] * h[src], dst, num_segments=N)
    return out + b


def reference(x, edge_index, edge_attr, W1, as1, ad1, We1, ae1, b1, W2, as2, ad2, We2, ae2, b2, hc1, hc2, fcW, fcb):
    src = edge_index[0]
    dst = edge_index[1]
    h1 = jax.nn.relu(gat_layer(x, src, dst, edge_attr, W1, as1, ad1, We1, ae1, b1))
    h2 = jax.nn.relu(gat_layer(h1, src, dst, edge_attr, W2, as2, ad2, We2, ae2, b2))
    node_att = (h1 @ hc1 + h2 @ hc2)[:, 0]
    out = h2 @ fcW + fcb
    return (out, node_att)

if __name__ == "__main__":
    import jax
    _d = setup_inputs()
    print(jax.jit(kernel)(*tuple(_d.values())))

</pallas_src>

<mosaic_0001>
#map = affine_map<(d0, d1) -> (0, 0)>
#map1 = affine_map<(d0, d1) -> (0)>
#map2 = affine_map<(d0, d1) -> (0, 0, 0)>
module attributes {stable_mosaic.version = 14 : i64} {
  func.func @_edge_body(%arg0: i32, %arg1: i32, %arg2: memref<10000x144xf32, #tpu.memory_space<hbm>>, %arg3: memref<10000xf32, #tpu.memory_space<hbm>>, %arg4: memref<4000x80xi32, #tpu.memory_space<hbm>>, %arg5: memref<4000x80xi32, #tpu.memory_space<hbm>>, %arg6: memref<4000x80xf32, #tpu.memory_space<hbm>>, %arg7: memref<16xf32, #tpu.memory_space<hbm>>, %arg8: memref<10000x144xf32, #tpu.memory_space<hbm>>, %arg9: memref<2x10000x144xf32, #tpu.memory_space<hbm>>, %arg10: memref<10000x144xf32, #tpu.memory_space<vmem_shared>>, %arg11: memref<10000xf32, #tpu.memory_space<vmem>>, %arg12: memref<16xf32, #tpu.memory_space<vmem>>, %arg13: memref<25x80xi32, #tpu.memory_space<vmem>>, %arg14: memref<25x80xi32, #tpu.memory_space<vmem>>, %arg15: memref<25x80xf32, #tpu.memory_space<vmem>>, %arg16: memref<80xf32, #tpu.memory_space<vmem>>, %arg17: memref<80x144xf32, #tpu.memory_space<vmem>>, %arg18: memref<80x144xf32, #tpu.memory_space<vmem>>, %arg19: memref<!tpu.dma_semaphore, #tpu.memory_space<semaphore_mem>>, %arg20: memref<!tpu.dma_semaphore, #tpu.memory_space<semaphore_mem>>, %arg21: memref<!tpu.dma_semaphore, #tpu.memory_space<semaphore_mem>>, %arg22: memref<!tpu.dma_semaphore, #tpu.memory_space<semaphore_mem>>) attributes {dimension_semantics = [#tpu.dimension_semantics<core_parallel>, #tpu.dimension_semantics<subcore_parallel>], iteration_bounds = array<i64: 2, 16>, scalar_prefetch = 0 : i64, scratch_operands = 13 : i64, tpu.core_type = #tpu.core_type<sc_vector_subcore>, window_params = [{transform_indices = #map}, {transform_indices = #map1}, {transform_indices = #map}, {transform_indices = #map}, {transform_indices = #map}, {transform_indices = #map1}, {transform_indices = #map}, {transform_indices = #map2}]} {
    %mul3A = arith.constant 2 : i32
    %mul3A_0 = arith.muli %arg1, %mul3A : i32
    %add3A = arith.addi %mul3A_0, %arg0 : i32
    "tpu.region"() ({
      %run_scoped3A = tpu.sem_alloc : memref<!tpu.dma_semaphore, #tpu.memory_space<semaphore_mem>>
      tpu.enqueue_dma source(%arg3 : memref<10000xf32, #tpu.memory_space<hbm>>) target(%arg11 : memref<10000xf32, #tpu.memory_space<vmem>>) target_semaphore(%run_scoped3A : memref<!tpu.dma_semaphore, #tpu.memory_space<semaphore_mem>>)
      tpu.wait_dma2 semaphore(%run_scoped3A : memref<!tpu.dma_semaphore, #tpu.memory_space<semaphore_mem>>) src(%arg3 : memref<10000xf32, #tpu.memory_space<hbm>>) dst(%arg11 : memref<10000xf32, #tpu.memory_space<vmem>>)
      tpu.yield
    }) : () -> ()
    "tpu.region"() ({
      %run_scoped3A = tpu.sem_alloc : memref<!tpu.dma_semaphore, #tpu.memory_space<semaphore_mem>>
      tpu.enqueue_dma source(%arg7 : memref<16xf32, #tpu.memory_space<hbm>>) target(%arg12 : memref<16xf32, #tpu.memory_space<vmem>>) target_semaphore(%run_scoped3A : memref<!tpu.dma_semaphore, #tpu.memory_space<semaphore_mem>>)
      tpu.wait_dma2 semaphore(%run_scoped3A : memref<!tpu.dma_semaphore, #tpu.memory_space<semaphore_mem>>) src(%arg7 : memref<16xf32, #tpu.memory_space<hbm>>) dst(%arg12 : memref<16xf32, #tpu.memory_space<vmem>>)
      tpu.yield
    }) : () -> ()
    %mul3A_1 = arith.constant 625 : i32
    %mul3A_2 = arith.muli %arg1, %mul3A_1 : i32
    "tpu.region"() ({
      %run_scoped3A = tpu.sem_alloc : memref<!tpu.dma_semaphore, #tpu.memory_space<semaphore_mem>>
      %dma_start3A = arith.constant 0 : i32
      %dma_start3A_13 = tpu.memref_slice %arg10[%mul3A_2, %dma_start3A] : memref<10000x144xf32, #tpu.memory_space<vmem_shared>> -> memref<625x144xf32, #tpu.memory_space<vmem_shared>>
      %dma_start3A_14 = arith.constant 0 : i32
      %dma_start3A_15 = tpu.memref_slice %arg8[%mul3A_2, %dma_start3A_14] : memref<10000x144xf32, #tpu.memory_space<hbm>> -> memref<625x144xf32, #tpu.memory_space<hbm>>
      tpu.enqueue_dma source(%dma_start3A_15 : memref<625x144xf32, #tpu.memory_space<hbm>>) target(%dma_start3A_13 : memref<625x144xf32, #tpu.memory_space<vmem_shared>>) target_semaphore(%run_scoped3A : memref<!tpu.dma_semaphore, #tpu.memory_space<semaphore_mem>>)
      %dma_wait3A = arith.constant 0 : i32
      %dma_wait3A_16 = tpu.memref_slice %arg10[%mul3A_2, %dma_wait3A] : memref<10000x144xf32, #tpu.memory_space<vmem_shared>> -> memref<625x144xf32, #tpu.memory_space<vmem_shared>>
      %dma_wait3A_17 = arith.constant 0 : i32
      %dma_wait3A_18 = tpu.memref_slice %arg8[%mul3A_2, %dma_wait3A_17] : memref<10000x144xf32, #tpu.memory_space<hbm>> -> memref<625x144xf32, #tpu.memory_space<hbm>>
      tpu.wait_dma2 semaphore(%run_scoped3A : memref<!tpu.dma_semaphore, #tpu.memory_space<semaphore_mem>>) src(%dma_wait3A_18 : memref<625x144xf32, #tpu.memory_space<hbm>>) dst(%dma_wait3A_16 : memref<625x144xf32, #tpu.memory_space<vmem_shared>>)
      tpu.yield
    }) : () -> ()
    %barrier3A = arith.constant 0 : index
    tpu.barrier barrier_id(%barrier3A)
    %get3A = arith.constant 0 : index
    %get3A_3 = tpu.vector_load %arg12[%get3A] {strides = array<i32>} : memref<16xf32, #tpu.memory_space<vmem>>, vector<16xf32>,
    %mul3A_4 = arith.constant 125 : i32
    %mul3A_5 = arith.muli %add3A, %mul3A_4 : i32
    %scan3A = arith.constant 0 : i32
    %scan3A_6 = arith.constant 0 : i32
    %scan3A_7 = arith.constant 5 : i32
    %scan3A_8 = arith.addi %scan3A_6, %scan3A_7 : i32
    %scan3A_9 = arith.constant 1 : i32
    %scan3A_10 = scf.for %scan3A_13 = %scan3A_6 to %scan3A_8 step %scan3A_9 iter_args(%scan3A_14 = %scan3A) -> (i32)  : i32 {
      %mul3A_15 = arith.constant 25 : i32
      %mul3A_16 = arith.muli %scan3A_13, %mul3A_15 : i32
      %add3A_17 = arith.addi %mul3A_5, %mul3A_16 : i32
      "tpu.region"() ({
        %run_scoped3A = tpu.sem_alloc : memref<!tpu.dma_semaphore, #tpu.memory_space<semaphore_mem>>
        %dma_start3A_499 = arith.constant 0 : i32
        %dma_start3A_500 = tpu.memref_slice %arg4[%add3A_17, %dma_start3A_499] : memref<4000x80xi32, #tpu.memory_space<hbm>> -> memref<25x80xi32, #tpu.memory_space<hbm>>
        %dma_start3A_501 = arith.constant 0 : i32
        %dma_start3A_502 = tpu.memref_slice %arg4[%add3A_17, %dma_start3A_501] : memref<4000x80xi32, #tpu.memory_space<hbm>> -> memref<25x80xi32, #tpu.memory_space<hbm>>
        tpu.enqueue_dma source(%dma_start3A_502 : memref<25x80xi32, #tpu.memory_space<hbm>>) target(%arg13 : memref<25x80xi32, #tpu.memory_space<vmem>>) target_semaphore(%run_scoped3A : memref<!tpu.dma_semaphore, #tpu.memory_space<semaphore_mem>>)
        %dma_wait3A_503 = arith.constant 0 : i32
        %dma_wait3A_504 = tpu.memref_slice %arg4[%add3A_17, %dma_wait3A_503] : memref<4000x80xi32, #tpu.memory_space<hbm>> -> memref<25x80xi32, #tpu.memory_space<hbm>>
        %dma_wait3A_505 = arith.constant 0 : i32
        %dma_wait3A_506 = tpu.memref_slice %arg4[%add3A_17, %dma_wait3A_505] : memref<4000x80xi32, #tpu.memory_space<hbm>> -> memref<25x80xi32, #tpu.memory_space<hbm>>
        tpu.wait_dma2 semaphore(%run_scoped3A : memref<!tpu.dma_semaphore, #tpu.memory_space<semaphore_mem>>) src(%dma_wait3A_506 : memref<25x80xi32, #tpu.memory_space<hbm>>) dst(%arg13 : memref<25x80xi32, #tpu.memory_space<vmem>>)
        tpu.yield
      }) : () -> ()
      "tpu.region"() ({
        %run_scoped3A = tpu.sem_alloc : memref<!tpu.dma_semaphore, #tpu.memory_space<semaphore_mem>>
        %dma_start3A_499 = arith.constant 0 : i32
        %dma_start3A_500 = tpu.memref_slice %arg5[%add3A_17, %dma_start3A_499] : memref<4000x80xi32, #tpu.memory_space<hbm>> -> memref<25x80xi32, #tpu.memory_space<hbm>>
        %dma_start3A_501 = arith.constant 0 : i32
        %dma_start3A_502 = tpu.memref_slice %arg5[%add3A_17, %dma_start3A_501] : memref<4000x80xi32, #tpu.memory_space<hbm>> -> memref<25x80xi32, #tpu.memory_space<hbm>>
        tpu.enqueue_dma source(%dma_start3A_502 : memref<25x80xi32, #tpu.memory_space<hbm>>) target(%arg14 : memref<25x80xi32, #tpu.memory_space<vmem>>) target_semaphore(%run_scoped3A : memref<!tpu.dma_semaphore, #tpu.memory_space<semaphore_mem>>)
        %dma_wait3A_503 = arith.constant 0 : i32
        %dma_wait3A_504 = tpu.memref_slice %arg5[%add3A_17, %dma_wait3A_503] : memref<4000x80xi32, #tpu.memory_space<hbm>> -> memref<25x80xi32, #tpu.memory_space<hbm>>
        %dma_wait3A_505 = arith.constant 0 : i32
        %dma_wait3A_506 = tpu.memref_slice %arg5[%add3A_17, %dma_wait3A_505] : memref<4000x80xi32, #tpu.memory_space<hbm>> -> memref<25x80xi32, #tpu.memory_space<hbm>>
        tpu.wait_dma2 semaphore(%run_scoped3A : memref<!tpu.dma_semaphore, #tpu.memory_space<semaphore_mem>>) src(%dma_wait3A_506 : memref<25x80xi32, #tpu.memory_space<hbm>>) dst(%arg14 : memref<25x80xi32, #tpu.memory_space<vmem>>)
        tpu.yield
      }) : () -> ()
      "tpu.region"() ({
        %run_scoped3A = tpu.sem_alloc : memref<!tpu.dma_semaphore, #tpu.memory_space<semaphore_mem>>
        %dma_start3A_499 = arith.constant 0 : i32
        %dma_start3A_500 = tpu.memref_slice %arg6[%add3A_17, %dma_start3A_499] : memref<4000x80xf32, #tpu.memory_space<hbm>> -> memref<25x80xf32, #tpu.memory_space<hbm>>
        %dma_start3A_501 = arith.constant 0 : i32
        %dma_start3A_502 = tpu.memref_slice %arg6[%add3A_17, %dma_start3A_501] : memref<4000x80xf32, #tpu.memory_space<hbm>> -> memref<25x80xf32, #tpu.memory_space<hbm>>
        tpu.enqueue_dma source(%dma_start3A_502 : memref<25x80xf32, #tpu.memory_space<hbm>>) target(%arg15 : memref<25x80xf32, #tpu.memory_space<vmem>>) target_semaphore(%run_scoped3A : memref<!tpu.dma_semaphore, #tpu.memory_space<semaphore_mem>>)
        %dma_wait3A_503 = arith.constant 0 : i32
        %dma_wait3A_504 = tpu.memref_slice %arg6[%add3A_17, %dma_wait3A_503] : memref<4000x80xf32, #tpu.memory_space<hbm>> -> memref<25x80xf32, #tpu.memory_space<hbm>>
        %dma_wait3A_505 = arith.constant 0 : i32
        %dma_wait3A_506 = tpu.memref_slice %arg6[%add3A_17, %dma_wait3A_505] : memref<4000x80xf32, #tpu.memory_space<hbm>> -> memref<25x80xf32, #tpu.memory_space<hbm>>
        tpu.wait_dma2 semaphore(%run_scoped3A : memref<!tpu.dma_semaphore, #tpu.memory_space<semaphore_mem>>) src(%dma_wait3A_506 : memref<25x80xf32, #tpu.memory_space<hbm>>) dst(%arg15 : memref<25x80xf32, #tpu.memory_space<vmem>>)
        tpu.yield
      }) : () -> ()
      %dma_start3A = arith.constant 0 : i32
      %dma_start3A_18 = arith.constant 0 : i32
      %dma_start3A_19 = tpu.memref_slice %arg13[%dma_start3A, %dma_start3A_18] : memref<25x80xi32, #tpu.memory_space<vmem>> -> memref<1x80xi32, #tpu.memory_space<vmem>>
      %dma_start3A_20 = tpu.memref_squeeze %dma_start3A_19 : memref<1x80xi32, #tpu.memory_space<vmem>> -> memref<80xi32, #tpu.memory_space<vmem>>
      %dma_start3A_21 = arith.constant 0 : i32
      %dma_start3A_22 = arith.constant 0 : i32
      %dma_start3A_23 = tpu.memref_slice %arg2[%dma_start3A_21, %dma_start3A_22] : memref<10000x144xf32, #tpu.memory_space<hbm>> -> memref<10000x144xf32, #tpu.memory_space<hbm>>
      tpu.enqueue_indirect_dma source(%dma_start3A_23 : memref<10000x144xf32, #tpu.memory_space<hbm>>) target(%arg17 : memref<80x144xf32, #tpu.memory_space<vmem>>) offsets(%dma_start3A_20 : memref<80xi32, #tpu.memory_space<vmem>>) semaphore(%arg19 : memref<!tpu.dma_semaphore, #tpu.memory_space<semaphore_mem>>)
      %dma_wait3A = arith.constant 0 : i32
      %dma_wait3A_24 = arith.constant 0 : i32
      %dma_wait3A_25 = tpu.memref_slice %arg13[%dma_wait3A, %dma_wait3A_24] : memref<25x80xi32, #tpu.memory_space<vmem>> -> memref<1x80xi32, #tpu.memory_space<vmem>>
      %dma_wait3A_26 = tpu.memref_squeeze %dma_wait3A_25 : memref<1x80xi32, #tpu.memory_space<vmem>> -> memref<80xi32, #tpu.memory_space<vmem>>
      %dma_wait3A_27 = arith.constant 0 : i32
      %dma_wait3A_28 = arith.constant 0 : i32
      %dma_wait3A_29 = tpu.memref_slice %arg2[%dma_wait3A_27, %dma_wait3A_28] : memref<10000x144xf32, #tpu.memory_space<hbm>> -> memref<10000x144xf32, #tpu.memory_space<hbm>>
      tpu.wait_indirect_dma semaphore(%arg19 : memref<!tpu.dma_semaphore, #tpu.memory_space<semaphore_mem>>) src(%dma_wait3A_29 : memref<10000x144xf32, #tpu.memory_space<hbm>>) dst(%arg17 : memref<80x144xf32, #tpu.memory_space<vmem>>)
      %dma_start3A_30 = arith.constant 1 : i32
      %dma_start3A_31 = arith.constant 0 : i32
      %dma_start3A_32 = tpu.memref_slice %arg13[%dma_start3A_30, %dma_start3A_31] : memref<25x80xi32, #tpu.memory_space<vmem>> -> memref<1x80xi32, #tpu.memory_space<vmem>>
      %dma_start3A_33 = tpu.memref_squeeze %dma_start3A_32 : memref<1x80xi32, #tpu.memory_space<vmem>> -> memref<80xi32, #tpu.memory_space<vmem>>
      %dma_start3A_34 = arith.constant 0 : i32
      %dma_start3A_35 = arith.constant 0 : i32
      %dma_start3A_36 = tpu.memref_slice %arg2[%dma_start3A_34, %dma_start3A_35] : memref<10000x144xf32, #tpu.memory_space<hbm>> -> memref<10000x144xf32, #tpu.memory_space<hbm>>
      tpu.enqueue_indirect_dma source(%dma_start3A_36 : memref<10000x144xf32, #tpu.memory_space<hbm>>) target(%arg18 : memref<80x144xf32, #tpu.memory_space<vmem>>) offsets(%dma_start3A_33 : memref<80xi32, #tpu.memory_space<vmem>>) semaphore(%arg20 : memref<!tpu.dma_semaphore, #tpu.memory_space<semaphore_mem>>)
      %iota3A = tpu.iota {dimensions = array<i32: 0>} : vector<16xi32>
      %add3A_37 = arith.constant 0 : i32
      %add3A_38 = vector.broadcast %add3A_37 : i32 to vector<16xi32>
      %add3A_39 = arith.addi %add3A_38, %iota3A : vector<16xi32>
      %broadcast_in_dim3A = arith.constant 128 : i32
      %broadcast_in_dim3A_40 = vector.broadcast %broadcast_in_dim3A : i32 to vector<16xi32>
      %gather3A = tpu.vector_load_idx %arg17[%add3A_39, %broadcast_in_dim3A_40] : memref<80x144xf32, #tpu.memory_space<vmem>>[vector<16xi32>, vector<16xi32>], vector<16xf32>,
      %get3A_41 = arith.constant 0 : i32
      %get3A_42 = arith.index_cast %get3A_41 : i32 to index
      %get3A_43 = arith.constant 0 : index
      %get3A_44 = tpu.vector_load %arg14[%get3A_42, %get3A_43] {strides = array<i32>} : memref<25x80xi32, #tpu.memory_space<vmem>>, vector<16xi32>,
      %gather3A_45 = tpu.vector_load_idx %arg11[%get3A_44] : memref<10000xf32, #tpu.memory_space<vmem>>[vector<16xi32>], vector<16xf32>,
      %add3A_46 = arith.addf %gather3A, %gather3A_45 : vector<16xf32>
      %get3A_47 = arith.constant 0 : i32
      %get3A_48 = arith.index_cast %get3A_47 : i32 to index
      %get3A_49 = arith.constant 0 : index
      %get3A_50 = tpu.vector_load %arg15[%get3A_48, %get3A_49] {strides = array<i32>} : memref<25x80xf32, #tpu.memory_space<vmem>>, vector<16xf32>,
      %add3A_51 = arith.addf %add3A_46, %get3A_50 : vector<16xf32>
      %mul3A_52 = arith.constant 2.000000e-01 : f32
      %mul3A_53 = vector.broadcast %mul3A_52 : f32 to vector<16xf32>
      %mul3A_54 = arith.mulf %mul3A_53, %add3A_51 : vector<16xf32>
      %max3A = arith.maximumf %add3A_51, %mul3A_54 : vector<16xf32>
      %sub3A = arith.subf %max3A, %get3A_3 : vector<16xf32>
      %exp3A = math.exp %sub3A : vector<16xf32>
      %swap3A = arith.constant 0 : index
      %swap3A_55 = tpu.vector_load %arg16[%swap3A] {strides = array<i32>} : memref<80xf32, #tpu.memory_space<vmem>>, vector<16xf32>,
      tpu.vector_store %arg16[%swap3A], %exp3A {strides = array<i32>} : memref<80xf32, #tpu.memory_space<vmem>>, vector<16xf32>,
      %iota3A_56 = tpu.iota {dimensions = array<i32: 0>} : vector<16xi32>
      %add3A_57 = arith.constant 16 : i32
      %add3A_58 = vector.broadcast %add3A_57 : i32 to vector<16xi32>
      %add3A_59 = arith.addi %add3A_58, %iota3A_56 : vector<16xi32>
      %broadcast_in_dim3A_60 = arith.constant 128 : i32
      %broadcast_in_dim3A_61 = vector.broadcast %broadcast_in_dim3A_60 : i32 to vector<16xi32>
      %gather3A_62 = tpu.vector_load_idx %arg17[%add3A_59, %broadcast_in_dim3A_61] : memref<80x144xf32, #tpu.memory_space<vmem>>[vector<16xi32>, vector<16xi32>], vector<16xf32>,
      %get3A_63 = arith.constant 0 : i32
      %get3A_64 = arith.index_cast %get3A_63 : i32 to index
      %get3A_65 = arith.constant 16 : index
      %get3A_66 = tpu.vector_load %arg14[%get3A_64, %get3A_65] {strides = array<i32>} : memref<25x80xi32, #tpu.memory_space<vmem>>, vector<16xi32>,
      %gather3A_67 = tpu.vector_load_idx %arg11[%get3A_66] : memref<10000xf32, #tpu.memory_space<vmem>>[vector<16xi32>], vector<16xf32>,
      %add3A_68 = arith.addf %gather3A_62, %gather3A_67 : vector<16xf32>
      %get3A_69 = arith.constant 0 : i32
      %get3A_70 = arith.index_cast %get3A_69 : i32 to index
      %get3A_71 = arith.constant 16 : index
      %get3A_72 = tpu.vector_load %arg15[%get3A_70, %get3A_71] {strides = array<i32>} : memref<25x80xf32, #tpu.memory_space<vmem>>, vector<16xf32>,
      %add3A_73 = arith.addf %add3A_68, %get3A_72 : vector<16xf32>
      %mul3A_74 = arith.constant 2.000000e-01 : f32
      %mul3A_75 = vector.broadcast %mul3A_74 : f32 to vector<16xf32>
      %mul3A_76 = arith.mulf %mul3A_75, %add3A_73 : vector<16xf32>
      %max3A_77 = arith.maximumf %add3A_73, %mul3A_76 : vector<16xf32>
      %sub3A_78 = arith.subf %max3A_77, %get3A_3 : vector<16xf32>
      %exp3A_79 = math.exp %sub3A_78 : vector<16xf32>
      %swap3A_80 = arith.constant 16 : index
      %swap3A_81 = tpu.vector_load %arg16[%swap3A_80] {strides = array<i32>} : memref<80xf32, #tpu.memory_space<vmem>>, vector<16xf32>,
      tpu.vector_store %arg16[%swap3A_80], %exp3A_79 {strides = array<i32>} : memref<80xf32, #tpu.memory_space<vmem>>, vector<16xf32>,
      %iota3A_82 = tpu.iota {dimensions = array<i32: 0>} : vector<16xi32>
      %add3A_83 = arith.constant 32 : i32
      %add3A_84 = vector.broadcast %add3A_83 : i32 to vector<16xi32>
      %add3A_85 = arith.addi %add3A_84, %iota3A_82 : vector<16xi32>
      %broadcast_in_dim3A_86 = arith.constant 128 : i32
      %broadcast_in_dim3A_87 = vector.broadcast %broadcast_in_dim3A_86 : i32 to vector<16xi32>
      %gather3A_88 = tpu.vector_load_idx %arg17[%add3A_85, %broadcast_in_dim3A_87] : memref<80x144xf32, #tpu.memory_space<vmem>>[vector<16xi32>, vector<16xi32>], vector<16xf32>,
      %get3A_89 = arith.constant 0 : i32
      %get3A_90 = arith.index_cast %get3A_89 : i32 to index
      %get3A_91 = arith.constant 32 : index
      %get3A_92 = tpu.vector_load %arg14[%get3A_90, %get3A_91] {strides = array<i32>} : memref<25x80xi32, #tpu.memory_space<vmem>>, vector<16xi32>,
      %gather3A_93 = tpu.vector_load_idx %arg11[%get3A_92] : memref<10000xf32, #tpu.memory_space<vmem>>[vector<16xi32>], vector<16xf32>,
      %add3A_94 = arith.addf %gather3A_88, %gather3A_93 : vector<16xf32>
      %get3A_95 = arith.constant 0 : i32
      %get3A_96 = arith.index_cast %get3A_95 : i32 to index
      %get3A_97 = arith.constant 32 : index
      %get3A_98 = tpu.vector_load %arg15[%get3A_96, %get3A_97] {strides = array<i32>} : memref<25x80xf32, #tpu.memory_space<vmem>>, vector<16xf32>,
      %add3A_99 = arith.addf %add3A_94, %get3A_98 : vector<16xf32>
      %mul3A_100 = arith.constant 2.000000e-01 : f32
      %mul3A_101 = vector.broadcast %mul3A_100 : f32 to vector<16xf32>
      %mul3A_102 = arith.mulf %mul3A_101, %add3A_99 : vector<16xf32>
      %max3A_103 = arith.maximumf %add3A_99, %mul3A_102 : vector<16xf32>
      %sub3A_104 = arith.subf %max3A_103, %get3A_3 : vector<16xf32>
      %exp3A_105 = math.exp %sub3A_104 : vector<16xf32>
      %swap3A_106 = arith.constant 32 : index
      %swap3A_107 = tpu.vector_load %arg16[%swap3A_106] {strides = array<i32>} : memref<80xf32, #tpu.memory_space<vmem>>, vector<16xf32>,
      tpu.vector_store %arg16[%swap3A_106], %exp3A_105 {strides = array<i32>} : memref<80xf32, #tpu.memory_space<vmem>>, vector<16xf32>,
      %iota3A_108 = tpu.iota {dimensions = array<i32: 0>} : vector<16xi32>
      %add3A_109 = arith.constant 48 : i32
      %add3A_110 = vector.broadcast %add3A_109 : i32 to vector<16xi32>
      %add3A_111 = arith.addi %add3A_110, %iota3A_108 : vector<16xi32>
      %broadcast_in_dim3A_112 = arith.constant 128 : i32
      %broadcast_in_dim3A_113 = vector.broadcast %broadcast_in_dim3A_112 : i32 to vector<16xi32>
      %gather3A_114 = tpu.vector_load_idx %arg17[%add3A_111, %broadcast_in_dim3A_113] : memref<80x144xf32, #tpu.memory_space<vmem>>[vector<16xi32>, vector<16xi32>], vector<16xf32>,
      %get3A_115 = arith.constant 0 : i32
      %get3A_116 = arith.index_cast %get3A_115 : i32 to index
      %get3A_117 = arith.constant 48 : index
      %get3A_118 = tpu.vector_load %arg14[%get3A_116, %get3A_117] {strides = array<i32>} : memref<25x80xi32, #tpu.memory_space<vmem>>, vector<16xi32>,
      %gather3A_119 = tpu.vector_load_idx %arg11[%get3A_118] : memref<10000xf32, #tpu.memory_space<vmem>>[vector<16xi32>], vector<16xf32>,
      %add3A_120 = arith.addf %gather3A_114, %gather3A_119 : vector<16xf32>
      %get3A_121 = arith.constant 0 : i32
      %get3A_122 = arith.index_cast %get3A_121 : i32 to index
      %get3A_123 = arith.constant 48 : index
      %get3A_124 = tpu.vector_load %arg15[%get3A_122, %get3A_123] {strides = array<i32>} : memref<25x80xf32, #tpu.memory_space<vmem>>, vector<16xf32>,
      %add3A_125 = arith.addf %add3A_120, %get3A_124 : vector<16xf32>
      %mul3A_126 = arith.constant 2.000000e-01 : f32
      %mul3A_127 = vector.broadcast %mul3A_126 : f32 to vector<16xf32>
      %mul3A_128 = arith.mulf %mul3A_127, %add3A_125 : vector<16xf32>
      %max3A_129 = arith.maximumf %add3A_125, %mul3A_128 : vector<16xf32>
      %sub3A_130 = arith.subf %max3A_129, %get3A_3 : vector<16xf32>
      %exp3A_131 = math.exp %sub3A_130 : vector<16xf32>
      %swap3A_132 = arith.constant 48 : index
      %swap3A_133 = tpu.vector_load %arg16[%swap3A_132] {strides = array<i32>} : memref<80xf32, #tpu.memory_space<vmem>>, vector<16xf32>,
      tpu.vector_store %arg16[%swap3A_132], %exp3A_131 {strides = array<i32>} : memref<80xf32, #tpu.memory_space<vmem>>, vector<16xf32>,
      %iota3A_134 = tpu.iota {dimensions = array<i32: 0>} : vector<16xi32>
      %add3A_135 = arith.constant 64 : i32
      %add3A_136 = vector.broadcast %add3A_135 : i32 to vector<16xi32>
      %add3A_137 = arith.addi %add3A_136, %iota3A_134 : vector<16xi32>
      %broadcast_in_dim3A_138 = arith.constant 128 : i32
      %broadcast_in_dim3A_139 = vector.broadcast %broadcast_in_dim3A_138 : i32 to vector<16xi32>
      %gather3A_140 = tpu.vector_load_idx %arg17[%add3A_137, %broadcast_in_dim3A_139] : memref<80x144xf32, #tpu.memory_space<vmem>>[vector<16xi32>, vector<16xi32>], vector<16xf32>,
      %get3A_141 = arith.constant 0 : i32
      %get3A_142 = arith.index_cast %get3A_141 : i32 to index
      %get3A_143 = arith.constant 64 : index
      %get3A_144 = tpu.vector_load %arg14[%get3A_142, %get3A_143] {strides = array<i32>} : memref<25x80xi32, #tpu.memory_space<vmem>>, vector<16xi32>,
      %gather3A_145 = tpu.vector_load_idx %arg11[%get3A_144] : memref<10000xf32, #tpu.memory_space<vmem>>[vector<16xi32>], vector<16xf32>,
      %add3A_146 = arith.addf %gather3A_140, %gather3A_145 : vector<16xf32>
      %get3A_147 = arith.constant 0 : i32
      %get3A_148 = arith.index_cast %get3A_147 : i32 to index
      %get3A_149 = arith.constant 64 : index
      %get3A_150 = tpu.vector_load %arg15[%get3A_148, %get3A_149] {strides = array<i32>} : memref<25x80xf32, #tpu.memory_space<vmem>>, vector<16xf32>,
      %add3A_151 = arith.addf %add3A_146, %get3A_150 : vector<16xf32>
      %mul3A_152 = arith.constant 2.000000e-01 : f32
      %mul3A_153 = vector.broadcast %mul3A_152 : f32 to vector<16xf32>
      %mul3A_154 = arith.mulf %mul3A_153, %add3A_151 : vector<16xf32>
      %max3A_155 = arith.maximumf %add3A_151, %mul3A_154 : vector<16xf32>
      %sub3A_156 = arith.subf %max3A_155, %get3A_3 : vector<16xf32>
      %exp3A_157 = math.exp %sub3A_156 : vector<16xf32>
      %swap3A_158 = arith.constant 64 : index
      %swap3A_159 = tpu.vector_load %arg16[%swap3A_158] {strides = array<i32>} : memref<80xf32, #tpu.memory_space<vmem>>, vector<16xf32>,
      tpu.vector_store %arg16[%swap3A_158], %exp3A_157 {strides = array<i32>} : memref<80xf32, #tpu.memory_space<vmem>>, vector<16xf32>,
      %parallel_loop3A = arith.constant 0 : i32
      %parallel_loop3A_160 = arith.constant 80 : i32
      %parallel_loop3A_161 = arith.constant 1 : i32
      scf.for %parallel_loop3A_499 = %parallel_loop3A to %parallel_loop3A_160 step %parallel_loop3A_161  : i32 {
        %parallel_loop3A_500 = arith.constant 0 : i32
        %parallel_loop3A_501 = vector.broadcast %parallel_loop3A_500 : i32 to vector<16xi32>
        %parallel_loop3A_502 = vector.broadcast %parallel_loop3A_499 : i32 to vector<16xi32>
        %parallel_loop3A_503 = arith.addi %parallel_loop3A_501, %parallel_loop3A_502 : vector<16xi32>
        %parallel_loop3A_504 = tpu.vector_load_idx %arg16[%parallel_loop3A_503] : memref<80xf32, #tpu.memory_space<vmem>>[vector<16xi32>], vector<16xf32>,
        %parallel_loop3A_505 = arith.index_cast %parallel_loop3A_499 : i32 to index
        %parallel_loop3A_506 = arith.constant 0 : index
        %parallel_loop3A_507 = tpu.vector_load %arg17[%parallel_loop3A_505, %parallel_loop3A_506] {strides = array<i32>} : memref<80x144xf32, #tpu.memory_space<vmem>>, vector<16xf32>,
        %parallel_loop3A_508 = arith.mulf %parallel_loop3A_507, %parallel_loop3A_504 : vector<16xf32>
        %parallel_loop3A_509 = arith.index_cast %parallel_loop3A_499 : i32 to index
        %parallel_loop3A_510 = arith.constant 0 : index
        %parallel_loop3A_511 = tpu.vector_load %arg17[%parallel_loop3A_509, %parallel_loop3A_510] {strides = array<i32>} : memref<80x144xf32, #tpu.memory_space<vmem>>, vector<16xf32>,
        tpu.vector_store %arg17[%parallel_loop3A_509, %parallel_loop3A_510], %parallel_loop3A_508 {strides = array<i32>} : memref<80x144xf32, #tpu.memory_space<vmem>>, vector<16xf32>,
        %parallel_loop3A_512 = arith.index_cast %parallel_loop3A_499 : i32 to index
        %parallel_loop3A_513 = arith.constant 16 : index
        %parallel_loop3A_514 = tpu.vector_load %arg17[%parallel_loop3A_512, %parallel_loop3A_513] {strides = array<i32>} : memref<80x144xf32, #tpu.memory_space<vmem>>, vector<16xf32>,
        %parallel_loop3A_515 = arith.mulf %parallel_loop3A_514, %parallel_loop3A_504 : vector<16xf32>
        %parallel_loop3A_516 = arith.index_cast %parallel_loop3A_499 : i32 to index
        %parallel_loop3A_517 = arith.constant 16 : index
        %parallel_loop3A_518 = tpu.vector_load %arg17[%parallel_loop3A_516, %parallel_loop3A_517] {strides = array<i32>} : memref<80x144xf32, #tpu.memory_space<vmem>>, vector<16xf32>,
        tpu.vector_store %arg17[%parallel_loop3A_516, %parallel_loop3A_517], %parallel_loop3A_515 {strides = array<i32>} : memref<80x144xf32, #tpu.memory_space<vmem>>, vector<16xf32>,
        %parallel_loop3A_519 = arith.index_cast %parallel_loop3A_499 : i32 to index
        %parallel_loop3A_520 = arith.constant 32 : index
        %parallel_loop3A_521 = tpu.vector_load %arg17[%parallel_loop3A_519, %parallel_loop3A_520] {strides = array<i32>} : memref<80x144xf32, #tpu.memory_space<vmem>>, vector<16xf32>,
        %parallel_loop3A_522 = arith.mulf %parallel_loop3A_521, %parallel_loop3A_504 : vector<16xf32>
        %parallel_loop3A_523 = arith.index_cast %parallel_loop3A_499 : i32 to index
        %parallel_loop3A_524 = arith.constant 32 : index
        %parallel_loop3A_525 = tpu.vector_load %arg17[%parallel_loop3A_523, %parallel_loop3A_524] {strides = array<i32>} : memref<80x144xf32, #tpu.memory_space<vmem>>, vector<16xf32>,
        tpu.vector_store %arg17[%parallel_loop3A_523, %parallel_loop3A_524], %parallel_loop3A_522 {strides = array<i32>} : memref<80x144xf32, #tpu.memory_space<vmem>>, vector<16xf32>,
        %parallel_loop3A_526 = arith.index_cast %parallel_loop3A_499 : i32 to index
        %parallel_loop3A_527 = arith.constant 48 : index
        %parallel_loop3A_528 = tpu.vector_load %arg17[%parallel_loop3A_526, %parallel_loop3A_527] {strides = array<i32>} : memref<80x144xf32, #tpu.memory_space<vmem>>, vector<16xf32>,
        %parallel_loop3A_529 = arith.mulf %parallel_loop3A_528, %parallel_loop3A_504 : vector<16xf32>
        %parallel_loop3A_530 = arith.index_cast %parallel_loop3A_499 : i32 to index
        %parallel_loop3A_531 = arith.constant 48 : index
        %parallel_loop3A_532 = tpu.vector_load %arg17[%parallel_loop3A_530, %parallel_loop3A_531] {strides = array<i32>} : memref<80x144xf32, #tpu.memory_space<vmem>>, vector<16xf32>,
        tpu.vector_store %arg17[%parallel_loop3A_530, %parallel_loop3A_531], %parallel_loop3A_529 {strides = array<i32>} : memref<80x144xf32, #tpu.memory_space<vmem>>, vector<16xf32>,
        %parallel_loop3A_533 = arith.index_cast %parallel_loop3A_499 : i32 to index
        %parallel_loop3A_534 = arith.constant 64 : index
        %parallel_loop3A_535 = tpu.vector_load %arg17[%parallel_loop3A_533, %parallel_loop3A_534] {strides = array<i32>} : memref<80x144xf32, #tpu.memory_space<vmem>>, vector<16xf32>,
        %parallel_loop3A_536 = arith.mulf %parallel_loop3A_535, %parallel_loop3A_504 : vector<16xf32>
        %parallel_loop3A_537 = arith.index_cast %parallel_loop3A_499 : i32 to index
        %parallel_loop3A_538 = arith.constant 64 : index
        %parallel_loop3A_539 = tpu.vector_load %arg17[%parallel_loop3A_537, %parallel_loop3A_538] {strides = array<i32>} : memref<80x144xf32, #tpu.memory_space<vmem>>, vector<16xf32>,
        tpu.vector_store %arg17[%parallel_loop3A_537, %parallel_loop3A_538], %parallel_loop3A_536 {strides = array<i32>} : memref<80x144xf32, #tpu.memory_space<vmem>>, vector<16xf32>,
        %parallel_loop3A_540 = arith.index_cast %parallel_loop3A_499 : i32 to index
        %parallel_loop3A_541 = arith.constant 80 : index
        %parallel_loop3A_542 = tpu.vector_load %arg17[%parallel_loop3A_540, %parallel_loop3A_541] {strides = array<i32>} : memref<80x144xf32, #tpu.memory_space<vmem>>, vector<16xf32>,
        %parallel_loop3A_543 = arith.mulf %parallel_loop3A_542, %parallel_loop3A_504 : vector<16xf32>
        %parallel_loop3A_544 = arith.index_cast %parallel_loop3A_499 : i32 to index
        %parallel_loop3A_545 = arith.constant 80 : index
        %parallel_loop3A_546 = tpu.vector_load %arg17[%parallel_loop3A_544, %parallel_loop3A_545] {strides = array<i32>} : memref<80x144xf32, #tpu.memory_space<vmem>>, vector<16xf32>,
        tpu.vector_store %arg17[%parallel_loop3A_544, %parallel_loop3A_545], %parallel_loop3A_543 {strides = array<i32>} : memref<80x144xf32, #tpu.memory_space<vmem>>, vector<16xf32>,
        %parallel_loop3A_547 = arith.index_cast %parallel_loop3A_499 : i32 to index
        %parallel_loop3A_548 = arith.constant 96 : index
        %parallel_loop3A_549 = tpu.vector_load %arg17[%parallel_loop3A_547, %parallel_loop3A_548] {strides = array<i32>} : memref<80x144xf32, #tpu.memory_space<vmem>>, vector<16xf32>,
        %parallel_loop3A_550 = arith.mulf %parallel_loop3A_549, %parallel_loop3A_504 : vector<16xf32>
        %parallel_loop3A_551 = arith.index_cast %parallel_loop3A_499 : i32 to index
        %parallel_loop3A_552 = arith.constant 96 : index
        %parallel_loop3A_553 = tpu.vector_load %arg17[%parallel_loop3A_551, %parallel_loop3A_552] {strides = array<i32>} : memref<80x144xf32, #tpu.memory_space<vmem>>, vector<16xf32>,
        tpu.vector_store %arg17[%parallel_loop3A_551, %parallel_loop3A_552], %parallel_loop3A_550 {strides = array<i32>} : memref<80x144xf32, #tpu.memory_space<vmem>>, vector<16xf32>,
        %parallel_loop3A_554 = arith.index_cast %parallel_loop3A_499 : i32 to index
        %parallel_loop3A_555 = arith.constant 112 : index
        %parallel_loop3A_556 = tpu.vector_load %arg17[%parallel_loop3A_554, %parallel_loop3A_555] {strides = array<i32>} : memref<80x144xf32, #tpu.memory_space<vmem>>, vector<16xf32>,
        %parallel_loop3A_557 = arith.mulf %parallel_loop3A_556, %parallel_loop3A_504 : vector<16xf32>
        %parallel_loop3A_558 = arith.index_cast %parallel_loop3A_499 : i32 to index
        %parallel_loop3A_559 = arith.constant 112 : index
        %parallel_loop3A_560 = tpu.vector_load %arg17[%parallel_loop3A_558, %parallel_loop3A_559] {strides = array<i32>} : memref<80x144xf32, #tpu.memory_space<vmem>>, vector<16xf32>,
        tpu.vector_store %arg17[%parallel_loop3A_558, %parallel_loop3A_559], %parallel_loop3A_557 {strides = array<i32>} : memref<80x144xf32, #tpu.memory_space<vmem>>, vector<16xf32>,
        %parallel_loop3A_561 = arith.index_cast %parallel_loop3A_499 : i32 to index
        %parallel_loop3A_562 = arith.constant 128 : index
        %parallel_loop3A_563 = tpu.vector_load %arg17[%parallel_loop3A_561, %parallel_loop3A_562] {strides = array<i32>} : memref<80x144xf32, #tpu.memory_space<vmem>>, vector<16xf32>,
        %parallel_loop3A_564 = arith.mulf %parallel_loop3A_563, %parallel_loop3A_504 : vector<16xf32>
        %parallel_loop3A_565 = arith.index_cast %parallel_loop3A_499 : i32 to index
        %parallel_loop3A_566 = arith.constant 128 : index
        %parallel_loop3A_567 = tpu.vector_load %arg17[%parallel_loop3A_565, %parallel_loop3A_566] {strides = array<i32>} : memref<80x144xf32, #tpu.memory_space<vmem>>, vector<16xf32>,
        tpu.vector_store %arg17[%parallel_loop3A_565, %parallel_loop3A_566], %parallel_loop3A_564 {strides = array<i32>} : memref<80x144xf32, #tpu.memory_space<vmem>>, vector<16xf32>,
      } {sc.loop_unroll_factor = 2 : i64, sc.parallel_access}
      %dma_start3A_162 = arith.constant 0 : i32
      %dma_start3A_163 = arith.constant 0 : i32
      %dma_start3A_164 = tpu.memref_slice %arg14[%dma_start3A_162, %dma_start3A_163] : memref<25x80xi32, #tpu.memory_space<vmem>> -> memref<1x80xi32, #tpu.memory_space<vmem>>
      %dma_start3A_165 = tpu.memref_squeeze %dma_start3A_164 : memref<1x80xi32, #tpu.memory_space<vmem>> -> memref<80xi32, #tpu.memory_space<vmem>>
      %dma_start3A_166 = arith.constant 0 : i32
      %dma_start3A_167 = arith.constant 0 : i32
      %dma_start3A_168 = tpu.memref_slice %arg10[%dma_start3A_166, %dma_start3A_167] : memref<10000x144xf32, #tpu.memory_space<vmem_shared>> -> memref<10000x144xf32, #tpu.memory_space<vmem_shared>>
      tpu.enqueue_indirect_dma source(%arg17 : memref<80x144xf32, #tpu.memory_space<vmem>>) target(%dma_start3A_168 : memref<10000x144xf32, #tpu.memory_space<vmem_shared>>) offsets(%dma_start3A_165 : memref<80xi32, #tpu.memory_space<vmem>>) semaphore(%arg21 : memref<!tpu.dma_semaphore, #tpu.memory_space<semaphore_mem>>) {add = true}
      %scan3A_169 = arith.constant 0 : i32
      %scan3A_170 = arith.constant 0 : i32
      %scan3A_171 = arith.constant 11 : i32
      %scan3A_172 = arith.addi %scan3A_170, %scan3A_171 : i32
      %scan3A_173 = arith.constant 1 : i32
      %scan3A_174 = scf.for %scan3A_499 = %scan3A_170 to %scan3A_172 step %scan3A_173 iter_args(%scan3A_500 = %scan3A_169) -> (i32)  : i32 {
        %mul3A_501 = arith.constant 2 : i32
        %mul3A_502 = arith.muli %mul3A_501, %scan3A_499 : i32
        %add3A_503 = arith.constant 1 : i32
        %add3A_504 = arith.addi %mul3A_502, %add3A_503 : i32
        %dma_wait3A_505 = arith.constant 0 : i32
        %dma_wait3A_506 = tpu.memref_slice %arg13[%add3A_504, %dma_wait3A_505] : memref<25x80xi32, #tpu.memory_space<vmem>> -> memref<1x80xi32, #tpu.memory_space<vmem>>
        %dma_wait3A_507 = tpu.memref_squeeze %dma_wait3A_506 : memref<1x80xi32, #tpu.memory_space<vmem>> -> memref<80xi32, #tpu.memory_space<vmem>>
        %dma_wait3A_508 = arith.constant 0 : i32
        %dma_wait3A_509 = arith.constant 0 : i32
        %dma_wait3A_510 = tpu.memref_slice %arg2[%dma_wait3A_508, %dma_wait3A_509] : memref<10000x144xf32, #tpu.memory_space<hbm>> -> memref<10000x144xf32, #tpu.memory_space<hbm>>
        tpu.wait_indirect_dma semaphore(%arg20 : memref<!tpu.dma_semaphore, #tpu.memory_space<semaphore_mem>>) src(%dma_wait3A_510 : memref<10000x144xf32, #tpu.memory_space<hbm>>) dst(%arg18 : memref<80x144xf32, #tpu.memory_space<vmem>>)
        %sub3A_511 = arith.constant 1 : i32
        %sub3A_512 = arith.subi %add3A_504, %sub3A_511 : i32
        %dma_wait3A_513 = arith.constant 0 : i32
        %dma_wait3A_514 = tpu.memref_slice %arg14[%sub3A_512, %dma_wait3A_513] : memref<25x80xi32, #tpu.memory_space<vmem>> -> memref<1x80xi32, #tpu.memory_space<vmem>>
        %dma_wait3A_515 = tpu.memref_squeeze %dma_wait3A_514 : memref<1x80xi32, #tpu.memory_space<vmem>> -> memref<80xi32, #tpu.memory_space<vmem>>
        %dma_wait3A_516 = arith.constant 0 : i32
        %dma_wait3A_517 = arith.constant 0 : i32
        %dma_wait3A_518 = tpu.memref_slice %arg10[%dma_wait3A_516, %dma_wait3A_517] : memref<10000x144xf32, #tpu.memory_space<vmem_shared>> -> memref<10000x144xf32, #tpu.memory_space<vmem_shared>>
        tpu.wait_indirect_dma semaphore(%arg21 : memref<!tpu.dma_semaphore, #tpu.memory_space<semaphore_mem>>) src(%arg17 : memref<80x144xf32, #tpu.memory_space<vmem>>) dst(%dma_wait3A_518 : memref<10000x144xf32, #tpu.memory_space<vmem_shared>>)
        %add3A_519 = arith.constant 1 : i32
        %add3A_520 = arith.addi %add3A_504, %add3A_519 : i32
        %dma_start3A_521 = arith.constant 0 : i32
        %dma_start3A_522 = tpu.memref_slice %arg13[%add3A_520, %dma_start3A_521] : memref<25x80xi32, #tpu.memory_space<vmem>> -> memref<1x80xi32, #tpu.memory_space<vmem>>
        %dma_start3A_523 = tpu.memref_squeeze %dma_start3A_522 : memref<1x80xi32, #tpu.memory_space<vmem>> -> memref<80xi32, #tpu.memory_space<vmem>>
        %dma_start3A_524 = arith.constant 0 : i32
        %dma_start3A_525 = arith.constant 0 : i32
        %dma_start3A_526 = tpu.memref_slice %arg2[%dma_start3A_524, %dma_start3A_525] : memref<10000x144xf32, #tpu.memory_space<hbm>> -> memref<10000x144xf32, #tpu.memory_space<hbm>>
        tpu.enqueue_indirect_dma source(%dma_start3A_526 : memref<10000x144xf32, #tpu.memory_space<hbm>>) target(%arg17 : memref<80x144xf32, #tpu.memory_space<vmem>>) offsets(%dma_start3A_523 : memref<80xi32, #tpu.memory_space<vmem>>) semaphore(%arg19 : memref<!tpu.dma_semaphore, #tpu.memory_space<semaphore_mem>>)
        %iota3A_527 = tpu.iota {dimensions = array<i32: 0>} : vector<16xi32>
        %add3A_528 = arith.constant 0 : i32
        %add3A_529 = vector.broadcast %add3A_528 : i32 to vector<16xi32>
        %add3A_530 = arith.addi %add3A_529, %iota3A_527 : vector<16xi32>
        %broadcast_in_dim3A_531 = arith.constant 128 : i32
        %broadcast_in_dim3A_532 = vector.broadcast %broadcast_in_dim3A_531 : i32 to vector<16xi32>
        %gather3A_533 = tpu.vector_load_idx %arg18[%add3A_530, %broadcast_in_dim3A_532] : memref<80x144xf32, #tpu.memory_space<vmem>>[vector<16xi32>, vector<16xi32>], vector<16xf32>,
        %get3A_534 = arith.index_cast %add3A_504 : i32 to index
        %get3A_535 = arith.constant 0 : index
        %get3A_536 = tpu.vector_load %arg14[%get3A_534, %get3A_535] {strides = array<i32>} : memref<25x80xi32, #tpu.memory_space<vmem>>, vector<16xi32>,
        %gather3A_537 = tpu.vector_load_idx %arg11[%get3A_536] : memref<10000xf32, #tpu.memory_space<vmem>>[vector<16xi32>], vector<16xf32>,
        %add3A_538 = arith.addf %gather3A_533, %gather3A_537 : vector<16xf32>
        %get3A_539 = arith.index_cast %add3A_504 : i32 to index
        %get3A_540 = arith.constant 0 : index
        %get3A_541 = tpu.vector_load %arg15[%get3A_539, %get3A_540] {strides = array<i32>} : memref<25x80xf32, #tpu.memory_space<vmem>>, vector<16xf32>,
        %add3A_542 = arith.addf %add3A_538, %get3A_541 : vector<16xf32>
        %mul3A_543 = arith.constant 2.000000e-01 : f32
        %mul3A_544 = vector.broadcast %mul3A_543 : f32 to vector<16xf32>
        %mul3A_545 = arith.mulf %mul3A_544, %add3A_542 : vector<16xf32>
        %max3A_546 = arith.maximumf %add3A_542, %mul3A_545 : vector<16xf32>
        %sub3A_547 = arith.subf %max3A_546, %get3A_3 : vector<16xf32>
        %exp3A_548 = math.exp %sub3A_547 : vector<16xf32>
        %swap3A_549 = arith.constant 0 : index
        %swap3A_550 = tpu.vector_load %arg16[%swap3A_549] {strides = array<i32>} : memref<80xf32, #tpu.memory_space<vmem>>, vector<16xf32>,
        tpu.vector_store %arg16[%swap3A_549], %exp3A_548 {strides = array<i32>} : memref<80xf32, #tpu.memory_space<vmem>>, vector<16xf32>,
        %iota3A_551 = tpu.iota {dimensions = array<i32: 0>} : vector<16xi32>
        %add3A_552 = arith.constant 16 : i32
        %add3A_553 = vector.broadcast %add3A_552 : i32 to vector<16xi32>
        %add3A_554 = arith.addi %add3A_553, %iota3A_551 : vector<16xi32>
        %broadcast_in_dim3A_555 = arith.constant 128 : i32
        %broadcast_in_dim3A_556 = vector.broadcast %broadcast_in_dim3A_555 : i32 to vector<16xi32>
        %gather3A_557 = tpu.vector_load_idx %arg18[%add3A_554, %broadcast_in_dim3A_556] : memref<80x144xf32, #tpu.memory_space<vmem>>[vector<16xi32>, vector<16xi32>], vector<16xf32>,
        %get3A_558 = arith.index_cast %add3A_504 : i32 to index
        %get3A_559 = arith.constant 16 : index
        %get3A_560 = tpu.vector_load %arg14[%get3A_558, %get3A_559] {strides = array<i32>} : memref<25x80xi32, #tpu.memory_space<vmem>>, vector<16xi32>,
        %gather3A_561 = tpu.vector_load_idx %arg11[%get3A_560] : memref<10000xf32, #tpu.memory_space<vmem>>[vector<16xi32>], vector<16xf32>,
        %add3A_562 = arith.addf %gather3A_557, %gather3A_561 : vector<16xf32>
        %get3A_563 = arith.index_cast %add3A_504 : i32 to index
        %get3A_564 = arith.constant 16 : index
        %get3A_565 = tpu.vector_load %arg15[%get3A_563, %get3A_564] {strides = array<i32>} : memref<25x80xf32, #tpu.memory_space<vmem>>, vector<16xf32>,
        %add3A_566 = arith.addf %add3A_562, %get3A_565 : vector<16xf32>
        %mul3A_567 = arith.constant 2.000000e-01 : f32
        %mul3A_568 = vector.broadcast %mul3A_567 : f32 to vector<16xf32>
        %mul3A_569 = arith.mulf %mul3A_568, %add3A_566 : vector<16xf32>
        %max3A_570 = arith.maximumf %add3A_566, %mul3A_569 : vector<16xf32>
        %sub3A_571 = arith.subf %max3A_570, %get3A_3 : vector<16xf32>
        %exp3A_572 = math.exp %sub3A_571 : vector<16xf32>
        %swap3A_573 = arith.constant 16 : index
        %swap3A_574 = tpu.vector_load %arg16[%swap3A_573] {strides = array<i32>} : memref<80xf32, #tpu.memory_space<vmem>>, vector<16xf32>,
        tpu.vector_store %arg16[%swap3A_573], %exp3A_572 {strides = array<i32>} : memref<80xf32, #tpu.memory_space<vmem>>, vector<16xf32>,
        %iota3A_575 = tpu.iota {dimensions = array<i32: 0>} : vector<16xi32>
        %add3A_576 = arith.constant 32 : i32
        %add3A_577 = vector.broadcast %add3A_576 : i32 to vector<16xi32>
        %add3A_578 = arith.addi %add3A_577, %iota3A_575 : vector<16xi32>
        %broadcast_in_dim3A_579 = arith.constant 128 : i32
        %broadcast_in_dim3A_580 = vector.broadcast %broadcast_in_dim3A_579 : i32 to vector<16xi32>
        %gather3A_581 = tpu.vector_load_idx %arg18[%add3A_578, %broadcast_in_dim3A_580] : memref<80x144xf32, #tpu.memory_space<vmem>>[vector<16xi32>, vector<16xi32>], vector<16xf32>,
        %get3A_582 = arith.index_cast %add3A_504 : i32 to index
        %get3A_583 = arith.constant 32 : index
        %get3A_584 = tpu.vector_load %arg14[%get3A_582, %get3A_583] {strides = array<i32>} : memref<25x80xi32, #tpu.memory_space<vmem>>, vector<16xi32>,
        %gather3A_585 = tpu.vector_load_idx %arg11[%get3A_584] : memref<10000xf32, #tpu.memory_space<vmem>>[vector<16xi32>], vector<16xf32>,
        %add3A_586 = arith.addf %gather3A_581, %gather3A_585 : vector<16xf32>
        %get3A_587 = arith.index_cast %add3A_504 : i32 to index
        %get3A_588 = arith.constant 32 : index
        %get3A_589 = tpu.vector_load %arg15[%get3A_587, %get3A_588] {strides = array<i32>} : memref<25x80xf32, #tpu.memory_space<vmem>>, vector<16xf32>,
        %add3A_590 = arith.addf %add3A_586, %get3A_589 : vector<16xf32>
        %mul3A_591 = arith.constant 2.000000e-01 : f32
        %mul3A_592 = vector.broadcast %mul3A_591 : f32 to vector<16xf32>
        %mul3A_593 = arith.mulf %mul3A_592, %add3A_590 : vector<16xf32>
        %max3A_594 = arith.maximumf %add3A_590, %mul3A_593 : vector<16xf32>
        %sub3A_595 = arith.subf %max3A_594, %get3A_3 : vector<16xf32>
        %exp3A_596 = math.exp %sub3A_595 : vector<16xf32>
        %swap3A_597 = arith.constant 32 : index
        %swap3A_598 = tpu.vector_load %arg16[%swap3A_597] {strides = array<i32>} : memref<80xf32, #tpu.memory_space<vmem>>, vector<16xf32>,
        tpu.vector_store %arg16[%swap3A_597], %exp3A_596 {strides = array<i32>} : memref<80xf32, #tpu.memory_space<vmem>>, vector<16xf32>,
        %iota3A_599 = tpu.iota {dimensions = array<i32: 0>} : vector<16xi32>
        %add3A_600 = arith.constant 48 : i32
        %add3A_601 = vector.broadcast %add3A_600 : i32 to vector<16xi32>
        %add3A_602 = arith.addi %add3A_601, %iota3A_599 : vector<16xi32>
        %broadcast_in_dim3A_603 = arith.constant 128 : i32
        %broadcast_in_dim3A_604 = vector.broadcast %broadcast_in_dim3A_603 : i32 to vector<16xi32>
        %gather3A_605 = tpu.vector_load_idx %arg18[%add3A_602, %broadcast_in_dim3A_604] : memref<80x144xf32, #tpu.memory_space<vmem>>[vector<16xi32>, vector<16xi32>], vector<16xf32>,
        %get3A_606 = arith.index_cast %add3A_504 : i32 to index
        %get3A_607 = arith.constant 48 : index
        %get3A_608 = tpu.vector_load %arg14[%get3A_606, %get3A_607] {strides = array<i32>} : memref<25x80xi32, #tpu.memory_space<vmem>>, vector<16xi32>,
        %gather3A_609 = tpu.vector_load_idx %arg11[%get3A_608] : memref<10000xf32, #tpu.memory_space<vmem>>[vector<16xi32>], vector<16xf32>,
        %add3A_610 = arith.addf %gather3A_605, %gather3A_609 : vector<16xf32>
        %get3A_611 = arith.index_cast %add3A_504 : i32 to index
        %get3A_612 = arith.constant 48 : index
        %get3A_613 = tpu.vector_load %arg15[%get3A_611, %get3A_612] {strides = array<i32>} : memref<25x80xf32, #tpu.memory_space<vmem>>, vector<16xf32>,
        %add3A_614 = arith.addf %add3A_610, %get3A_613 : vector<16xf32>
        %mul3A_615 = arith.constant 2.000000e-01 : f32
        %mul3A_616 = vector.broadcast %mul3A_615 : f32 to vector<16xf32>
        %mul3A_617 = arith.mulf %mul3A_616, %add3A_614 : vector<16xf32>
        %max3A_618 = arith.maximumf %add3A_614, %mul3A_617 : vector<16xf32>
        %sub3A_619 = arith.subf %max3A_618, %get3A_3 : vector<16xf32>
        %exp3A_620 = math.exp %sub3A_619 : vector<16xf32>
        %swap3A_621 = arith.constant 48 : index
        %swap3A_622 = tpu.vector_load %arg16[%swap3A_621] {strides = array<i32>} : memref<80xf32, #tpu.memory_space<vmem>>, vector<16xf32>,
        tpu.vector_store %arg16[%swap3A_621], %exp3A_620 {strides = array<i32>} : memref<80xf32, #tpu.memory_space<vmem>>, vector<16xf32>,
        %iota3A_623 = tpu.iota {dimensions = array<i32: 0>} : vector<16xi32>
        %add3A_624 = arith.constant 64 : i32
        %add3A_625 = vector.broadcast %add3A_624 : i32 to vector<16xi32>
        %add3A_626 = arith.addi %add3A_625, %iota3A_623 : vector<16xi32>
        %broadcast_in_dim3A_627 = arith.constant 128 : i32
        %broadcast_in_dim3A_628 = vector.broadcast %broadcast_in_dim3A_627 : i32 to vector<16xi32>
        %gather3A_629 = tpu.vector_load_idx %arg18[%add3A_626, %broadcast_in_dim3A_628] : memref<80x144xf32, #tpu.memory_space<vmem>>[vector<16xi32>, vector<16xi32>], vector<16xf32>,
        %get3A_630 = arith.index_cast %add3A_504 : i32 to index
        %get3A_631 = arith.constant 64 : index
        %get3A_632 = tpu.vector_load %arg14[%get3A_630, %get3A_631] {strides = array<i32>} : memref<25x80xi32, #tpu.memory_space<vmem>>, vector<16xi32>,
        %gather3A_633 = tpu.vector_load_idx %arg11[%get3A_632] : memref<10000xf32, #tpu.memory_space<vmem>>[vector<16xi32>], vector<16xf32>,
        %add3A_634 = arith.addf %gather3A_629, %gather3A_633 : vector<16xf32>
        %get3A_635 = arith.index_cast %add3A_504 : i32 to index
        %get3A_636 = arith.constant 64 : index
        %get3A_637 = tpu.vector_load %arg15[%get3A_635, %get3A_636] {strides = array<i32>} : memref<25x80xf32, #tpu.memory_space<vmem>>, vector<16xf32>,
        %add3A_638 = arith.addf %add3A_634, %get3A_637 : vector<16xf32>
        %mul3A_639 = arith.constant 2.000000e-01 : f32
        %mul3A_640 = vector.broadcast %mul3A_639 : f32 to vector<16xf32>
        %mul3A_641 = arith.mulf %mul3A_640, %add3A_638 : vector<16xf32>
        %max3A_642 = arith.maximumf %add3A_638, %mul3A_641 : vector<16xf32>
        %sub3A_643 = arith.subf %max3A_642, %get3A_3 : vector<16xf32>
        %exp3A_644 = math.exp %sub3A_643 : vector<16xf32>
        %swap3A_645 = arith.constant 64 : index
        %swap3A_646 = tpu.vector_load %arg16[%swap3A_645] {strides = array<i32>} : memref<80xf32, #tpu.memory_space<vmem>>, vector<16xf32>,
        tpu.vector_store %arg16[%swap3A_645], %exp3A_644 {strides = array<i32>} : memref<80xf32, #tpu.memory_space<vmem>>, vector<16xf32>,
        %parallel_loop3A_647 = arith.constant 0 : i32
        %parallel_loop3A_648 = arith.constant 80 : i32
        %parallel_loop3A_649 = arith.constant 1 : i32
        scf.for %parallel_loop3A_812 = %parallel_loop3A_647 to %parallel_loop3A_648 step %parallel_loop3A_649  : i32 {
          %parallel_loop3A_813 = arith.constant 0 : i32
          %parallel_loop3A_814 = vector.broadcast %parallel_loop3A_813 : i32 to vector<16xi32>
          %parallel_loop3A_815 = vector.broadcast %parallel_loop3A_812 : i32 to vector<16xi32>
          %parallel_loop3A_816 = arith.addi %parallel_loop3A_814, %parallel_loop3A_815 : vector<16xi32>
          %parallel_loop3A_817 = tpu.vector_load_idx %arg16[%parallel_loop3A_816] : memref<80xf32, #tpu.memory_space<vmem>>[vector<16xi32>], vector<16xf32>,
          %parallel_loop3A_818 = arith.index_cast %parallel_loop3A_812 : i32 to index
          %parallel_loop3A_819 = arith.constant 0 : index
          %parallel_loop3A_820 = tpu.vector_load %arg18[%parallel_loop3A_818, %parallel_loop3A_819] {strides = array<i32>} : memref<80x144xf32, #tpu.memory_space<vmem>>, vector<16xf32>,
          %parallel_loop3A_821 = arith.mulf %parallel_loop3A_820, %parallel_loop3A_817 : vector<16xf32>
          %parallel_loop3A_822 = arith.index_cast %parallel_loop3A_812 : i32 to index
          %parallel_loop3A_823 = arith.constant 0 : index
          %parallel_loop3A_824 = tpu.vector_load %arg18[%parallel_loop3A_822, %parallel_loop3A_823] {strides = array<i32>} : memref<80x144xf32, #tpu.memory_space<vmem>>, vector<16xf32>,
          tpu.vector_store %arg18[%parallel_loop3A_822, %parallel_loop3A_823], %parallel_loop3A_821 {strides = array<i32>} : memref<80x144xf32, #tpu.memory_space<vmem>>, vector<16xf32>,
          %parallel_loop3A_825 = arith.index_cast %parallel_loop3A_812 : i32 to index
          %parallel_loop3A_826 = arith.constant 16 : index
          %parallel_loop3A_827 = tpu.vector_load %arg18[%parallel_loop3A_825, %parallel_loop3A_826] {strides = array<i32>} : memref<80x144xf32, #tpu.memory_space<vmem>>, vector<16xf32>,
          %parallel_loop3A_828 = arith.mulf %parallel_loop3A_827, %parallel_loop3A_817 : vector<16xf32>
          %parallel_loop3A_829 = arith.index_cast %parallel_loop3A_812 : i32 to index
          %parallel_loop3A_830 = arith.constant 16 : index
          %parallel_loop3A_831 = tpu.vector_load %arg18[%parallel_loop3A_829, %parallel_loop3A_830] {strides = array<i32>} : memref<80x144xf32, #tpu.memory_space<vmem>>, vector<16xf32>,
          tpu.vector_store %arg18[%parallel_loop3A_829, %parallel_loop3A_830], %parallel_loop3A_828 {strides = array<i32>} : memref<80x144xf32, #tpu.memory_space<vmem>>, vector<16xf32>,
          %parallel_loop3A_832 = arith.index_cast %parallel_loop3A_812 : i32 to index
          %parallel_loop3A_833 = arith.constant 32 : index
          %parallel_loop3A_834 = tpu.vector_load %arg18[%parallel_loop3A_832, %parallel_loop3A_833] {strides = array<i32>} : memref<80x144xf32, #tpu.memory_space<vmem>>, vector<16xf32>,
          %parallel_loop3A_835 = arith.mulf %parallel_loop3A_834, %parallel_loop3A_817 : vector<16xf32>
          %parallel_loop3A_836 = arith.index_cast %parallel_loop3A_812 : i32 to index
          %parallel_loop3A_837 = arith.constant 32 : index
          %parallel_loop3A_838 = tpu.vector_load %arg18[%parallel_loop3A_836, %parallel_loop3A_837] {strides = array<i32>} : memref<80x144xf32, #tpu.memory_space<vmem>>, vector<16xf32>,
          tpu.vector_store %arg18[%parallel_loop3A_836, %parallel_loop3A_837], %parallel_loop3A_835 {strides = array<i32>} : memref<80x144xf32, #tpu.memory_space<vmem>>, vector<16xf32>,
          %parallel_loop3A_839 = arith.index_cast %parallel_loop3A_812 : i32 to index
          %parallel_loop3A_840 = arith.constant 48 : index
          %parallel_loop3A_841 = tpu.vector_load %arg18[%parallel_loop3A_839, %parallel_loop3A_840] {strides = array<i32>} : memref<80x144xf32, #tpu.memory_space<vmem>>, vector<16xf32>,
          %parallel_loop3A_842 = arith.mulf %parallel_loop3A_841, %parallel_loop3A_817 : vector<16xf32>
          %parallel_loop3A_843 = arith.index_cast %parallel_loop3A_812 : i32 to index
          %parallel_loop3A_844 = arith.constant 48 : index
          %parallel_loop3A_845 = tpu.vector_load %arg18[%parallel_loop3A_843, %parallel_loop3A_844] {strides = array<i32>} : memref<80x144xf32, #tpu.memory_space<vmem>>, vector<16xf32>,
          tpu.vector_store %arg18[%parallel_loop3A_843, %parallel_loop3A_844], %parallel_loop3A_842 {strides = array<i32>} : memref<80x144xf32, #tpu.memory_space<vmem>>, vector<16xf32>,
          %parallel_loop3A_846 = arith.index_cast %parallel_loop3A_812 : i32 to index
          %parallel_loop3A_847 = arith.constant 64 : index
          %parallel_loop3A_848 = tpu.vector_load %arg18[%parallel_loop3A_846, %parallel_loop3A_847] {strides = array<i32>} : memref<80x144xf32, #tpu.memory_space<vmem>>, vector<16xf32>,
          %parallel_loop3A_849 = arith.mulf %parallel_loop3A_848, %parallel_loop3A_817 : vector<16xf32>
          %parallel_loop3A_850 = arith.index_cast %parallel_loop3A_812 : i32 to index
          %parallel_loop3A_851 = arith.constant 64 : index
          %parallel_loop3A_852 = tpu.vector_load %arg18[%parallel_loop3A_850, %parallel_loop3A_851] {strides = array<i32>} : memref<80x144xf32, #tpu.memory_space<vmem>>, vector<16xf32>,
          tpu.vector_store %arg18[%parallel_loop3A_850, %parallel_loop3A_851], %parallel_loop3A_849 {strides = array<i32>} : memref<80x144xf32, #tpu.memory_space<vmem>>, vector<16xf32>,
          %parallel_loop3A_853 = arith.index_cast %parallel_loop3A_812 : i32 to index
          %parallel_loop3A_854 = arith.constant 80 : index
          %parallel_loop3A_855 = tpu.vector_load %arg18[%parallel_loop3A_853, %parallel_loop3A_854] {strides = array<i32>} : memref<80x144xf32, #tpu.memory_space<vmem>>, vector<16xf32>,
          %parallel_loop3A_856 = arith.mulf %parallel_loop3A_855, %parallel_loop3A_817 : vector<16xf32>
          %parallel_loop3A_857 = arith.index_cast %parallel_loop3A_812 : i32 to index
          %parallel_loop3A_858 = arith.constant 80 : index
          %parallel_loop3A_859 = tpu.vector_load %arg18[%parallel_loop3A_857, %parallel_loop3A_858] {strides = array<i32>} : memref<80x144xf32, #tpu.memory_space<vmem>>, vector<16xf32>,
          tpu.vector_store %arg18[%parallel_loop3A_857, %parallel_loop3A_858], %parallel_loop3A_856 {strides = array<i32>} : memref<80x144xf32, #tpu.memory_space<vmem>>, vector<16xf32>,
          %parallel_loop3A_860 = arith.index_cast %parallel_loop3A_812 : i32 to index
          %parallel_loop3A_861 = arith.constant 96 : index
          %parallel_loop3A_862 = tpu.vector_load %arg18[%parallel_loop3A_860, %parallel_loop3A_861] {strides = array<i32>} : memref<80x144xf32, #tpu.memory_space<vmem>>, vector<16xf32>,
          %parallel_loop3A_863 = arith.mulf %parallel_loop3A_862, %parallel_loop3A_817 : vector<16xf32>
          %parallel_loop3A_864 = arith.index_cast %parallel_loop3A_812 : i32 to index
          %parallel_loop3A_865 = arith.constant 96 : index
          %parallel_loop3A_866 = tpu.vector_load %arg18[%parallel_loop3A_864, %parallel_loop3A_865] {strides = array<i32>} : memref<80x144xf32, #tpu.memory_space<vmem>>, vector<16xf32>,
          tpu.vector_store %arg18[%parallel_loop3A_864, %parallel_loop3A_865], %parallel_loop3A_863 {strides = array<i32>} : memref<80x144xf32, #tpu.memory_space<vmem>>, vector<16xf32>,
          %parallel_loop3A_867 = arith.index_cast %parallel_loop3A_812 : i32 to index
          %parallel_loop3A_868 = arith.constant 112 : index
          %parallel_loop3A_869 = tpu.vector_load %arg18[%parallel_loop3A_867, %parallel_loop3A_868] {strides = array<i32>} : memref<80x144xf32, #tpu.memory_space<vmem>>, vector<16xf32>,
          %parallel_loop3A_870 = arith.mulf %parallel_loop3A_869, %parallel_loop3A_817 : vector<16xf32>
          %parallel_loop3A_871 = arith.index_cast %parallel_loop3A_812 : i32 to index
          %parallel_loop3A_872 = arith.constant 112 : index
          %parallel_loop3A_873 = tpu.vector_load %arg18[%parallel_loop3A_871, %parallel_loop3A_872] {strides = array<i32>} : memref<80x144xf32, #tpu.memory_space<vmem>>, vector<16xf32>,
          tpu.vector_store %arg18[%parallel_loop3A_871, %parallel_loop3A_872], %parallel_loop3A_870 {strides = array<i32>} : memref<80x144xf32, #tpu.memory_space<vmem>>, vector<16xf32>,
          %parallel_loop3A_874 = arith.index_cast %parallel_loop3A_812 : i32 to index
          %parallel_loop3A_875 = arith.constant 128 : index
          %parallel_loop3A_876 = tpu.vector_load %arg18[%parallel_loop3A_874, %parallel_loop3A_875] {strides = array<i32>} : memref<80x144xf32, #tpu.memory_space<vmem>>, vector<16xf32>,
          %parallel_loop3A_877 = arith.mulf %parallel_loop3A_876, %parallel_loop3A_817 : vector<16xf32>
          %parallel_loop3A_878 = arith.index_cast %parallel_loop3A_812 : i32 to index
          %parallel_loop3A_879 = arith.constant 128 : index
          %parallel_loop3A_880 = tpu.vector_load %arg18[%parallel_loop3A_878, %parallel_loop3A_879] {strides = array<i32>} : memref<80x144xf32, #tpu.memory_space<vmem>>, vector<16xf32>,
          tpu.vector_store %arg18[%parallel_loop3A_878, %parallel_loop3A_879], %parallel_loop3A_877 {strides = array<i32>} : memref<80x144xf32, #tpu.memory_space<vmem>>, vector<16xf32>,
        } {sc.loop_unroll_factor = 2 : i64, sc.parallel_access}
        %dma_start3A_650 = arith.constant 0 : i32
        %dma_start3A_651 = tpu.memref_slice %arg14[%add3A_504, %dma_start3A_650] : memref<25x80xi32, #tpu.memory_space<vmem>> -> memref<1x80xi32, #tpu.memory_space<vmem>>
        %dma_start3A_652 = tpu.memref_squeeze %dma_start3A_651 : memref<1x80xi32, #tpu.memory_space<vmem>> -> memref<80xi32, #tpu.memory_space<vmem>>
        %dma_start3A_653 = arith.constant 0 : i32
        %dma_start3A_654 = arith.constant 0 : i32
        %dma_start3A_655 = tpu.memref_slice %arg10[%dma_start3A_653, %dma_start3A_654] : memref<10000x144xf32, #tpu.memory_space<vmem_shared>> -> memref<10000x144xf32, #tpu.memory_space<vmem_shared>>
        tpu.enqueue_indirect_dma source(%arg18 : memref<80x144xf32, #tpu.memory_space<vmem>>) target(%dma_start3A_655 : memref<10000x144xf32, #tpu.memory_space<vmem_shared>>) offsets(%dma_start3A_652 : memref<80xi32, #tpu.memory_space<vmem>>) semaphore(%arg22 : memref<!tpu.dma_semaphore, #tpu.memory_space<semaphore_mem>>) {add = true}
        %mul3A_656 = arith.constant 2 : i32
        %mul3A_657 = arith.muli %mul3A_656, %scan3A_499 : i32
        %add3A_658 = arith.constant 2 : i32
        %add3A_659 = arith.addi %mul3A_657, %add3A_658 : i32
        %dma_wait3A_660 = arith.constant 0 : i32
        %dma_wait3A_661 = tpu.memref_slice %arg13[%add3A_659, %dma_wait3A_660] : memref<25x80xi32, #tpu.memory_space<vmem>> -> memref<1x80xi32, #tpu.memory_space<vmem>>
        %dma_wait3A_662 = tpu.memref_squeeze %dma_wait3A_661 : memref<1x80xi32, #tpu.memory_space<vmem>> -> memref<80xi32, #tpu.memory_space<vmem>>
        %dma_wait3A_663 = arith.constant 0 : i32
        %dma_wait3A_664 = arith.constant 0 : i32
        %dma_wait3A_665 = tpu.memref_slice %arg2[%dma_wait3A_663, %dma_wait3A_664] : memref<10000x144xf32, #tpu.memory_space<hbm>> -> memref<10000x144xf32, #tpu.memory_space<hbm>>
        tpu.wait_indirect_dma semaphore(%arg19 : memref<!tpu.dma_semaphore, #tpu.memory_space<semaphore_mem>>) src(%dma_wait3A_665 : memref<10000x144xf32, #tpu.memory_space<hbm>>) dst(%arg17 : memref<80x144xf32, #tpu.memory_space<vmem>>)
        %sub3A_666 = arith.constant 1 : i32
        %sub3A_667 = arith.subi %add3A_659, %sub3A_666 : i32
        %dma_wait3A_668 = arith.constant 0 : i32
        %dma_wait3A_669 = tpu.memref_slice %arg14[%sub3A_667, %dma_wait3A_668] : memref<25x80xi32, #tpu.memory_space<vmem>> -> memref<1x80xi32, #tpu.memory_space<vmem>>
        %dma_wait3A_670 = tpu.memref_squeeze %dma_wait3A_669 : memref<1x80xi32, #tpu.memory_space<vmem>> -> memref<80xi32, #tpu.memory_space<vmem>>
        %dma_wait3A_671 = arith.constant 0 : i32
        %dma_wait3A_672 = arith.constant 0 : i32
        %dma_wait3A_673 = tpu.memref_slice %arg10[%dma_wait3A_671, %dma_wait3A_672] : memref<10000x144xf32, #tpu.memory_space<vmem_shared>> -> memref<10000x144xf32, #tpu.memory_space<vmem_shared>>
        tpu.wait_indirect_dma semaphore(%arg22 : memref<!tpu.dma_semaphore, #tpu.memory_space<semaphore_mem>>) src(%arg18 : memref<80x144xf32, #tpu.memory_space<vmem>>) dst(%dma_wait3A_673 : memref<10000x144xf32, #tpu.memory_space<vmem_shared>>)
        %add3A_674 = arith.constant 1 : i32
        %add3A_675 = arith.addi %add3A_659, %add3A_674 : i32
        %dma_start3A_676 = arith.constant 0 : i32
        %dma_start3A_677 = tpu.memref_slice %arg13[%add3A_675, %dma_start3A_676] : memref<25x80xi32, #tpu.memory_space<vmem>> -> memref<1x80xi32, #tpu.memory_space<vmem>>
        %dma_start3A_678 = tpu.memref_squeeze %dma_start3A_677 : memref<1x80xi32, #tpu.memory_space<vmem>> -> memref<80xi32, #tpu.memory_space<vmem>>
        %dma_start3A_679 = arith.constant 0 : i32
        %dma_start3A_680 = arith.constant 0 : i32
        %dma_start3A_681 = tpu.memref_slice %arg2[%dma_start3A_679, %dma_start3A_680] : memref<10000x144xf32, #tpu.memory_space<hbm>> -> memref<10000x144xf32, #tpu.memory_space<hbm>>
        tpu.enqueue_indirect_dma source(%dma_start3A_681 : memref<10000x144xf32, #tpu.memory_space<hbm>>) target(%arg18 : memref<80x144xf32, #tpu.memory_space<vmem>>) offsets(%dma_start3A_678 : memref<80xi32, #tpu.memory_space<vmem>>) semaphore(%arg20 : memref<!tpu.dma_semaphore, #tpu.memory_space<semaphore_mem>>)
        %iota3A_682 = tpu.iota {dimensions = array<i32: 0>} : vector<16xi32>
        %add3A_683 = arith.constant 0 : i32
        %add3A_684 = vector.broadcast %add3A_683 : i32 to vector<16xi32>
        %add3A_685 = arith.addi %add3A_684, %iota3A_682 : vector<16xi32>
        %broadcast_in_dim3A_686 = arith.constant 128 : i32
        %broadcast_in_dim3A_687 = vector.broadcast %broadcast_in_dim3A_686 : i32 to vector<16xi32>
        %gather3A_688 = tpu.vector_load_idx %arg17[%add3A_685, %broadcast_in_dim3A_687] : memref<80x144xf32, #tpu.memory_space<vmem>>[vector<16xi32>, vector<16xi32>], vector<16xf32>,
        %get3A_689 = arith.index_cast %add3A_659 : i32 to index
        %get3A_690 = arith.constant 0 : index
        %get3A_691 = tpu.vector_load %arg14[%get3A_689, %get3A_690] {strides = array<i32>} : memref<25x80xi32, #tpu.memory_space<vmem>>, vector<16xi32>,
        %gather3A_692 = tpu.vector_load_idx %arg11[%get3A_691] : memref<10000xf32, #tpu.memory_space<vmem>>[vector<16xi32>], vector<16xf32>,
        %add3A_693 = arith.addf %gather3A_688, %gather3A_692 : vector<16xf32>
        %get3A_694 = arith.index_cast %add3A_659 : i32 to index
        %get3A_695 = arith.constant 0 : index
        %get3A_696 = tpu.vector_load %arg15[%get3A_694, %get3A_695] {strides = array<i32>} : memref<25x80xf32, #tpu.memory_space<vmem>>, vector<16xf32>,
        %add3A_697 = arith.addf %add3A_693, %get3A_696 : vector<16xf32>
        %mul3A_698 = arith.constant 2.000000e-01 : f32
        %mul3A_699 = vector.broadcast %mul3A_698 : f32 to vector<16xf32>
        %mul3A_700 = arith.mulf %mul3A_699, %add3A_697 : vector<16xf32>
        %max3A_701 = arith.maximumf %add3A_697, %mul3A_700 : vector<16xf32>
        %sub3A_702 = arith.subf %max3A_701, %get3A_3 : vector<16xf32>
        %exp3A_703 = math.exp %sub3A_702 : vector<16xf32>
        %swap3A_704 = arith.constant 0 : index
        %swap3A_705 = tpu.vector_load %arg16[%swap3A_704] {strides = array<i32>} : memref<80xf32, #tpu.memory_space<vmem>>, vector<16xf32>,
        tpu.vector_store %arg16[%swap3A_704], %exp3A_703 {strides = array<i32>} : memref<80xf32, #tpu.memory_space<vmem>>, vector<16xf32>,
        %iota3A_706 = tpu.iota {dimensions = array<i32: 0>} : vector<16xi32>
        %add3A_707 = arith.constant 16 : i32
        %add3A_708 = vector.broadcast %add3A_707 : i32 to vector<16xi32>
        %add3A_709 = arith.addi %add3A_708, %iota3A_706 : vector<16xi32>
        %broadcast_in_dim3A_710 = arith.constant 128 : i32
        %broadcast_in_dim3A_711 = vector.broadcast %broadcast_in_dim3A_710 : i32 to vector<16xi32>
        %gather3A_712 = tpu.vector_load_idx %arg17[%add3A_709, %broadcast_in_dim3A_711] : memref<80x144xf32, #tpu.memory_space<vmem>>[vector<16xi32>, vector<16xi32>], vector<16xf32>,
        %get3A_713 = arith.index_cast %add3A_659 : i32 to index
        %get3A_714 = arith.constant 16 : index
        %get3A_715 = tpu.vector_load %arg14[%get3A_713, %get3A_714] {strides = array<i32>} : memref<25x80xi32, #tpu.memory_space<vmem>>, vector<16xi32>,
        %gather3A_716 = tpu.vector_load_idx %arg11[%get3A_715] : memref<10000xf32, #tpu.memory_space<vmem>>[vector<16xi32>], vector<16xf32>,
        %add3A_717 = arith.addf %gather3A_712, %gather3A_716 : vector<16xf32>
        %get3A_718 = arith.index_cast %add3A_659 : i32 to index
        %get3A_719 = arith.constant 16 : index
        %get3A_720 = tpu.vector_load %arg15[%get3A_718, %get3A_719] {strides = array<i32>} : memref<25x80xf32, #tpu.memory_space<vmem>>, vector<16xf32>,
        %add3A_721 = arith.addf %add3A_717, %get3A_720 : vector<16xf32>
        %mul3A_722 = arith.constant 2.000000e-01 : f32
        %mul3A_723 = vector.broadcast %mul3A_722 : f32 to vector<16xf32>
        %mul3A_724 = arith.mulf %mul3A_723, %add3A_721 : vector<16xf32>
        %max3A_725 = arith.maximumf %add3A_721, %mul3A_724 : vector<16xf32>
        %sub3A_726 = arith.subf %max3A_725, %get3A_3 : vector<16xf32>
        %exp3A_727 = math.exp %sub3A_726 : vector<16xf32>
        %swap3A_728 = arith.constant 16 : index
        %swap3A_729 = tpu.vector_load %arg16[%swap3A_728] {strides = array<i32>} : memref<80xf32, #tpu.memory_space<vmem>>, vector<16xf32>,
        tpu.vector_store %arg16[%swap3A_728], %exp3A_727 {strides = array<i32>} : memref<80xf32, #tpu.memory_space<vmem>>, vector<16xf32>,
        %iota3A_730 = tpu.iota {dimensions = array<i32: 0>} : vector<16xi32>
        %add3A_731 = arith.constant 32 : i32
        %add3A_732 = vector.broadcast %add3A_731 : i32 to vector<16xi32>
        %add3A_733 = arith.addi %add3A_732, %iota3A_730 : vector<16xi32>
        %broadcast_in_dim3A_734 = arith.constant 128 : i32
        %broadcast_in_dim3A_735 = vector.broadcast %broadcast_in_dim3A_734 : i32 to vector<16xi32>
        %gather3A_736 = tpu.vector_load_idx %arg17[%add3A_733, %broadcast_in_dim3A_735] : memref<80x144xf32, #tpu.memory_space<vmem>>[vector<16xi32>, vector<16xi32>], vector<16xf32>,
        %get3A_737 = arith.index_cast %add3A_659 : i32 to index
        %get3A_738 = arith.constant 32 : index
        %get3A_739 = tpu.vector_load %arg14[%get3A_737, %get3A_738] {strides = array<i32>} : memref<25x80xi32, #tpu.memory_space<vmem>>, vector<16xi32>,
        %gather3A_740 = tpu.vector_load_idx %arg11[%get3A_739] : memref<10000xf32, #tpu.memory_space<vmem>>[vector<16xi32>], vector<16xf32>,
        %add3A_741 = arith.addf %gather3A_736, %gather3A_740 : vector<16xf32>
        %get3A_742 = arith.index_cast %add3A_659 : i32 to index
        %get3A_743 = arith.constant 32 : index
        %get3A_744 = tpu.vector_load %arg15[%get3A_742, %get3A_743] {strides = array<i32>} : memref<25x80xf32, #tpu.memory_space<vmem>>, vector<16xf32>,
        %add3A_745 = arith.addf %add3A_741, %get3A_744 : vector<16xf32>
        %mul3A_746 = arith.constant 2.000000e-01 : f32
        %mul3A_747 = vector.broadcast %mul3A_746 : f32 to vector<16xf32>
        %mul3A_748 = arith.mulf %mul3A_747, %add3A_745 : vector<16xf32>
        %max3A_749 = arith.maximumf %add3A_745, %mul3A_748 : vector<16xf32>
        %sub3A_750 = arith.subf %max3A_749, %get3A_3 : vector<16xf32>
        %exp3A_751 = math.exp %sub3A_750 : vector<16xf32>
        %swap3A_752 = arith.constant 32 : index
        %swap3A_753 = tpu.vector_load %arg16[%swap3A_752] {strides = array<i32>} : memref<80xf32, #tpu.memory_space<vmem>>, vector<16xf32>,
        tpu.vector_store %arg16[%swap3A_752], %exp3A_751 {strides = array<i32>} : memref<80xf32, #tpu.memory_space<vmem>>, vector<16xf32>,
        %iota3A_754 = tpu.iota {dimensions = array<i32: 0>} : vector<16xi32>
        %add3A_755 = arith.constant 48 : i32
        %add3A_756 = vector.broadcast %add3A_755 : i32 to vector<16xi32>
        %add3A_757 = arith.addi %add3A_756, %iota3A_754 : vector<16xi32>
        %broadcast_in_dim3A_758 = arith.constant 128 : i32
        %broadcast_in_dim3A_759 = vector.broadcast %broadcast_in_dim3A_758 : i32 to vector<16xi32>
        %gather3A_760 = tpu.vector_load_idx %arg17[%add3A_757, %broadcast_in_dim3A_759] : memref<80x144xf32, #tpu.memory_space<vmem>>[vector<16xi32>, vector<16xi32>], vector<16xf32>,
        %get3A_761 = arith.index_cast %add3A_659 : i32 to index
        %get3A_762 = arith.constant 48 : index
        %get3A_763 = tpu.vector_load %arg14[%get3A_761, %get3A_762] {strides = array<i32>} : memref<25x80xi32, #tpu.memory_space<vmem>>, vector<16xi32>,
        %gather3A_764 = tpu.vector_load_idx %arg11[%get3A_763] : memref<10000xf32, #tpu.memory_space<vmem>>[vector<16xi32>], vector<16xf32>,
        %add3A_765 = arith.addf %gather3A_760, %gather3A_764 : vector<16xf32>
        %get3A_766 = arith.index_cast %add3A_659 : i32 to index
        %get3A_767 = arith.constant 48 : index
        %get3A_768 = tpu.vector_load %arg15[%get3A_766, %get3A_767] {strides = array<i32>} : memref<25x80xf32, #tpu.memory_space<vmem>>, vector<16xf32>,
        %add3A_769 = arith.addf %add3A_765, %get3A_768 : vector<16xf32>
        %mul3A_770 = arith.constant 2.000000e-01 : f32
        %mul3A_771 = vector.broadcast %mul3A_770 : f32 to vector<16xf32>
        %mul3A_772 = arith.mulf %mul3A_771, %add3A_769 : vector<16xf32>
        %max3A_773 = arith.maximumf %add3A_769, %mul3A_772 : vector<16xf32>
        %sub3A_774 = arith.subf %max3A_773, %get3A_3 : vector<16xf32>
        %exp3A_775 = math.exp %sub3A_774 : vector<16xf32>
        %swap3A_776 = arith.constant 48 : index
        %swap3A_777 = tpu.vector_load %arg16[%swap3A_776] {strides = array<i32>} : memref<80xf32, #tpu.memory_space<vmem>>, vector<16xf32>,
        tpu.vector_store %arg16[%swap3A_776], %exp3A_775 {strides = array<i32>} : memref<80xf32, #tpu.memory_space<vmem>>, vector<16xf32>,
        %iota3A_778 = tpu.iota {dimensions = array<i32: 0>} : vector<16xi32>
        %add3A_779 = arith.constant 64 : i32
        %add3A_780 = vector.broadcast %add3A_779 : i32 to vector<16xi32>
        %add3A_781 = arith.addi %add3A_780, %iota3A_778 : vector<16xi32>
        %broadcast_in_dim3A_782 = arith.constant 128 : i32
        %broadcast_in_dim3A_783 = vector.broadcast %broadcast_in_dim3A_782 : i32 to vector<16xi32>
        %gather3A_784 = tpu.vector_load_idx %arg17[%add3A_781, %broadcast_in_dim3A_783] : memref<80x144xf32, #tpu.memory_space<vmem>>[vector<16xi32>, vector<16xi32>], vector<16xf32>,
        %get3A_785 = arith.index_cast %add3A_659 : i32 to index
        %get3A_786 = arith.constant 64 : index
        %get3A_787 = tpu.vector_load %arg14[%get3A_785, %get3A_786] {strides = array<i32>} : memref<25x80xi32, #tpu.memory_space<vmem>>, vector<16xi32>,
        %gather3A_788 = tpu.vector_load_idx %arg11[%get3A_787] : memref<10000xf32, #tpu.memory_space<vmem>>[vector<16xi32>], vector<16xf32>,
        %add3A_789 = arith.addf %gather3A_784, %gather3A_788 : vector<16xf32>
        %get3A_790 = arith.index_cast %add3A_659 : i32 to index
        %get3A_791 = arith.constant 64 : index
        %get3A_792 = tpu.vector_load %arg15[%get3A_790, %get3A_791] {strides = array<i32>} : memref<25x80xf32, #tpu.memory_space<vmem>>, vector<16xf32>,
        %add3A_793 = arith.addf %add3A_789, %get3A_792 : vector<16xf32>
        %mul3A_794 = arith.constant 2.000000e-01 : f32
        %mul3A_795 = vector.broadcast %mul3A_794 : f32 to vector<16xf32>
        %mul3A_796 = arith.mulf %mul3A_795, %add3A_793 : vector<16xf32>
        %max3A_797 = arith.maximumf %add3A_793, %mul3A_796 : vector<16xf32>
        %sub3A_798 = arith.subf %max3A_797, %get3A_3 : vector<16xf32>
        %exp3A_799 = math.exp %sub3A_798 : vector<16xf32>
        %swap3A_800 = arith.constant 64 : index
        %swap3A_801 = tpu.vector_load %arg16[%swap3A_800] {strides = array<i32>} : memref<80xf32, #tpu.memory_space<vmem>>, vector<16xf32>,
        tpu.vector_store %arg16[%swap3A_800], %exp3A_799 {strides = array<i32>} : memref<80xf32, #tpu.memory_space<vmem>>, vector<16xf32>,
        %parallel_loop3A_802 = arith.constant 0 : i32
        %parallel_loop3A_803 = arith.constant 80 : i32
        %parallel_loop3A_804 = arith.constant 1 : i32
        scf.for %parallel_loop3A_812 = %parallel_loop3A_802 to %parallel_loop3A_803 step %parallel_loop3A_804  : i32 {
          %parallel_loop3A_813 = arith.constant 0 : i32
          %parallel_loop3A_814 = vector.broadcast %parallel_loop3A_813 : i32 to vector<16xi32>
          %parallel_loop3A_815 = vector.broadcast %parallel_loop3A_812 : i32 to vector<16xi32>
          %parallel_loop3A_816 = arith.addi %parallel_loop3A_814, %parallel_loop3A_815 : vector<16xi32>
          %parallel_loop3A_817 = tpu.vector_load_idx %arg16[%parallel_loop3A_816] : memref<80xf32, #tpu.memory_space<vmem>>[vector<16xi32>], vector<16xf32>,
          %parallel_loop3A_818 = arith.index_cast %parallel_loop3A_812 : i32 to index
          %parallel_loop3A_819 = arith.constant 0 : index
          %parallel_loop3A_820 = tpu.vector_load %arg17[%parallel_loop3A_818, %parallel_loop3A_819] {strides = array<i32>} : memref<80x144xf32, #tpu.memory_space<vmem>>, vector<16xf32>,
          %parallel_loop3A_821 = arith.mulf %parallel_loop3A_820, %parallel_loop3A_817 : vector<16xf32>
          %parallel_loop3A_822 = arith.index_cast %parallel_loop3A_812 : i32 to index
          %parallel_loop3A_823 = arith.constant 0 : index
          %parallel_loop3A_824 = tpu.vector_load %arg17[%parallel_loop3A_822, %parallel_loop3A_823] {strides = array<i32>} : memref<80x144xf32, #tpu.memory_space<vmem>>, vector<16xf32>,
          tpu.vector_store %arg17[%parallel_loop3A_822, %parallel_loop3A_823], %parallel_loop3A_821 {strides = array<i32>} : memref<80x144xf32, #tpu.memory_space<vmem>>, vector<16xf32>,
          %parallel_loop3A_825 = arith.index_cast %parallel_loop3A_812 : i32 to index
          %parallel_loop3A_826 = arith.constant 16 : index
          %parallel_loop3A_827 = tpu.vector_load %arg17[%parallel_loop3A_825, %parallel_loop3A_826] {strides = array<i32>} : memref<80x144xf32, #tpu.memory_space<vmem>>, vector<16xf32>,
          %parallel_loop3A_828 = arith.mulf %parallel_loop3A_827, %parallel_loop3A_817 : vector<16xf32>
          %parallel_loop3A_829 = arith.index_cast %parallel_loop3A_812 : i32 to index
          %parallel_loop3A_830 = arith.constant 16 : index
          %parallel_loop3A_831 = tpu.vector_load %arg17[%parallel_loop3A_829, %parallel_loop3A_830] {strides = array<i32>} : memref<80x144xf32, #tpu.memory_space<vmem>>, vector<16xf32>,
          tpu.vector_store %arg17[%parallel_loop3A_829, %parallel_loop3A_830], %parallel_loop3A_828 {strides = array<i32>} : memref<80x144xf32, #tpu.memory_space<vmem>>, vector<16xf32>,
          %parallel_loop3A_832 = arith.index_cast %parallel_loop3A_812 : i32 to index
          %parallel_loop3A_833 = arith.constant 32 : index
          %parallel_loop3A_834 = tpu.vector_load %arg17[%parallel_loop3A_832, %parallel_loop3A_833] {strides = array<i32>} : memref<80x144xf32, #tpu.memory_space<vmem>>, vector<16xf32>,
          %parallel_loop3A_835 = arith.mulf %parallel_loop3A_834, %parallel_loop3A_817 : vector<16xf32>
          %parallel_loop3A_836 = arith.index_cast %parallel_loop3A_812 : i32 to index
          %parallel_loop3A_837 = arith.constant 32 : index
          %parallel_loop3A_838 = tpu.vector_load %arg17[%parallel_loop3A_836, %parallel_loop3A_837] {strides = array<i32>} : memref<80x144xf32, #tpu.memory_space<vmem>>, vector<16xf32>,
          tpu.vector_store %arg17[%parallel_loop3A_836, %parallel_loop3A_837], %parallel_loop3A_835 {strides = array<i32>} : memref<80x144xf32, #tpu.memory_space<vmem>>, vector<16xf32>,
          %parallel_loop3A_839 = arith.index_cast %parallel_loop3A_812 : i32 to index
          %parallel_loop3A_840 = arith.constant 48 : index
          %parallel_loop3A_841 = tpu.vector_load %arg17[%parallel_loop3A_839, %parallel_loop3A_840] {strides = array<i32>} : memref<80x144xf32, #tpu.memory_space<vmem>>, vector<16xf32>,
          %parallel_loop3A_842 = arith.mulf %parallel_loop3A_841, %parallel_loop3A_817 : vector<16xf32>
          %parallel_loop3A_843 = arith.index_cast %parallel_loop3A_812 : i32 to index
          %parallel_loop3A_844 = arith.constant 48 : index
          %parallel_loop3A_845 = tpu.vector_load %arg17[%parallel_loop3A_843, %parallel_loop3A_844] {strides = array<i32>} : memref<80x144xf32, #tpu.memory_space<vmem>>, vector<16xf32>,
          tpu.vector_store %arg17[%parallel_loop3A_843, %parallel_loop3A_844], %parallel_loop3A_842 {strides = array<i32>} : memref<80x144xf32, #tpu.memory_space<vmem>>, vector<16xf32>,
          %parallel_loop3A_846 = arith.index_cast %parallel_loop3A_812 : i32 to index
          %parallel_loop3A_847 = arith.constant 64 : index
          %parallel_loop3A_848 = tpu.vector_load %arg17[%parallel_loop3A_846, %parallel_loop3A_847] {strides = array<i32>} : memref<80x144xf32, #tpu.memory_space<vmem>>, vector<16xf32>,
          %parallel_loop3A_849 = arith.mulf %parallel_loop3A_848, %parallel_loop3A_817 : vector<16xf32>
          %parallel_loop3A_850 = arith.index_cast %parallel_loop3A_812 : i32 to index
          %parallel_loop3A_851 = arith.constant 64 : index
          %parallel_loop3A_852 = tpu.vector_load %arg17[%parallel_loop3A_850, %parallel_loop3A_851] {strides = array<i32>} : memref<80x144xf32, #tpu.memory_space<vmem>>, vector<16xf32>,
          tpu.vector_store %arg17[%parallel_loop3A_850, %parallel_loop3A_851], %parallel_loop3A_849 {strides = array<i32>} : memref<80x144xf32, #tpu.memory_space<vmem>>, vector<16xf32>,
          %parallel_loop3A_853 = arith.index_cast %parallel_loop3A_812 : i32 to index
          %parallel_loop3A_854 = arith.constant 80 : index
          %parallel_loop3A_855 = tpu.vector_load %arg17[%parallel_loop3A_853, %parallel_loop3A_854] {strides = array<i32>} : memref<80x144xf32, #tpu.memory_space<vmem>>, vector<16xf32>,
          %parallel_loop3A_856 = arith.mulf %parallel_loop3A_855, %parallel_loop3A_817 : vector<16xf32>
          %parallel_loop3A_857 = arith.index_cast %parallel_loop3A_812 : i32 to index
          %parallel_loop3A_858 = arith.constant 80 : index
          %parallel_loop3A_859 = tpu.vector_load %arg17[%parallel_loop3A_857, %parallel_loop3A_858] {strides = array<i32>} : memref<80x144xf32, #tpu.memory_space<vmem>>, vector<16xf32>,
          tpu.vector_store %arg17[%parallel_loop3A_857, %parallel_loop3A_858], %parallel_loop3A_856 {strides = array<i32>} : memref<80x144xf32, #tpu.memory_space<vmem>>, vector<16xf32>,
          %parallel_loop3A_860 = arith.index_cast %parallel_loop3A_812 : i32 to index
          %parallel_loop3A_861 = arith.constant 96 : index
          %parallel_loop3A_862 = tpu.vector_load %arg17[%parallel_loop3A_860, %parallel_loop3A_861] {strides = array<i32>} : memref<80x144xf32, #tpu.memory_space<vmem>>, vector<16xf32>,
          %parallel_loop3A_863 = arith.mulf %parallel_loop3A_862, %parallel_loop3A_817 : vector<16xf32>
          %parallel_loop3A_864 = arith.index_cast %parallel_loop3A_812 : i32 to index
          %parallel_loop3A_865 = arith.constant 96 : index
          %parallel_loop3A_866 = tpu.vector_load %arg17[%parallel_loop3A_864, %parallel_loop3A_865] {strides = array<i32>} : memref<80x144xf32, #tpu.memory_space<vmem>>, vector<16xf32>,
          tpu.vector_store %arg17[%parallel_loop3A_864, %parallel_loop3A_865], %parallel_loop3A_863 {strides = array<i32>} : memref<80x144xf32, #tpu.memory_space<vmem>>, vector<16xf32>,
          %parallel_loop3A_867 = arith.index_cast %parallel_loop3A_812 : i32 to index
          %parallel_loop3A_868 = arith.constant 112 : index
          %parallel_loop3A_869 = tpu.vector_load %arg17[%parallel_loop3A_867, %parallel_loop3A_868] {strides = array<i32>} : memref<80x144xf32, #tpu.memory_space<vmem>>, vector<16xf32>,
          %parallel_loop3A_870 = arith.mulf %parallel_loop3A_869, %parallel_loop3A_817 : vector<16xf32>
          %parallel_loop3A_871 = arith.index_cast %parallel_loop3A_812 : i32 to index
          %parallel_loop3A_872 = arith.constant 112 : index
          %parallel_loop3A_873 = tpu.vector_load %arg17[%parallel_loop3A_871, %parallel_loop3A_872] {strides = array<i32>} : memref<80x144xf32, #tpu.memory_space<vmem>>, vector<16xf32>,
          tpu.vector_store %arg17[%parallel_loop3A_871, %parallel_loop3A_872], %parallel_loop3A_870 {strides = array<i32>} : memref<80x144xf32, #tpu.memory_space<vmem>>, vector<16xf32>,
          %parallel_loop3A_874 = arith.index_cast %parallel_loop3A_812 : i32 to index
          %parallel_loop3A_875 = arith.constant 128 : index
          %parallel_loop3A_876 = tpu.vector_load %arg17[%parallel_loop3A_874, %parallel_loop3A_875] {strides = array<i32>} : memref<80x144xf32, #tpu.memory_space<vmem>>, vector<16xf32>,
          %parallel_loop3A_877 = arith.mulf %parallel_loop3A_876, %parallel_loop3A_817 : vector<16xf32>
          %parallel_loop3A_878 = arith.index_cast %parallel_loop3A_812 : i32 to index
          %parallel_loop3A_879 = arith.constant 128 : index
          %parallel_loop3A_880 = tpu.vector_load %arg17[%parallel_loop3A_878, %parallel_loop3A_879] {strides = array<i32>} : memref<80x144xf32, #tpu.memory_space<vmem>>, vector<16xf32>,
          tpu.vector_store %arg17[%parallel_loop3A_878, %parallel_loop3A_879], %parallel_loop3A_877 {strides = array<i32>} : memref<80x144xf32, #tpu.memory_space<vmem>>, vector<16xf32>,
        } {sc.loop_unroll_factor = 2 : i64, sc.parallel_access}
        %dma_start3A_805 = arith.constant 0 : i32
        %dma_start3A_806 = tpu.memref_slice %arg14[%add3A_659, %dma_start3A_805] : memref<25x80xi32, #tpu.memory_space<vmem>> -> memref<1x80xi32, #tpu.memory_space<vmem>>
        %dma_start3A_807 = tpu.memref_squeeze %dma_start3A_806 : memref<1x80xi32, #tpu.memory_space<vmem>> -> memref<80xi32, #tpu.memory_space<vmem>>
        %dma_start3A_808 = arith.constant 0 : i32
        %dma_start3A_809 = arith.constant 0 : i32
        %dma_start3A_810 = tpu.memref_slice %arg10[%dma_start3A_808, %dma_start3A_809] : memref<10000x144xf32, #tpu.memory_space<vmem_shared>> -> memref<10000x144xf32, #tpu.memory_space<vmem_shared>>
        tpu.enqueue_indirect_dma source(%arg17 : memref<80x144xf32, #tpu.memory_space<vmem>>) target(%dma_start3A_810 : memref<10000x144xf32, #tpu.memory_space<vmem_shared>>) offsets(%dma_start3A_807 : memref<80xi32, #tpu.memory_space<vmem>>) semaphore(%arg21 : memref<!tpu.dma_semaphore, #tpu.memory_space<semaphore_mem>>) {add = true}
        %scan3A_811 = arith.constant 0 : i32
        scf.yield %scan3A_811 : i32
      }
      %scan3A_175 = arith.constant 11 : i32
      %dma_wait3A_176 = arith.constant 23 : i32
      %dma_wait3A_177 = arith.constant 0 : i32
      %dma_wait3A_178 = tpu.memref_slice %arg13[%dma_wait3A_176, %dma_wait3A_177] : memref<25x80xi32, #tpu.memory_space<vmem>> -> memref<1x80xi32, #tpu.memory_space<vmem>>
      %dma_wait3A_179 = tpu.memref_squeeze %dma_wait3A_178 : memref<1x80xi32, #tpu.memory_space<vmem>> -> memref<80xi32, #tpu.memory_space<vmem>>
      %dma_wait3A_180 = arith.constant 0 : i32
      %dma_wait3A_181 = arith.constant 0 : i32
      %dma_wait3A_182 = tpu.memref_slice %arg2[%dma_wait3A_180, %dma_wait3A_181] : memref<10000x144xf32, #tpu.memory_space<hbm>> -> memref<10000x144xf32, #tpu.memory_space<hbm>>
      tpu.wait_indirect_dma semaphore(%arg20 : memref<!tpu.dma_semaphore, #tpu.memory_space<semaphore_mem>>) src(%dma_wait3A_182 : memref<10000x144xf32, #tpu.memory_space<hbm>>) dst(%arg18 : memref<80x144xf32, #tpu.memory_space<vmem>>)
      %dma_wait3A_183 = arith.constant 22 : i32
      %dma_wait3A_184 = arith.constant 0 : i32
      %dma_wait3A_185 = tpu.memref_slice %arg14[%dma_wait3A_183, %dma_wait3A_184] : memref<25x80xi32, #tpu.memory_space<vmem>> -> memref<1x80xi32, #tpu.memory_space<vmem>>
      %dma_wait3A_186 = tpu.memref_squeeze %dma_wait3A_185 : memref<1x80xi32, #tpu.memory_space<vmem>> -> memref<80xi32, #tpu.memory_space<vmem>>
      %dma_wait3A_187 = arith.constant 0 : i32
      %dma_wait3A_188 = arith.constant 0 : i32
      %dma_wait3A_189 = tpu.memref_slice %arg10[%dma_wait3A_187, %dma_wait3A_188] : memref<10000x144xf32, #tpu.memory_space<vmem_shared>> -> memref<10000x144xf32, #tpu.memory_space<vmem_shared>>
      tpu.wait_indirect_dma semaphore(%arg21 : memref<!tpu.dma_semaphore, #tpu.memory_space<semaphore_mem>>) src(%arg17 : memref<80x144xf32, #tpu.memory_space<vmem>>) dst(%dma_wait3A_189 : memref<10000x144xf32, #tpu.memory_space<vmem_shared>>)
      %dma_start3A_190 = arith.constant 24 : i32
      %dma_start3A_191 = arith.constant 0 : i32
      %dma_start3A_192 = tpu.memref_slice %arg13[%dma_start3A_190, %dma_start3A_191] : memref<25x80xi32, #tpu.memory_space<vmem>> -> memref<1x80xi32, #tpu.memory_space<vmem>>
      %dma_start3A_193 = tpu.memref_squeeze %dma_start3A_192 : memref<1x80xi32, #tpu.memory_space<vmem>> -> memref<80xi32, #tpu.memory_space<vmem>>
      %dma_start3A_194 = arith.constant 0 : i32
      %dma_start3A_195 = arith.constant 0 : i32
      %dma_start3A_196 = tpu.memref_slice %arg2[%dma_start3A_194, %dma_start3A_195] : memref<10000x144xf32, #tpu.memory_space<hbm>> -> memref<10000x144xf32, #tpu.memory_space<hbm>>
      tpu.enqueue_indirect_dma source(%dma_start3A_196 : memref<10000x144xf32, #tpu.memory_space<hbm>>) target(%arg17 : memref<80x144xf32, #tpu.memory_space<vmem>>) offsets(%dma_start3A_193 : memref<80xi32, #tpu.memory_space<vmem>>) semaphore(%arg19 : memref<!tpu.dma_semaphore, #tpu.memory_space<semaphore_mem>>)
      %iota3A_197 = tpu.iota {dimensions = array<i32: 0>} : vector<16xi32>
      %add3A_198 = arith.constant 0 : i32
      %add3A_199 = vector.broadcast %add3A_198 : i32 to vector<16xi32>
      %add3A_200 = arith.addi %add3A_199, %iota3A_197 : vector<16xi32>
      %broadcast_in_dim3A_201 = arith.constant 128 : i32
      %broadcast_in_dim3A_202 = vector.broadcast %broadcast_in_dim3A_201 : i32 to vector<16xi32>
      %gather3A_203 = tpu.vector_load_idx %arg18[%add3A_200, %broadcast_in_dim3A_202] : memref<80x144xf32, #tpu.memory_space<vmem>>[vector<16xi32>, vector<16xi32>], vector<16xf32>,
      %get3A_204 = arith.constant 23 : i32
      %get3A_205 = arith.index_cast %get3A_204 : i32 to index
      %get3A_206 = arith.constant 0 : index
      %get3A_207 = tpu.vector_load %arg14[%get3A_205, %get3A_206] {strides = array<i32>} : memref<25x80xi32, #tpu.memory_space<vmem>>, vector<16xi32>,
      %gather3A_208 = tpu.vector_load_idx %arg11[%get3A_207] : memref<10000xf32, #tpu.memory_space<vmem>>[vector<16xi32>], vector<16xf32>,
      %add3A_209 = arith.addf %gather3A_203, %gather3A_208 : vector<16xf32>
      %get3A_210 = arith.constant 23 : i32
      %get3A_211 = arith.index_cast %get3A_210 : i32 to index
      %get3A_212 = arith.constant 0 : index
      %get3A_213 = tpu.vector_load %arg15[%get3A_211, %get3A_212] {strides = array<i32>} : memref<25x80xf32, #tpu.memory_space<vmem>>, vector<16xf32>,
      %add3A_214 = arith.addf %add3A_209, %get3A_213 : vector<16xf32>
      %mul3A_215 = arith.constant 2.000000e-01 : f32
      %mul3A_216 = vector.broadcast %mul3A_215 : f32 to vector<16xf32>
      %mul3A_217 = arith.mulf %mul3A_216, %add3A_214 : vector<16xf32>
      %max3A_218 = arith.maximumf %add3A_214, %mul3A_217 : vector<16xf32>
      %sub3A_219 = arith.subf %max3A_218, %get3A_3 : vector<16xf32>
      %exp3A_220 = math.exp %sub3A_219 : vector<16xf32>
      %swap3A_221 = arith.constant 0 : index
      %swap3A_222 = tpu.vector_load %arg16[%swap3A_221] {strides = array<i32>} : memref<80xf32, #tpu.memory_space<vmem>>, vector<16xf32>,
      tpu.vector_store %arg16[%swap3A_221], %exp3A_220 {strides = array<i32>} : memref<80xf32, #tpu.memory_space<vmem>>, vector<16xf32>,
      %iota3A_223 = tpu.iota {dimensions = array<i32: 0>} : vector<16xi32>
      %add3A_224 = arith.constant 16 : i32
      %add3A_225 = vector.broadcast %add3A_224 : i32 to vector<16xi32>
      %add3A_226 = arith.addi %add3A_225, %iota3A_223 : vector<16xi32>
      %broadcast_in_dim3A_227 = arith.constant 128 : i32
      %broadcast_in_dim3A_228 = vector.broadcast %broadcast_in_dim3A_227 : i32 to vector<16xi32>
      %gather3A_229 = tpu.vector_load_idx %arg18[%add3A_226, %broadcast_in_dim3A_228] : memref<80x144xf32, #tpu.memory_space<vmem>>[vector<16xi32>, vector<16xi32>], vector<16xf32>,
      %get3A_230 = arith.constant 23 : i32
      %get3A_231 = arith.index_cast %get3A_230 : i32 to index
      %get3A_232 = arith.constant 16 : index
      %get3A_233 = tpu.vector_load %arg14[%get3A_231, %get3A_232] {strides = array<i32>} : memref<25x80xi32, #tpu.memory_space<vmem>>, vector<16xi32>,
      %gather3A_234 = tpu.vector_load_idx %arg11[%get3A_233] : memref<10000xf32, #tpu.memory_space<vmem>>[vector<16xi32>], vector<16xf32>,
      %add3A_235 = arith.addf %gather3A_229, %gather3A_234 : vector<16xf32>
      %get3A_236 = arith.constant 23 : i32
      %get3A_237 = arith.index_cast %get3A_236 : i32 to index
      %get3A_238 = arith.constant 16 : index
      %get3A_239 = tpu.vector_load %arg15[%get3A_237, %get3A_238] {strides = array<i32>} : memref<25x80xf32, #tpu.memory_space<vmem>>, vector<16xf32>,
      %add3A_240 = arith.addf %add3A_235, %get3A_239 : vector<16xf32>
      %mul3A_241 = arith.constant 2.000000e-01 : f32
      %mul3A_242 = vector.broadcast %mul3A_241 : f32 to vector<16xf32>
      %mul3A_243 = arith.mulf %mul3A_242, %add3A_240 : vector<16xf32>
      %max3A_244 = arith.maximumf %add3A_240, %mul3A_243 : vector<16xf32>
      %sub3A_245 = arith.subf %max3A_244, %get3A_3 : vector<16xf32>
      %exp3A_246 = math.exp %sub3A_245 : vector<16xf32>
      %swap3A_247 = arith.constant 16 : index
      %swap3A_248 = tpu.vector_load %arg16[%swap3A_247] {strides = array<i32>} : memref<80xf32, #tpu.memory_space<vmem>>, vector<16xf32>,
      tpu.vector_store %arg16[%swap3A_247], %exp3A_246 {strides = array<i32>} : memref<80xf32, #tpu.memory_space<vmem>>, vector<16xf32>,
      %iota3A_249 = tpu.iota {dimensions = array<i32: 0>} : vector<16xi32>
      %add3A_250 = arith.constant 32 : i32
      %add3A_251 = vector.broadcast %add3A_250 : i32 to vector<16xi32>
      %add3A_252 = arith.addi %add3A_251, %iota3A_249 : vector<16xi32>
      %broadcast_in_dim3A_253 = arith.constant 128 : i32
      %broadcast_in_dim3A_254 = vector.broadcast %broadcast_in_dim3A_253 : i32 to vector<16xi32>
      %gather3A_255 = tpu.vector_load_idx %arg18[%add3A_252, %broadcast_in_dim3A_254] : memref<80x144xf32, #tpu.memory_space<vmem>>[vector<16xi32>, vector<16xi32>], vector<16xf32>,
      %get3A_256 = arith.constant 23 : i32
      %get3A_257 = arith.index_cast %get3A_256 : i32 to index
      %get3A_258 = arith.constant 32 : index
      %get3A_259 = tpu.vector_load %arg14[%get3A_257, %get3A_258] {strides = array<i32>} : memref<25x80xi32, #tpu.memory_space<vmem>>, vector<16xi32>,
      %gather3A_260 = tpu.vector_load_idx %arg11[%get3A_259] : memref<10000xf32, #tpu.memory_space<vmem>>[vector<16xi32>], vector<16xf32>,
      %add3A_261 = arith.addf %gather3A_255, %gather3A_260 : vector<16xf32>
      %get3A_262 = arith.constant 23 : i32
      %get3A_263 = arith.index_cast %get3A_262 : i32 to index
      %get3A_264 = arith.constant 32 : index
      %get3A_265 = tpu.vector_load %arg15[%get3A_263, %get3A_264] {strides = array<i32>} : memref<25x80xf32, #tpu.memory_space<vmem>>, vector<16xf32>,
      %add3A_266 = arith.addf %add3A_261, %get3A_265 : vector<16xf32>
      %mul3A_267 = arith.constant 2.000000e-01 : f32
      %mul3A_268 = vector.broadcast %mul3A_267 : f32 to vector<16xf32>
      %mul3A_269 = arith.mulf %mul3A_268, %add3A_266 : vector<16xf32>
      %max3A_270 = arith.maximumf %add3A_266, %mul3A_269 : vector<16xf32>
      %sub3A_271 = arith.subf %max3A_270, %get3A_3 : vector<16xf32>
      %exp3A_272 = math.exp %sub3A_271 : vector<16xf32>
      %swap3A_273 = arith.constant 32 : index
      %swap3A_274 = tpu.vector_load %arg16[%swap3A_273] {strides = array<i32>} : memref<80xf32, #tpu.memory_space<vmem>>, vector<16xf32>,
      tpu.vector_store %arg16[%swap3A_273], %exp3A_272 {strides = array<i32>} : memref<80xf32, #tpu.memory_space<vmem>>, vector<16xf32>,
      %iota3A_275 = tpu.iota {dimensions = array<i32: 0>} : vector<16xi32>
      %add3A_276 = arith.constant 48 : i32
      %add3A_277 = vector.broadcast %add3A_276 : i32 to vector<16xi32>
      %add3A_278 = arith.addi %add3A_277, %iota3A_275 : vector<16xi32>
      %broadcast_in_dim3A_279 = arith.constant 128 : i32
      %broadcast_in_dim3A_280 = vector.broadcast %broadcast_in_dim3A_279 : i32 to vector<16xi32>
      %gather3A_281 = tpu.vector_load_idx %arg18[%add3A_278, %broadcast_in_dim3A_280] : memref<80x144xf32, #tpu.memory_space<vmem>>[vector<16xi32>, vector<16xi32>], vector<16xf32>,
      %get3A_282 = arith.constant 23 : i32
      %get3A_283 = arith.index_cast %get3A_282 : i32 to index
      %get3A_284 = arith.constant 48 : index
      %get3A_285 = tpu.vector_load %arg14[%get3A_283, %get3A_284] {strides = array<i32>} : memref<25x80xi32, #tpu.memory_space<vmem>>, vector<16xi32>,
      %gather3A_286 = tpu.vector_load_idx %arg11[%get3A_285] : memref<10000xf32, #tpu.memory_space<vmem>>[vector<16xi32>], vector<16xf32>,
      %add3A_287 = arith.addf %gather3A_281, %gather3A_286 : vector<16xf32>
      %get3A_288 = arith.constant 23 : i32
      %get3A_289 = arith.index_cast %get3A_288 : i32 to index
      %get3A_290 = arith.constant 48 : index
      %get3A_291 = tpu.vector_load %arg15[%get3A_289, %get3A_290] {strides = array<i32>} : memref<25x80xf32, #tpu.memory_space<vmem>>, vector<16xf32>,
      %add3A_292 = arith.addf %add3A_287, %get3A_291 : vector<16xf32>
      %mul3A_293 = arith.constant 2.000000e-01 : f32
      %mul3A_294 = vector.broadcast %mul3A_293 : f32 to vector<16xf32>
      %mul3A_295 = arith.mulf %mul3A_294, %add3A_292 : vector<16xf32>
      %max3A_296 = arith.maximumf %add3A_292, %mul3A_295 : vector<16xf32>
      %sub3A_297 = arith.subf %max3A_296, %get3A_3 : vector<16xf32>
      %exp3A_298 = math.exp %sub3A_297 : vector<16xf32>
      %swap3A_299 = arith.constant 48 : index
      %swap3A_300 = tpu.vector_load %arg16[%swap3A_299] {strides = array<i32>} : memref<80xf32, #tpu.memory_space<vmem>>, vector<16xf32>,
      tpu.vector_store %arg16[%swap3A_299], %exp3A_298 {strides = array<i32>} : memref<80xf32, #tpu.memory_space<vmem>>, vector<16xf32>,
      %iota3A_301 = tpu.iota {dimensions = array<i32: 0>} : vector<16xi32>
      %add3A_302 = arith.constant 64 : i32
      %add3A_303 = vector.broadcast %add3A_302 : i32 to vector<16xi32>
      %add3A_304 = arith.addi %add3A_303, %iota3A_301 : vector<16xi32>
      %broadcast_in_dim3A_305 = arith.constant 128 : i32
      %broadcast_in_dim3A_306 = vector.broadcast %broadcast_in_dim3A_305 : i32 to vector<16xi32>
      %gather3A_307 = tpu.vector_load_idx %arg18[%add3A_304, %broadcast_in_dim3A_306] : memref<80x144xf32, #tpu.memory_space<vmem>>[vector<16xi32>, vector<16xi32>], vector<16xf32>,
      %get3A_308 = arith.constant 23 : i32
      %get3A_309 = arith.index_cast %get3A_308 : i32 to index
      %get3A_310 = arith.constant 64 : index
      %get3A_311 = tpu.vector_load %arg14[%get3A_309, %get3A_310] {strides = array<i32>} : memref<25x80xi32, #tpu.memory_space<vmem>>, vector<16xi32>,
      %gather3A_312 = tpu.vector_load_idx %arg11[%get3A_311] : memref<10000xf32, #tpu.memory_space<vmem>>[vector<16xi32>], vector<16xf32>,
      %add3A_313 = arith.addf %gather3A_307, %gather3A_312 : vector<16xf32>
      %get3A_314 = arith.constant 23 : i32
      %get3A_315 = arith.index_cast %get3A_314 : i32 to index
      %get3A_316 = arith.constant 64 : index
      %get3A_317 = tpu.vector_load %arg15[%get3A_315, %get3A_316] {strides = array<i32>} : memref<25x80xf32, #tpu.memory_space<vmem>>, vector<16xf32>,
      %add3A_318 = arith.addf %add3A_313, %get3A_317 : vector<16xf32>
      %mul3A_319 = arith.constant 2.000000e-01 : f32
      %mul3A_320 = vector.broadcast %mul3A_319 : f32 to vector<16xf32>
      %mul3A_321 = arith.mulf %mul3A_320, %add3A_318 : vector<16xf32>
      %max3A_322 = arith.maximumf %add3A_318, %mul3A_321 : vector<16xf32>
      %sub3A_323 = arith.subf %max3A_322, %get3A_3 : vector<16xf32>
      %exp3A_324 = math.exp %sub3A_323 : vector<16xf32>
      %swap3A_325 = arith.constant 64 : index
      %swap3A_326 = tpu.vector_load %arg16[%swap3A_325] {strides = array<i32>} : memref<80xf32, #tpu.memory_space<vmem>>, vector<16xf32>,
      tpu.vector_store %arg16[%swap3A_325], %exp3A_324 {strides = array<i32>} : memref<80xf32, #tpu.memory_space<vmem>>, vector<16xf32>,
      %parallel_loop3A_327 = arith.constant 0 : i32
      %parallel_loop3A_328 = arith.constant 80 : i32
      %parallel_loop3A_329 = arith.constant 1 : i32
      scf.for %parallel_loop3A_499 = %parallel_loop3A_327 to %parallel_loop3A_328 step %parallel_loop3A_329  : i32 {
        %parallel_loop3A_500 = arith.constant 0 : i32
        %parallel_loop3A_501 = vector.broadcast %parallel_loop3A_500 : i32 to vector<16xi32>
        %parallel_loop3A_502 = vector.broadcast %parallel_loop3A_499 : i32 to vector<16xi32>
        %parallel_loop3A_503 = arith.addi %parallel_loop3A_501, %parallel_loop3A_502 : vector<16xi32>
        %parallel_loop3A_504 = tpu.vector_load_idx %arg16[%parallel_loop3A_503] : memref<80xf32, #tpu.memory_space<vmem>>[vector<16xi32>], vector<16xf32>,
        %parallel_loop3A_505 = arith.index_cast %parallel_loop3A_499 : i32 to index
        %parallel_loop3A_506 = arith.constant 0 : index
        %parallel_loop3A_507 = tpu.vector_load %arg18[%parallel_loop3A_505, %parallel_loop3A_506] {strides = array<i32>} : memref<80x144xf32, #tpu.memory_space<vmem>>, vector<16xf32>,
        %parallel_loop3A_508 = arith.mulf %parallel_loop3A_507, %parallel_loop3A_504 : vector<16xf32>
        %parallel_loop3A_509 = arith.index_cast %parallel_loop3A_499 : i32 to index
        %parallel_loop3A_510 = arith.constant 0 : index
        %parallel_loop3A_511 = tpu.vector_load %arg18[%parallel_loop3A_509, %parallel_loop3A_510] {strides = array<i32>} : memref<80x144xf32, #tpu.memory_space<vmem>>, vector<16xf32>,
        tpu.vector_store %arg18[%parallel_loop3A_509, %parallel_loop3A_510], %parallel_loop3A_508 {strides = array<i32>} : memref<80x144xf32, #tpu.memory_space<vmem>>, vector<16xf32>,
        %parallel_loop3A_512 = arith.index_cast %parallel_loop3A_499 : i32 to index
        %parallel_loop3A_513 = arith.constant 16 : index
        %parallel_loop3A_514 = tpu.vector_load %arg18[%parallel_loop3A_512, %parallel_loop3A_513] {strides = array<i32>} : memref<80x144xf32, #tpu.memory_space<vmem>>, vector<16xf32>,
        %parallel_loop3A_515 = arith.mulf %parallel_loop3A_514, %parallel_loop3A_504 : vector<16xf32>
        %parallel_loop3A_516 = arith.index_cast %parallel_loop3A_499 : i32 to index
        %parallel_loop3A_517 = arith.constant 16 : index
        %parallel_loop3A_518 = tpu.vector_load %arg18[%parallel_loop3A_516, %parallel_loop3A_517] {strides = array<i32>} : memref<80x144xf32, #tpu.memory_space<vmem>>, vector<16xf32>,
        tpu.vector_store %arg18[%parallel_loop3A_516, %parallel_loop3A_517], %parallel_loop3A_515 {strides = array<i32>} : memref<80x144xf32, #tpu.memory_space<vmem>>, vector<16xf32>,
        %parallel_loop3A_519 = arith.index_cast %parallel_loop3A_499 : i32 to index
        %parallel_loop3A_520 = arith.constant 32 : index
        %parallel_loop3A_521 = tpu.vector_load %arg18[%parallel_loop3A_519, %parallel_loop3A_520] {strides = array<i32>} : memref<80x144xf32, #tpu.memory_space<vmem>>, vector<16xf32>,
        %parallel_loop3A_522 = arith.mulf %parallel_loop3A_521, %parallel_loop3A_504 : vector<16xf32>
        %parallel_loop3A_523 = arith.index_cast %parallel_loop3A_499 : i32 to index
        %parallel_loop3A_524 = arith.constant 32 : index
        %parallel_loop3A_525 = tpu.vector_load %arg18[%parallel_loop3A_523, %parallel_loop3A_524] {strides = array<i32>} : memref<80x144xf32, #tpu.memory_space<vmem>>, vector<16xf32>,
        tpu.vector_store %arg18[%parallel_loop3A_523, %parallel_loop3A_524], %parallel_loop3A_522 {strides = array<i32>} : memref<80x144xf32, #tpu.memory_space<vmem>>, vector<16xf32>,
        %parallel_loop3A_526 = arith.index_cast %parallel_loop3A_499 : i32 to index
        %parallel_loop3A_527 = arith.constant 48 : index
        %parallel_loop3A_528 = tpu.vector_load %arg18[%parallel_loop3A_526, %parallel_loop3A_527] {strides = array<i32>} : memref<80x144xf32, #tpu.memory_space<vmem>>, vector<16xf32>,
        %parallel_loop3A_529 = arith.mulf %parallel_loop3A_528, %parallel_loop3A_504 : vector<16xf32>
        %parallel_loop3A_530 = arith.index_cast %parallel_loop3A_499 : i32 to index
        %parallel_loop3A_531 = arith.constant 48 : index
        %parallel_loop3A_532 = tpu.vector_load %arg18[%parallel_loop3A_530, %parallel_loop3A_531] {strides = array<i32>} : memref<80x144xf32, #tpu.memory_space<vmem>>, vector<16xf32>,
        tpu.vector_store %arg18[%parallel_loop3A_530, %parallel_loop3A_531], %parallel_loop3A_529 {strides = array<i32>} : memref<80x144xf32, #tpu.memory_space<vmem>>, vector<16xf32>,
        %parallel_loop3A_533 = arith.index_cast %parallel_loop3A_499 : i32 to index
        %parallel_loop3A_534 = arith.constant 64 : index
        %parallel_loop3A_535 = tpu.vector_load %arg18[%parallel_loop3A_533, %parallel_loop3A_534] {strides = array<i32>} : memref<80x144xf32, #tpu.memory_space<vmem>>, vector<16xf32>,
        %parallel_loop3A_536 = arith.mulf %parallel_loop3A_535, %parallel_loop3A_504 : vector<16xf32>
        %parallel_loop3A_537 = arith.index_cast %parallel_loop3A_499 : i32 to index
        %parallel_loop3A_538 = arith.constant 64 : index
        %parallel_loop3A_539 = tpu.vector_load %arg18[%parallel_loop3A_537, %parallel_loop3A_538] {strides = array<i32>} : memref<80x144xf32, #tpu.memory_space<vmem>>, vector<16xf32>,
        tpu.vector_store %arg18[%parallel_loop3A_537, %parallel_loop3A_538], %parallel_loop3A_536 {strides = array<i32>} : memref<80x144xf32, #tpu.memory_space<vmem>>, vector<16xf32>,
        %parallel_loop3A_540 = arith.index_cast %parallel_loop3A_499 : i32 to index
        %parallel_loop3A_541 = arith.constant 80 : index
        %parallel_loop3A_542 = tpu.vector_load %arg18[%parallel_loop3A_540, %parallel_loop3A_541] {strides = array<i32>} : memref<80x144xf32, #tpu.memory_space<vmem>>, vector<16xf32>,
        %parallel_loop3A_543 = arith.mulf %parallel_loop3A_542, %parallel_loop3A_504 : vector<16xf32>
        %parallel_loop3A_544 = arith.index_cast %parallel_loop3A_499 : i32 to index
        %parallel_loop3A_545 = arith.constant 80 : index
        %parallel_loop3A_546 = tpu.vector_load %arg18[%parallel_loop3A_544, %parallel_loop3A_545] {strides = array<i32>} : memref<80x144xf32, #tpu.memory_space<vmem>>, vector<16xf32>,
        tpu.vector_store %arg18[%parallel_loop3A_544, %parallel_loop3A_545], %parallel_loop3A_543 {strides = array<i32>} : memref<80x144xf32, #tpu.memory_space<vmem>>, vector<16xf32>,
        %parallel_loop3A_547 = arith.index_cast %parallel_loop3A_499 : i32 to index
        %parallel_loop3A_548 = arith.constant 96 : index
        %parallel_loop3A_549 = tpu.vector_load %arg18[%parallel_loop3A_547, %parallel_loop3A_548] {strides = array<i32>} : memref<80x144xf32, #tpu.memory_space<vmem>>, vector<16xf32>,
        %parallel_loop3A_550 = arith.mulf %parallel_loop3A_549, %parallel_loop3A_504 : vector<16xf32>
        %parallel_loop3A_551 = arith.index_cast %parallel_loop3A_499 : i32 to index
        %parallel_loop3A_552 = arith.constant 96 : index
        %parallel_loop3A_553 = tpu.vector_load %arg18[%parallel_loop3A_551, %parallel_loop3A_552] {strides = array<i32>} : memref<80x144xf32, #tpu.memory_space<vmem>>, vector<16xf32>,
        tpu.vector_store %arg18[%parallel_loop3A_551, %parallel_loop3A_552], %parallel_loop3A_550 {strides = array<i32>} : memref<80x144xf32, #tpu.memory_space<vmem>>, vector<16xf32>,
        %parallel_loop3A_554 = arith.index_cast %parallel_loop3A_499 : i32 to index
        %parallel_loop3A_555 = arith.constant 112 : index
        %parallel_loop3A_556 = tpu.vector_load %arg18[%parallel_loop3A_554, %parallel_loop3A_555] {strides = array<i32>} : memref<80x144xf32, #tpu.memory_space<vmem>>, vector<16xf32>,
        %parallel_loop3A_557 = arith.mulf %parallel_loop3A_556, %parallel_loop3A_504 : vector<16xf32>
        %parallel_loop3A_558 = arith.index_cast %parallel_loop3A_499 : i32 to index
        %parallel_loop3A_559 = arith.constant 112 : index
        %parallel_loop3A_560 = tpu.vector_load %arg18[%parallel_loop3A_558, %parallel_loop3A_559] {strides = array<i32>} : memref<80x144xf32, #tpu.memory_space<vmem>>, vector<16xf32>,
        tpu.vector_store %arg18[%parallel_loop3A_558, %parallel_loop3A_559], %parallel_loop3A_557 {strides = array<i32>} : memref<80x144xf32, #tpu.memory_space<vmem>>, vector<16xf32>,
        %parallel_loop3A_561 = arith.index_cast %parallel_loop3A_499 : i32 to index
        %parallel_loop3A_562 = arith.constant 128 : index
        %parallel_loop3A_563 = tpu.vector_load %arg18[%parallel_loop3A_561, %parallel_loop3A_562] {strides = array<i32>} : memref<80x144xf32, #tpu.memory_space<vmem>>, vector<16xf32>,
        %parallel_loop3A_564 = arith.mulf %parallel_loop3A_563, %parallel_loop3A_504 : vector<16xf32>
        %parallel_loop3A_565 = arith.index_cast %parallel_loop3A_499 : i32 to index
        %parallel_loop3A_566 = arith.constant 128 : index
        %parallel_loop3A_567 = tpu.vector_load %arg18[%parallel_loop3A_565, %parallel_loop3A_566] {strides = array<i32>} : memref<80x144xf32, #tpu.memory_space<vmem>>, vector<16xf32>,
        tpu.vector_store %arg18[%parallel_loop3A_565, %parallel_loop3A_566], %parallel_loop3A_564 {strides = array<i32>} : memref<80x144xf32, #tpu.memory_space<vmem>>, vector<16xf32>,
      } {sc.loop_unroll_factor = 2 : i64, sc.parallel_access}
      %dma_start3A_330 = arith.constant 23 : i32
      %dma_start3A_331 = arith.constant 0 : i32
      %dma_start3A_332 = tpu.memref_slice %arg14[%dma_start3A_330, %dma_start3A_331] : memref<25x80xi32, #tpu.memory_space<vmem>> -> memref<1x80xi32, #tpu.memory_space<vmem>>
      %dma_start3A_333 = tpu.memref_squeeze %dma_start3A_332 : memref<1x80xi32, #tpu.memory_space<vmem>> -> memref<80xi32, #tpu.memory_space<vmem>>
      %dma_start3A_334 = arith.constant 0 : i32
      %dma_start3A_335 = arith.constant 0 : i32
      %dma_start3A_336 = tpu.memref_slice %arg10[%dma_start3A_334, %dma_start3A_335] : memref<10000x144xf32, #tpu.memory_space<vmem_shared>> -> memref<10000x144xf32, #tpu.memory_space<vmem_shared>>
      tpu.enqueue_indirect_dma source(%arg18 : memref<80x144xf32, #tpu.memory_space<vmem>>) target(%dma_start3A_336 : memref<10000x144xf32, #tpu.memory_space<vmem_shared>>) offsets(%dma_start3A_333 : memref<80xi32, #tpu.memory_space<vmem>>) semaphore(%arg22 : memref<!tpu.dma_semaphore, #tpu.memory_space<semaphore_mem>>) {add = true}
      %dma_wait3A_337 = arith.constant 24 : i32
      %dma_wait3A_338 = arith.constant 0 : i32
      %dma_wait3A_339 = tpu.memref_slice %arg13[%dma_wait3A_337, %dma_wait3A_338] : memref<25x80xi32, #tpu.memory_space<vmem>> -> memref<1x80xi32, #tpu.memory_space<vmem>>
      %dma_wait3A_340 = tpu.memref_squeeze %dma_wait3A_339 : memref<1x80xi32, #tpu.memory_space<vmem>> -> memref<80xi32, #tpu.memory_space<vmem>>
      %dma_wait3A_341 = arith.constant 0 : i32
      %dma_wait3A_342 = arith.constant 0 : i32
      %dma_wait3A_343 = tpu.memref_slice %arg2[%dma_wait3A_341, %dma_wait3A_342] : memref<10000x144xf32, #tpu.memory_space<hbm>> -> memref<10000x144xf32, #tpu.memory_space<hbm>>
      tpu.wait_indirect_dma semaphore(%arg19 : memref<!tpu.dma_semaphore, #tpu.memory_space<semaphore_mem>>) src(%dma_wait3A_343 : memref<10000x144xf32, #tpu.memory_space<hbm>>) dst(%arg17 : memref<80x144xf32, #tpu.memory_space<vmem>>)
      %iota3A_344 = tpu.iota {dimensions = array<i32: 0>} : vector<16xi32>
      %add3A_345 = arith.constant 0 : i32
      %add3A_346 = vector.broadcast %add3A_345 : i32 to vector<16xi32>
      %add3A_347 = arith.addi %add3A_346, %iota3A_344 : vector<16xi32>
      %broadcast_in_dim3A_348 = arith.constant 128 : i32
      %broadcast_in_dim3A_349 = vector.broadcast %broadcast_in_dim3A_348 : i32 to vector<16xi32>
      %gather3A_350 = tpu.vector_load_idx %arg17[%add3A_347, %broadcast_in_dim3A_349] : memref<80x144xf32, #tpu.memory_space<vmem>>[vector<16xi32>, vector<16xi32>], vector<16xf32>,
      %get3A_351 = arith.constant 24 : i32
      %get3A_352 = arith.index_cast %get3A_351 : i32 to index
      %get3A_353 = arith.constant 0 : index
      %get3A_354 = tpu.vector_load %arg14[%get3A_352, %get3A_353] {strides = array<i32>} : memref<25x80xi32, #tpu.memory_space<vmem>>, vector<16xi32>,
      %gather3A_355 = tpu.vector_load_idx %arg11[%get3A_354] : memref<10000xf32, #tpu.memory_space<vmem>>[vector<16xi32>], vector<16xf32>,
      %add3A_356 = arith.addf %gather3A_350, %gather3A_355 : vector<16xf32>
      %get3A_357 = arith.constant 24 : i32
      %get3A_358 = arith.index_cast %get3A_357 : i32 to index
      %get3A_359 = arith.constant 0 : index
      %get3A_360 = tpu.vector_load %arg15[%get3A_358, %get3A_359] {strides = array<i32>} : memref<25x80xf32, #tpu.memory_space<vmem>>, vector<16xf32>,
      %add3A_361 = arith.addf %add3A_356, %get3A_360 : vector<16xf32>
      %mul3A_362 = arith.constant 2.000000e-01 : f32
      %mul3A_363 = vector.broadcast %mul3A_362 : f32 to vector<16xf32>
      %mul3A_364 = arith.mulf %mul3A_363, %add3A_361 : vector<16xf32>
      %max3A_365 = arith.maximumf %add3A_361, %mul3A_364 : vector<16xf32>
      %sub3A_366 = arith.subf %max3A_365, %get3A_3 : vector<16xf32>
      %exp3A_367 = math.exp %sub3A_366 : vector<16xf32>
      %swap3A_368 = arith.constant 0 : index
      %swap3A_369 = tpu.vector_load %arg16[%swap3A_368] {strides = array<i32>} : memref<80xf32, #tpu.memory_space<vmem>>, vector<16xf32>,
      tpu.vector_store %arg16[%swap3A_368], %exp3A_367 {strides = array<i32>} : memref<80xf32, #tpu.memory_space<vmem>>, vector<16xf32>,
      %iota3A_370 = tpu.iota {dimensions = array<i32: 0>} : vector<16xi32>
      %add3A_371 = arith.constant 16 : i32
      %add3A_372 = vector.broadcast %add3A_371 : i32 to vector<16xi32>
      %add3A_373 = arith.addi %add3A_372, %iota3A_370 : vector<16xi32>
      %broadcast_in_dim3A_374 = arith.constant 128 : i32
      %broadcast_in_dim3A_375 = vector.broadcast %broadcast_in_dim3A_374 : i32 to vector<16xi32>
      %gather3A_376 = tpu.vector_load_idx %arg17[%add3A_373, %broadcast_in_dim3A_375] : memref<80x144xf32, #tpu.memory_space<vmem>>[vector<16xi32>, vector<16xi32>], vector<16xf32>,
      %get3A_377 = arith.constant 24 : i32
      %get3A_378 = arith.index_cast %get3A_377 : i32 to index
      %get3A_379 = arith.constant 16 : index
      %get3A_380 = tpu.vector_load %arg14[%get3A_378, %get3A_379] {strides = array<i32>} : memref<25x80xi32, #tpu.memory_space<vmem>>, vector<16xi32>,
      %gather3A_381 = tpu.vector_load_idx %arg11[%get3A_380] : memref<10000xf32, #tpu.memory_space<vmem>>[vector<16xi32>], vector<16xf32>,
      %add3A_382 = arith.addf %gather3A_376, %gather3A_381 : vector<16xf32>
      %get3A_383 = arith.constant 24 : i32
      %get3A_384 = arith.index_cast %get3A_383 : i32 to index
      %get3A_385 = arith.constant 16 : index
      %get3A_386 = tpu.vector_load %arg15[%get3A_384, %get3A_385] {strides = array<i32>} : memref<25x80xf32, #tpu.memory_space<vmem>>, vector<16xf32>,
      %add3A_387 = arith.addf %add3A_382, %get3A_386 : vector<16xf32>
      %mul3A_388 = arith.constant 2.000000e-01 : f32
      %mul3A_389 = vector.broadcast %mul3A_388 : f32 to vector<16xf32>
      %mul3A_390 = arith.mulf %mul3A_389, %add3A_387 : vector<16xf32>
      %max3A_391 = arith.maximumf %add3A_387, %mul3A_390 : vector<16xf32>
      %sub3A_392 = arith.subf %max3A_391, %get3A_3 : vector<16xf32>
      %exp3A_393 = math.exp %sub3A_392 : vector<16xf32>
      %swap3A_394 = arith.constant 16 : index
      %swap3A_395 = tpu.vector_load %arg16[%swap3A_394] {strides = array<i32>} : memref<80xf32, #tpu.memory_space<vmem>>, vector<16xf32>,
      tpu.vector_store %arg16[%swap3A_394], %exp3A_393 {strides = array<i32>} : memref<80xf32, #tpu.memory_space<vmem>>, vector<16xf32>,
      %iota3A_396 = tpu.iota {dimensions = array<i32: 0>} : vector<16xi32>
      %add3A_397 = arith.constant 32 : i32
      %add3A_398 = vector.broadcast %add3A_397 : i32 to vector<16xi32>
      %add3A_399 = arith.addi %add3A_398, %iota3A_396 : vector<16xi32>
      %broadcast_in_dim3A_400 = arith.constant 128 : i32
      %broadcast_in_dim3A_401 = vector.broadcast %broadcast_in_dim3A_400 : i32 to vector<16xi32>
      %gather3A_402 = tpu.vector_load_idx %arg17[%add3A_399, %broadcast_in_dim3A_401] : memref<80x144xf32, #tpu.memory_space<vmem>>[vector<16xi32>, vector<16xi32>], vector<16xf32>,
      %get3A_403 = arith.constant 24 : i32
      %get3A_404 = arith.index_cast %get3A_403 : i32 to index
      %get3A_405 = arith.constant 32 : index
      %get3A_406 = tpu.vector_load %arg14[%get3A_404, %get3A_405] {strides = array<i32>} : memref<25x80xi32, #tpu.memory_space<vmem>>, vector<16xi32>,
      %gather3A_407 = tpu.vector_load_idx %arg11[%get3A_406] : memref<10000xf32, #tpu.memory_space<vmem>>[vector<16xi32>], vector<16xf32>,
      %add3A_408 = arith.addf %gather3A_402, %gather3A_407 : vector<16xf32>
      %get3A_409 = arith.constant 24 : i32
      %get3A_410 = arith.index_cast %get3A_409 : i32 to index
      %get3A_411 = arith.constant 32 : index
      %get3A_412 = tpu.vector_load %arg15[%get3A_410, %get3A_411] {strides = array<i32>} : memref<25x80xf32, #tpu.memory_space<vmem>>, vector<16xf32>,
      %add3A_413 = arith.addf %add3A_408, %get3A_412 : vector<16xf32>
      %mul3A_414 = arith.constant 2.000000e-01 : f32
      %mul3A_415 = vector.broadcast %mul3A_414 : f32 to vector<16xf32>
      %mul3A_416 = arith.mulf %mul3A_415, %add3A_413 : vector<16xf32>
      %max3A_417 = arith.maximumf %add3A_413, %mul3A_416 : vector<16xf32>
      %sub3A_418 = arith.subf %max3A_417, %get3A_3 : vector<16xf32>
      %exp3A_419 = math.exp %sub3A_418 : vector<16xf32>
      %swap3A_420 = arith.constant 32 : index
      %swap3A_421 = tpu.vector_load %arg16[%swap3A_420] {strides = array<i32>} : memref<80xf32, #tpu.memory_space<vmem>>, vector<16xf32>,
      tpu.vector_store %arg16[%swap3A_420], %exp3A_419 {strides = array<i32>} : memref<80xf32, #tpu.memory_space<vmem>>, vector<16xf32>,
      %iota3A_422 = tpu.iota {dimensions = array<i32: 0>} : vector<16xi32>
      %add3A_423 = arith.constant 48 : i32
      %add3A_424 = vector.broadcast %add3A_423 : i32 to vector<16xi32>
      %add3A_425 = arith.addi %add3A_424, %iota3A_422 : vector<16xi32>
      %broadcast_in_dim3A_426 = arith.constant 128 : i32
      %broadcast_in_dim3A_427 = vector.broadcast %broadcast_in_dim3A_426 : i32 to vector<16xi32>
      %gather3A_428 = tpu.vector_load_idx %arg17[%add3A_425, %broadcast_in_dim3A_427] : memref<80x144xf32, #tpu.memory_space<vmem>>[vector<16xi32>, vector<16xi32>], vector<16xf32>,
      %get3A_429 = arith.constant 24 : i32
      %get3A_430 = arith.index_cast %get3A_429 : i32 to index
      %get3A_431 = arith.constant 48 : index
      %get3A_432 = tpu.vector_load %arg14[%get3A_430, %get3A_431] {strides = array<i32>} : memref<25x80xi32, #tpu.memory_space<vmem>>, vector<16xi32>,
      %gather3A_433 = tpu.vector_load_idx %arg11[%get3A_432] : memref<10000xf32, #tpu.memory_space<vmem>>[vector<16xi32>], vector<16xf32>,
      %add3A_434 = arith.addf %gather3A_428, %gather3A_433 : vector<16xf32>
      %get3A_435 = arith.constant 24 : i32
      %get3A_436 = arith.index_cast %get3A_435 : i32 to index
      %get3A_437 = arith.constant 48 : index
      %get3A_438 = tpu.vector_load %arg15[%get3A_436, %get3A_437] {strides = array<i32>} : memref<25x80xf32, #tpu.memory_space<vmem>>, vector<16xf32>,
      %add3A_439 = arith.addf %add3A_434, %get3A_438 : vector<16xf32>
      %mul3A_440 = arith.constant 2.000000e-01 : f32
      %mul3A_441 = vector.broadcast %mul3A_440 : f32 to vector<16xf32>
      %mul3A_442 = arith.mulf %mul3A_441, %add3A_439 : vector<16xf32>
      %max3A_443 = arith.maximumf %add3A_439, %mul3A_442 : vector<16xf32>
      %sub3A_444 = arith.subf %max3A_443, %get3A_3 : vector<16xf32>
      %exp3A_445 = math.exp %sub3A_444 : vector<16xf32>
      %swap3A_446 = arith.constant 48 : index
      %swap3A_447 = tpu.vector_load %arg16[%swap3A_446] {strides = array<i32>} : memref<80xf32, #tpu.memory_space<vmem>>, vector<16xf32>,
      tpu.vector_store %arg16[%swap3A_446], %exp3A_445 {strides = array<i32>} : memref<80xf32, #tpu.memory_space<vmem>>, vector<16xf32>,
      %iota3A_448 = tpu.iota {dimensions = array<i32: 0>} : vector<16xi32>
      %add3A_449 = arith.constant 64 : i32
      %add3A_450 = vector.broadcast %add3A_449 : i32 to vector<16xi32>
      %add3A_451 = arith.addi %add3A_450, %iota3A_448 : vector<16xi32>
      %broadcast_in_dim3A_452 = arith.constant 128 : i32
      %broadcast_in_dim3A_453 = vector.broadcast %broadcast_in_dim3A_452 : i32 to vector<16xi32>
      %gather3A_454 = tpu.vector_load_idx %arg17[%add3A_451, %broadcast_in_dim3A_453] : memref<80x144xf32, #tpu.memory_space<vmem>>[vector<16xi32>, vector<16xi32>], vector<16xf32>,
      %get3A_455 = arith.constant 24 : i32
      %get3A_456 = arith.index_cast %get3A_455 : i32 to index
      %get3A_457 = arith.constant 64 : index
      %get3A_458 = tpu.vector_load %arg14[%get3A_456, %get3A_457] {strides = array<i32>} : memref<25x80xi32, #tpu.memory_space<vmem>>, vector<16xi32>,
      %gather3A_459 = tpu.vector_load_idx %arg11[%get3A_458] : memref<10000xf32, #tpu.memory_space<vmem>>[vector<16xi32>], vector<16xf32>,
      %add3A_460 = arith.addf %gather3A_454, %gather3A_459 : vector<16xf32>
      %get3A_461 = arith.constant 24 : i32
      %get3A_462 = arith.index_cast %get3A_461 : i32 to index
      %get3A_463 = arith.constant 64 : index
      %get3A_464 = tpu.vector_load %arg15[%get3A_462, %get3A_463] {strides = array<i32>} : memref<25x80xf32, #tpu.memory_space<vmem>>, vector<16xf32>,
      %add3A_465 = arith.addf %add3A_460, %get3A_464 : vector<16xf32>
      %mul3A_466 = arith.constant 2.000000e-01 : f32
      %mul3A_467 = vector.broadcast %mul3A_466 : f32 to vector<16xf32>
      %mul3A_468 = arith.mulf %mul3A_467, %add3A_465 : vector<16xf32>
      %max3A_469 = arith.maximumf %add3A_465, %mul3A_468 : vector<16xf32>
      %sub3A_470 = arith.subf %max3A_469, %get3A_3 : vector<16xf32>
      %exp3A_471 = math.exp %sub3A_470 : vector<16xf32>
      %swap3A_472 = arith.constant 64 : index
      %swap3A_473 = tpu.vector_load %arg16[%swap3A_472] {strides = array<i32>} : memref<80xf32, #tpu.memory_space<vmem>>, vector<16xf32>,
      tpu.vector_store %arg16[%swap3A_472], %exp3A_471 {strides = array<i32>} : memref<80xf32, #tpu.memory_space<vmem>>, vector<16xf32>,
      %parallel_loop3A_474 = arith.constant 0 : i32
      %parallel_loop3A_475 = arith.constant 80 : i32
      %parallel_loop3A_476 = arith.constant 1 : i32
      scf.for %parallel_loop3A_499 = %parallel_loop3A_474 to %parallel_loop3A_475 step %parallel_loop3A_476  : i32 {
        %parallel_loop3A_500 = arith.constant 0 : i32
        %parallel_loop3A_501 = vector.broadcast %parallel_loop3A_500 : i32 to vector<16xi32>
        %parallel_loop3A_502 = vector.broadcast %parallel_loop3A_499 : i32 to vector<16xi32>
        %parallel_loop3A_503 = arith.addi %parallel_loop3A_501, %parallel_loop3A_502 : vector<16xi32>
        %parallel_loop3A_504 = tpu.vector_load_idx %arg16[%parallel_loop3A_503] : memref<80xf32, #tpu.memory_space<vmem>>[vector<16xi32>], vector<16xf32>,
        %parallel_loop3A_505 = arith.index_cast %parallel_loop3A_499 : i32 to index
        %parallel_loop3A_506 = arith.constant 0 : index
        %parallel_loop3A_507 = tpu.vector_load %arg17[%parallel_loop3A_505, %parallel_loop3A_506] {strides = array<i32>} : memref<80x144xf32, #tpu.memory_space<vmem>>, vector<16xf32>,
        %parallel_loop3A_508 = arith.mulf %parallel_loop3A_507, %parallel_loop3A_504 : vector<16xf32>
        %parallel_loop3A_509 = arith.index_cast %parallel_loop3A_499 : i32 to index
        %parallel_loop3A_510 = arith.constant 0 : index
        %parallel_loop3A_511 = tpu.vector_load %arg17[%parallel_loop3A_509, %parallel_loop3A_510] {strides = array<i32>} : memref<80x144xf32, #tpu.memory_space<vmem>>, vector<16xf32>,
        tpu.vector_store %arg17[%parallel_loop3A_509, %parallel_loop3A_510], %parallel_loop3A_508 {strides = array<i32>} : memref<80x144xf32, #tpu.memory_space<vmem>>, vector<16xf32>,
        %parallel_loop3A_512 = arith.index_cast %parallel_loop3A_499 : i32 to index
        %parallel_loop3A_513 = arith.constant 16 : index
        %parallel_loop3A_514 = tpu.vector_load %arg17[%parallel_loop3A_512, %parallel_loop3A_513] {strides = array<i32>} : memref<80x144xf32, #tpu.memory_space<vmem>>, vector<16xf32>,
        %parallel_loop3A_515 = arith.mulf %parallel_loop3A_514, %parallel_loop3A_504 : vector<16xf32>
        %parallel_loop3A_516 = arith.index_cast %parallel_loop3A_499 : i32 to index
        %parallel_loop3A_517 = arith.constant 16 : index
        %parallel_loop3A_518 = tpu.vector_load %arg17[%parallel_loop3A_516, %parallel_loop3A_517] {strides = array<i32>} : memref<80x144xf32, #tpu.memory_space<vmem>>, vector<16xf32>,
        tpu.vector_store %arg17[%parallel_loop3A_516, %parallel_loop3A_517], %parallel_loop3A_515 {strides = array<i32>} : memref<80x144xf32, #tpu.memory_space<vmem>>, vector<16xf32>,
        %parallel_loop3A_519 = arith.index_cast %parallel_loop3A_499 : i32 to index
        %parallel_loop3A_520 = arith.constant 32 : index
        %parallel_loop3A_521 = tpu.vector_load %arg17[%parallel_loop3A_519, %parallel_loop3A_520] {strides = array<i32>} : memref<80x144xf32, #tpu.memory_space<vmem>>, vector<16xf32>,
        %parallel_loop3A_522 = arith.mulf %parallel_loop3A_521, %parallel_loop3A_504 : vector<16xf32>
        %parallel_loop3A_523 = arith.index_cast %parallel_loop3A_499 : i32 to index
        %parallel_loop3A_524 = arith.constant 32 : index
        %parallel_loop3A_525 = tpu.vector_load %arg17[%parallel_loop3A_523, %parallel_loop3A_524] {strides = array<i32>} : memref<80x144xf32, #tpu.memory_space<vmem>>, vector<16xf32>,
        tpu.vector_store %arg17[%parallel_loop3A_523, %parallel_loop3A_524], %parallel_loop3A_522 {strides = array<i32>} : memref<80x144xf32, #tpu.memory_space<vmem>>, vector<16xf32>,
        %parallel_loop3A_526 = arith.index_cast %parallel_loop3A_499 : i32 to index
        %parallel_loop3A_527 = arith.constant 48 : index
        %parallel_loop3A_528 = tpu.vector_load %arg17[%parallel_loop3A_526, %parallel_loop3A_527] {strides = array<i32>} : memref<80x144xf32, #tpu.memory_space<vmem>>, vector<16xf32>,
        %parallel_loop3A_529 = arith.mulf %parallel_loop3A_528, %parallel_loop3A_504 : vector<16xf32>
        %parallel_loop3A_530 = arith.index_cast %parallel_loop3A_499 : i32 to index
        %parallel_loop3A_531 = arith.constant 48 : index
        %parallel_loop3A_532 = tpu.vector_load %arg17[%parallel_loop3A_530, %parallel_loop3A_531] {strides = array<i32>} : memref<80x144xf32, #tpu.memory_space<vmem>>, vector<16xf32>,
        tpu.vector_store %arg17[%parallel_loop3A_530, %parallel_loop3A_531], %parallel_loop3A_529 {strides = array<i32>} : memref<80x144xf32, #tpu.memory_space<vmem>>, vector<16xf32>,
        %parallel_loop3A_533 = arith.index_cast %parallel_loop3A_499 : i32 to index
        %parallel_loop3A_534 = arith.constant 64 : index
        %parallel_loop3A_535 = tpu.vector_load %arg17[%parallel_loop3A_533, %parallel_loop3A_534] {strides = array<i32>} : memref<80x144xf32, #tpu.memory_space<vmem>>, vector<16xf32>,
        %parallel_loop3A_536 = arith.mulf %parallel_loop3A_535, %parallel_loop3A_504 : vector<16xf32>
        %parallel_loop3A_537 = arith.index_cast %parallel_loop3A_499 : i32 to index
        %parallel_loop3A_538 = arith.constant 64 : index
        %parallel_loop3A_539 = tpu.vector_load %arg17[%parallel_loop3A_537, %parallel_loop3A_538] {strides = array<i32>} : memref<80x144xf32, #tpu.memory_space<vmem>>, vector<16xf32>,
        tpu.vector_store %arg17[%parallel_loop3A_537, %parallel_loop3A_538], %parallel_loop3A_536 {strides = array<i32>} : memref<80x144xf32, #tpu.memory_space<vmem>>, vector<16xf32>,
        %parallel_loop3A_540 = arith.index_cast %parallel_loop3A_499 : i32 to index
        %parallel_loop3A_541 = arith.constant 80 : index
        %parallel_loop3A_542 = tpu.vector_load %arg17[%parallel_loop3A_540, %parallel_loop3A_541] {strides = array<i32>} : memref<80x144xf32, #tpu.memory_space<vmem>>, vector<16xf32>,
        %parallel_loop3A_543 = arith.mulf %parallel_loop3A_542, %parallel_loop3A_504 : vector<16xf32>
        %parallel_loop3A_544 = arith.index_cast %parallel_loop3A_499 : i32 to index
        %parallel_loop3A_545 = arith.constant 80 : index
        %parallel_loop3A_546 = tpu.vector_load %arg17[%parallel_loop3A_544, %parallel_loop3A_545] {strides = array<i32>} : memref<80x144xf32, #tpu.memory_space<vmem>>, vector<16xf32>,
        tpu.vector_store %arg17[%parallel_loop3A_544, %parallel_loop3A_545], %parallel_loop3A_543 {strides = array<i32>} : memref<80x144xf32, #tpu.memory_space<vmem>>, vector<16xf32>,
        %parallel_loop3A_547 = arith.index_cast %parallel_loop3A_499 : i32 to index
        %parallel_loop3A_548 = arith.constant 96 : index
        %parallel_loop3A_549 = tpu.vector_load %arg17[%parallel_loop3A_547, %parallel_loop3A_548] {strides = array<i32>} : memref<80x144xf32, #tpu.memory_space<vmem>>, vector<16xf32>,
        %parallel_loop3A_550 = arith.mulf %parallel_loop3A_549, %parallel_loop3A_504 : vector<16xf32>
        %parallel_loop3A_551 = arith.index_cast %parallel_loop3A_499 : i32 to index
        %parallel_loop3A_552 = arith.constant 96 : index
        %parallel_loop3A_553 = tpu.vector_load %arg17[%parallel_loop3A_551, %parallel_loop3A_552] {strides = array<i32>} : memref<80x144xf32, #tpu.memory_space<vmem>>, vector<16xf32>,
        tpu.vector_store %arg17[%parallel_loop3A_551, %parallel_loop3A_552], %parallel_loop3A_550 {strides = array<i32>} : memref<80x144xf32, #tpu.memory_space<vmem>>, vector<16xf32>,
        %parallel_loop3A_554 = arith.index_cast %parallel_loop3A_499 : i32 to index
        %parallel_loop3A_555 = arith.constant 112 : index
        %parallel_loop3A_556 = tpu.vector_load %arg17[%parallel_loop3A_554, %parallel_loop3A_555] {strides = array<i32>} : memref<80x144xf32, #tpu.memory_space<vmem>>, vector<16xf32>,
        %parallel_loop3A_557 = arith.mulf %parallel_loop3A_556, %parallel_loop3A_504 : vector<16xf32>
        %parallel_loop3A_558 = arith.index_cast %parallel_loop3A_499 : i32 to index
        %parallel_loop3A_559 = arith.constant 112 : index
        %parallel_loop3A_560 = tpu.vector_load %arg17[%parallel_loop3A_558, %parallel_loop3A_559] {strides = array<i32>} : memref<80x144xf32, #tpu.memory_space<vmem>>, vector<16xf32>,
        tpu.vector_store %arg17[%parallel_loop3A_558, %parallel_loop3A_559], %parallel_loop3A_557 {strides = array<i32>} : memref<80x144xf32, #tpu.memory_space<vmem>>, vector<16xf32>,
        %parallel_loop3A_561 = arith.index_cast %parallel_loop3A_499 : i32 to index
        %parallel_loop3A_562 = arith.constant 128 : index
        %parallel_loop3A_563 = tpu.vector_load %arg17[%parallel_loop3A_561, %parallel_loop3A_562] {strides = array<i32>} : memref<80x144xf32, #tpu.memory_space<vmem>>, vector<16xf32>,
        %parallel_loop3A_564 = arith.mulf %parallel_loop3A_563, %parallel_loop3A_504 : vector<16xf32>
        %parallel_loop3A_565 = arith.index_cast %parallel_loop3A_499 : i32 to index
        %parallel_loop3A_566 = arith.constant 128 : index
        %parallel_loop3A_567 = tpu.vector_load %arg17[%parallel_loop3A_565, %parallel_loop3A_566] {strides = array<i32>} : memref<80x144xf32, #tpu.memory_space<vmem>>, vector<16xf32>,
        tpu.vector_store %arg17[%parallel_loop3A_565, %parallel_loop3A_566], %parallel_loop3A_564 {strides = array<i32>} : memref<80x144xf32, #tpu.memory_space<vmem>>, vector<16xf32>,
      } {sc.loop_unroll_factor = 2 : i64, sc.parallel_access}
      %dma_start3A_477 = arith.constant 24 : i32
      %dma_start3A_478 = arith.constant 0 : i32
      %dma_start3A_479 = tpu.memref_slice %arg14[%dma_start3A_477, %dma_start3A_478] : memref<25x80xi32, #tpu.memory_space<vmem>> -> memref<1x80xi32, #tpu.memory_space<vmem>>
      %dma_start3A_480 = tpu.memref_squeeze %dma_start3A_479 : memref<1x80xi32, #tpu.memory_space<vmem>> -> memref<80xi32, #tpu.memory_space<vmem>>
      %dma_start3A_481 = arith.constant 0 : i32
      %dma_start3A_482 = arith.constant 0 : i32
      %dma_start3A_483 = tpu.memref_slice %arg10[%dma_start3A_481, %dma_start3A_482] : memref<10000x144xf32, #tpu.memory_space<vmem_shared>> -> memref<10000x144xf32, #tpu.memory_space<vmem_shared>>
      tpu.enqueue_indirect_dma source(%arg17 : memref<80x144xf32, #tpu.memory_space<vmem>>) target(%dma_start3A_483 : memref<10000x144xf32, #tpu.memory_space<vmem_shared>>) offsets(%dma_start3A_480 : memref<80xi32, #tpu.memory_space<vmem>>) semaphore(%arg21 : memref<!tpu.dma_semaphore, #tpu.memory_space<semaphore_mem>>) {add = true}
      %dma_wait3A_484 = arith.constant 23 : i32
      %dma_wait3A_485 = arith.constant 0 : i32
      %dma_wait3A_486 = tpu.memref_slice %arg14[%dma_wait3A_484, %dma_wait3A_485] : memref<25x80xi32, #tpu.memory_space<vmem>> -> memref<1x80xi32, #tpu.memory_space<vmem>>
      %dma_wait3A_487 = tpu.memref_squeeze %dma_wait3A_486 : memref<1x80xi32, #tpu.memory_space<vmem>> -> memref<80xi32, #tpu.memory_space<vmem>>
      %dma_wait3A_488 = arith.constant 0 : i32
      %dma_wait3A_489 = arith.constant 0 : i32
      %dma_wait3A_490 = tpu.memref_slice %arg10[%dma_wait3A_488, %dma_wait3A_489] : memref<10000x144xf32, #tpu.memory_space<vmem_shared>> -> memref<10000x144xf32, #tpu.memory_space<vmem_shared>>
      tpu.wait_indirect_dma semaphore(%arg22 : memref<!tpu.dma_semaphore, #tpu.memory_space<semaphore_mem>>) src(%arg18 : memref<80x144xf32, #tpu.memory_space<vmem>>) dst(%dma_wait3A_490 : memref<10000x144xf32, #tpu.memory_space<vmem_shared>>)
      %dma_wait3A_491 = arith.constant 24 : i32
      %dma_wait3A_492 = arith.constant 0 : i32
      %dma_wait3A_493 = tpu.memref_slice %arg14[%dma_wait3A_491, %dma_wait3A_492] : memref<25x80xi32, #tpu.memory_space<vmem>> -> memref<1x80xi32, #tpu.memory_space<vmem>>
      %dma_wait3A_494 = tpu.memref_squeeze %dma_wait3A_493 : memref<1x80xi32, #tpu.memory_space<vmem>> -> memref<80xi32, #tpu.memory_space<vmem>>
      %dma_wait3A_495 = arith.constant 0 : i32
      %dma_wait3A_496 = arith.constant 0 : i32
      %dma_wait3A_497 = tpu.memref_slice %arg10[%dma_wait3A_495, %dma_wait3A_496] : memref<10000x144xf32, #tpu.memory_space<vmem_shared>> -> memref<10000x144xf32, #tpu.memory_space<vmem_shared>>
      tpu.wait_indirect_dma semaphore(%arg21 : memref<!tpu.dma_semaphore, #tpu.memory_space<semaphore_mem>>) src(%arg17 : memref<80x144xf32, #tpu.memory_space<vmem>>) dst(%dma_wait3A_497 : memref<10000x144xf32, #tpu.memory_space<vmem_shared>>)
      %scan3A_498 = arith.constant 0 : i32
      scf.yield %scan3A_498 : i32
    }
    %scan3A_11 = arith.constant 5 : i32
    %barrier3A_12 = arith.constant 0 : index
    tpu.barrier barrier_id(%barrier3A_12)
    "tpu.region"() ({
      %run_scoped3A = tpu.sem_alloc : memref<!tpu.dma_semaphore, #tpu.memory_space<semaphore_mem>>
      %dma_start3A = arith.constant 0 : i32
      %dma_start3A_13 = tpu.memref_slice %arg9[%arg0, %mul3A_2, %dma_start3A] : memref<2x10000x144xf32, #tpu.memory_space<hbm>> -> memref<1x625x144xf32, #tpu.memory_space<hbm>>
      %dma_start3A_14 = tpu.memref_squeeze %dma_start3A_13 : memref<1x625x144xf32, #tpu.memory_space<hbm>> -> memref<625x144xf32, #tpu.memory_space<hbm>>
      %dma_start3A_15 = arith.constant 0 : i32
      %dma_start3A_16 = tpu.memref_slice %arg10[%mul3A_2, %dma_start3A_15] : memref<10000x144xf32, #tpu.memory_space<vmem_shared>> -> memref<625x144xf32, #tpu.memory_space<vmem_shared>>
      tpu.enqueue_dma source(%dma_start3A_16 : memref<625x144xf32, #tpu.memory_space<vmem_shared>>) target(%dma_start3A_14 : memref<625x144xf32, #tpu.memory_space<hbm>>) target_semaphore(%run_scoped3A : memref<!tpu.dma_semaphore, #tpu.memory_space<semaphore_mem>>)
      %dma_wait3A = arith.constant 0 : i32
      %dma_wait3A_17 = tpu.memref_slice %arg9[%arg0, %mul3A_2, %dma_wait3A] : memref<2x10000x144xf32, #tpu.memory_space<hbm>> -> memref<1x625x144xf32, #tpu.memory_space<hbm>>
      %dma_wait3A_18 = tpu.memref_squeeze %dma_wait3A_17 : memref<1x625x144xf32, #tpu.memory_space<hbm>> -> memref<625x144xf32, #tpu.memory_space<hbm>>
      %dma_wait3A_19 = arith.constant 0 : i32
      %dma_wait3A_20 = tpu.memref_slice %arg10[%mul3A_2, %dma_wait3A_19] : memref<10000x144xf32, #tpu.memory_space<vmem_shared>> -> memref<625x144xf32, #tpu.memory_space<vmem_shared>>
      tpu.wait_dma2 semaphore(%run_scoped3A : memref<!tpu.dma_semaphore, #tpu.memory_space<semaphore_mem>>) src(%dma_wait3A_20 : memref<625x144xf32, #tpu.memory_space<vmem_shared>>) dst(%dma_wait3A_18 : memref<625x144xf32, #tpu.memory_space<hbm>>)
      tpu.yield
    }) : () -> ()
    return
  }
}

#map = affine_map<(d0, d1) -> (0, 0)>
#map1 = affine_map<(d0, d1) -> (0)>
#map2 = affine_map<(d0, d1) -> (0, 0, 0)>
module attributes {stable_mosaic.version = 14 : i64} {
  func.func @_edge_body(%arg0: i32, %arg1: i32, %arg2: memref<10000x144xf32, #tpu.memory_space<hbm>>, %arg3: memref<10000xf32, #tpu.memory_space<hbm>>, %arg4: memref<4000x80xi32, #tpu.memory_space<hbm>>, %arg5: memref<4000x80xi32, #tpu.memory_space<hbm>>, %arg6: memref<4000x80xf32, #tpu.memory_space<hbm>>, %arg7: memref<16xf32, #tpu.memory_space<hbm>>, %arg8: memref<10000x144xf32, #tpu.memory_space<hbm>>, %arg9: memref<2x10000x144xf32, #tpu.memory_space<hbm>>, %arg10: memref<10000x144xf32, #tpu.memory_space<vmem_shared>>, %arg11: memref<10000xf32, #tpu.memory_space<vmem>>, %arg12: memref<16xf32, #tpu.memory_space<vmem>>, %arg13: memref<25x80xi32, #tpu.memory_space<vmem>>, %arg14: memref<25x80xi32, #tpu.memory_space<vmem>>, %arg15: memref<25x80xf32, #tpu.memory_space<vmem>>, %arg16: memref<80xf32, #tpu.memory_space<vmem>>, %arg17: memref<80x144xf32, #tpu.memory_space<vmem>>, %arg18: memref<80x144xf32, #tpu.memory_space<vmem>>, %arg19: memref<!tpu.dma_semaphore, #tpu.memory_space<semaphore_mem>>, %arg20: memref<!tpu.dma_semaphore, #tpu.memory_space<semaphore_mem>>, %arg21: memref<!tpu.dma_semaphore, #tpu.memory_space<semaphore_mem>>, %arg22: memref<!tpu.dma_semaphore, #tpu.memory_space<semaphore_mem>>) attributes {dimension_semantics = [#tpu.dimension_semantics<core_parallel>, #tpu.dimension_semantics<subcore_parallel>], iteration_bounds = array<i64: 2, 16>, scalar_prefetch = 0 : i64, scratch_operands = 13 : i64, tpu.core_type = #tpu.core_type<sc_vector_subcore>, window_params = [{transform_indices = #map}, {transform_indices = #map1}, {transform_indices = #map}, {transform_indices = #map}, {transform_indices = #map}, {transform_indices = #map1}, {transform_indices = #map}, {transform_indices = #map2}]} {
    %mul3A = arith.constant 2 : i32
    %mul3A_0 = arith.muli %arg1, %mul3A : i32
    %add3A = arith.addi %mul3A_0, %arg0 : i32
    "tpu.region"() ({
      %run_scoped3A = tpu.sem_alloc : memref<!tpu.dma_semaphore, #tpu.memory_space<semaphore_mem>>
      tpu.enqueue_dma source(%arg3 : memref<10000xf32, #tpu.memory_space<hbm>>) target(%arg11 : memref<10000xf32, #tpu.memory_space<vmem>>) target_semaphore(%run_scoped3A : memref<!tpu.dma_semaphore, #tpu.memory_space<semaphore_mem>>)
      tpu.wait_dma2 semaphore(%run_scoped3A : memref<!tpu.dma_semaphore, #tpu.memory_space<semaphore_mem>>) src(%arg3 : memref<10000xf32, #tpu.memory_space<hbm>>) dst(%arg11 : memref<10000xf32, #tpu.memory_space<vmem>>)
      tpu.yield
    }) : () -> ()
    "tpu.region"() ({
      %run_scoped3A = tpu.sem_alloc : memref<!tpu.dma_semaphore, #tpu.memory_space<semaphore_mem>>
      tpu.enqueue_dma source(%arg7 : memref<16xf32, #tpu.memory_space<hbm>>) target(%arg12 : memref<16xf32, #tpu.memory_space<vmem>>) target_semaphore(%run_scoped3A : memref<!tpu.dma_semaphore, #tpu.memory_space<semaphore_mem>>)
      tpu.wait_dma2 semaphore(%run_scoped3A : memref<!tpu.dma_semaphore, #tpu.memory_space<semaphore_mem>>) src(%arg7 : memref<16xf32, #tpu.memory_space<hbm>>) dst(%arg12 : memref<16xf32, #tpu.memory_space<vmem>>)
      tpu.yield
    }) : () -> ()
    %mul3A_1 = arith.constant 625 : i32
    %mul3A_2 = arith.muli %arg1, %mul3A_1 : i32
    "tpu.region"() ({
      %run_scoped3A = tpu.sem_alloc : memref<!tpu.dma_semaphore, #tpu.memory_space<semaphore_mem>>
      %dma_start3A = arith.constant 0 : i32
      %dma_start3A_13 = tpu.memref_slice %arg10[%mul3A_2, %dma_start3A] : memref<10000x144xf32, #tpu.memory_space<vmem_shared>> -> memref<625x144xf32, #tpu.memory_space<vmem_shared>>
      %dma_start3A_14 = arith.constant 0 : i32
      %dma_start3A_15 = tpu.memref_slice %arg8[%mul3A_2, %dma_start3A_14] : memref<10000x144xf32, #tpu.memory_space<hbm>> -> memref<625x144xf32, #tpu.memory_space<hbm>>
      tpu.enqueue_dma source(%dma_start3A_15 : memref<625x144xf32, #tpu.memory_space<hbm>>) target(%dma_start3A_13 : memref<625x144xf32, #tpu.memory_space<vmem_shared>>) target_semaphore(%run_scoped3A : memref<!tpu.dma_semaphore, #tpu.memory_space<semaphore_mem>>)
      %dma_wait3A = arith.constant 0 : i32
      %dma_wait3A_16 = tpu.memref_slice %arg10[%mul3A_2, %dma_wait3A] : memref<10000x144xf32, #tpu.memory_space<vmem_shared>> -> memref<625x144xf32, #tpu.memory_space<vmem_shared>>
      %dma_wait3A_17 = arith.constant 0 : i32
      %dma_wait3A_18 = tpu.memref_slice %arg8[%mul3A_2, %dma_wait3A_17] : memref<10000x144xf32, #tpu.memory_space<hbm>> -> memref<625x144xf32, #tpu.memory_space<hbm>>
      tpu.wait_dma2 semaphore(%run_scoped3A : memref<!tpu.dma_semaphore, #tpu.memory_space<semaphore_mem>>) src(%dma_wait3A_18 : memref<625x144xf32, #tpu.memory_space<hbm>>) dst(%dma_wait3A_16 : memref<625x144xf32, #tpu.memory_space<vmem_shared>>)
      tpu.yield
    }) : () -> ()
    %barrier3A = arith.constant 0 : index
    tpu.barrier barrier_id(%barrier3A)
    %get3A = arith.constant 0 : index
    %get3A_3 = tpu.vector_load %arg12[%get3A] {strides = array<i32>} : memref<16xf32, #tpu.memory_space<vmem>>, vector<16xf32>,
    %mul3A_4 = arith.constant 125 : i32
    %mul3A_5 = arith.muli %add3A, %mul3A_4 : i32
    %scan3A = arith.constant 0 : i32
    %scan3A_6 = arith.constant 0 : i32
    %scan3A_7 = arith.constant 5 : i32
    %scan3A_8 = arith.addi %scan3A_6, %scan3A_7 : i32
    %scan3A_9 = arith.constant 1 : i32
    %scan3A_10 = scf.for %scan3A_13 = %scan3A_6 to %scan3A_8 step %scan3A_9 iter_args(%scan3A_14 = %scan3A) -> (i32)  : i32 {
      %mul3A_15 = arith.constant 25 : i32
      %mul3A_16 = arith.muli %scan3A_13, %mul3A_15 : i32
      %add3A_17 = arith.addi %mul3A_5, %mul3A_16 : i32
      "tpu.region"() ({
        %run_scoped3A = tpu.sem_alloc : memref<!tpu.dma_semaphore, #tpu.memory_space<semaphore_mem>>
        %dma_start3A_499 = arith.constant 0 : i32
        %dma_start3A_500 = tpu.memref_slice %arg4[%add3A_17, %dma_start3A_499] : memref<4000x80xi32, #tpu.memory_space<hbm>> -> memref<25x80xi32, #tpu.memory_space<hbm>>
        %dma_start3A_501 = arith.constant 0 : i32
        %dma_start3A_502 = tpu.memref_slice %arg4[%add3A_17, %dma_start3A_501] : memref<4000x80xi32, #tpu.memory_space<hbm>> -> memref<25x80xi32, #tpu.memory_space<hbm>>
        tpu.enqueue_dma source(%dma_start3A_502 : memref<25x80xi32, #tpu.memory_space<hbm>>) target(%arg13 : memref<25x80xi32, #tpu.memory_space<vmem>>) target_semaphore(%run_scoped3A : memref<!tpu.dma_semaphore, #tpu.memory_space<semaphore_mem>>)
        %dma_wait3A_503 = arith.constant 0 : i32
        %dma_wait3A_504 = tpu.memref_slice %arg4[%add3A_17, %dma_wait3A_503] : memref<4000x80xi32, #tpu.memory_space<hbm>> -> memref<25x80xi32, #tpu.memory_space<hbm>>
        %dma_wait3A_505 = arith.constant 0 : i32
        %dma_wait3A_506 = tpu.memref_slice %arg4[%add3A_17, %dma_wait3A_505] : memref<4000x80xi32, #tpu.memory_space<hbm>> -> memref<25x80xi32, #tpu.memory_space<hbm>>
        tpu.wait_dma2 semaphore(%run_scoped3A : memref<!tpu.dma_semaphore, #tpu.memory_space<semaphore_mem>>) src(%dma_wait3A_506 : memref<25x80xi32, #tpu.memory_space<hbm>>) dst(%arg13 : memref<25x80xi32, #tpu.memory_space<vmem>>)
        tpu.yield
      }) : () -> ()
      "tpu.region"() ({
        %run_scoped3A = tpu.sem_alloc : memref<!tpu.dma_semaphore, #tpu.memory_space<semaphore_mem>>
        %dma_start3A_499 = arith.constant 0 : i32
        %dma_start3A_500 = tpu.memref_slice %arg5[%add3A_17, %dma_start3A_499] : memref<4000x80xi32, #tpu.memory_space<hbm>> -> memref<25x80xi32, #tpu.memory_space<hbm>>
        %dma_start3A_501 = arith.constant 0 : i32
        %dma_start3A_502 = tpu.memref_slice %arg5[%add3A_17, %dma_start3A_501] : memref<4000x80xi32, #tpu.memory_space<hbm>> -> memref<25x80xi32, #tpu.memory_space<hbm>>
        tpu.enqueue_dma source(%dma_start3A_502 : memref<25x80xi32, #tpu.memory_space<hbm>>) target(%arg14 : memref<25x80xi32, #tpu.memory_space<vmem>>) target_semaphore(%run_scoped3A : memref<!tpu.dma_semaphore, #tpu.memory_space<semaphore_mem>>)
        %dma_wait3A_503 = arith.constant 0 : i32
        %dma_wait3A_504 = tpu.memref_slice %arg5[%add3A_17, %dma_wait3A_503] : memref<4000x80xi32, #tpu.memory_space<hbm>> -> memref<25x80xi32, #tpu.memory_space<hbm>>
        %dma_wait3A_505 = arith.constant 0 : i32
        %dma_wait3A_506 = tpu.memref_slice %arg5[%add3A_17, %dma_wait3A_505] : memref<4000x80xi32, #tpu.memory_space<hbm>> -> memref<25x80xi32, #tpu.memory_space<hbm>>
        tpu.wait_dma2 semaphore(%run_scoped3A : memref<!tpu.dma_semaphore, #tpu.memory_space<semaphore_mem>>) src(%dma_wait3A_506 : memref<25x80xi32, #tpu.memory_space<hbm>>) dst(%arg14 : memref<25x80xi32, #tpu.memory_space<vmem>>)
        tpu.yield
      }) : () -> ()
      "tpu.region"() ({
        %run_scoped3A = tpu.sem_alloc : memref<!tpu.dma_semaphore, #tpu.memory_space<semaphore_mem>>
        %dma_start3A_499 = arith.constant 0 : i32
        %dma_start3A_500 = tpu.memref_slice %arg6[%add3A_17, %dma_start3A_499] : memref<4000x80xf32, #tpu.memory_space<hbm>> -> memref<25x80xf32, #tpu.memory_space<hbm>>
        %dma_start3A_501 = arith.constant 0 : i32
        %dma_start3A_502 = tpu.memref_slice %arg6[%add3A_17, %dma_start3A_501] : memref<4000x80xf32, #tpu.memory_space<hbm>> -> memref<25x80xf32, #tpu.memory_space<hbm>>
        tpu.enqueue_dma source(%dma_start3A_502 : memref<25x80xf32, #tpu.memory_space<hbm>>) target(%arg15 : memref<25x80xf32, #tpu.memory_space<vmem>>) target_semaphore(%run_scoped3A : memref<!tpu.dma_semaphore, #tpu.memory_space<semaphore_mem>>)
        %dma_wait3A_503 = arith.constant 0 : i32
        %dma_wait3A_504 = tpu.memref_slice %arg6[%add3A_17, %dma_wait3A_503] : memref<4000x80xf32, #tpu.memory_space<hbm>> -> memref<25x80xf32, #tpu.memory_space<hbm>>
        %dma_wait3A_505 = arith.constant 0 : i32
        %dma_wait3A_506 = tpu.memref_slice %arg6[%add3A_17, %dma_wait3A_505] : memref<4000x80xf32, #tpu.memory_space<hbm>> -> memref<25x80xf32, #tpu.memory_space<hbm>>
        tpu.wait_dma2 semaphore(%run_scoped3A : memref<!tpu.dma_semaphore, #tpu.memory_space<semaphore_mem>>) src(%dma_wait3A_506 : memref<25x80xf32, #tpu.memory_space<hbm>>) dst(%arg15 : memref<25x80xf32, #tpu.memory_space<vmem>>)
        tpu.yield
      }) : () -> ()
      %dma_start3A = arith.constant 0 : i32
      %dma_start3A_18 = arith.constant 0 : i32
      %dma_start3A_19 = tpu.memref_slice %arg13[%dma_start3A, %dma_start3A_18] : memref<25x80xi32, #tpu.memory_space<vmem>> -> memref<1x80xi32, #tpu.memory_space<vmem>>
      %dma_start3A_20 = tpu.memref_squeeze %dma_start3A_19 : memref<1x80xi32, #tpu.memory_space<vmem>> -> memref<80xi32, #tpu.memory_space<vmem>>
      %dma_start3A_21 = arith.constant 0 : i32
      %dma_start3A_22 = arith.constant 0 : i32
      %dma_start3A_23 = tpu.memref_slice %arg2[%dma_start3A_21, %dma_start3A_22] : memref<10000x144xf32, #tpu.memory_space<hbm>> -> memref<10000x144xf32, #tpu.memory_space<hbm>>
      tpu.enqueue_indirect_dma source(%dma_start3A_23 : memref<10000x144xf32, #tpu.memory_space<hbm>>) target(%arg17 : memref<80x144xf32, #tpu.memory_space<vmem>>) offsets(%dma_start3A_20 : memref<80xi32, #tpu.memory_space<vmem>>) semaphore(%arg19 : memref<!tpu.dma_semaphore, #tpu.memory_space<semaphore_mem>>)
      %dma_wait3A = arith.constant 0 : i32
      %dma_wait3A_24 = arith.constant 0 : i32
      %dma_wait3A_25 = tpu.memref_slice %arg13[%dma_wait3A, %dma_wait3A_24] : memref<25x80xi32, #tpu.memory_space<vmem>> -> memref<1x80xi32, #tpu.memory_space<vmem>>
      %dma_wait3A_26 = tpu.memref_squeeze %dma_wait3A_25 : memref<1x80xi32, #tpu.memory_space<vmem>> -> memref<80xi32, #tpu.memory_space<vmem>>
      %dma_wait3A_27 = arith.constant 0 : i32
      %dma_wait3A_28 = arith.constant 0 : i32
      %dma_wait3A_29 = tpu.memref_slice %arg2[%dma_wait3A_27, %dma_wait3A_28] : memref<10000x144xf32, #tpu.memory_space<hbm>> -> memref<10000x144xf32, #tpu.memory_space<hbm>>
      tpu.wait_indirect_dma semaphore(%arg19 : memref<!tpu.dma_semaphore, #tpu.memory_space<semaphore_mem>>) src(%dma_wait3A_29 : memref<10000x144xf32, #tpu.memory_space<hbm>>) dst(%arg17 : memref<80x144xf32, #tpu.memory_space<vmem>>)
      %dma_start3A_30 = arith.constant 1 : i32
      %dma_start3A_31 = arith.constant 0 : i32
      %dma_start3A_32 = tpu.memref_slice %arg13[%dma_start3A_30, %dma_start3A_31] : memref<25x80xi32, #tpu.memory_space<vmem>> -> memref<1x80xi32, #tpu.memory_space<vmem>>
      %dma_start3A_33 = tpu.memref_squeeze %dma_start3A_32 : memref<1x80xi32, #tpu.memory_space<vmem>> -> memref<80xi32, #tpu.memory_space<vmem>>
      %dma_start3A_34 = arith.constant 0 : i32
      %dma_start3A_35 = arith.constant 0 : i32
      %dma_start3A_36 = tpu.memref_slice %arg2[%dma_start3A_34, %dma_start3A_35] : memref<10000x144xf32, #tpu.memory_space<hbm>> -> memref<10000x144xf32, #tpu.memory_space<hbm>>
      tpu.enqueue_indirect_dma source(%dma_start3A_36 : memref<10000x144xf32, #tpu.memory_space<hbm>>) target(%arg18 : memref<80x144xf32, #tpu.memory_space<vmem>>) offsets(%dma_start3A_33 : memref<80xi32, #tpu.memory_space<vmem>>) semaphore(%arg20 : memref<!tpu.dma_semaphore, #tpu.memory_space<semaphore_mem>>)
      %iota3A = tpu.iota {dimensions = array<i32: 0>} : vector<16xi32>
      %add3A_37 = arith.constant 0 : i32
      %add3A_38 = vector.broadcast %add3A_37 : i32 to vector<16xi32>
      %add3A_39 = arith.addi %add3A_38, %iota3A : vector<16xi32>
      %broadcast_in_dim3A = arith.constant 128 : i32
      %broadcast_in_dim3A_40 = vector.broadcast %broadcast_in_dim3A : i32 to vector<16xi32>
      %gather3A = tpu.vector_load_idx %arg17[%add3A_39, %broadcast_in_dim3A_40] : memref<80x144xf32, #tpu.memory_space<vmem>>[vector<16xi32>, vector<16xi32>], vector<16xf32>,
      %get3A_41 = arith.constant 0 : i32
      %get3A_42 = arith.index_cast %get3A_41 : i32 to index
      %get3A_43 = arith.constant 0 : index
      %get3A_44 = tpu.vector_load %arg14[%get3A_42, %get3A_43] {strides = array<i32>} : memref<25x80xi32, #tpu.memory_space<vmem>>, vector<16xi32>,
      %gather3A_45 = tpu.vector_load_idx %arg11[%get3A_44] : memref<10000xf32, #tpu.memory_space<vmem>>[vector<16xi32>], vector<16xf32>,
      %add3A_46 = arith.addf %gather3A, %gather3A_45 : vector<16xf32>
      %get3A_47 = arith.constant 0 : i32
      %get3A_48 = arith.index_cast %get3A_47 : i32 to index
      %get3A_49 = arith.constant 0 : index
      %get3A_50 = tpu.vector_load %arg15[%get3A_48, %get3A_49] {strides = array<i32>} : memref<25x80xf32, #tpu.memory_space<vmem>>, vector<16xf32>,
      %add3A_51 = arith.addf %add3A_46, %get3A_50 : vector<16xf32>
      %mul3A_52 = arith.constant 2.000000e-01 : f32
      %mul3A_53 = vector.broadcast %mul3A_52 : f32 to vector<16xf32>
      %mul3A_54 = arith.mulf %mul3A_53, %add3A_51 : vector<16xf32>
      %max3A = arith.maximumf %add3A_51, %mul3A_54 : vector<16xf32>
      %sub3A = arith.subf %max3A, %get3A_3 : vector<16xf32>
      %exp3A = math.exp %sub3A : vector<16xf32>
      %swap3A = arith.constant 0 : index
      %swap3A_55 = tpu.vector_load %arg16[%swap3A] {strides = array<i32>} : memref<80xf32, #tpu.memory_space<vmem>>, vector<16xf32>,
      tpu.vector_store %arg16[%swap3A], %exp3A {strides = array<i32>} : memref<80xf32, #tpu.memory_space<vmem>>, vector<16xf32>,
      %iota3A_56 = tpu.iota {dimensions = array<i32: 0>} : vector<16xi32>
      %add3A_57 = arith.constant 16 : i32
      %add3A_58 = vector.broadcast %add3A_57 : i32 to vector<16xi32>
      %add3A_59 = arith.addi %add3A_58, %iota3A_56 : vector<16xi32>
      %broadcast_in_dim3A_60 = arith.constant 128 : i32
      %broadcast_in_dim3A_61 = vector.broadcast %broadcast_in_dim3A_60 : i32 to vector<16xi32>
      %gather3A_62 = tpu.vector_load_idx %arg17[%add3A_59, %broadcast_in_dim3A_61] : memref<80x144xf32, #tpu.memory_space<vmem>>[vector<16xi32>, vector<16xi32>], vector<16xf32>,
      %get3A_63 = arith.constant 0 : i32
      %get3A_64 = arith.index_cast %get3A_63 : i32 to index
      %get3A_65 = arith.constant 16 : index
      %get3A_66 = tpu.vector_load %arg14[%get3A_64, %get3A_65] {strides = array<i32>} : memref<25x80xi32, #tpu.memory_space<vmem>>, vector<16xi32>,
      %gather3A_67 = tpu.vector_load_idx %arg11[%get3A_66] : memref<10000xf32, #tpu.memory_space<vmem>>[vector<16xi32>], vector<16xf32>,
      %add3A_68 = arith.addf %gather3A_62, %gather3A_67 : vector<16xf32>
      %get3A_69 = arith.constant 0 : i32
      %get3A_70 = arith.index_cast %get3A_69 : i32 to index
      %get3A_71 = arith.constant 16 : index
      %get3A_72 = tpu.vector_load %arg15[%get3A_70, %get3A_71] {strides = array<i32>} : memref<25x80xf32, #tpu.memory_space<vmem>>, vector<16xf32>,
      %add3A_73 = arith.addf %add3A_68, %get3A_72 : vector<16xf32>
      %mul3A_74 = arith.constant 2.000000e-01 : f32
      %mul3A_75 = vector.broadcast %mul3A_74 : f32 to vector<16xf32>
      %mul3A_76 = arith.mulf %mul3A_75, %add3A_73 : vector<16xf32>
      %max3A_77 = arith.maximumf %add3A_73, %mul3A_76 : vector<16xf32>
      %sub3A_78 = arith.subf %max3A_77, %get3A_3 : vector<16xf32>
      %exp3A_79 = math.exp %sub3A_78 : vector<16xf32>
      %swap3A_80 = arith.constant 16 : index
      %swap3A_81 = tpu.vector_load %arg16[%swap3A_80] {strides = array<i32>} : memref<80xf32, #tpu.memory_space<vmem>>, vector<16xf32>,
      tpu.vector_store %arg16[%swap3A_80], %exp3A_79 {strides = array<i32>} : memref<80xf32, #tpu.memory_space<vmem>>, vector<16xf32>,
      %iota3A_82 = tpu.iota {dimensions = array<i32: 0>} : vector<16xi32>
      %add3A_83 = arith.constant 32 : i32
      %add3A_84 = vector.broadcast %add3A_83 : i32 to vector<16xi32>
      %add3A_85 = arith.addi %add3A_84, %iota3A_82 : vector<16xi32>
      %broadcast_in_dim3A_86 = arith.constant 128 : i32
      %broadcast_in_dim3A_87 = vector.broadcast %broadcast_in_dim3A_86 : i32 to vector<16xi32>
      %gather3A_88 = tpu.vector_load_idx %arg17[%add3A_85, %broadcast_in_dim3A_87] : memref<80x144xf32, #tpu.memory_space<vmem>>[vector<16xi32>, vector<16xi32>], vector<16xf32>,
      %get3A_89 = arith.constant 0 : i32
      %get3A_90 = arith.index_cast %get3A_89 : i32 to index
      %get3A_91 = arith.constant 32 : index
      %get3A_92 = tpu.vector_load %arg14[%get3A_90, %get3A_91] {strides = array<i32>} : memref<25x80xi32, #tpu.memory_space<vmem>>, vector<16xi32>,
      %gather3A_93 = tpu.vector_load_idx %arg11[%get3A_92] : memref<10000xf32, #tpu.memory_space<vmem>>[vector<16xi32>], vector<16xf32>,
      %add3A_94 = arith.addf %gather3A_88, %gather3A_93 : vector<16xf32>
      %get3A_95 = arith.constant 0 : i32
      %get3A_96 = arith.index_cast %get3A_95 : i32 to index
      %get3A_97 = arith.constant 32 : index
      %get3A_98 = tpu.vector_load %arg15[%get3A_96, %get3A_97] {strides = array<i32>} : memref<25x80xf32, #tpu.memory_space<vmem>>, vector<16xf32>,
      %add3A_99 = arith.addf %add3A_94, %get3A_98 : vector<16xf32>
      %mul3A_100 = arith.constant 2.000000e-01 : f32
      %mul3A_101 = vector.broadcast %mul3A_100 : f32 to vector<16xf32>
      %mul3A_102 = arith.mulf %mul3A_101, %add3A_99 : vector<16xf32>
      %max3A_103 = arith.maximumf %add3A_99, %mul3A_102 : vector<16xf32>
      %sub3A_104 = arith.subf %max3A_103, %get3A_3 : vector<16xf32>
      %exp3A_105 = math.exp %sub3A_104 : vector<16xf32>
      %swap3A_106 = arith.constant 32 : index
      %swap3A_107 = tpu.vector_load %arg16[%swap3A_106] {strides = array<i32>} : memref<80xf32, #tpu.memory_space<vmem>>, vector<16xf32>,
      tpu.vector_store %arg16[%swap3A_106], %exp3A_105 {strides = array<i32>} : memref<80xf32, #tpu.memory_space<vmem>>, vector<16xf32>,
      %iota3A_108 = tpu.iota {dimensions = array<i32: 0>} : vector<16xi32>
      %add3A_109 = arith.constant 48 : i32
      %add3A_110 = vector.broadcast %add3A_109 : i32 to vector<16xi32>
      %add3A_111 = arith.addi %add3A_110, %iota3A_108 : vector<16xi32>
      %broadcast_in_dim3A_112 = arith.constant 128 : i32
      %broadcast_in_dim3A_113 = vector.broadcast %broadcast_in_dim3A_112 : i32 to vector<16xi32>
      %gather3A_114 = tpu.vector_load_idx %arg17[%add3A_111, %broadcast_in_dim3A_113] : memref<80x144xf32, #tpu.memory_space<vmem>>[vector<16xi32>, vector<16xi32>], vector<16xf32>,
      %get3A_115 = arith.constant 0 : i32
      %get3A_116 = arith.index_cast %get3A_115 : i32 to index
      %get3A_117 = arith.constant 48 : index
      %get3A_118 = tpu.vector_load %arg14[%get3A_116, %get3A_117] {strides = array<i32>} : memref<25x80xi32, #tpu.memory_space<vmem>>, vector<16xi32>,
      %gather3A_119 = tpu.vector_load_idx %arg11[%get3A_118] : memref<10000xf32, #tpu.memory_space<vmem>>[vector<16xi32>], vector<16xf32>,
      %add3A_120 = arith.addf %gather3A_114, %gather3A_119 : vector<16xf32>
      %get3A_121 = arith.constant 0 : i32
      %get3A_122 = arith.index_cast %get3A_121 : i32 to index
      %get3A_123 = arith.constant 48 : index
      %get3A_124 = tpu.vector_load %arg15[%get3A_122, %get3A_123] {strides = array<i32>} : memref<25x80xf32, #tpu.memory_space<vmem>>, vector<16xf32>,
      %add3A_125 = arith.addf %add3A_120, %get3A_124 : vector<16xf32>
      %mul3A_126 = arith.constant 2.000000e-01 : f32
      %mul3A_127 = vector.broadcast %mul3A_126 : f32 to vector<16xf32>
      %mul3A_128 = arith.mulf %mul3A_127, %add3A_125 : vector<16xf32>
      %max3A_129 = arith.maximumf %add3A_125, %mul3A_128 : vector<16xf32>
      %sub3A_130 = arith.subf %max3A_129, %get3A_3 : vector<16xf32>
      %exp3A_131 = math.exp %sub3A_130 : vector<16xf32>
      %swap3A_132 = arith.constant 48 : index
      %swap3A_133 = tpu.vector_load %arg16[%swap3A_132] {strides = array<i32>} : memref<80xf32, #tpu.memory_space<vmem>>, vector<16xf32>,
      tpu.vector_store %arg16[%swap3A_132], %exp3A_131 {strides = array<i32>} : memref<80xf32, #tpu.memory_space<vmem>>, vector<16xf32>,
      %iota3A_134 = tpu.iota {dimensions = array<i32: 0>} : vector<16xi32>
      %add3A_135 = arith.constant 64 : i32
      %add3A_136 = vector.broadcast %add3A_135 : i32 to vector<16xi32>
      %add3A_137 = arith.addi %add3A_136, %iota3A_134 : vector<16xi32>
      %broadcast_in_dim3A_138 = arith.constant 128 : i32
      %broadcast_in_dim3A_139 = vector.broadcast %broadcast_in_dim3A_138 : i32 to vector<16xi32>
      %gather3A_140 = tpu.vector_load_idx %arg17[%add3A_137, %broadcast_in_dim3A_139] : memref<80x144xf32, #tpu.memory_space<vmem>>[vector<16xi32>, vector<16xi32>], vector<16xf32>,
      %get3A_141 = arith.constant 0 : i32
      %get3A_142 = arith.index_cast %get3A_141 : i32 to index
      %get3A_143 = arith.constant 64 : index
      %get3A_144 = tpu.vector_load %arg14[%get3A_142, %get3A_143] {strides = array<i32>} : memref<25x80xi32, #tpu.memory_space<vmem>>, vector<16xi32>,
      %gather3A_145 = tpu.vector_load_idx %arg11[%get3A_144] : memref<10000xf32, #tpu.memory_space<vmem>>[vector<16xi32>], vector<16xf32>,
      %add3A_146 = arith.addf %gather3A_140, %gather3A_145 : vector<16xf32>
      %get3A_147 = arith.constant 0 : i32
      %get3A_148 = arith.index_cast %get3A_147 : i32 to index
      %get3A_149 = arith.constant 64 : index
      %get3A_150 = tpu.vector_load %arg15[%get3A_148, %get3A_149] {strides = array<i32>} : memref<25x80xf32, #tpu.memory_space<vmem>>, vector<16xf32>,
      %add3A_151 = arith.addf %add3A_146, %get3A_150 : vector<16xf32>
      %mul3A_152 = arith.constant 2.000000e-01 : f32
      %mul3A_153 = vector.broadcast %mul3A_152 : f32 to vector<16xf32>
      %mul3A_154 = arith.mulf %mul3A_153, %add3A_151 : vector<16xf32>
      %max3A_155 = arith.maximumf %add3A_151, %mul3A_154 : vector<16xf32>
      %sub3A_156 = arith.subf %max3A_155, %get3A_3 : vector<16xf32>
      %exp3A_157 = math.exp %sub3A_156 : vector<16xf32>
      %swap3A_158 = arith.constant 64 : index
      %swap3A_159 = tpu.vector_load %arg16[%swap3A_158] {strides = array<i32>} : memref<80xf32, #tpu.memory_space<vmem>>, vector<16xf32>,
      tpu.vector_store %arg16[%swap3A_158], %exp3A_157 {strides = array<i32>} : memref<80xf32, #tpu.memory_space<vmem>>, vector<16xf32>,
      %parallel_loop3A = arith.constant 0 : i32
      %parallel_loop3A_160 = arith.constant 80 : i32
      %parallel_loop3A_161 = arith.constant 1 : i32
      scf.for %parallel_loop3A_499 = %parallel_loop3A to %parallel_loop3A_160 step %parallel_loop3A_161  : i32 {
        %parallel_loop3A_500 = arith.constant 0 : i32
        %parallel_loop3A_501 = vector.broadcast %parallel_loop3A_500 : i32 to vector<16xi32>
        %parallel_loop3A_502 = vector.broadcast %parallel_loop3A_499 : i32 to vector<16xi32>
        %parallel_loop3A_503 = arith.addi %parallel_loop3A_501, %parallel_loop3A_502 : vector<16xi32>
        %parallel_loop3A_504 = tpu.vector_load_idx %arg16[%parallel_loop3A_503] : memref<80xf32, #tpu.memory_space<vmem>>[vector<16xi32>], vector<16xf32>,
        %parallel_loop3A_505 = arith.index_cast %parallel_loop3A_499 : i32 to index
        %parallel_loop3A_506 = arith.constant 0 : index
        %parallel_loop3A_507 = tpu.vector_load %arg17[%parallel_loop3A_505, %parallel_loop3A_506] {strides = array<i32>} : memref<80x144xf32, #tpu.memory_space<vmem>>, vector<16xf32>,
        %parallel_loop3A_508 = arith.mulf %parallel_loop3A_507, %parallel_loop3A_504 : vector<16xf32>
        %parallel_loop3A_509 = arith.index_cast %parallel_loop3A_499 : i32 to index
        %parallel_loop3A_510 = arith.constant 0 : index
        %parallel_loop3A_511 = tpu.vector_load %arg17[%parallel_loop3A_509, %parallel_loop3A_510] {strides = array<i32>} : memref<80x144xf32, #tpu.memory_space<vmem>>, vector<16xf32>,
        tpu.vector_store %arg17[%parallel_loop3A_509, %parallel_loop3A_510], %parallel_loop3A_508 {strides = array<i32>} : memref<80x144xf32, #tpu.memory_space<vmem>>, vector<16xf32>,
        %parallel_loop3A_512 = arith.index_cast %parallel_loop3A_499 : i32 to index
        %parallel_loop3A_513 = arith.constant 16 : index
        %parallel_loop3A_514 = tpu.vector_load %arg17[%parallel_loop3A_512, %parallel_loop3A_513] {strides = array<i32>} : memref<80x144xf32, #tpu.memory_space<vmem>>, vector<16xf32>,
        %parallel_loop3A_515 = arith.mulf %parallel_loop3A_514, %parallel_loop3A_504 : vector<16xf32>
        %parallel_loop3A_516 = arith.index_cast %parallel_loop3A_499 : i32 to index
        %parallel_loop3A_517 = arith.constant 16 : index
        %parallel_loop3A_518 = tpu.vector_load %arg17[%parallel_loop3A_516, %parallel_loop3A_517] {strides = array<i32>} : memref<80x144xf32, #tpu.memory_space<vmem>>, vector<16xf32>,
        tpu.vector_store %arg17[%parallel_loop3A_516, %parallel_loop3A_517], %parallel_loop3A_515 {strides = array<i32>} : memref<80x144xf32, #tpu.memory_space<vmem>>, vector<16xf32>,
        %parallel_loop3A_519 = arith.index_cast %parallel_loop3A_499 : i32 to index
        %parallel_loop3A_520 = arith.constant 32 : index
        %parallel_loop3A_521 = tpu.vector_load %arg17[%parallel_loop3A_519, %parallel_loop3A_520] {strides = array<i32>} : memref<80x144xf32, #tpu.memory_space<vmem>>, vector<16xf32>,
        %parallel_loop3A_522 = arith.mulf %parallel_loop3A_521, %parallel_loop3A_504 : vector<16xf32>
        %parallel_loop3A_523 = arith.index_cast %parallel_loop3A_499 : i32 to index
        %parallel_loop3A_524 = arith.constant 32 : index
        %parallel_loop3A_525 = tpu.vector_load %arg17[%parallel_loop3A_523, %parallel_loop3A_524] {strides = array<i32>} : memref<80x144xf32, #tpu.memory_space<vmem>>, vector<16xf32>,
        tpu.vector_store %arg17[%parallel_loop3A_523, %parallel_loop3A_524], %parallel_loop3A_522 {strides = array<i32>} : memref<80x144xf32, #tpu.memory_space<vmem>>, vector<16xf32>,
        %parallel_loop3A_526 = arith.index_cast %parallel_loop3A_499 : i32 to index
        %parallel_loop3A_527 = arith.constant 48 : index
        %parallel_loop3A_528 = tpu.vector_load %arg17[%parallel_loop3A_526, %parallel_loop3A_527] {strides = array<i32>} : memref<80x144xf32, #tpu.memory_space<vmem>>, vector<16xf32>,
        %parallel_loop3A_529 = arith.mulf %parallel_loop3A_528, %parallel_loop3A_504 : vector<16xf32>
        %parallel_loop3A_530 = arith.index_cast %parallel_loop3A_499 : i32 to index
        %parallel_loop3A_531 = arith.constant 48 : index
        %parallel_loop3A_532 = tpu.vector_load %arg17[%parallel_loop3A_530, %parallel_loop3A_531] {strides = array<i32>} : memref<80x144xf32, #tpu.memory_space<vmem>>, vector<16xf32>,
        tpu.vector_store %arg17[%parallel_loop3A_530, %parallel_loop3A_531], %parallel_loop3A_529 {strides = array<i32>} : memref<80x144xf32, #tpu.memory_space<vmem>>, vector<16xf32>,
        %parallel_loop3A_533 = arith.index_cast %parallel_loop3A_499 : i32 to index
        %parallel_loop3A_534 = arith.constant 64 : index
        %parallel_loop3A_535 = tpu.vector_load %arg17[%parallel_loop3A_533, %parallel_loop3A_534] {strides = array<i32>} : memref<80x144xf32, #tpu.memory_space<vmem>>, vector<16xf32>,
        %parallel_loop3A_536 = arith.mulf %parallel_loop3A_535, %parallel_loop3A_504 : vector<16xf32>
        %parallel_loop3A_537 = arith.index_cast %parallel_loop3A_499 : i32 to index
        %parallel_loop3A_538 = arith.constant 64 : index
        %parallel_loop3A_539 = tpu.vector_load %arg17[%parallel_loop3A_537, %parallel_loop3A_538] {strides = array<i32>} : memref<80x144xf32, #tpu.memory_space<vmem>>, vector<16xf32>,
        tpu.vector_store %arg17[%parallel_loop3A_537, %parallel_loop3A_538], %parallel_loop3A_536 {strides = array<i32>} : memref<80x144xf32, #tpu.memory_space<vmem>>, vector<16xf32>,
        %parallel_loop3A_540 = arith.index_cast %parallel_loop3A_499 : i32 to index
        %parallel_loop3A_541 = arith.constant 80 : index
        %parallel_loop3A_542 = tpu.vector_load %arg17[%parallel_loop3A_540, %parallel_loop3A_541] {strides = array<i32>} : memref<80x144xf32, #tpu.memory_space<vmem>>, vector<16xf32>,
        %parallel_loop3A_543 = arith.mulf %parallel_loop3A_542, %parallel_loop3A_504 : vector<16xf32>
        %parallel_loop3A_544 = arith.index_cast %parallel_loop3A_499 : i32 to index
        %parallel_loop3A_545 = arith.constant 80 : index
        %parallel_loop3A_546 = tpu.vector_load %arg17[%parallel_loop3A_544, %parallel_loop3A_545] {strides = array<i32>} : memref<80x144xf32, #tpu.memory_space<vmem>>, vector<16xf32>,
        tpu.vector_store %arg17[%parallel_loop3A_544, %parallel_loop3A_545], %parallel_loop3A_543 {strides = array<i32>} : memref<80x144xf32, #tpu.memory_space<vmem>>, vector<16xf32>,
        %parallel_loop3A_547 = arith.index_cast %parallel_loop3A_499 : i32 to index
        %parallel_loop3A_548 = arith.constant 96 : index
        %parallel_loop3A_549 = tpu.vector_load %arg17[%parallel_loop3A_547, %parallel_loop3A_548] {strides = array<i32>} : memref<80x144xf32, #tpu.memory_space<vmem>>, vector<16xf32>,
        %parallel_loop3A_550 = arith.mulf %parallel_loop3A_549, %parallel_loop3A_504 : vector<16xf32>
        %parallel_loop3A_551 = arith.index_cast %parallel_loop3A_499 : i32 to index
        %parallel_loop3A_552 = arith.constant 96 : index
        %parallel_loop3A_553 = tpu.vector_load %arg17[%parallel_loop3A_551, %parallel_loop3A_552] {strides = array<i32>} : memref<80x144xf32, #tpu.memory_space<vmem>>, vector<16xf32>,
        tpu.vector_store %arg17[%parallel_loop3A_551, %parallel_loop3A_552], %parallel_loop3A_550 {strides = array<i32>} : memref<80x144xf32, #tpu.memory_space<vmem>>, vector<16xf32>,
        %parallel_loop3A_554 = arith.index_cast %parallel_loop3A_499 : i32 to index
        %parallel_loop3A_555 = arith.constant 112 : index
        %parallel_loop3A_556 = tpu.vector_load %arg17[%parallel_loop3A_554, %parallel_loop3A_555] {strides = array<i32>} : memref<80x144xf32, #tpu.memory_space<vmem>>, vector<16xf32>,
        %parallel_loop3A_557 = arith.mulf %parallel_loop3A_556, %parallel_loop3A_504 : vector<16xf32>
        %parallel_loop3A_558 = arith.index_cast %parallel_loop3A_499 : i32 to index
        %parallel_loop3A_559 = arith.constant 112 : index
        %parallel_loop3A_560 = tpu.vector_load %arg17[%parallel_loop3A_558, %parallel_loop3A_559] {strides = array<i32>} : memref<80x144xf32, #tpu.memory_space<vmem>>, vector<16xf32>,
        tpu.vector_store %arg17[%parallel_loop3A_558, %parallel_loop3A_559], %parallel_loop3A_557 {strides = array<i32>} : memref<80x144xf32, #tpu.memory_space<vmem>>, vector<16xf32>,
        %parallel_loop3A_561 = arith.index_cast %parallel_loop3A_499 : i32 to index
        %parallel_loop3A_562 = arith.constant 128 : index
        %parallel_loop3A_563 = tpu.vector_load %arg17[%parallel_loop3A_561, %parallel_loop3A_562] {strides = array<i32>} : memref<80x144xf32, #tpu.memory_space<vmem>>, vector<16xf32>,
        %parallel_loop3A_564 = arith.mulf %parallel_loop3A_563, %parallel_loop3A_504 : vector<16xf32>
        %parallel_loop3A_565 = arith.index_cast %parallel_loop3A_499 : i32 to index
        %parallel_loop3A_566 = arith.constant 128 : index
        %parallel_loop3A_567 = tpu.vector_load %arg17[%parallel_loop3A_565, %parallel_loop3A_566] {strides = array<i32>} : memref<80x144xf32, #tpu.memory_space<vmem>>, vector<16xf32>,
        tpu.vector_store %arg17[%parallel_loop3A_565, %parallel_loop3A_566], %parallel_loop3A_564 {strides = array<i32>} : memref<80x144xf32, #tpu.memory_space<vmem>>, vector<16xf32>,
      } {sc.loop_unroll_factor = 2 : i64, sc.parallel_access}
      %dma_start3A_162 = arith.constant 0 : i32
      %dma_start3A_163 = arith.constant 0 : i32
      %dma_start3A_164 = tpu.memref_slice %arg14[%dma_start3A_162, %dma_start3A_163] : memref<25x80xi32, #tpu.memory_space<vmem>> -> memref<1x80xi32, #tpu.memory_space<vmem>>
      %dma_start3A_165 = tpu.memref_squeeze %dma_start3A_164 : memref<1x80xi32, #tpu.memory_space<vmem>> -> memref<80xi32, #tpu.memory_space<vmem>>
      %dma_start3A_166 = arith.constant 0 : i32
      %dma_start3A_167 = arith.constant 0 : i32
      %dma_start3A_168 = tpu.memref_slice %arg10[%dma_start3A_166, %dma_start3A_167] : memref<10000x144xf32, #tpu.memory_space<vmem_shared>> -> memref<10000x144xf32, #tpu.memory_space<vmem_shared>>
      tpu.enqueue_indirect_dma source(%arg17 : memref<80x144xf32, #tpu.memory_space<vmem>>) target(%dma_start3A_168 : memref<10000x144xf32, #tpu.memory_space<vmem_shared>>) offsets(%dma_start3A_165 : memref<80xi32, #tpu.memory_space<vmem>>) semaphore(%arg21 : memref<!tpu.dma_semaphore, #tpu.memory_space<semaphore_mem>>) {add = true}
      %scan3A_169 = arith.constant 0 : i32
      %scan3A_170 = arith.constant 0 : i32
      %scan3A_171 = arith.constant 11 : i32
      %scan3A_172 = arith.addi %scan3A_170, %scan3A_171 : i32
      %scan3A_173 = arith.constant 1 : i32
      %scan3A_174 = scf.for %scan3A_499 = %scan3A_170 to %scan3A_172 step %scan3A_173 iter_args(%scan3A_500 = %scan3A_169) -> (i32)  : i32 {
        %mul3A_501 = arith.constant 2 : i32
        %mul3A_502 = arith.muli %mul3A_501, %scan3A_499 : i32
        %add3A_503 = arith.constant 1 : i32
        %add3A_504 = arith.addi %mul3A_502, %add3A_503 : i32
        %dma_wait3A_505 = arith.constant 0 : i32
        %dma_wait3A_506 = tpu.memref_slice %arg13[%add3A_504, %dma_wait3A_505] : memref<25x80xi32, #tpu.memory_space<vmem>> -> memref<1x80xi32, #tpu.memory_space<vmem>>
        %dma_wait3A_507 = tpu.memref_squeeze %dma_wait3A_506 : memref<1x80xi32, #tpu.memory_space<vmem>> -> memref<80xi32, #tpu.memory_space<vmem>>
        %dma_wait3A_508 = arith.constant 0 : i32
        %dma_wait3A_509 = arith.constant 0 : i32
        %dma_wait3A_510 = tpu.memref_slice %arg2[%dma_wait3A_508, %dma_wait3A_509] : memref<10000x144xf32, #tpu.memory_space<hbm>> -> memref<10000x144xf32, #tpu.memory_space<hbm>>
        tpu.wait_indirect_dma semaphore(%arg20 : memref<!tpu.dma_semaphore, #tpu.memory_space<semaphore_mem>>) src(%dma_wait3A_510 : memref<10000x144xf32, #tpu.memory_space<hbm>>) dst(%arg18 : memref<80x144xf32, #tpu.memory_space<vmem>>)
        %sub3A_511 = arith.constant 1 : i32
        %sub3A_512 = arith.subi %add3A_504, %sub3A_511 : i32
        %dma_wait3A_513 = arith.constant 0 : i32
        %dma_wait3A_514 = tpu.memref_slice %arg14[%sub3A_512, %dma_wait3A_513] : memref<25x80xi32, #tpu.memory_space<vmem>> -> memref<1x80xi32, #tpu.memory_space<vmem>>
        %dma_wait3A_515 = tpu.memref_squeeze %dma_wait3A_514 : memref<1x80xi32, #tpu.memory_space<vmem>> -> memref<80xi32, #tpu.memory_space<vmem>>
        %dma_wait3A_516 = arith.constant 0 : i32
        %dma_wait3A_517 = arith.constant 0 : i32
        %dma_wait3A_518 = tpu.memref_slice %arg10[%dma_wait3A_516, %dma_wait3A_517] : memref<10000x144xf32, #tpu.memory_space<vmem_shared>> -> memref<10000x144xf32, #tpu.memory_space<vmem_shared>>
        tpu.wait_indirect_dma semaphore(%arg21 : memref<!tpu.dma_semaphore, #tpu.memory_space<semaphore_mem>>) src(%arg17 : memref<80x144xf32, #tpu.memory_space<vmem>>) dst(%dma_wait3A_518 : memref<10000x144xf32, #tpu.memory_space<vmem_shared>>)
        %add3A_519 = arith.constant 1 : i32
        %add3A_520 = arith.addi %add3A_504, %add3A_519 : i32
        %dma_start3A_521 = arith.constant 0 : i32
        %dma_start3A_522 = tpu.memref_slice %arg13[%add3A_520, %dma_start3A_521] : memref<25x80xi32, #tpu.memory_space<vmem>> -> memref<1x80xi32, #tpu.memory_space<vmem>>
        %dma_start3A_523 = tpu.memref_squeeze %dma_start3A_522 : memref<1x80xi32, #tpu.memory_space<vmem>> -> memref<80xi32, #tpu.memory_space<vmem>>
        %dma_start3A_524 = arith.constant 0 : i32
        %dma_start3A_525 = arith.constant 0 : i32
        %dma_start3A_526 = tpu.memref_slice %arg2[%dma_start3A_524, %dma_start3A_525] : memref<10000x144xf32, #tpu.memory_space<hbm>> -> memref<10000x144xf32, #tpu.memory_space<hbm>>
        tpu.enqueue_indirect_dma source(%dma_start3A_526 : memref<10000x144xf32, #tpu.memory_space<hbm>>) target(%arg17 : memref<80x144xf32, #tpu.memory_space<vmem>>) offsets(%dma_start3A_523 : memref<80xi32, #tpu.memory_space<vmem>>) semaphore(%arg19 : memref<!tpu.dma_semaphore, #tpu.memory_space<semaphore_mem>>)
        %iota3A_527 = tpu.iota {dimensions = array<i32: 0>} : vector<16xi32>
        %add3A_528 = arith.constant 0 : i32
        %add3A_529 = vector.broadcast %add3A_528 : i32 to vector<16xi32>
        %add3A_530 = arith.addi %add3A_529, %iota3A_527 : vector<16xi32>
        %broadcast_in_dim3A_531 = arith.constant 128 : i32
        %broadcast_in_dim3A_532 = vector.broadcast %broadcast_in_dim3A_531 : i32 to vector<16xi32>
        %gather3A_533 = tpu.vector_load_idx %arg18[%add3A_530, %broadcast_in_dim3A_532] : memref<80x144xf32, #tpu.memory_space<vmem>>[vector<16xi32>, vector<16xi32>], vector<16xf32>,
        %get3A_534 = arith.index_cast %add3A_504 : i32 to index
        %get3A_535 = arith.constant 0 : index
        %get3A_536 = tpu.vector_load %arg14[%get3A_534, %get3A_535] {strides = array<i32>} : memref<25x80xi32, #tpu.memory_space<vmem>>, vector<16xi32>,
        %gather3A_537 = tpu.vector_load_idx %arg11[%get3A_536] : memref<10000xf32, #tpu.memory_space<vmem>>[vector<16xi32>], vector<16xf32>,
        %add3A_538 = arith.addf %gather3A_533, %gather3A_537 : vector<16xf32>
        %get3A_539 = arith.index_cast %add3A_504 : i32 to index
        %get3A_540 = arith.constant 0 : index
        %get3A_541 = tpu.vector_load %arg15[%get3A_539, %get3A_540] {strides = array<i32>} : memref<25x80xf32, #tpu.memory_space<vmem>>, vector<16xf32>,
        %add3A_542 = arith.addf %add3A_538, %get3A_541 : vector<16xf32>
        %mul3A_543 = arith.constant 2.000000e-01 : f32
        %mul3A_544 = vector.broadcast %mul3A_543 : f32 to vector<16xf32>
        %mul3A_545 = arith.mulf %mul3A_544, %add3A_542 : vector<16xf32>
        %max3A_546 = arith.maximumf %add3A_542, %mul3A_545 : vector<16xf32>
        %sub3A_547 = arith.subf %max3A_546, %get3A_3 : vector<16xf32>
        %exp3A_548 = math.exp %sub3A_547 : vector<16xf32>
        %swap3A_549 = arith.constant 0 : index
        %swap3A_550 = tpu.vector_load %arg16[%swap3A_549] {strides = array<i32>} : memref<80xf32, #tpu.memory_space<vmem>>, vector<16xf32>,
        tpu.vector_store %arg16[%swap3A_549], %exp3A_548 {strides = array<i32>} : memref<80xf32, #tpu.memory_space<vmem>>, vector<16xf32>,
        %iota3A_551 = tpu.iota {dimensions = array<i32: 0>} : vector<16xi32>
        %add3A_552 = arith.constant 16 : i32
        %add3A_553 = vector.broadcast %add3A_552 : i32 to vector<16xi32>
        %add3A_554 = arith.addi %add3A_553, %iota3A_551 : vector<16xi32>
        %broadcast_in_dim3A_555 = arith.constant 128 : i32
        %broadcast_in_dim3A_556 = vector.broadcast %broadcast_in_dim3A_555 : i32 to vector<16xi32>
        %gather3A_557 = tpu.vector_load_idx %arg18[%add3A_554, %broadcast_in_dim3A_556] : memref<80x144xf32, #tpu.memory_space<vmem>>[vector<16xi32>, vector<16xi32>], vector<16xf32>,
        %get3A_558 = arith.index_cast %add3A_504 : i32 to index
        %get3A_559 = arith.constant 16 : index
        %get3A_560 = tpu.vector_load %arg14[%get3A_558, %get3A_559] {strides = array<i32>} : memref<25x80xi32, #tpu.memory_space<vmem>>, vector<16xi32>,
        %gather3A_561 = tpu.vector_load_idx %arg11[%get3A_560] : memref<10000xf32, #tpu.memory_space<vmem>>[vector<16xi32>], vector<16xf32>,
        %add3A_562 = arith.addf %gather3A_557, %gather3A_561 : vector<16xf32>
        %get3A_563 = arith.index_cast %add3A_504 : i32 to index
        %get3A_564 = arith.constant 16 : index
        %get3A_565 = tpu.vector_load %arg15[%get3A_563, %get3A_564] {strides = array<i32>} : memref<25x80xf32, #tpu.memory_space<vmem>>, vector<16xf32>,
        %add3A_566 = arith.addf %add3A_562, %get3A_565 : vector<16xf32>
        %mul3A_567 = arith.constant 2.000000e-01 : f32
        %mul3A_568 = vector.broadcast %mul3A_567 : f32 to vector<16xf32>
        %mul3A_569 = arith.mulf %mul3A_568, %add3A_566 : vector<16xf32>
        %max3A_570 = arith.maximumf %add3A_566, %mul3A_569 : vector<16xf32>
        %sub3A_571 = arith.subf %max3A_570, %get3A_3 : vector<16xf32>
        %exp3A_572 = math.exp %sub3A_571 : vector<16xf32>
        %swap3A_573 = arith.constant 16 : index
        %swap3A_574 = tpu.vector_load %arg16[%swap3A_573] {strides = array<i32>} : memref<80xf32, #tpu.memory_space<vmem>>, vector<16xf32>,
        tpu.vector_store %arg16[%swap3A_573], %exp3A_572 {strides = array<i32>} : memref<80xf32, #tpu.memory_space<vmem>>, vector<16xf32>,
        %iota3A_575 = tpu.iota {dimensions = array<i32: 0>} : vector<16xi32>
        %add3A_576 = arith.constant 32 : i32
        %add3A_577 = vector.broadcast %add3A_576 : i32 to vector<16xi32>
        %add3A_578 = arith.addi %add3A_577, %iota3A_575 : vector<16xi32>
        %broadcast_in_dim3A_579 = arith.constant 128 : i32
        %broadcast_in_dim3A_580 = vector.broadcast %broadcast_in_dim3A_579 : i32 to vector<16xi32>
        %gather3A_581 = tpu.vector_load_idx %arg18[%add3A_578, %broadcast_in_dim3A_580] : memref<80x144xf32, #tpu.memory_space<vmem>>[vector<16xi32>, vector<16xi32>], vector<16xf32>,
        %get3A_582 = arith.index_cast %add3A_504 : i32 to index
        %get3A_583 = arith.constant 32 : index
        %get3A_584 = tpu.vector_load %arg14[%get3A_582, %get3A_583] {strides = array<i32>} : memref<25x80xi32, #tpu.memory_space<vmem>>, vector<16xi32>,
        %gather3A_585 = tpu.vector_load_idx %arg11[%get3A_584] : memref<10000xf32, #tpu.memory_space<vmem>>[vector<16xi32>], vector<16xf32>,
        %add3A_586 = arith.addf %gather3A_581, %gather3A_585 : vector<16xf32>
        %get3A_587 = arith.index_cast %add3A_504 : i32 to index
        %get3A_588 = arith.constant 32 : index
        %get3A_589 = tpu.vector_load %arg15[%get3A_587, %get3A_588] {strides = array<i32>} : memref<25x80xf32, #tpu.memory_space<vmem>>, vector<16xf32>,
        %add3A_590 = arith.addf %add3A_586, %get3A_589 : vector<16xf32>
        %mul3A_591 = arith.constant 2.000000e-01 : f32
        %mul3A_592 = vector.broadcast %mul3A_591 : f32 to vector<16xf32>
        %mul3A_593 = arith.mulf %mul3A_592, %add3A_590 : vector<16xf32>
        %max3A_594 = arith.maximumf %add3A_590, %mul3A_593 : vector<16xf32>
        %sub3A_595 = arith.subf %max3A_594, %get3A_3 : vector<16xf32>
        %exp3A_596 = math.exp %sub3A_595 : vector<16xf32>
        %swap3A_597 = arith.constant 32 : index
        %swap3A_598 = tpu.vector_load %arg16[%swap3A_597] {strides = array<i32>} : memref<80xf32, #tpu.memory_space<vmem>>, vector<16xf32>,
        tpu.vector_store %arg16[%swap3A_597], %exp3A_596 {strides = array<i32>} : memref<80xf32, #tpu.memory_space<vmem>>, vector<16xf32>,
        %iota3A_599 = tpu.iota {dimensions = array<i32: 0>} : vector<16xi32>
        %add3A_600 = arith.constant 48 : i32
        %add3A_601 = vector.broadcast %add3A_600 : i32 to vector<16xi32>
        %add3A_602 = arith.addi %add3A_601, %iota3A_599 : vector<16xi32>
        %broadcast_in_dim3A_603 = arith.constant 128 : i32
        %broadcast_in_dim3A_604 = vector.broadcast %broadcast_in_dim3A_603 : i32 to vector<16xi32>
        %gather3A_605 = tpu.vector_load_idx %arg18[%add3A_602, %broadcast_in_dim3A_604] : memref<80x144xf32, #tpu.memory_space<vmem>>[vector<16xi32>, vector<16xi32>], vector<16xf32>,
        %get3A_606 = arith.index_cast %add3A_504 : i32 to index
        %get3A_607 = arith.constant 48 : index
        %get3A_608 = tpu.vector_load %arg14[%get3A_606, %get3A_607] {strides = array<i32>} : memref<25x80xi32, #tpu.memory_space<vmem>>, vector<16xi32>,
        %gather3A_609 = tpu.vector_load_idx %arg11[%get3A_608] : memref<10000xf32, #tpu.memory_space<vmem>>[vector<16xi32>], vector<16xf32>,
        %add3A_610 = arith.addf %gather3A_605, %gather3A_609 : vector<16xf32>
        %get3A_611 = arith.index_cast %add3A_504 : i32 to index
        %get3A_612 = arith.constant 48 : index
        %get3A_613 = tpu.vector_load %arg15[%get3A_611, %get3A_612] {strides = array<i32>} : memref<25x80xf32, #tpu.memory_space<vmem>>, vector<16xf32>,
        %add3A_614 = arith.addf %add3A_610, %get3A_613 : vector<16xf32>
        %mul3A_615 = arith.constant 2.000000e-01 : f32
        %mul3A_616 = vector.broadcast %mul3A_615 : f32 to vector<16xf32>
        %mul3A_617 = arith.mulf %mul3A_616, %add3A_614 : vector<16xf32>
        %max3A_618 = arith.maximumf %add3A_614, %mul3A_617 : vector<16xf32>
        %sub3A_619 = arith.subf %max3A_618, %get3A_3 : vector<16xf32>
        %exp3A_620 = math.exp %sub3A_619 : vector<16xf32>
        %swap3A_621 = arith.constant 48 : index
        %swap3A_622 = tpu.vector_load %arg16[%swap3A_621] {strides = array<i32>} : memref<80xf32, #tpu.memory_space<vmem>>, vector<16xf32>,
        tpu.vector_store %arg16[%swap3A_621], %exp3A_620 {strides = array<i32>} : memref<80xf32, #tpu.memory_space<vmem>>, vector<16xf32>,
        %iota3A_623 = tpu.iota {dimensions = array<i32: 0>} : vector<16xi32>
        %add3A_624 = arith.constant 64 : i32
        %add3A_625 = vector.broadcast %add3A_624 : i32 to vector<16xi32>
        %add3A_626 = arith.addi %add3A_625, %iota3A_623 : vector<16xi32>
        %broadcast_in_dim3A_627 = arith.constant 128 : i32
        %broadcast_in_dim3A_628 = vector.broadcast %broadcast_in_dim3A_627 : i32 to vector<16xi32>
        %gather3A_629 = tpu.vector_load_idx %arg18[%add3A_626, %broadcast_in_dim3A_628] : memref<80x144xf32, #tpu.memory_space<vmem>>[vector<16xi32>, vector<16xi32>], vector<16xf32>,
        %get3A_630 = arith.index_cast %add3A_504 : i32 to index
        %get3A_631 = arith.constant 64 : index
        %get3A_632 = tpu.vector_load %arg14[%get3A_630, %get3A_631] {strides = array<i32>} : memref<25x80xi32, #tpu.memory_space<vmem>>, vector<16xi32>,
        %gather3A_633 = tpu.vector_load_idx %arg11[%get3A_632] : memref<10000xf32, #tpu.memory_space<vmem>>[vector<16xi32>], vector<16xf32>,
        %add3A_634 = arith.addf %gather3A_629, %gather3A_633 : vector<16xf32>
        %get3A_635 = arith.index_cast %add3A_504 : i32 to index
        %get3A_636 = arith.constant 64 : index
        %get3A_637 = tpu.vector_load %arg15[%get3A_635, %get3A_636] {strides = array<i32>} : memref<25x80xf32, #tpu.memory_space<vmem>>, vector<16xf32>,
        %add3A_638 = arith.addf %add3A_634, %get3A_637 : vector<16xf32>
        %mul3A_639 = arith.constant 2.000000e-01 : f32
        %mul3A_640 = vector.broadcast %mul3A_639 : f32 to vector<16xf32>
        %mul3A_641 = arith.mulf %mul3A_640, %add3A_638 : vector<16xf32>
        %max3A_642 = arith.maximumf %add3A_638, %mul3A_641 : vector<16xf32>
        %sub3A_643 = arith.subf %max3A_642, %get3A_3 : vector<16xf32>
        %exp3A_644 = math.exp %sub3A_643 : vector<16xf32>
        %swap3A_645 = arith.constant 64 : index
        %swap3A_646 = tpu.vector_load %arg16[%swap3A_645] {strides = array<i32>} : memref<80xf32, #tpu.memory_space<vmem>>, vector<16xf32>,
        tpu.vector_store %arg16[%swap3A_645], %exp3A_644 {strides = array<i32>} : memref<80xf32, #tpu.memory_space<vmem>>, vector<16xf32>,
        %parallel_loop3A_647 = arith.constant 0 : i32
        %parallel_loop3A_648 = arith.constant 80 : i32
        %parallel_loop3A_649 = arith.constant 1 : i32
        scf.for %parallel_loop3A_812 = %parallel_loop3A_647 to %parallel_loop3A_648 step %parallel_loop3A_649  : i32 {
          %parallel_loop3A_813 = arith.constant 0 : i32
          %parallel_loop3A_814 = vector.broadcast %parallel_loop3A_813 : i32 to vector<16xi32>
          %parallel_loop3A_815 = vector.broadcast %parallel_loop3A_812 : i32 to vector<16xi32>
          %parallel_loop3A_816 = arith.addi %parallel_loop3A_814, %parallel_loop3A_815 : vector<16xi32>
          %parallel_loop3A_817 = tpu.vector_load_idx %arg16[%parallel_loop3A_816] : memref<80xf32, #tpu.memory_space<vmem>>[vector<16xi32>], vector<16xf32>,
          %parallel_loop3A_818 = arith.index_cast %parallel_loop3A_812 : i32 to index
          %parallel_loop3A_819 = arith.constant 0 : index
          %parallel_loop3A_820 = tpu.vector_load %arg18[%parallel_loop3A_818, %parallel_loop3A_819] {strides = array<i32>} : memref<80x144xf32, #tpu.memory_space<vmem>>, vector<16xf32>,
          %parallel_loop3A_821 = arith.mulf %parallel_loop3A_820, %parallel_loop3A_817 : vector<16xf32>
          %parallel_loop3A_822 = arith.index_cast %parallel_loop3A_812 : i32 to index
          %parallel_loop3A_823 = arith.constant 0 : index
          %parallel_loop3A_824 = tpu.vector_load %arg18[%parallel_loop3A_822, %parallel_loop3A_823] {strides = array<i32>} : memref<80x144xf32, #tpu.memory_space<vmem>>, vector<16xf32>,
          tpu.vector_store %arg18[%parallel_loop3A_822, %parallel_loop3A_823], %parallel_loop3A_821 {strides = array<i32>} : memref<80x144xf32, #tpu.memory_space<vmem>>, vector<16xf32>,
          %parallel_loop3A_825 = arith.index_cast %parallel_loop3A_812 : i32 to index
          %parallel_loop3A_826 = arith.constant 16 : index
          %parallel_loop3A_827 = tpu.vector_load %arg18[%parallel_loop3A_825, %parallel_loop3A_826] {strides = array<i32>} : memref<80x144xf32, #tpu.memory_space<vmem>>, vector<16xf32>,
          %parallel_loop3A_828 = arith.mulf %parallel_loop3A_827, %parallel_loop3A_817 : vector<16xf32>
          %parallel_loop3A_829 = arith.index_cast %parallel_loop3A_812 : i32 to index
          %parallel_loop3A_830 = arith.constant 16 : index
          %parallel_loop3A_831 = tpu.vector_load %arg18[%parallel_loop3A_829, %parallel_loop3A_830] {strides = array<i32>} : memref<80x144xf32, #tpu.memory_space<vmem>>, vector<16xf32>,
          tpu.vector_store %arg18[%parallel_loop3A_829, %parallel_loop3A_830], %parallel_loop3A_828 {strides = array<i32>} : memref<80x144xf32, #tpu.memory_space<vmem>>, vector<16xf32>,
          %parallel_loop3A_832 = arith.index_cast %parallel_loop3A_812 : i32 to index
          %parallel_loop3A_833 = arith.constant 32 : index
          %parallel_loop3A_834 = tpu.vector_load %arg18[%parallel_loop3A_832, %parallel_loop3A_833] {strides = array<i32>} : memref<80x144xf32, #tpu.memory_space<vmem>>, vector<16xf32>,
          %parallel_loop3A_835 = arith.mulf %parallel_loop3A_834, %parallel_loop3A_817 : vector<16xf32>
          %parallel_loop3A_836 = arith.index_cast %parallel_loop3A_812 : i32 to index
          %parallel_loop3A_837 = arith.constant 32 : index
          %parallel_loop3A_838 = tpu.vector_load %arg18[%parallel_loop3A_836, %parallel_loop3A_837] {strides = array<i32>} : memref<80x144xf32, #tpu.memory_space<vmem>>, vector<16xf32>,
          tpu.vector_store %arg18[%parallel_loop3A_836, %parallel_loop3A_837], %parallel_loop3A_835 {strides = array<i32>} : memref<80x144xf32, #tpu.memory_space<vmem>>, vector<16xf32>,
          %parallel_loop3A_839 = arith.index_cast %parallel_loop3A_812 : i32 to index
          %parallel_loop3A_840 = arith.constant 48 : index
          %parallel_loop3A_841 = tpu.vector_load %arg18[%parallel_loop3A_839, %parallel_loop3A_840] {strides = array<i32>} : memref<80x144xf32, #tpu.memory_space<vmem>>, vector<16xf32>,
          %parallel_loop3A_842 = arith.mulf %parallel_loop3A_841, %parallel_loop3A_817 : vector<16xf32>
          %parallel_loop3A_843 = arith.index_cast %parallel_loop3A_812 : i32 to index
          %parallel_loop3A_844 = arith.constant 48 : index
          %parallel_loop3A_845 = tpu.vector_load %arg18[%parallel_loop3A_843, %parallel_loop3A_844] {strides = array<i32>} : memref<80x144xf32, #tpu.memory_space<vmem>>, vector<16xf32>,
          tpu.vector_store %arg18[%parallel_loop3A_843, %parallel_loop3A_844], %parallel_loop3A_842 {strides = array<i32>} : memref<80x144xf32, #tpu.memory_space<vmem>>, vector<16xf32>,
          %parallel_loop3A_846 = arith.index_cast %parallel_loop3A_812 : i32 to index
          %parallel_loop3A_847 = arith.constant 64 : index
          %parallel_loop3A_848 = tpu.vector_load %arg18[%parallel_loop3A_846, %parallel_loop3A_847] {strides = array<i32>} : memref<80x144xf32, #tpu.memory_space<vmem>>, vector<16xf32>,
          %parallel_loop3A_849 = arith.mulf %parallel_loop3A_848, %parallel_loop3A_817 : vector<16xf32>
          %parallel_loop3A_850 = arith.index_cast %parallel_loop3A_812 : i32 to index
          %parallel_loop3A_851 = arith.constant 64 : index
          %parallel_loop3A_852 = tpu.vector_load %arg18[%parallel_loop3A_850, %parallel_loop3A_851] {strides = array<i32>} : memref<80x144xf32, #tpu.memory_space<vmem>>, vector<16xf32>,
          tpu.vector_store %arg18[%parallel_loop3A_850, %parallel_loop3A_851], %parallel_loop3A_849 {strides = array<i32>} : memref<80x144xf32, #tpu.memory_space<vmem>>, vector<16xf32>,
          %parallel_loop3A_853 = arith.index_cast %parallel_loop3A_812 : i32 to index
          %parallel_loop3A_854 = arith.constant 80 : index
          %parallel_loop3A_855 = tpu.vector_load %arg18[%parallel_loop3A_853, %parallel_loop3A_854] {strides = array<i32>} : memref<80x144xf32, #tpu.memory_space<vmem>>, vector<16xf32>,
          %parallel_loop3A_856 = arith.mulf %parallel_loop3A_855, %parallel_loop3A_817 : vector<16xf32>
          %parallel_loop3A_857 = arith.index_cast %parallel_loop3A_812 : i32 to index
          %parallel_loop3A_858 = arith.constant 80 : index
          %parallel_loop3A_859 = tpu.vector_load %arg18[%parallel_loop3A_857, %parallel_loop3A_858] {strides = array<i32>} : memref<80x144xf32, #tpu.memory_space<vmem>>, vector<16xf32>,
          tpu.vector_store %arg18[%parallel_loop3A_857, %parallel_loop3A_858], %parallel_loop3A_856 {strides = array<i32>} : memref<80x144xf32, #tpu.memory_space<vmem>>, vector<16xf32>,
          %parallel_loop3A_860 = arith.index_cast %parallel_loop3A_812 : i32 to index
          %parallel_loop3A_861 = arith.constant 96 : index
          %parallel_loop3A_862 = tpu.vector_load %arg18[%parallel_loop3A_860, %parallel_loop3A_861] {strides = array<i32>} : memref<80x144xf32, #tpu.memory_space<vmem>>, vector<16xf32>,
          %parallel_loop3A_863 = arith.mulf %parallel_loop3A_862, %parallel_loop3A_817 : vector<16xf32>
          %parallel_loop3A_864 = arith.index_cast %parallel_loop3A_812 : i32 to index
          %parallel_loop3A_865 = arith.constant 96 : index
          %parallel_loop3A_866 = tpu.vector_load %arg18[%parallel_loop3A_864, %parallel_loop3A_865] {strides = array<i32>} : memref<80x144xf32, #tpu.memory_space<vmem>>, vector<16xf32>,
          tpu.vector_store %arg18[%parallel_loop3A_864, %parallel_loop3A_865], %parallel_loop3A_863 {strides = array<i32>} : memref<80x144xf32, #tpu.memory_space<vmem>>, vector<16xf32>,
          %parallel_loop3A_867 = arith.index_cast %parallel_loop3A_812 : i32 to index
          %parallel_loop3A_868 = arith.constant 112 : index
          %parallel_loop3A_869 = tpu.vector_load %arg18[%parallel_loop3A_867, %parallel_loop3A_868] {strides = array<i32>} : memref<80x144xf32, #tpu.memory_space<vmem>>, vector<16xf32>,
          %parallel_loop3A_870 = arith.mulf %parallel_loop3A_869, %parallel_loop3A_817 : vector<16xf32>
          %parallel_loop3A_871 = arith.index_cast %parallel_loop3A_812 : i32 to index
          %parallel_loop3A_872 = arith.constant 112 : index
          %parallel_loop3A_873 = tpu.vector_load %arg18[%parallel_loop3A_871, %parallel_loop3A_872] {strides = array<i32>} : memref<80x144xf32, #tpu.memory_space<vmem>>, vector<16xf32>,
          tpu.vector_store %arg18[%parallel_loop3A_871, %parallel_loop3A_872], %parallel_loop3A_870 {strides = array<i32>} : memref<80x144xf32, #tpu.memory_space<vmem>>, vector<16xf32>,
          %parallel_loop3A_874 = arith.index_cast %parallel_loop3A_812 : i32 to index
          %parallel_loop3A_875 = arith.constant 128 : index
          %parallel_loop3A_876 = tpu.vector_load %arg18[%parallel_loop3A_874, %parallel_loop3A_875] {strides = array<i32>} : memref<80x144xf32, #tpu.memory_space<vmem>>, vector<16xf32>,
          %parallel_loop3A_877 = arith.mulf %parallel_loop3A_876, %parallel_loop3A_817 : vector<16xf32>
          %parallel_loop3A_878 = arith.index_cast %parallel_loop3A_812 : i32 to index
          %parallel_loop3A_879 = arith.constant 128 : index
          %parallel_loop3A_880 = tpu.vector_load %arg18[%parallel_loop3A_878, %parallel_loop3A_879] {strides = array<i32>} : memref<80x144xf32, #tpu.memory_space<vmem>>, vector<16xf32>,
          tpu.vector_store %arg18[%parallel_loop3A_878, %parallel_loop3A_879], %parallel_loop3A_877 {strides = array<i32>} : memref<80x144xf32, #tpu.memory_space<vmem>>, vector<16xf32>,
        } {sc.loop_unroll_factor = 2 : i64, sc.parallel_access}
        %dma_start3A_650 = arith.constant 0 : i32
        %dma_start3A_651 = tpu.memref_slice %arg14[%add3A_504, %dma_start3A_650] : memref<25x80xi32, #tpu.memory_space<vmem>> -> memref<1x80xi32, #tpu.memory_space<vmem>>
        %dma_start3A_652 = tpu.memref_squeeze %dma_start3A_651 : memref<1x80xi32, #tpu.memory_space<vmem>> -> memref<80xi32, #tpu.memory_space<vmem>>
        %dma_start3A_653 = arith.constant 0 : i32
        %dma_start3A_654 = arith.constant 0 : i32
        %dma_start3A_655 = tpu.memref_slice %arg10[%dma_start3A_653, %dma_start3A_654] : memref<10000x144xf32, #tpu.memory_space<vmem_shared>> -> memref<10000x144xf32, #tpu.memory_space<vmem_shared>>
        tpu.enqueue_indirect_dma source(%arg18 : memref<80x144xf32, #tpu.memory_space<vmem>>) target(%dma_start3A_655 : memref<10000x144xf32, #tpu.memory_space<vmem_shared>>) offsets(%dma_start3A_652 : memref<80xi32, #tpu.memory_space<vmem>>) semaphore(%arg22 : memref<!tpu.dma_semaphore, #tpu.memory_space<semaphore_mem>>) {add = true}
        %mul3A_656 = arith.constant 2 : i32
        %mul3A_657 = arith.muli %mul3A_656, %scan3A_499 : i32
        %add3A_658 = arith.constant 2 : i32
        %add3A_659 = arith.addi %mul3A_657, %add3A_658 : i32
        %dma_wait3A_660 = arith.constant 0 : i32
        %dma_wait3A_661 = tpu.memref_slice %arg13[%add3A_659, %dma_wait3A_660] : memref<25x80xi32, #tpu.memory_space<vmem>> -> memref<1x80xi32, #tpu.memory_space<vmem>>
        %dma_wait3A_662 = tpu.memref_squeeze %dma_wait3A_661 : memref<1x80xi32, #tpu.memory_space<vmem>> -> memref<80xi32, #tpu.memory_space<vmem>>
        %dma_wait3A_663 = arith.constant 0 : i32
        %dma_wait3A_664 = arith.constant 0 : i32
        %dma_wait3A_665 = tpu.memref_slice %arg2[%dma_wait3A_663, %dma_wait3A_664] : memref<10000x144xf32, #tpu.memory_space<hbm>> -> memref<10000x144xf32, #tpu.memory_space<hbm>>
        tpu.wait_indirect_dma semaphore(%arg19 : memref<!tpu.dma_semaphore, #tpu.memory_space<semaphore_mem>>) src(%dma_wait3A_665 : memref<10000x144xf32, #tpu.memory_space<hbm>>) dst(%arg17 : memref<80x144xf32, #tpu.memory_space<vmem>>)
        %sub3A_666 = arith.constant 1 : i32
        %sub3A_667 = arith.subi %add3A_659, %sub3A_666 : i32
        %dma_wait3A_668 = arith.constant 0 : i32
        %dma_wait3A_669 = tpu.memref_slice %arg14[%sub3A_667, %dma_wait3A_668] : memref<25x80xi32, #tpu.memory_space<vmem>> -> memref<1x80xi32, #tpu.memory_space<vmem>>
        %dma_wait3A_670 = tpu.memref_squeeze %dma_wait3A_669 : memref<1x80xi32, #tpu.memory_space<vmem>> -> memref<80xi32, #tpu.memory_space<vmem>>
        %dma_wait3A_671 = arith.constant 0 : i32
        %dma_wait3A_672 = arith.constant 0 : i32
        %dma_wait3A_673 = tpu.memref_slice %arg10[%dma_wait3A_671, %dma_wait3A_672] : memref<10000x144xf32, #tpu.memory_space<vmem_shared>> -> memref<10000x144xf32, #tpu.memory_space<vmem_shared>>
        tpu.wait_indirect_dma semaphore(%arg22 : memref<!tpu.dma_semaphore, #tpu.memory_space<semaphore_mem>>) src(%arg18 : memref<80x144xf32, #tpu.memory_space<vmem>>) dst(%dma_wait3A_673 : memref<10000x144xf32, #tpu.memory_space<vmem_shared>>)
        %add3A_674 = arith.constant 1 : i32
        %add3A_675 = arith.addi %add3A_659, %add3A_674 : i32
        %dma_start3A_676 = arith.constant 0 : i32
        %dma_start3A_677 = tpu.memref_slice %arg13[%add3A_675, %dma_start3A_676] : memref<25x80xi32, #tpu.memory_space<vmem>> -> memref<1x80xi32, #tpu.memory_space<vmem>>
        %dma_start3A_678 = tpu.memref_squeeze %dma_start3A_677 : memref<1x80xi32, #tpu.memory_space<vmem>> -> memref<80xi32, #tpu.memory_space<vmem>>
        %dma_start3A_679 = arith.constant 0 : i32
        %dma_start3A_680 = arith.constant 0 : i32
        %dma_start3A_681 = tpu.memref_slice %arg2[%dma_start3A_679, %dma_start3A_680] : memref<10000x144xf32, #tpu.memory_space<hbm>> -> memref<10000x144xf32, #tpu.memory_space<hbm>>
        tpu.enqueue_indirect_dma source(%dma_start3A_681 : memref<10000x144xf32, #tpu.memory_space<hbm>>) target(%arg18 : memref<80x144xf32, #tpu.memory_space<vmem>>) offsets(%dma_start3A_678 : memref<80xi32, #tpu.memory_space<vmem>>) semaphore(%arg20 : memref<!tpu.dma_semaphore, #tpu.memory_space<semaphore_mem>>)
        %iota3A_682 = tpu.iota {dimensions = array<i32: 0>} : vector<16xi32>
        %add3A_683 = arith.constant 0 : i32
        %add3A_684 = vector.broadcast %add3A_683 : i32 to vector<16xi32>
        %add3A_685 = arith.addi %add3A_684, %iota3A_682 : vector<16xi32>
        %broadcast_in_dim3A_686 = arith.constant 128 : i32
        %broadcast_in_dim3A_687 = vector.broadcast %broadcast_in_dim3A_686 : i32 to vector<16xi32>
        %gather3A_688 = tpu.vector_load_idx %arg17[%add3A_685, %broadcast_in_dim3A_687] : memref<80x144xf32, #tpu.memory_space<vmem>>[vector<16xi32>, vector<16xi32>], vector<16xf32>,
        %get3A_689 = arith.index_cast %add3A_659 : i32 to index
        %get3A_690 = arith.constant 0 : index
        %get3A_691 = tpu.vector_load %arg14[%get3A_689, %get3A_690] {strides = array<i32>} : memref<25x80xi32, #tpu.memory_space<vmem>>, vector<16xi32>,
        %gather3A_692 = tpu.vector_load_idx %arg11[%get3A_691] : memref<10000xf32, #tpu.memory_space<vmem>>[vector<16xi32>], vector<16xf32>,
        %add3A_693 = arith.addf %gather3A_688, %gather3A_692 : vector<16xf32>
        %get3A_694 = arith.index_cast %add3A_659 : i32 to index
        %get3A_695 = arith.constant 0 : index
        %get3A_696 = tpu.vector_load %arg15[%get3A_694, %get3A_695] {strides = array<i32>} : memref<25x80xf32, #tpu.memory_space<vmem>>, vector<16xf32>,
        %add3A_697 = arith.addf %add3A_693, %get3A_696 : vector<16xf32>
        %mul3A_698 = arith.constant 2.000000e-01 : f32
        %mul3A_699 = vector.broadcast %mul3A_698 : f32 to vector<16xf32>
        %mul3A_700 = arith.mulf %mul3A_699, %add3A_697 : vector<16xf32>
        %max3A_701 = arith.maximumf %add3A_697, %mul3A_700 : vector<16xf32>
        %sub3A_702 = arith.subf %max3A_701, %get3A_3 : vector<16xf32>
        %exp3A_703 = math.exp %sub3A_702 : vector<16xf32>
        %swap3A_704 = arith.constant 0 : index
        %swap3A_705 = tpu.vector_load %arg16[%swap3A_704] {strides = array<i32>} : memref<80xf32, #tpu.memory_space<vmem>>, vector<16xf32>,
        tpu.vector_store %arg16[%swap3A_704], %exp3A_703 {strides = array<i32>} : memref<80xf32, #tpu.memory_space<vmem>>, vector<16xf32>,
        %iota3A_706 = tpu.iota {dimensions = array<i32: 0>} : vector<16xi32>
        %add3A_707 = arith.constant 16 : i32
        %add3A_708 = vector.broadcast %add3A_707 : i32 to vector<16xi32>
        %add3A_709 = arith.addi %add3A_708, %iota3A_706 : vector<16xi32>
        %broadcast_in_dim3A_710 = arith.constant 128 : i32
        %broadcast_in_dim3A_711 = vector.broadcast %broadcast_in_dim3A_710 : i32 to vector<16xi32>
        %gather3A_712 = tpu.vector_load_idx %arg17[%add3A_709, %broadcast_in_dim3A_711] : memref<80x144xf32, #tpu.memory_space<vmem>>[vector<16xi32>, vector<16xi32>], vector<16xf32>,
        %get3A_713 = arith.index_cast %add3A_659 : i32 to index
        %get3A_714 = arith.constant 16 : index
        %get3A_715 = tpu.vector_load %arg14[%get3A_713, %get3A_714] {strides = array<i32>} : memref<25x80xi32, #tpu.memory_space<vmem>>, vector<16xi32>,
        %gather3A_716 = tpu.vector_load_idx %arg11[%get3A_715] : memref<10000xf32, #tpu.memory_space<vmem>>[vector<16xi32>], vector<16xf32>,
        %add3A_717 = arith.addf %gather3A_712, %gather3A_716 : vector<16xf32>
        %get3A_718 = arith.index_cast %add3A_659 : i32 to index
        %get3A_719 = arith.constant 16 : index
        %get3A_720 = tpu.vector_load %arg15[%get3A_718, %get3A_719] {strides = array<i32>} : memref<25x80xf32, #tpu.memory_space<vmem>>, vector<16xf32>,
        %add3A_721 = arith.addf %add3A_717, %get3A_720 : vector<16xf32>
        %mul3A_722 = arith.constant 2.000000e-01 : f32
        %mul3A_723 = vector.broadcast %mul3A_722 : f32 to vector<16xf32>
        %mul3A_724 = arith.mulf %mul3A_723, %add3A_721 : vector<16xf32>
        %max3A_725 = arith.maximumf %add3A_721, %mul3A_724 : vector<16xf32>
        %sub3A_726 = arith.subf %max3A_725, %get3A_3 : vector<16xf32>
        %exp3A_727 = math.exp %sub3A_726 : vector<16xf32>
        %swap3A_728 = arith.constant 16 : index
        %swap3A_729 = tpu.vector_load %arg16[%swap3A_728] {strides = array<i32>} : memref<80xf32, #tpu.memory_space<vmem>>, vector<16xf32>,
        tpu.vector_store %arg16[%swap3A_728], %exp3A_727 {strides = array<i32>} : memref<80xf32, #tpu.memory_space<vmem>>, vector<16xf32>,
        %iota3A_730 = tpu.iota {dimensions = array<i32: 0>} : vector<16xi32>
        %add3A_731 = arith.constant 32 : i32
        %add3A_732 = vector.broadcast %add3A_731 : i32 to vector<16xi32>
        %add3A_733 = arith.addi %add3A_732, %iota3A_730 : vector<16xi32>
        %broadcast_in_dim3A_734 = arith.constant 128 : i32
        %broadcast_in_dim3A_735 = vector.broadcast %broadcast_in_dim3A_734 : i32 to vector<16xi32>
        %gather3A_736 = tpu.vector_load_idx %arg17[%add3A_733, %broadcast_in_dim3A_735] : memref<80x144xf32, #tpu.memory_space<vmem>>[vector<16xi32>, vector<16xi32>], vector<16xf32>,
        %get3A_737 = arith.index_cast %add3A_659 : i32 to index
        %get3A_738 = arith.constant 32 : index
        %get3A_739 = tpu.vector_load %arg14[%get3A_737, %get3A_738] {strides = array<i32>} : memref<25x80xi32, #tpu.memory_space<vmem>>, vector<16xi32>,
        %gather3A_740 = tpu.vector_load_idx %arg11[%get3A_739] : memref<10000xf32, #tpu.memory_space<vmem>>[vector<16xi32>], vector<16xf32>,
        %add3A_741 = arith.addf %gather3A_736, %gather3A_740 : vector<16xf32>
        %get3A_742 = arith.index_cast %add3A_659 : i32 to index
        %get3A_743 = arith.constant 32 : index
        %get3A_744 = tpu.vector_load %arg15[%get3A_742, %get3A_743] {strides = array<i32>} : memref<25x80xf32, #tpu.memory_space<vmem>>, vector<16xf32>,
        %add3A_745 = arith.addf %add3A_741, %get3A_744 : vector<16xf32>
        %mul3A_746 = arith.constant 2.000000e-01 : f32
        %mul3A_747 = vector.broadcast %mul3A_746 : f32 to vector<16xf32>
        %mul3A_748 = arith.mulf %mul3A_747, %add3A_745 : vector<16xf32>
        %max3A_749 = arith.maximumf %add3A_745, %mul3A_748 : vector<16xf32>
        %sub3A_750 = arith.subf %max3A_749, %get3A_3 : vector<16xf32>
        %exp3A_751 = math.exp %sub3A_750 : vector<16xf32>
        %swap3A_752 = arith.constant 32 : index
        %swap3A_753 = tpu.vector_load %arg16[%swap3A_752] {strides = array<i32>} : memref<80xf32, #tpu.memory_space<vmem>>, vector<16xf32>,
        tpu.vector_store %arg16[%swap3A_752], %exp3A_751 {strides = array<i32>} : memref<80xf32, #tpu.memory_space<vmem>>, vector<16xf32>,
        %iota3A_754 = tpu.iota {dimensions = array<i32: 0>} : vector<16xi32>
        %add3A_755 = arith.constant 48 : i32
        %add3A_756 = vector.broadcast %add3A_755 : i32 to vector<16xi32>
        %add3A_757 = arith.addi %add3A_756, %iota3A_754 : vector<16xi32>
        %broadcast_in_dim3A_758 = arith.constant 128 : i32
        %broadcast_in_dim3A_759 = vector.broadcast %broadcast_in_dim3A_758 : i32 to vector<16xi32>
        %gather3A_760 = tpu.vector_load_idx %arg17[%add3A_757, %broadcast_in_dim3A_759] : memref<80x144xf32, #tpu.memory_space<vmem>>[vector<16xi32>, vector<16xi32>], vector<16xf32>,
        %get3A_761 = arith.index_cast %add3A_659 : i32 to index
        %get3A_762 = arith.constant 48 : index
        %get3A_763 = tpu.vector_load %arg14[%get3A_761, %get3A_762] {strides = array<i32>} : memref<25x80xi32, #tpu.memory_space<vmem>>, vector<16xi32>,
        %gather3A_764 = tpu.vector_load_idx %arg11[%get3A_763] : memref<10000xf32, #tpu.memory_space<vmem>>[vector<16xi32>], vector<16xf32>,
        %add3A_765 = arith.addf %gather3A_760, %gather3A_764 : vector<16xf32>
        %get3A_766 = arith.index_cast %add3A_659 : i32 to index
        %get3A_767 = arith.constant 48 : index
        %get3A_768 = tpu.vector_load %arg15[%get3A_766, %get3A_767] {strides = array<i32>} : memref<25x80xf32, #tpu.memory_space<vmem>>, vector<16xf32>,
        %add3A_769 = arith.addf %add3A_765, %get3A_768 : vector<16xf32>
        %mul3A_770 = arith.constant 2.000000e-01 : f32
        %mul3A_771 = vector.broadcast %mul3A_770 : f32 to vector<16xf32>
        %mul3A_772 = arith.mulf %mul3A_771, %add3A_769 : vector<16xf32>
        %max3A_773 = arith.maximumf %add3A_769, %mul3A_772 : vector<16xf32>
        %sub3A_774 = arith.subf %max3A_773, %get3A_3 : vector<16xf32>
        %exp3A_775 = math.exp %sub3A_774 : vector<16xf32>
        %swap3A_776 = arith.constant 48 : index
        %swap3A_777 = tpu.vector_load %arg16[%swap3A_776] {strides = array<i32>} : memref<80xf32, #tpu.memory_space<vmem>>, vector<16xf32>,
        tpu.vector_store %arg16[%swap3A_776], %exp3A_775 {strides = array<i32>} : memref<80xf32, #tpu.memory_space<vmem>>, vector<16xf32>,
        %iota3A_778 = tpu.iota {dimensions = array<i32: 0>} : vector<16xi32>
        %add3A_779 = arith.constant 64 : i32
        %add3A_780 = vector.broadcast %add3A_779 : i32 to vector<16xi32>
        %add3A_781 = arith.addi %add3A_780, %iota3A_778 : vector<16xi32>
        %broadcast_in_dim3A_782 = arith.constant 128 : i32
        %broadcast_in_dim3A_783 = vector.broadcast %broadcast_in_dim3A_782 : i32 to vector<16xi32>
        %gather3A_784 = tpu.vector_load_idx %arg17[%add3A_781, %broadcast_in_dim3A_783] : memref<80x144xf32, #tpu.memory_space<vmem>>[vector<16xi32>, vector<16xi32>], vector<16xf32>,
        %get3A_785 = arith.index_cast %add3A_659 : i32 to index
        %get3A_786 = arith.constant 64 : index
        %get3A_787 = tpu.vector_load %arg14[%get3A_785, %get3A_786] {strides = array<i32>} : memref<25x80xi32, #tpu.memory_space<vmem>>, vector<16xi32>,
        %gather3A_788 = tpu.vector_load_idx %arg11[%get3A_787] : memref<10000xf32, #tpu.memory_space<vmem>>[vector<16xi32>], vector<16xf32>,
        %add3A_789 = arith.addf %gather3A_784, %gather3A_788 : vector<16xf32>
        %get3A_790 = arith.index_cast %add3A_659 : i32 to index
        %get3A_791 = arith.constant 64 : index
        %get3A_792 = tpu.vector_load %arg15[%get3A_790, %get3A_791] {strides = array<i32>} : memref<25x80xf32, #tpu.memory_space<vmem>>, vector<16xf32>,
        %add3A_793 = arith.addf %add3A_789, %get3A_792 : vector<16xf32>
        %mul3A_794 = arith.constant 2.000000e-01 : f32
        %mul3A_795 = vector.broadcast %mul3A_794 : f32 to vector<16xf32>
        %mul3A_796 = arith.mulf %mul3A_795, %add3A_793 : vector<16xf32>
        %max3A_797 = arith.maximumf %add3A_793, %mul3A_796 : vector<16xf32>
        %sub3A_798 = arith.subf %max3A_797, %get3A_3 : vector<16xf32>
        %exp3A_799 = math.exp %sub3A_798 : vector<16xf32>
        %swap3A_800 = arith.constant 64 : index
        %swap3A_801 = tpu.vector_load %arg16[%swap3A_800] {strides = array<i32>} : memref<80xf32, #tpu.memory_space<vmem>>, vector<16xf32>,
        tpu.vector_store %arg16[%swap3A_800], %exp3A_799 {strides = array<i32>} : memref<80xf32, #tpu.memory_space<vmem>>, vector<16xf32>,
        %parallel_loop3A_802 = arith.constant 0 : i32
        %parallel_loop3A_803 = arith.constant 80 : i32
        %parallel_loop3A_804 = arith.constant 1 : i32
        scf.for %parallel_loop3A_812 = %parallel_loop3A_802 to %parallel_loop3A_803 step %parallel_loop3A_804  : i32 {
          %parallel_loop3A_813 = arith.constant 0 : i32
          %parallel_loop3A_814 = vector.broadcast %parallel_loop3A_813 : i32 to vector<16xi32>
          %parallel_loop3A_815 = vector.broadcast %parallel_loop3A_812 : i32 to vector<16xi32>
          %parallel_loop3A_816 = arith.addi %parallel_loop3A_814, %parallel_loop3A_815 : vector<16xi32>
          %parallel_loop3A_817 = tpu.vector_load_idx %arg16[%parallel_loop3A_816] : memref<80xf32, #tpu.memory_space<vmem>>[vector<16xi32>], vector<16xf32>,
          %parallel_loop3A_818 = arith.index_cast %parallel_loop3A_812 : i32 to index
          %parallel_loop3A_819 = arith.constant 0 : index
          %parallel_loop3A_820 = tpu.vector_load %arg17[%parallel_loop3A_818, %parallel_loop3A_819] {strides = array<i32>} : memref<80x144xf32, #tpu.memory_space<vmem>>, vector<16xf32>,
          %parallel_loop3A_821 = arith.mulf %parallel_loop3A_820, %parallel_loop3A_817 : vector<16xf32>
          %parallel_loop3A_822 = arith.index_cast %parallel_loop3A_812 : i32 to index
          %parallel_loop3A_823 = arith.constant 0 : index
          %parallel_loop3A_824 = tpu.vector_load %arg17[%parallel_loop3A_822, %parallel_loop3A_823] {strides = array<i32>} : memref<80x144xf32, #tpu.memory_space<vmem>>, vector<16xf32>,
          tpu.vector_store %arg17[%parallel_loop3A_822, %parallel_loop3A_823], %parallel_loop3A_821 {strides = array<i32>} : memref<80x144xf32, #tpu.memory_space<vmem>>, vector<16xf32>,
          %parallel_loop3A_825 = arith.index_cast %parallel_loop3A_812 : i32 to index
          %parallel_loop3A_826 = arith.constant 16 : index
          %parallel_loop3A_827 = tpu.vector_load %arg17[%parallel_loop3A_825, %parallel_loop3A_826] {strides = array<i32>} : memref<80x144xf32, #tpu.memory_space<vmem>>, vector<16xf32>,
          %parallel_loop3A_828 = arith.mulf %parallel_loop3A_827, %parallel_loop3A_817 : vector<16xf32>
          %parallel_loop3A_829 = arith.index_cast %parallel_loop3A_812 : i32 to index
          %parallel_loop3A_830 = arith.constant 16 : index
          %parallel_loop3A_831 = tpu.vector_load %arg17[%parallel_loop3A_829, %parallel_loop3A_830] {strides = array<i32>} : memref<80x144xf32, #tpu.memory_space<vmem>>, vector<16xf32>,
          tpu.vector_store %arg17[%parallel_loop3A_829, %parallel_loop3A_830], %parallel_loop3A_828 {strides = array<i32>} : memref<80x144xf32, #tpu.memory_space<vmem>>, vector<16xf32>,
          %parallel_loop3A_832 = arith.index_cast %parallel_loop3A_812 : i32 to index
          %parallel_loop3A_833 = arith.constant 32 : index
          %parallel_loop3A_834 = tpu.vector_load %arg17[%parallel_loop3A_832, %parallel_loop3A_833] {strides = array<i32>} : memref<80x144xf32, #tpu.memory_space<vmem>>, vector<16xf32>,
          %parallel_loop3A_835 = arith.mulf %parallel_loop3A_834, %parallel_loop3A_817 : vector<16xf32>
          %parallel_loop3A_836 = arith.index_cast %parallel_loop3A_812 : i32 to index
          %parallel_loop3A_837 = arith.constant 32 : index
          %parallel_loop3A_838 = tpu.vector_load %arg17[%parallel_loop3A_836, %parallel_loop3A_837] {strides = array<i32>} : memref<80x144xf32, #tpu.memory_space<vmem>>, vector<16xf32>,
          tpu.vector_store %arg17[%parallel_loop3A_836, %parallel_loop3A_837], %parallel_loop3A_835 {strides = array<i32>} : memref<80x144xf32, #tpu.memory_space<vmem>>, vector<16xf32>,
          %parallel_loop3A_839 = arith.index_cast %parallel_loop3A_812 : i32 to index
          %parallel_loop3A_840 = arith.constant 48 : index
          %parallel_loop3A_841 = tpu.vector_load %arg17[%parallel_loop3A_839, %parallel_loop3A_840] {strides = array<i32>} : memref<80x144xf32, #tpu.memory_space<vmem>>, vector<16xf32>,
          %parallel_loop3A_842 = arith.mulf %parallel_loop3A_841, %parallel_loop3A_817 : vector<16xf32>
          %parallel_loop3A_843 = arith.index_cast %parallel_loop3A_812 : i32 to index
          %parallel_loop3A_844 = arith.constant 48 : index
          %parallel_loop3A_845 = tpu.vector_load %arg17[%parallel_loop3A_843, %parallel_loop3A_844] {strides = array<i32>} : memref<80x144xf32, #tpu.memory_space<vmem>>, vector<16xf32>,
          tpu.vector_store %arg17[%parallel_loop3A_843, %parallel_loop3A_844], %parallel_loop3A_842 {strides = array<i32>} : memref<80x144xf32, #tpu.memory_space<vmem>>, vector<16xf32>,
          %parallel_loop3A_846 = arith.index_cast %parallel_loop3A_812 : i32 to index
          %parallel_loop3A_847 = arith.constant 64 : index
          %parallel_loop3A_848 = tpu.vector_load %arg17[%parallel_loop3A_846, %parallel_loop3A_847] {strides = array<i32>} : memref<80x144xf32, #tpu.memory_space<vmem>>, vector<16xf32>,
          %parallel_loop3A_849 = arith.mulf %parallel_loop3A_848, %parallel_loop3A_817 : vector<16xf32>
          %parallel_loop3A_850 = arith.index_cast %parallel_loop3A_812 : i32 to index
          %parallel_loop3A_851 = arith.constant 64 : index
          %parallel_loop3A_852 = tpu.vector_load %arg17[%parallel_loop3A_850, %parallel_loop3A_851] {strides = array<i32>} : memref<80x144xf32, #tpu.memory_space<vmem>>, vector<16xf32>,
          tpu.vector_store %arg17[%parallel_loop3A_850, %parallel_loop3A_851], %parallel_loop3A_849 {strides = array<i32>} : memref<80x144xf32, #tpu.memory_space<vmem>>, vector<16xf32>,
          %parallel_loop3A_853 = arith.index_cast %parallel_loop3A_812 : i32 to index
          %parallel_loop3A_854 = arith.constant 80 : index
          %parallel_loop3A_855 = tpu.vector_load %arg17[%parallel_loop3A_853, %parallel_loop3A_854] {strides = array<i32>} : memref<80x144xf32, #tpu.memory_space<vmem>>, vector<16xf32>,
          %parallel_loop3A_856 = arith.mulf %parallel_loop3A_855, %parallel_loop3A_817 : vector<16xf32>
          %parallel_loop3A_857 = arith.index_cast %parallel_loop3A_812 : i32 to index
          %parallel_loop3A_858 = arith.constant 80 : index
          %parallel_loop3A_859 = tpu.vector_load %arg17[%parallel_loop3A_857, %parallel_loop3A_858] {strides = array<i32>} : memref<80x144xf32, #tpu.memory_space<vmem>>, vector<16xf32>,
          tpu.vector_store %arg17[%parallel_loop3A_857, %parallel_loop3A_858], %parallel_loop3A_856 {strides = array<i32>} : memref<80x144xf32, #tpu.memory_space<vmem>>, vector<16xf32>,
          %parallel_loop3A_860 = arith.index_cast %parallel_loop3A_812 : i32 to index
          %parallel_loop3A_861 = arith.constant 96 : index
          %parallel_loop3A_862 = tpu.vector_load %arg17[%parallel_loop3A_860, %parallel_loop3A_861] {strides = array<i32>} : memref<80x144xf32, #tpu.memory_space<vmem>>, vector<16xf32>,
          %parallel_loop3A_863 = arith.mulf %parallel_loop3A_862, %parallel_loop3A_817 : vector<16xf32>
          %parallel_loop3A_864 = arith.index_cast %parallel_loop3A_812 : i32 to index
          %parallel_loop3A_865 = arith.constant 96 : index
          %parallel_loop3A_866 = tpu.vector_load %arg17[%parallel_loop3A_864, %parallel_loop3A_865] {strides = array<i32>} : memref<80x144xf32, #tpu.memory_space<vmem>>, vector<16xf32>,
          tpu.vector_store %arg17[%parallel_loop3A_864, %parallel_loop3A_865], %parallel_loop3A_863 {strides = array<i32>} : memref<80x144xf32, #tpu.memory_space<vmem>>, vector<16xf32>,
          %parallel_loop3A_867 = arith.index_cast %parallel_loop3A_812 : i32 to index
          %parallel_loop3A_868 = arith.constant 112 : index
          %parallel_loop3A_869 = tpu.vector_load %arg17[%parallel_loop3A_867, %parallel_loop3A_868] {strides = array<i32>} : memref<80x144xf32, #tpu.memory_space<vmem>>, vector<16xf32>,
          %parallel_loop3A_870 = arith.mulf %parallel_loop3A_869, %parallel_loop3A_817 : vector<16xf32>
          %parallel_loop3A_871 = arith.index_cast %parallel_loop3A_812 : i32 to index
          %parallel_loop3A_872 = arith.constant 112 : index
          %parallel_loop3A_873 = tpu.vector_load %arg17[%parallel_loop3A_871, %parallel_loop3A_872] {strides = array<i32>} : memref<80x144xf32, #tpu.memory_space<vmem>>, vector<16xf32>,
          tpu.vector_store %arg17[%parallel_loop3A_871, %parallel_loop3A_872], %parallel_loop3A_870 {strides = array<i32>} : memref<80x144xf32, #tpu.memory_space<vmem>>, vector<16xf32>,
          %parallel_loop3A_874 = arith.index_cast %parallel_loop3A_812 : i32 to index
          %parallel_loop3A_875 = arith.constant 128 : index
          %parallel_loop3A_876 = tpu.vector_load %arg17[%parallel_loop3A_874, %parallel_loop3A_875] {strides = array<i32>} : memref<80x144xf32, #tpu.memory_space<vmem>>, vector<16xf32>,
          %parallel_loop3A_877 = arith.mulf %parallel_loop3A_876, %parallel_loop3A_817 : vector<16xf32>
          %parallel_loop3A_878 = arith.index_cast %parallel_loop3A_812 : i32 to index
          %parallel_loop3A_879 = arith.constant 128 : index
          %parallel_loop3A_880 = tpu.vector_load %arg17[%parallel_loop3A_878, %parallel_loop3A_879] {strides = array<i32>} : memref<80x144xf32, #tpu.memory_space<vmem>>, vector<16xf32>,
          tpu.vector_store %arg17[%parallel_loop3A_878, %parallel_loop3A_879], %parallel_loop3A_877 {strides = array<i32>} : memref<80x144xf32, #tpu.memory_space<vmem>>, vector<16xf32>,
        } {sc.loop_unroll_factor = 2 : i64, sc.parallel_access}
        %dma_start3A_805 = arith.constant 0 : i32
        %dma_start3A_806 = tpu.memref_slice %arg14[%add3A_659, %dma_start3A_805] : memref<25x80xi32, #tpu.memory_space<vmem>> -> memref<1x80xi32, #tpu.memory_space<vmem>>
        %dma_start3A_807 = tpu.memref_squeeze %dma_start3A_806 : memref<1x80xi32, #tpu.memory_space<vmem>> -> memref<80xi32, #tpu.memory_space<vmem>>
        %dma_start3A_808 = arith.constant 0 : i32
        %dma_start3A_809 = arith.constant 0 : i32
        %dma_start3A_810 = tpu.memref_slice %arg10[%dma_start3A_808, %dma_start3A_809] : memref<10000x144xf32, #tpu.memory_space<vmem_shared>> -> memref<10000x144xf32, #tpu.memory_space<vmem_shared>>
        tpu.enqueue_indirect_dma source(%arg17 : memref<80x144xf32, #tpu.memory_space<vmem>>) target(%dma_start3A_810 : memref<10000x144xf32, #tpu.memory_space<vmem_shared>>) offsets(%dma_start3A_807 : memref<80xi32, #tpu.memory_space<vmem>>) semaphore(%arg21 : memref<!tpu.dma_semaphore, #tpu.memory_space<semaphore_mem>>) {add = true}
        %scan3A_811 = arith.constant 0 : i32
        scf.yield %scan3A_811 : i32
      }
      %scan3A_175 = arith.constant 11 : i32
      %dma_wait3A_176 = arith.constant 23 : i32
      %dma_wait3A_177 = arith.constant 0 : i32
      %dma_wait3A_178 = tpu.memref_slice %arg13[%dma_wait3A_176, %dma_wait3A_177] : memref<25x80xi32, #tpu.memory_space<vmem>> -> memref<1x80xi32, #tpu.memory_space<vmem>>
      %dma_wait3A_179 = tpu.memref_squeeze %dma_wait3A_178 : memref<1x80xi32, #tpu.memory_space<vmem>> -> memref<80xi32, #tpu.memory_space<vmem>>
      %dma_wait3A_180 = arith.constant 0 : i32
      %dma_wait3A_181 = arith.constant 0 : i32
      %dma_wait3A_182 = tpu.memref_slice %arg2[%dma_wait3A_180, %dma_wait3A_181] : memref<10000x144xf32, #tpu.memory_space<hbm>> -> memref<10000x144xf32, #tpu.memory_space<hbm>>
      tpu.wait_indirect_dma semaphore(%arg20 : memref<!tpu.dma_semaphore, #tpu.memory_space<semaphore_mem>>) src(%dma_wait3A_182 : memref<10000x144xf32, #tpu.memory_space<hbm>>) dst(%arg18 : memref<80x144xf32, #tpu.memory_space<vmem>>)
      %dma_wait3A_183 = arith.constant 22 : i32
      %dma_wait3A_184 = arith.constant 0 : i32
      %dma_wait3A_185 = tpu.memref_slice %arg14[%dma_wait3A_183, %dma_wait3A_184] : memref<25x80xi32, #tpu.memory_space<vmem>> -> memref<1x80xi32, #tpu.memory_space<vmem>>
      %dma_wait3A_186 = tpu.memref_squeeze %dma_wait3A_185 : memref<1x80xi32, #tpu.memory_space<vmem>> -> memref<80xi32, #tpu.memory_space<vmem>>
      %dma_wait3A_187 = arith.constant 0 : i32
      %dma_wait3A_188 = arith.constant 0 : i32
      %dma_wait3A_189 = tpu.memref_slice %arg10[%dma_wait3A_187, %dma_wait3A_188] : memref<10000x144xf32, #tpu.memory_space<vmem_shared>> -> memref<10000x144xf32, #tpu.memory_space<vmem_shared>>
      tpu.wait_indirect_dma semaphore(%arg21 : memref<!tpu.dma_semaphore, #tpu.memory_space<semaphore_mem>>) src(%arg17 : memref<80x144xf32, #tpu.memory_space<vmem>>) dst(%dma_wait3A_189 : memref<10000x144xf32, #tpu.memory_space<vmem_shared>>)
      %dma_start3A_190 = arith.constant 24 : i32
      %dma_start3A_191 = arith.constant 0 : i32
      %dma_start3A_192 = tpu.memref_slice %arg13[%dma_start3A_190, %dma_start3A_191] : memref<25x80xi32, #tpu.memory_space<vmem>> -> memref<1x80xi32, #tpu.memory_space<vmem>>
      %dma_start3A_193 = tpu.memref_squeeze %dma_start3A_192 : memref<1x80xi32, #tpu.memory_space<vmem>> -> memref<80xi32, #tpu.memory_space<vmem>>
      %dma_start3A_194 = arith.constant 0 : i32
      %dma_start3A_195 = arith.constant 0 : i32
      %dma_start3A_196 = tpu.memref_slice %arg2[%dma_start3A_194, %dma_start3A_195] : memref<10000x144xf32, #tpu.memory_space<hbm>> -> memref<10000x144xf32, #tpu.memory_space<hbm>>
      tpu.enqueue_indirect_dma source(%dma_start3A_196 : memref<10000x144xf32, #tpu.memory_space<hbm>>) target(%arg17 : memref<80x144xf32, #tpu.memory_space<vmem>>) offsets(%dma_start3A_193 : memref<80xi32, #tpu.memory_space<vmem>>) semaphore(%arg19 : memref<!tpu.dma_semaphore, #tpu.memory_space<semaphore_mem>>)
      %iota3A_197 = tpu.iota {dimensions = array<i32: 0>} : vector<16xi32>
      %add3A_198 = arith.constant 0 : i32
      %add3A_199 = vector.broadcast %add3A_198 : i32 to vector<16xi32>
      %add3A_200 = arith.addi %add3A_199, %iota3A_197 : vector<16xi32>
      %broadcast_in_dim3A_201 = arith.constant 128 : i32
      %broadcast_in_dim3A_202 = vector.broadcast %broadcast_in_dim3A_201 : i32 to vector<16xi32>
      %gather3A_203 = tpu.vector_load_idx %arg18[%add3A_200, %broadcast_in_dim3A_202] : memref<80x144xf32, #tpu.memory_space<vmem>>[vector<16xi32>, vector<16xi32>], vector<16xf32>,
      %get3A_204 = arith.constant 23 : i32
      %get3A_205 = arith.index_cast %get3A_204 : i32 to index
      %get3A_206 = arith.constant 0 : index
      %get3A_207 = tpu.vector_load %arg14[%get3A_205, %get3A_206] {strides = array<i32>} : memref<25x80xi32, #tpu.memory_space<vmem>>, vector<16xi32>,
      %gather3A_208 = tpu.vector_load_idx %arg11[%get3A_207] : memref<10000xf32, #tpu.memory_space<vmem>>[vector<16xi32>], vector<16xf32>,
      %add3A_209 = arith.addf %gather3A_203, %gather3A_208 : vector<16xf32>
      %get3A_210 = arith.constant 23 : i32
      %get3A_211 = arith.index_cast %get3A_210 : i32 to index
      %get3A_212 = arith.constant 0 : index
      %get3A_213 = tpu.vector_load %arg15[%get3A_211, %get3A_212] {strides = array<i32>} : memref<25x80xf32, #tpu.memory_space<vmem>>, vector<16xf32>,
      %add3A_214 = arith.addf %add3A_209, %get3A_213 : vector<16xf32>
      %mul3A_215 = arith.constant 2.000000e-01 : f32
      %mul3A_216 = vector.broadcast %mul3A_215 : f32 to vector<16xf32>
      %mul3A_217 = arith.mulf %mul3A_216, %add3A_214 : vector<16xf32>
      %max3A_218 = arith.maximumf %add3A_214, %mul3A_217 : vector<16xf32>
      %sub3A_219 = arith.subf %max3A_218, %get3A_3 : vector<16xf32>
      %exp3A_220 = math.exp %sub3A_219 : vector<16xf32>
      %swap3A_221 = arith.constant 0 : index
      %swap3A_222 = tpu.vector_load %arg16[%swap3A_221] {strides = array<i32>} : memref<80xf32, #tpu.memory_space<vmem>>, vector<16xf32>,
      tpu.vector_store %arg16[%swap3A_221], %exp3A_220 {strides = array<i32>} : memref<80xf32, #tpu.memory_space<vmem>>, vector<16xf32>,
      %iota3A_223 = tpu.iota {dimensions = array<i32: 0>} : vector<16xi32>
      %add3A_224 = arith.constant 16 : i32
      %add3A_225 = vector.broadcast %add3A_224 : i32 to vector<16xi32>
      %add3A_226 = arith.addi %add3A_225, %iota3A_223 : vector<16xi32>
      %broadcast_in_dim3A_227 = arith.constant 128 : i32
      %broadcast_in_dim3A_228 = vector.broadcast %broadcast_in_dim3A_227 : i32 to vector<16xi32>
      %gather3A_229 = tpu.vector_load_idx %arg18[%add3A_226, %broadcast_in_dim3A_228] : memref<80x144xf32, #tpu.memory_space<vmem>>[vector<16xi32>, vector<16xi32>], vector<16xf32>,
      %get3A_230 = arith.constant 23 : i32
      %get3A_231 = arith.index_cast %get3A_230 : i32 to index
      %get3A_232 = arith.constant 16 : index
      %get3A_233 = tpu.vector_load %arg14[%get3A_231, %get3A_232] {strides = array<i32>} : memref<25x80xi32, #tpu.memory_space<vmem>>, vector<16xi32>,
      %gather3A_234 = tpu.vector_load_idx %arg11[%get3A_233] : memref<10000xf32, #tpu.memory_space<vmem>>[vector<16xi32>], vector<16xf32>,
      %add3A_235 = arith.addf %gather3A_229, %gather3A_234 : vector<16xf32>
      %get3A_236 = arith.constant 23 : i32
      %get3A_237 = arith.index_cast %get3A_236 : i32 to index
      %get3A_238 = arith.constant 16 : index
      %get3A_239 = tpu.vector_load %arg15[%get3A_237, %get3A_238] {strides = array<i32>} : memref<25x80xf32, #tpu.memory_space<vmem>>, vector<16xf32>,
      %add3A_240 = arith.addf %add3A_235, %get3A_239 : vector<16xf32>
      %mul3A_241 = arith.constant 2.000000e-01 : f32
      %mul3A_242 = vector.broadcast %mul3A_241 : f32 to vector<16xf32>
      %mul3A_243 = arith.mulf %mul3A_242, %add3A_240 : vector<16xf32>
      %max3A_244 = arith.maximumf %add3A_240, %mul3A_243 : vector<16xf32>
      %sub3A_245 = arith.subf %max3A_244, %get3A_3 : vector<16xf32>
      %exp3A_246 = math.exp %sub3A_245 : vector<16xf32>
      %swap3A_247 = arith.constant 16 : index
      %swap3A_248 = tpu.vector_load %arg16[%swap3A_247] {strides = array<i32>} : memref<80xf32, #tpu.memory_space<vmem>>, vector<16xf32>,
      tpu.vector_store %arg16[%swap3A_247], %exp3A_246 {strides = array<i32>} : memref<80xf32, #tpu.memory_space<vmem>>, vector<16xf32>,
      %iota3A_249 = tpu.iota {dimensions = array<i32: 0>} : vector<16xi32>
      %add3A_250 = arith.constant 32 : i32
      %add3A_251 = vector.broadcast %add3A_250 : i32 to vector<16xi32>
      %add3A_252 = arith.addi %add3A_251, %iota3A_249 : vector<16xi32>
      %broadcast_in_dim3A_253 = arith.constant 128 : i32
      %broadcast_in_dim3A_254 = vector.broadcast %broadcast_in_dim3A_253 : i32 to vector<16xi32>
      %gather3A_255 = tpu.vector_load_idx %arg18[%add3A_252, %broadcast_in_dim3A_254] : memref<80x144xf32, #tpu.memory_space<vmem>>[vector<16xi32>, vector<16xi32>], vector<16xf32>,
      %get3A_256 = arith.constant 23 : i32
      %get3A_257 = arith.index_cast %get3A_256 : i32 to index
      %get3A_258 = arith.constant 32 : index
      %get3A_259 = tpu.vector_load %arg14[%get3A_257, %get3A_258] {strides = array<i32>} : memref<25x80xi32, #tpu.memory_space<vmem>>, vector<16xi32>,
      %gather3A_260 = tpu.vector_load_idx %arg11[%get3A_259] : memref<10000xf32, #tpu.memory_space<vmem>>[vector<16xi32>], vector<16xf32>,
      %add3A_261 = arith.addf %gather3A_255, %gather3A_260 : vector<16xf32>
      %get3A_262 = arith.constant 23 : i32
      %get3A_263 = arith.index_cast %get3A_262 : i32 to index
      %get3A_264 = arith.constant 32 : index
      %get3A_265 = tpu.vector_load %arg15[%get3A_263, %get3A_264] {strides = array<i32>} : memref<25x80xf32, #tpu.memory_space<vmem>>, vector<16xf32>,
      %add3A_266 = arith.addf %add3A_261, %get3A_265 : vector<16xf32>
      %mul3A_267 = arith.constant 2.000000e-01 : f32
      %mul3A_268 = vector.broadcast %mul3A_267 : f32 to vector<16xf32>
      %mul3A_269 = arith.mulf %mul3A_268, %add3A_266 : vector<16xf32>
      %max3A_270 = arith.maximumf %add3A_266, %mul3A_269 : vector<16xf32>
      %sub3A_271 = arith.subf %max3A_270, %get3A_3 : vector<16xf32>
      %exp3A_272 = math.exp %sub3A_271 : vector<16xf32>
      %swap3A_273 = arith.constant 32 : index
      %swap3A_274 = tpu.vector_load %arg16[%swap3A_273] {strides = array<i32>} : memref<80xf32, #tpu.memory_space<vmem>>, vector<16xf32>,
      tpu.vector_store %arg16[%swap3A_273], %exp3A_272 {strides = array<i32>} : memref<80xf32, #tpu.memory_space<vmem>>, vector<16xf32>,
      %iota3A_275 = tpu.iota {dimensions = array<i32: 0>} : vector<16xi32>
      %add3A_276 = arith.constant 48 : i32
      %add3A_277 = vector.broadcast %add3A_276 : i32 to vector<16xi32>
      %add3A_278 = arith.addi %add3A_277, %iota3A_275 : vector<16xi32>
      %broadcast_in_dim3A_279 = arith.constant 128 : i32
      %broadcast_in_dim3A_280 = vector.broadcast %broadcast_in_dim3A_279 : i32 to vector<16xi32>
      %gather3A_281 = tpu.vector_load_idx %arg18[%add3A_278, %broadcast_in_dim3A_280] : memref<80x144xf32, #tpu.memory_space<vmem>>[vector<16xi32>, vector<16xi32>], vector<16xf32>,
      %get3A_282 = arith.constant 23 : i32
      %get3A_283 = arith.index_cast %get3A_282 : i32 to index
      %get3A_284 = arith.constant 48 : index
      %get3A_285 = tpu.vector_load %arg14[%get3A_283, %get3A_284] {strides = array<i32>} : memref<25x80xi32, #tpu.memory_space<vmem>>, vector<16xi32>,
      %gather3A_286 = tpu.vector_load_idx %arg11[%get3A_285] : memref<10000xf32, #tpu.memory_space<vmem>>[vector<16xi32>], vector<16xf32>,
      %add3A_287 = arith.addf %gather3A_281, %gather3A_286 : vector<16xf32>
      %get3A_288 = arith.constant 23 : i32
      %get3A_289 = arith.index_cast %get3A_288 : i32 to index
      %get3A_290 = arith.constant 48 : index
      %get3A_291 = tpu.vector_load %arg15[%get3A_289, %get3A_290] {strides = array<i32>} : memref<25x80xf32, #tpu.memory_space<vmem>>, vector<16xf32>,
      %add3A_292 = arith.addf %add3A_287, %get3A_291 : vector<16xf32>
      %mul3A_293 = arith.constant 2.000000e-01 : f32
      %mul3A_294 = vector.broadcast %mul3A_293 : f32 to vector<16xf32>
      %mul3A_295 = arith.mulf %mul3A_294, %add3A_292 : vector<16xf32>
      %max3A_296 = arith.maximumf %add3A_292, %mul3A_295 : vector<16xf32>
      %sub3A_297 = arith.subf %max3A_296, %get3A_3 : vector<16xf32>
      %exp3A_298 = math.exp %sub3A_297 : vector<16xf32>
      %swap3A_299 = arith.constant 48 : index
      %swap3A_300 = tpu.vector_load %arg16[%swap3A_299] {strides = array<i32>} : memref<80xf32, #tpu.memory_space<vmem>>, vector<16xf32>,
      tpu.vector_store %arg16[%swap3A_299], %exp3A_298 {strides = array<i32>} : memref<80xf32, #tpu.memory_space<vmem>>, vector<16xf32>,
      %iota3A_301 = tpu.iota {dimensions = array<i32: 0>} : vector<16xi32>
      %add3A_302 = arith.constant 64 : i32
      %add3A_303 = vector.broadcast %add3A_302 : i32 to vector<16xi32>
      %add3A_304 = arith.addi %add3A_303, %iota3A_301 : vector<16xi32>
      %broadcast_in_dim3A_305 = arith.constant 128 : i32
      %broadcast_in_dim3A_306 = vector.broadcast %broadcast_in_dim3A_305 : i32 to vector<16xi32>
      %gather3A_307 = tpu.vector_load_idx %arg18[%add3A_304, %broadcast_in_dim3A_306] : memref<80x144xf32, #tpu.memory_space<vmem>>[vector<16xi32>, vector<16xi32>], vector<16xf32>,
      %get3A_308 = arith.constant 23 : i32
      %get3A_309 = arith.index_cast %get3A_308 : i32 to index
      %get3A_310 = arith.constant 64 : index
      %get3A_311 = tpu.vector_load %arg14[%get3A_309, %get3A_310] {strides = array<i32>} : memref<25x80xi32, #tpu.memory_space<vmem>>, vector<16xi32>,
      %gather3A_312 = tpu.vector_load_idx %arg11[%get3A_311] : memref<10000xf32, #tpu.memory_space<vmem>>[vector<16xi32>], vector<16xf32>,
      %add3A_313 = arith.addf %gather3A_307, %gather3A_312 : vector<16xf32>
      %get3A_314 = arith.constant 23 : i32
      %get3A_315 = arith.index_cast %get3A_314 : i32 to index
      %get3A_316 = arith.constant 64 : index
      %get3A_317 = tpu.vector_load %arg15[%get3A_315, %get3A_316] {strides = array<i32>} : memref<25x80xf32, #tpu.memory_space<vmem>>, vector<16xf32>,
      %add3A_318 = arith.addf %add3A_313, %get3A_317 : vector<16xf32>
      %mul3A_319 = arith.constant 2.000000e-01 : f32
      %mul3A_320 = vector.broadcast %mul3A_319 : f32 to vector<16xf32>
      %mul3A_321 = arith.mulf %mul3A_320, %add3A_318 : vector<16xf32>
      %max3A_322 = arith.maximumf %add3A_318, %mul3A_321 : vector<16xf32>
      %sub3A_323 = arith.subf %max3A_322, %get3A_3 : vector<16xf32>
      %exp3A_324 = math.exp %sub3A_323 : vector<16xf32>
      %swap3A_325 = arith.constant 64 : index
      %swap3A_326 = tpu.vector_load %arg16[%swap3A_325] {strides = array<i32>} : memref<80xf32, #tpu.memory_space<vmem>>, vector<16xf32>,
      tpu.vector_store %arg16[%swap3A_325], %exp3A_324 {strides = array<i32>} : memref<80xf32, #tpu.memory_space<vmem>>, vector<16xf32>,
      %parallel_loop3A_327 = arith.constant 0 : i32
      %parallel_loop3A_328 = arith.constant 80 : i32
      %parallel_loop3A_329 = arith.constant 1 : i32
      scf.for %parallel_loop3A_499 = %parallel_loop3A_327 to %parallel_loop3A_328 step %parallel_loop3A_329  : i32 {
        %parallel_loop3A_500 = arith.constant 0 : i32
        %parallel_loop3A_501 = vector.broadcast %parallel_loop3A_500 : i32 to vector<16xi32>
        %parallel_loop3A_502 = vector.broadcast %parallel_loop3A_499 : i32 to vector<16xi32>
        %parallel_loop3A_503 = arith.addi %parallel_loop3A_501, %parallel_loop3A_502 : vector<16xi32>
        %parallel_loop3A_504 = tpu.vector_load_idx %arg16[%parallel_loop3A_503] : memref<80xf32, #tpu.memory_space<vmem>>[vector<16xi32>], vector<16xf32>,
        %parallel_loop3A_505 = arith.index_cast %parallel_loop3A_499 : i32 to index
        %parallel_loop3A_506 = arith.constant 0 : index
        %parallel_loop3A_507 = tpu.vector_load %arg18[%parallel_loop3A_505, %parallel_loop3A_506] {strides = array<i32>} : memref<80x144xf32, #tpu.memory_space<vmem>>, vector<16xf32>,
        %parallel_loop3A_508 = arith.mulf %parallel_loop3A_507, %parallel_loop3A_504 : vector<16xf32>
        %parallel_loop3A_509 = arith.index_cast %parallel_loop3A_499 : i32 to index
        %parallel_loop3A_510 = arith.constant 0 : index
        %parallel_loop3A_511 = tpu.vector_load %arg18[%parallel_loop3A_509, %parallel_loop3A_510] {strides = array<i32>} : memref<80x144xf32, #tpu.memory_space<vmem>>, vector<16xf32>,
        tpu.vector_store %arg18[%parallel_loop3A_509, %parallel_loop3A_510], %parallel_loop3A_508 {strides = array<i32>} : memref<80x144xf32, #tpu.memory_space<vmem>>, vector<16xf32>,
        %parallel_loop3A_512 = arith.index_cast %parallel_loop3A_499 : i32 to index
        %parallel_loop3A_513 = arith.constant 16 : index
        %parallel_loop3A_514 = tpu.vector_load %arg18[%parallel_loop3A_512, %parallel_loop3A_513] {strides = array<i32>} : memref<80x144xf32, #tpu.memory_space<vmem>>, vector<16xf32>,
        %parallel_loop3A_515 = arith.mulf %parallel_loop3A_514, %parallel_loop3A_504 : vector<16xf32>
        %parallel_loop3A_516 = arith.index_cast %parallel_loop3A_499 : i32 to index
        %parallel_loop3A_517 = arith.constant 16 : index
        %parallel_loop3A_518 = tpu.vector_load %arg18[%parallel_loop3A_516, %parallel_loop3A_517] {strides = array<i32>} : memref<80x144xf32, #tpu.memory_space<vmem>>, vector<16xf32>,
        tpu.vector_store %arg18[%parallel_loop3A_516, %parallel_loop3A_517], %parallel_loop3A_515 {strides = array<i32>} : memref<80x144xf32, #tpu.memory_space<vmem>>, vector<16xf32>,
        %parallel_loop3A_519 = arith.index_cast %parallel_loop3A_499 : i32 to index
        %parallel_loop3A_520 = arith.constant 32 : index
        %parallel_loop3A_521 = tpu.vector_load %arg18[%parallel_loop3A_519, %parallel_loop3A_520] {strides = array<i32>} : memref<80x144xf32, #tpu.memory_space<vmem>>, vector<16xf32>,
        %parallel_loop3A_522 = arith.mulf %parallel_loop3A_521, %parallel_loop3A_504 : vector<16xf32>
        %parallel_loop3A_523 = arith.index_cast %parallel_loop3A_499 : i32 to index
        %parallel_loop3A_524 = arith.constant 32 : index
        %parallel_loop3A_525 = tpu.vector_load %arg18[%parallel_loop3A_523, %parallel_loop3A_524] {strides = array<i32>} : memref<80x144xf32, #tpu.memory_space<vmem>>, vector<16xf32>,
        tpu.vector_store %arg18[%parallel_loop3A_523, %parallel_loop3A_524], %parallel_loop3A_522 {strides = array<i32>} : memref<80x144xf32, #tpu.memory_space<vmem>>, vector<16xf32>,
        %parallel_loop3A_526 = arith.index_cast %parallel_loop3A_499 : i32 to index
        %parallel_loop3A_527 = arith.constant 48 : index
        %parallel_loop3A_528 = tpu.vector_load %arg18[%parallel_loop3A_526, %parallel_loop3A_527] {strides = array<i32>} : memref<80x144xf32, #tpu.memory_space<vmem>>, vector<16xf32>,
        %parallel_loop3A_529 = arith.mulf %parallel_loop3A_528, %parallel_loop3A_504 : vector<16xf32>
        %parallel_loop3A_530 = arith.index_cast %parallel_loop3A_499 : i32 to index
        %parallel_loop3A_531 = arith.constant 48 : index
        %parallel_loop3A_532 = tpu.vector_load %arg18[%parallel_loop3A_530, %parallel_loop3A_531] {strides = array<i32>} : memref<80x144xf32, #tpu.memory_space<vmem>>, vector<16xf32>,
        tpu.vector_store %arg18[%parallel_loop3A_530, %parallel_loop3A_531], %parallel_loop3A_529 {strides = array<i32>} : memref<80x144xf32, #tpu.memory_space<vmem>>, vector<16xf32>,
        %parallel_loop3A_533 = arith.index_cast %parallel_loop3A_499 : i32 to index
        %parallel_loop3A_534 = arith.constant 64 : index
        %parallel_loop3A_535 = tpu.vector_load %arg18[%parallel_loop3A_533, %parallel_loop3A_534] {strides = array<i32>} : memref<80x144xf32, #tpu.memory_space<vmem>>, vector<16xf32>,
        %parallel_loop3A_536 = arith.mulf %parallel_loop3A_535, %parallel_loop3A_504 : vector<16xf32>
        %parallel_loop3A_537 = arith.index_cast %parallel_loop3A_499 : i32 to index
        %parallel_loop3A_538 = arith.constant 64 : index
        %parallel_loop3A_539 = tpu.vector_load %arg18[%parallel_loop3A_537, %parallel_loop3A_538] {strides = array<i32>} : memref<80x144xf32, #tpu.memory_space<vmem>>, vector<16xf32>,
        tpu.vector_store %arg18[%parallel_loop3A_537, %parallel_loop3A_538], %parallel_loop3A_536 {strides = array<i32>} : memref<80x144xf32, #tpu.memory_space<vmem>>, vector<16xf32>,
        %parallel_loop3A_540 = arith.index_cast %parallel_loop3A_499 : i32 to index
        %parallel_loop3A_541 = arith.constant 80 : index
        %parallel_loop3A_542 = tpu.vector_load %arg18[%parallel_loop3A_540, %parallel_loop3A_541] {strides = array<i32>} : memref<80x144xf32, #tpu.memory_space<vmem>>, vector<16xf32>,
        %parallel_loop3A_543 = arith.mulf %parallel_loop3A_542, %parallel_loop3A_504 : vector<16xf32>
        %parallel_loop3A_544 = arith.index_cast %parallel_loop3A_499 : i32 to index
        %parallel_loop3A_545 = arith.constant 80 : index
        %parallel_loop3A_546 = tpu.vector_load %arg18[%parallel_loop3A_544, %parallel_loop3A_545] {strides = array<i32>} : memref<80x144xf32, #tpu.memory_space<vmem>>, vector<16xf32>,
        tpu.vector_store %arg18[%parallel_loop3A_544, %parallel_loop3A_545], %parallel_loop3A_543 {strides = array<i32>} : memref<80x144xf32, #tpu.memory_space<vmem>>, vector<16xf32>,
        %parallel_loop3A_547 = arith.index_cast %parallel_loop3A_499 : i32 to index
        %parallel_loop3A_548 = arith.constant 96 : index
        %parallel_loop3A_549 = tpu.vector_load %arg18[%parallel_loop3A_547, %parallel_loop3A_548] {strides = array<i32>} : memref<80x144xf32, #tpu.memory_space<vmem>>, vector<16xf32>,
        %parallel_loop3A_550 = arith.mulf %parallel_loop3A_549, %parallel_loop3A_504 : vector<16xf32>
        %parallel_loop3A_551 = arith.index_cast %parallel_loop3A_499 : i32 to index
        %parallel_loop3A_552 = arith.constant 96 : index
        %parallel_loop3A_553 = tpu.vector_load %arg18[%parallel_loop3A_551, %parallel_loop3A_552] {strides = array<i32>} : memref<80x144xf32, #tpu.memory_space<vmem>>, vector<16xf32>,
        tpu.vector_store %arg18[%parallel_loop3A_551, %parallel_loop3A_552], %parallel_loop3A_550 {strides = array<i32>} : memref<80x144xf32, #tpu.memory_space<vmem>>, vector<16xf32>,
        %parallel_loop3A_554 = arith.index_cast %parallel_loop3A_499 : i32 to index
        %parallel_loop3A_555 = arith.constant 112 : index
        %parallel_loop3A_556 = tpu.vector_load %arg18[%parallel_loop3A_554, %parallel_loop3A_555] {strides = array<i32>} : memref<80x144xf32, #tpu.memory_space<vmem>>, vector<16xf32>,
        %parallel_loop3A_557 = arith.mulf %parallel_loop3A_556, %parallel_loop3A_504 : vector<16xf32>
        %parallel_loop3A_558 = arith.index_cast %parallel_loop3A_499 : i32 to index
        %parallel_loop3A_559 = arith.constant 112 : index
        %parallel_loop3A_560 = tpu.vector_load %arg18[%parallel_loop3A_558, %parallel_loop3A_559] {strides = array<i32>} : memref<80x144xf32, #tpu.memory_space<vmem>>, vector<16xf32>,
        tpu.vector_store %arg18[%parallel_loop3A_558, %parallel_loop3A_559], %parallel_loop3A_557 {strides = array<i32>} : memref<80x144xf32, #tpu.memory_space<vmem>>, vector<16xf32>,
        %parallel_loop3A_561 = arith.index_cast %parallel_loop3A_499 : i32 to index
        %parallel_loop3A_562 = arith.constant 128 : index
        %parallel_loop3A_563 = tpu.vector_load %arg18[%parallel_loop3A_561, %parallel_loop3A_562] {strides = array<i32>} : memref<80x144xf32, #tpu.memory_space<vmem>>, vector<16xf32>,
        %parallel_loop3A_564 = arith.mulf %parallel_loop3A_563, %parallel_loop3A_504 : vector<16xf32>
        %parallel_loop3A_565 = arith.index_cast %parallel_loop3A_499 : i32 to index
        %parallel_loop3A_566 = arith.constant 128 : index
        %parallel_loop3A_567 = tpu.vector_load %arg18[%parallel_loop3A_565, %parallel_loop3A_566] {strides = array<i32>} : memref<80x144xf32, #tpu.memory_space<vmem>>, vector<16xf32>,
        tpu.vector_store %arg18[%parallel_loop3A_565, %parallel_loop3A_566], %parallel_loop3A_564 {strides = array<i32>} : memref<80x144xf32, #tpu.memory_space<vmem>>, vector<16xf32>,
      } {sc.loop_unroll_factor = 2 : i64, sc.parallel_access}
      %dma_start3A_330 = arith.constant 23 : i32
      %dma_start3A_331 = arith.constant 0 : i32
      %dma_start3A_332 = tpu.memref_slice %arg14[%dma_start3A_330, %dma_start3A_331] : memref<25x80xi32, #tpu.memory_space<vmem>> -> memref<1x80xi32, #tpu.memory_space<vmem>>
      %dma_start3A_333 = tpu.memref_squeeze %dma_start3A_332 : memref<1x80xi32, #tpu.memory_space<vmem>> -> memref<80xi32, #tpu.memory_space<vmem>>
      %dma_start3A_334 = arith.constant 0 : i32
      %dma_start3A_335 = arith.constant 0 : i32
      %dma_start3A_336 = tpu.memref_slice %arg10[%dma_start3A_334, %dma_start3A_335] : memref<10000x144xf32, #tpu.memory_space<vmem_shared>> -> memref<10000x144xf32, #tpu.memory_space<vmem_shared>>
      tpu.enqueue_indirect_dma source(%arg18 : memref<80x144xf32, #tpu.memory_space<vmem>>) target(%dma_start3A_336 : memref<10000x144xf32, #tpu.memory_space<vmem_shared>>) offsets(%dma_start3A_333 : memref<80xi32, #tpu.memory_space<vmem>>) semaphore(%arg22 : memref<!tpu.dma_semaphore, #tpu.memory_space<semaphore_mem>>) {add = true}
      %dma_wait3A_337 = arith.constant 24 : i32
      %dma_wait3A_338 = arith.constant 0 : i32
      %dma_wait3A_339 = tpu.memref_slice %arg13[%dma_wait3A_337, %dma_wait3A_338] : memref<25x80xi32, #tpu.memory_space<vmem>> -> memref<1x80xi32, #tpu.memory_space<vmem>>
      %dma_wait3A_340 = tpu.memref_squeeze %dma_wait3A_339 : memref<1x80xi32, #tpu.memory_space<vmem>> -> memref<80xi32, #tpu.memory_space<vmem>>
      %dma_wait3A_341 = arith.constant 0 : i32
      %dma_wait3A_342 = arith.constant 0 : i32
      %dma_wait3A_343 = tpu.memref_slice %arg2[%dma_wait3A_341, %dma_wait3A_342] : memref<10000x144xf32, #tpu.memory_space<hbm>> -> memref<10000x144xf32, #tpu.memory_space<hbm>>
      tpu.wait_indirect_dma semaphore(%arg19 : memref<!tpu.dma_semaphore, #tpu.memory_space<semaphore_mem>>) src(%dma_wait3A_343 : memref<10000x144xf32, #tpu.memory_space<hbm>>) dst(%arg17 : memref<80x144xf32, #tpu.memory_space<vmem>>)
      %iota3A_344 = tpu.iota {dimensions = array<i32: 0>} : vector<16xi32>
      %add3A_345 = arith.constant 0 : i32
      %add3A_346 = vector.broadcast %add3A_345 : i32 to vector<16xi32>
      %add3A_347 = arith.addi %add3A_346, %iota3A_344 : vector<16xi32>
      %broadcast_in_dim3A_348 = arith.constant 128 : i32
      %broadcast_in_dim3A_349 = vector.broadcast %broadcast_in_dim3A_348 : i32 to vector<16xi32>
      %gather3A_350 = tpu.vector_load_idx %arg17[%add3A_347, %broadcast_in_dim3A_349] : memref<80x144xf32, #tpu.memory_space<vmem>>[vector<16xi32>, vector<16xi32>], vector<16xf32>,
      %get3A_351 = arith.constant 24 : i32
      %get3A_352 = arith.index_cast %get3A_351 : i32 to index
      %get3A_353 = arith.constant 0 : index
      %get3A_354 = tpu.vector_load %arg14[%get3A_352, %get3A_353] {strides = array<i32>} : memref<25x80xi32, #tpu.memory_space<vmem>>, vector<16xi32>,
      %gather3A_355 = tpu.vector_load_idx %arg11[%get3A_354] : memref<10000xf32, #tpu.memory_space<vmem>>[vector<16xi32>], vector<16xf32>,
      %add3A_356 = arith.addf %gather3A_350, %gather3A_355 : vector<16xf32>
      %get3A_357 = arith.constant 24 : i32
      %get3A_358 = arith.index_cast %get3A_357 : i32 to index
      %get3A_359 = arith.constant 0 : index
      %get3A_360 = tpu.vector_load %arg15[%get3A_358, %get3A_359] {strides = array<i32>} : memref<25x80xf32, #tpu.memory_space<vmem>>, vector<16xf32>,
      %add3A_361 = arith.addf %add3A_356, %get3A_360 : vector<16xf32>
      %mul3A_362 = arith.constant 2.000000e-01 : f32
      %mul3A_363 = vector.broadcast %mul3A_362 : f32 to vector<16xf32>
      %mul3A_364 = arith.mulf %mul3A_363, %add3A_361 : vector<16xf32>
      %max3A_365 = arith.maximumf %add3A_361, %mul3A_364 : vector<16xf32>
      %sub3A_366 = arith.subf %max3A_365, %get3A_3 : vector<16xf32>
      %exp3A_367 = math.exp %sub3A_366 : vector<16xf32>
      %swap3A_368 = arith.constant 0 : index
      %swap3A_369 = tpu.vector_load %arg16[%swap3A_368] {strides = array<i32>} : memref<80xf32, #tpu.memory_space<vmem>>, vector<16xf32>,
      tpu.vector_store %arg16[%swap3A_368], %exp3A_367 {strides = array<i32>} : memref<80xf32, #tpu.memory_space<vmem>>, vector<16xf32>,
      %iota3A_370 = tpu.iota {dimensions = array<i32: 0>} : vector<16xi32>
      %add3A_371 = arith.constant 16 : i32
      %add3A_372 = vector.broadcast %add3A_371 : i32 to vector<16xi32>
      %add3A_373 = arith.addi %add3A_372, %iota3A_370 : vector<16xi32>
      %broadcast_in_dim3A_374 = arith.constant 128 : i32
      %broadcast_in_dim3A_375 = vector.broadcast %broadcast_in_dim3A_374 : i32 to vector<16xi32>
      %gather3A_376 = tpu.vector_load_idx %arg17[%add3A_373, %broadcast_in_dim3A_375] : memref<80x144xf32, #tpu.memory_space<vmem>>[vector<16xi32>, vector<16xi32>], vector<16xf32>,
      %get3A_377 = arith.constant 24 : i32
      %get3A_378 = arith.index_cast %get3A_377 : i32 to index
      %get3A_379 = arith.constant 16 : index
      %get3A_380 = tpu.vector_load %arg14[%get3A_378, %get3A_379] {strides = array<i32>} : memref<25x80xi32, #tpu.memory_space<vmem>>, vector<16xi32>,
      %gather3A_381 = tpu.vector_load_idx %arg11[%get3A_380] : memref<10000xf32, #tpu.memory_space<vmem>>[vector<16xi32>], vector<16xf32>,
      %add3A_382 = arith.addf %gather3A_376, %gather3A_381 : vector<16xf32>
      %get3A_383 = arith.constant 24 : i32
      %get3A_384 = arith.index_cast %get3A_383 : i32 to index
      %get3A_385 = arith.constant 16 : index
      %get3A_386 = tpu.vector_load %arg15[%get3A_384, %get3A_385] {strides = array<i32>} : memref<25x80xf32, #tpu.memory_space<vmem>>, vector<16xf32>,
      %add3A_387 = arith.addf %add3A_382, %get3A_386 : vector<16xf32>
      %mul3A_388 = arith.constant 2.000000e-01 : f32
      %mul3A_389 = vector.broadcast %mul3A_388 : f32 to vector<16xf32>
      %mul3A_390 = arith.mulf %mul3A_389, %add3A_387 : vector<16xf32>
      %max3A_391 = arith.maximumf %add3A_387, %mul3A_390 : vector<16xf32>
      %sub3A_392 = arith.subf %max3A_391, %get3A_3 : vector<16xf32>
      %exp3A_393 = math.exp %sub3A_392 : vector<16xf32>
      %swap3A_394 = arith.constant 16 : index
      %swap3A_395 = tpu.vector_load %arg16[%swap3A_394] {strides = array<i32>} : memref<80xf32, #tpu.memory_space<vmem>>, vector<16xf32>,
      tpu.vector_store %arg16[%swap3A_394], %exp3A_393 {strides = array<i32>} : memref<80xf32, #tpu.memory_space<vmem>>, vector<16xf32>,
      %iota3A_396 = tpu.iota {dimensions = array<i32: 0>} : vector<16xi32>
      %add3A_397 = arith.constant 32 : i32
      %add3A_398 = vector.broadcast %add3A_397 : i32 to vector<16xi32>
      %add3A_399 = arith.addi %add3A_398, %iota3A_396 : vector<16xi32>
      %broadcast_in_dim3A_400 = arith.constant 128 : i32
      %broadcast_in_dim3A_401 = vector.broadcast %broadcast_in_dim3A_400 : i32 to vector<16xi32>
      %gather3A_402 = tpu.vector_load_idx %arg17[%add3A_399, %broadcast_in_dim3A_401] : memref<80x144xf32, #tpu.memory_space<vmem>>[vector<16xi32>, vector<16xi32>], vector<16xf32>,
      %get3A_403 = arith.constant 24 : i32
      %get3A_404 = arith.index_cast %get3A_403 : i32 to index
      %get3A_405 = arith.constant 32 : index
      %get3A_406 = tpu.vector_load %arg14[%get3A_404, %get3A_405] {strides = array<i32>} : memref<25x80xi32, #tpu.memory_space<vmem>>, vector<16xi32>,
      %gather3A_407 = tpu.vector_load_idx %arg11[%get3A_406] : memref<10000xf32, #tpu.memory_space<vmem>>[vector<16xi32>], vector<16xf32>,
      %add3A_408 = arith.addf %gather3A_402, %gather3A_407 : vector<16xf32>
      %get3A_409 = arith.constant 24 : i32
      %get3A_410 = arith.index_cast %get3A_409 : i32 to index
      %get3A_411 = arith.constant 32 : index
      %get3A_412 = tpu.vector_load %arg15[%get3A_410, %get3A_411] {strides = array<i32>} : memref<25x80xf32, #tpu.memory_space<vmem>>, vector<16xf32>,
      %add3A_413 = arith.addf %add3A_408, %get3A_412 : vector<16xf32>
      %mul3A_414 = arith.constant 2.000000e-01 : f32
      %mul3A_415 = vector.broadcast %mul3A_414 : f32 to vector<16xf32>
      %mul3A_416 = arith.mulf %mul3A_415, %add3A_413 : vector<16xf32>
      %max3A_417 = arith.maximumf %add3A_413, %mul3A_416 : vector<16xf32>
      %sub3A_418 = arith.subf %max3A_417, %get3A_3 : vector<16xf32>
      %exp3A_419 = math.exp %sub3A_418 : vector<16xf32>
      %swap3A_420 = arith.constant 32 : index
      %swap3A_421 = tpu.vector_load %arg16[%swap3A_420] {strides = array<i32>} : memref<80xf32, #tpu.memory_space<vmem>>, vector<16xf32>,
      tpu.vector_store %arg16[%swap3A_420], %exp3A_419 {strides = array<i32>} : memref<80xf32, #tpu.memory_space<vmem>>, vector<16xf32>,
      %iota3A_422 = tpu.iota {dimensions = array<i32: 0>} : vector<16xi32>
      %add3A_423 = arith.constant 48 : i32
      %add3A_424 = vector.broadcast %add3A_423 : i32 to vector<16xi32>
      %add3A_425 = arith.addi %add3A_424, %iota3A_422 : vector<16xi32>
      %broadcast_in_dim3A_426 = arith.constant 128 : i32
      %broadcast_in_dim3A_427 = vector.broadcast %broadcast_in_dim3A_426 : i32 to vector<16xi32>
      %gather3A_428 = tpu.vector_load_idx %arg17[%add3A_425, %broadcast_in_dim3A_427] : memref<80x144xf32, #tpu.memory_space<vmem>>[vector<16xi32>, vector<16xi32>], vector<16xf32>,
      %get3A_429 = arith.constant 24 : i32
      %get3A_430 = arith.index_cast %get3A_429 : i32 to index
      %get3A_431 = arith.constant 48 : index
      %get3A_432 = tpu.vector_load %arg14[%get3A_430, %get3A_431] {strides = array<i32>} : memref<25x80xi32, #tpu.memory_space<vmem>>, vector<16xi32>,
      %gather3A_433 = tpu.vector_load_idx %arg11[%get3A_432] : memref<10000xf32, #tpu.memory_space<vmem>>[vector<16xi32>], vector<16xf32>,
      %add3A_434 = arith.addf %gather3A_428, %gather3A_433 : vector<16xf32>
      %get3A_435 = arith.constant 24 : i32
      %get3A_436 = arith.index_cast %get3A_435 : i32 to index
      %get3A_437 = arith.constant 48 : index
      %get3A_438 = tpu.vector_load %arg15[%get3A_436, %get3A_437] {strides = array<i32>} : memref<25x80xf32, #tpu.memory_space<vmem>>, vector<16xf32>,
      %add3A_439 = arith.addf %add3A_434, %get3A_438 : vector<16xf32>
      %mul3A_440 = arith.constant 2.000000e-01 : f32
      %mul3A_441 = vector.broadcast %mul3A_440 : f32 to vector<16xf32>
      %mul3A_442 = arith.mulf %mul3A_441, %add3A_439 : vector<16xf32>
      %max3A_443 = arith.maximumf %add3A_439, %mul3A_442 : vector<16xf32>
      %sub3A_444 = arith.subf %max3A_443, %get3A_3 : vector<16xf32>
      %exp3A_445 = math.exp %sub3A_444 : vector<16xf32>
      %swap3A_446 = arith.constant 48 : index
      %swap3A_447 = tpu.vector_load %arg16[%swap3A_446] {strides = array<i32>} : memref<80xf32, #tpu.memory_space<vmem>>, vector<16xf32>,
      tpu.vector_store %arg16[%swap3A_446], %exp3A_445 {strides = array<i32>} : memref<80xf32, #tpu.memory_space<vmem>>, vector<16xf32>,
      %iota3A_448 = tpu.iota {dimensions = array<i32: 0>} : vector<16xi32>
      %add3A_449 = arith.constant 64 : i32
      %add3A_450 = vector.broadcast %add3A_449 : i32 to vector<16xi32>
      %add3A_451 = arith.addi %add3A_450, %iota3A_448 : vector<16xi32>
      %broadcast_in_dim3A_452 = arith.constant 128 : i32
      %broadcast_in_dim3A_453 = vector.broadcast %broadcast_in_dim3A_452 : i32 to vector<16xi32>
      %gather3A_454 = tpu.vector_load_idx %arg17[%add3A_451, %broadcast_in_dim3A_453] : memref<80x144xf32, #tpu.memory_space<vmem>>[vector<16xi32>, vector<16xi32>], vector<16xf32>,
      %get3A_455 = arith.constant 24 : i32
      %get3A_456 = arith.index_cast %get3A_455 : i32 to index
      %get3A_457 = arith.constant 64 : index
      %get3A_458 = tpu.vector_load %arg14[%get3A_456, %get3A_457] {strides = array<i32>} : memref<25x80xi32, #tpu.memory_space<vmem>>, vector<16xi32>,
      %gather3A_459 = tpu.vector_load_idx %arg11[%get3A_458] : memref<10000xf32, #tpu.memory_space<vmem>>[vector<16xi32>], vector<16xf32>,
      %add3A_460 = arith.addf %gather3A_454, %gather3A_459 : vector<16xf32>
      %get3A_461 = arith.constant 24 : i32
      %get3A_462 = arith.index_cast %get3A_461 : i32 to index
      %get3A_463 = arith.constant 64 : index
      %get3A_464 = tpu.vector_load %arg15[%get3A_462, %get3A_463] {strides = array<i32>} : memref<25x80xf32, #tpu.memory_space<vmem>>, vector<16xf32>,
      %add3A_465 = arith.addf %add3A_460, %get3A_464 : vector<16xf32>
      %mul3A_466 = arith.constant 2.000000e-01 : f32
      %mul3A_467 = vector.broadcast %mul3A_466 : f32 to vector<16xf32>
      %mul3A_468 = arith.mulf %mul3A_467, %add3A_465 : vector<16xf32>
      %max3A_469 = arith.maximumf %add3A_465, %mul3A_468 : vector<16xf32>
      %sub3A_470 = arith.subf %max3A_469, %get3A_3 : vector<16xf32>
      %exp3A_471 = math.exp %sub3A_470 : vector<16xf32>
      %swap3A_472 = arith.constant 64 : index
      %swap3A_473 = tpu.vector_load %arg16[%swap3A_472] {strides = array<i32>} : memref<80xf32, #tpu.memory_space<vmem>>, vector<16xf32>,
      tpu.vector_store %arg16[%swap3A_472], %exp3A_471 {strides = array<i32>} : memref<80xf32, #tpu.memory_space<vmem>>, vector<16xf32>,
      %parallel_loop3A_474 = arith.constant 0 : i32
      %parallel_loop3A_475 = arith.constant 80 : i32
      %parallel_loop3A_476 = arith.constant 1 : i32
      scf.for %parallel_loop3A_499 = %parallel_loop3A_474 to %parallel_loop3A_475 step %parallel_loop3A_476  : i32 {
        %parallel_loop3A_500 = arith.constant 0 : i32
        %parallel_loop3A_501 = vector.broadcast %parallel_loop3A_500 : i32 to vector<16xi32>
        %parallel_loop3A_502 = vector.broadcast %parallel_loop3A_499 : i32 to vector<16xi32>
        %parallel_loop3A_503 = arith.addi %parallel_loop3A_501, %parallel_loop3A_502 : vector<16xi32>
        %parallel_loop3A_504 = tpu.vector_load_idx %arg16[%parallel_loop3A_503] : memref<80xf32, #tpu.memory_space<vmem>>[vector<16xi32>], vector<16xf32>,
        %parallel_loop3A_505 = arith.index_cast %parallel_loop3A_499 : i32 to index
        %parallel_loop3A_506 = arith.constant 0 : index
        %parallel_loop3A_507 = tpu.vector_load %arg17[%parallel_loop3A_505, %parallel_loop3A_506] {strides = array<i32>} : memref<80x144xf32, #tpu.memory_space<vmem>>, vector<16xf32>,
        %parallel_loop3A_508 = arith.mulf %parallel_loop3A_507, %parallel_loop3A_504 : vector<16xf32>
        %parallel_loop3A_509 = arith.index_cast %parallel_loop3A_499 : i32 to index
        %parallel_loop3A_510 = arith.constant 0 : index
        %parallel_loop3A_511 = tpu.vector_load %arg17[%parallel_loop3A_509, %parallel_loop3A_510] {strides = array<i32>} : memref<80x144xf32, #tpu.memory_space<vmem>>, vector<16xf32>,
        tpu.vector_store %arg17[%parallel_loop3A_509, %parallel_loop3A_510], %parallel_loop3A_508 {strides = array<i32>} : memref<80x144xf32, #tpu.memory_space<vmem>>, vector<16xf32>,
        %parallel_loop3A_512 = arith.index_cast %parallel_loop3A_499 : i32 to index
        %parallel_loop3A_513 = arith.constant 16 : index
        %parallel_loop3A_514 = tpu.vector_load %arg17[%parallel_loop3A_512, %parallel_loop3A_513] {strides = array<i32>} : memref<80x144xf32, #tpu.memory_space<vmem>>, vector<16xf32>,
        %parallel_loop3A_515 = arith.mulf %parallel_loop3A_514, %parallel_loop3A_504 : vector<16xf32>
        %parallel_loop3A_516 = arith.index_cast %parallel_loop3A_499 : i32 to index
        %parallel_loop3A_517 = arith.constant 16 : index
        %parallel_loop3A_518 = tpu.vector_load %arg17[%parallel_loop3A_516, %parallel_loop3A_517] {strides = array<i32>} : memref<80x144xf32, #tpu.memory_space<vmem>>, vector<16xf32>,
        tpu.vector_store %arg17[%parallel_loop3A_516, %parallel_loop3A_517], %parallel_loop3A_515 {strides = array<i32>} : memref<80x144xf32, #tpu.memory_space<vmem>>, vector<16xf32>,
        %parallel_loop3A_519 = arith.index_cast %parallel_loop3A_499 : i32 to index
        %parallel_loop3A_520 = arith.constant 32 : index
        %parallel_loop3A_521 = tpu.vector_load %arg17[%parallel_loop3A_519, %parallel_loop3A_520] {strides = array<i32>} : memref<80x144xf32, #tpu.memory_space<vmem>>, vector<16xf32>,
        %parallel_loop3A_522 = arith.mulf %parallel_loop3A_521, %parallel_loop3A_504 : vector<16xf32>
        %parallel_loop3A_523 = arith.index_cast %parallel_loop3A_499 : i32 to index
        %parallel_loop3A_524 = arith.constant 32 : index
        %parallel_loop3A_525 = tpu.vector_load %arg17[%parallel_loop3A_523, %parallel_loop3A_524] {strides = array<i32>} : memref<80x144xf32, #tpu.memory_space<vmem>>, vector<16xf32>,
        tpu.vector_store %arg17[%parallel_loop3A_523, %parallel_loop3A_524], %parallel_loop3A_522 {strides = array<i32>} : memref<80x144xf32, #tpu.memory_space<vmem>>, vector<16xf32>,
        %parallel_loop3A_526 = arith.index_cast %parallel_loop3A_499 : i32 to index
        %parallel_loop3A_527 = arith.constant 48 : index
        %parallel_loop3A_528 = tpu.vector_load %arg17[%parallel_loop3A_526, %parallel_loop3A_527] {strides = array<i32>} : memref<80x144xf32, #tpu.memory_space<vmem>>, vector<16xf32>,
        %parallel_loop3A_529 = arith.mulf %parallel_loop3A_528, %parallel_loop3A_504 : vector<16xf32>
        %parallel_loop3A_530 = arith.index_cast %parallel_loop3A_499 : i32 to index
        %parallel_loop3A_531 = arith.constant 48 : index
        %parallel_loop3A_532 = tpu.vector_load %arg17[%parallel_loop3A_530, %parallel_loop3A_531] {strides = array<i32>} : memref<80x144xf32, #tpu.memory_space<vmem>>, vector<16xf32>,
        tpu.vector_store %arg17[%parallel_loop3A_530, %parallel_loop3A_531], %parallel_loop3A_529 {strides = array<i32>} : memref<80x144xf32, #tpu.memory_space<vmem>>, vector<16xf32>,
        %parallel_loop3A_533 = arith.index_cast %parallel_loop3A_499 : i32 to index
        %parallel_loop3A_534 = arith.constant 64 : index
        %parallel_loop3A_535 = tpu.vector_load %arg17[%parallel_loop3A_533, %parallel_loop3A_534] {strides = array<i32>} : memref<80x144xf32, #tpu.memory_space<vmem>>, vector<16xf32>,
        %parallel_loop3A_536 = arith.mulf %parallel_loop3A_535, %parallel_loop3A_504 : vector<16xf32>
        %parallel_loop3A_537 = arith.index_cast %parallel_loop3A_499 : i32 to index
        %parallel_loop3A_538 = arith.constant 64 : index
        %parallel_loop3A_539 = tpu.vector_load %arg17[%parallel_loop3A_537, %parallel_loop3A_538] {strides = array<i32>} : memref<80x144xf32, #tpu.memory_space<vmem>>, vector<16xf32>,
        tpu.vector_store %arg17[%parallel_loop3A_537, %parallel_loop3A_538], %parallel_loop3A_536 {strides = array<i32>} : memref<80x144xf32, #tpu.memory_space<vmem>>, vector<16xf32>,
        %parallel_loop3A_540 = arith.index_cast %parallel_loop3A_499 : i32 to index
        %parallel_loop3A_541 = arith.constant 80 : index
        %parallel_loop3A_542 = tpu.vector_load %arg17[%parallel_loop3A_540, %parallel_loop3A_541] {strides = array<i32>} : memref<80x144xf32, #tpu.memory_space<vmem>>, vector<16xf32>,
        %parallel_loop3A_543 = arith.mulf %parallel_loop3A_542, %parallel_loop3A_504 : vector<16xf32>
        %parallel_loop3A_544 = arith.index_cast %parallel_loop3A_499 : i32 to index
        %parallel_loop3A_545 = arith.constant 80 : index
        %parallel_loop3A_546 = tpu.vector_load %arg17[%parallel_loop3A_544, %parallel_loop3A_545] {strides = array<i32>} : memref<80x144xf32, #tpu.memory_space<vmem>>, vector<16xf32>,
        tpu.vector_store %arg17[%parallel_loop3A_544, %parallel_loop3A_545], %parallel_loop3A_543 {strides = array<i32>} : memref<80x144xf32, #tpu.memory_space<vmem>>, vector<16xf32>,
        %parallel_loop3A_547 = arith.index_cast %parallel_loop3A_499 : i32 to index
        %parallel_loop3A_548 = arith.constant 96 : index
        %parallel_loop3A_549 = tpu.vector_load %arg17[%parallel_loop3A_547, %parallel_loop3A_548] {strides = array<i32>} : memref<80x144xf32, #tpu.memory_space<vmem>>, vector<16xf32>,
        %parallel_loop3A_550 = arith.mulf %parallel_loop3A_549, %parallel_loop3A_504 : vector<16xf32>
        %parallel_loop3A_551 = arith.index_cast %parallel_loop3A_499 : i32 to index
        %parallel_loop3A_552 = arith.constant 96 : index
        %parallel_loop3A_553 = tpu.vector_load %arg17[%parallel_loop3A_551, %parallel_loop3A_552] {strides = array<i32>} : memref<80x144xf32, #tpu.memory_space<vmem>>, vector<16xf32>,
        tpu.vector_store %arg17[%parallel_loop3A_551, %parallel_loop3A_552], %parallel_loop3A_550 {strides = array<i32>} : memref<80x144xf32, #tpu.memory_space<vmem>>, vector<16xf32>,
        %parallel_loop3A_554 = arith.index_cast %parallel_loop3A_499 : i32 to index
        %parallel_loop3A_555 = arith.constant 112 : index
        %parallel_loop3A_556 = tpu.vector_load %arg17[%parallel_loop3A_554, %parallel_loop3A_555] {strides = array<i32>} : memref<80x144xf32, #tpu.memory_space<vmem>>, vector<16xf32>,
        %parallel_loop3A_557 = arith.mulf %parallel_loop3A_556, %parallel_loop3A_504 : vector<16xf32>
        %parallel_loop3A_558 = arith.index_cast %parallel_loop3A_499 : i32 to index
        %parallel_loop3A_559 = arith.constant 112 : index
        %parallel_loop3A_560 = tpu.vector_load %arg17[%parallel_loop3A_558, %parallel_loop3A_559] {strides = array<i32>} : memref<80x144xf32, #tpu.memory_space<vmem>>, vector<16xf32>,
        tpu.vector_store %arg17[%parallel_loop3A_558, %parallel_loop3A_559], %parallel_loop3A_557 {strides = array<i32>} : memref<80x144xf32, #tpu.memory_space<vmem>>, vector<16xf32>,
        %parallel_loop3A_561 = arith.index_cast %parallel_loop3A_499 : i32 to index
        %parallel_loop3A_562 = arith.constant 128 : index
        %parallel_loop3A_563 = tpu.vector_load %arg17[%parallel_loop3A_561, %parallel_loop3A_562] {strides = array<i32>} : memref<80x144xf32, #tpu.memory_space<vmem>>, vector<16xf32>,
        %parallel_loop3A_564 = arith.mulf %parallel_loop3A_563, %parallel_loop3A_504 : vector<16xf32>
        %parallel_loop3A_565 = arith.index_cast %parallel_loop3A_499 : i32 to index
        %parallel_loop3A_566 = arith.constant 128 : index
        %parallel_loop3A_567 = tpu.vector_load %arg17[%parallel_loop3A_565, %parallel_loop3A_566] {strides = array<i32>} : memref<80x144xf32, #tpu.memory_space<vmem>>, vector<16xf32>,
        tpu.vector_store %arg17[%parallel_loop3A_565, %parallel_loop3A_566], %parallel_loop3A_564 {strides = array<i32>} : memref<80x144xf32, #tpu.memory_space<vmem>>, vector<16xf32>,
      } {sc.loop_unroll_factor = 2 : i64, sc.parallel_access}
      %dma_start3A_477 = arith.constant 24 : i32
      %dma_start3A_478 = arith.constant 0 : i32
      %dma_start3A_479 = tpu.memref_slice %arg14[%dma_start3A_477, %dma_start3A_478] : memref<25x80xi32, #tpu.memory_space<vmem>> -> memref<1x80xi32, #tpu.memory_space<vmem>>
      %dma_start3A_480 = tpu.memref_squeeze %dma_start3A_479 : memref<1x80xi32, #tpu.memory_space<vmem>> -> memref<80xi32, #tpu.memory_space<vmem>>
      %dma_start3A_481 = arith.constant 0 : i32
      %dma_start3A_482 = arith.constant 0 : i32
      %dma_start3A_483 = tpu.memref_slice %arg10[%dma_start3A_481, %dma_start3A_482] : memref<10000x144xf32, #tpu.memory_space<vmem_shared>> -> memref<10000x144xf32, #tpu.memory_space<vmem_shared>>
      tpu.enqueue_indirect_dma source(%arg17 : memref<80x144xf32, #tpu.memory_space<vmem>>) target(%dma_start3A_483 : memref<10000x144xf32, #tpu.memory_space<vmem_shared>>) offsets(%dma_start3A_480 : memref<80xi32, #tpu.memory_space<vmem>>) semaphore(%arg21 : memref<!tpu.dma_semaphore, #tpu.memory_space<semaphore_mem>>) {add = true}
      %dma_wait3A_484 = arith.constant 23 : i32
      %dma_wait3A_485 = arith.constant 0 : i32
      %dma_wait3A_486 = tpu.memref_slice %arg14[%dma_wait3A_484, %dma_wait3A_485] : memref<25x80xi32, #tpu.memory_space<vmem>> -> memref<1x80xi32, #tpu.memory_space<vmem>>
      %dma_wait3A_487 = tpu.memref_squeeze %dma_wait3A_486 : memref<1x80xi32, #tpu.memory_space<vmem>> -> memref<80xi32, #tpu.memory_space<vmem>>
      %dma_wait3A_488 = arith.constant 0 : i32
      %dma_wait3A_489 = arith.constant 0 : i32
      %dma_wait3A_490 = tpu.memref_slice %arg10[%dma_wait3A_488, %dma_wait3A_489] : memref<10000x144xf32, #tpu.memory_space<vmem_shared>> -> memref<10000x144xf32, #tpu.memory_space<vmem_shared>>
      tpu.wait_indirect_dma semaphore(%arg22 : memref<!tpu.dma_semaphore, #tpu.memory_space<semaphore_mem>>) src(%arg18 : memref<80x144xf32, #tpu.memory_space<vmem>>) dst(%dma_wait3A_490 : memref<10000x144xf32, #tpu.memory_space<vmem_shared>>)
      %dma_wait3A_491 = arith.constant 24 : i32
      %dma_wait3A_492 = arith.constant 0 : i32
      %dma_wait3A_493 = tpu.memref_slice %arg14[%dma_wait3A_491, %dma_wait3A_492] : memref<25x80xi32, #tpu.memory_space<vmem>> -> memref<1x80xi32, #tpu.memory_space<vmem>>
      %dma_wait3A_494 = tpu.memref_squeeze %dma_wait3A_493 : memref<1x80xi32, #tpu.memory_space<vmem>> -> memref<80xi32, #tpu.memory_space<vmem>>
      %dma_wait3A_495 = arith.constant 0 : i32
      %dma_wait3A_496 = arith.constant 0 : i32
      %dma_wait3A_497 = tpu.memref_slice %arg10[%dma_wait3A_495, %dma_wait3A_496] : memref<10000x144xf32, #tpu.memory_space<vmem_shared>> -> memref<10000x144xf32, #tpu.memory_space<vmem_shared>>
      tpu.wait_indirect_dma semaphore(%arg21 : memref<!tpu.dma_semaphore, #tpu.memory_space<semaphore_mem>>) src(%arg17 : memref<80x144xf32, #tpu.memory_space<vmem>>) dst(%dma_wait3A_497 : memref<10000x144xf32, #tpu.memory_space<vmem_shared>>)
      %scan3A_498 = arith.constant 0 : i32
      scf.yield %scan3A_498 : i32
    }
    %scan3A_11 = arith.constant 5 : i32
    %barrier3A_12 = arith.constant 0 : index
    tpu.barrier barrier_id(%barrier3A_12)
    "tpu.region"() ({
      %run_scoped3A = tpu.sem_alloc : memref<!tpu.dma_semaphore, #tpu.memory_space<semaphore_mem>>
      %dma_start3A = arith.constant 0 : i32
      %dma_start3A_13 = tpu.memref_slice %arg9[%arg0, %mul3A_2, %dma_start3A] : memref<2x10000x144xf32, #tpu.memory_space<hbm>> -> memref<1x625x144xf32, #tpu.memory_space<hbm>>
      %dma_start3A_14 = tpu.memref_squeeze %dma_start3A_13 : memref<1x625x144xf32, #tpu.memory_space<hbm>> -> memref<625x144xf32, #tpu.memory_space<hbm>>
      %dma_start3A_15 = arith.constant 0 : i32
      %dma_start3A_16 = tpu.memref_slice %arg10[%mul3A_2, %dma_start3A_15] : memref<10000x144xf32, #tpu.memory_space<vmem_shared>> -> memref<625x144xf32, #tpu.memory_space<vmem_shared>>
      tpu.enqueue_dma source(%dma_start3A_16 : memref<625x144xf32, #tpu.memory_space<vmem_shared>>) target(%dma_start3A_14 : memref<625x144xf32, #tpu.memory_space<hbm>>) target_semaphore(%run_scoped3A : memref<!tpu.dma_semaphore, #tpu.memory_space<semaphore_mem>>)
      %dma_wait3A = arith.constant 0 : i32
      %dma_wait3A_17 = tpu.memref_slice %arg9[%arg0, %mul3A_2, %dma_wait3A] : memref<2x10000x144xf32, #tpu.memory_space<hbm>> -> memref<1x625x144xf32, #tpu.memory_space<hbm>>
      %dma_wait3A_18 = tpu.memref_squeeze %dma_wait3A_17 : memref<1x625x144xf32, #tpu.memory_space<hbm>> -> memref<625x144xf32, #tpu.memory_space<hbm>>
      %dma_wait3A_19 = arith.constant 0 : i32
      %dma_wait3A_20 = tpu.memref_slice %arg10[%mul3A_2, %dma_wait3A_19] : memref<10000x144xf32, #tpu.memory_space<vmem_shared>> -> memref<625x144xf32, #tpu.memory_space<vmem_shared>>
      tpu.wait_dma2 semaphore(%run_scoped3A : memref<!tpu.dma_semaphore, #tpu.memory_space<semaphore_mem>>) src(%dma_wait3A_20 : memref<625x144xf32, #tpu.memory_space<vmem_shared>>) dst(%dma_wait3A_18 : memref<625x144xf32, #tpu.memory_space<hbm>>)
      tpu.yield
    }) : () -> ()
    return
  }
}

module attributes {stable_mosaic.version = 14 : i64} {
  func.func @_prep_body(%arg0: memref<10000x128xf32, #tpu.memory_space<vmem>>, %arg1: memref<128x128xf32, #tpu.memory_space<vmem>>, %arg2: memref<128x1xf32, #tpu.memory_space<vmem>>, %arg3: memref<128x1xf32, #tpu.memory_space<vmem>>, %arg4: memref<16x128xf32, #tpu.memory_space<vmem>>, %arg5: memref<1x128xf32, #tpu.memory_space<vmem>>, %arg6: memref<16x128xf32, #tpu.memory_space<vmem>>, %arg7: memref<1x128xf32, #tpu.memory_space<vmem>>, %arg8: memref<10000x144xf32, #tpu.memory_space<vmem>>, %arg9: memref<10000x1xf32, #tpu.memory_space<vmem>>, %arg10: memref<1x1xf32, #tpu.memory_space<vmem>>, %arg11: memref<1x16xf32, #tpu.memory_space<vmem>>, %arg12: memref<1x16xf32, #tpu.memory_space<vmem>>) attributes {dimension_semantics = [], scalar_prefetch = 0 : i64, scratch_operands = 0 : i64, tpu.core_type = #tpu.core_type<tc>} {
    %get3A = arith.constant 0 : index
    %get3A_0 = arith.constant 0 : index
    %get3A_1 = vector.load %arg0[%get3A, %get3A_0] : memref<10000x128xf32, #tpu.memory_space<vmem>>, vector<10000x128xf32>
    %get3A_2 = arith.constant 0 : index
    %get3A_3 = arith.constant 0 : index
    %get3A_4 = vector.load %arg1[%get3A_2, %get3A_3] : memref<128x128xf32, #tpu.memory_space<vmem>>, vector<128x128xf32>
    %dot_general3A = arith.constant dense<0.000000e+00> : vector<10000x128xf32>
    %dot_general3A_5 = tpu.matmul %get3A_1, %get3A_4, %dot_general3A {dimension_numbers = #tpu.dot_dimension_numbers<[1], [0], [0], [1], [0, 0, 1, 1], [], []>, transpose_lhs_hint = false} : vector<10000x128xf32>, vector<128x128xf32>, vector<10000x128xf32> -> vector<10000x128xf32>
    %get3A_6 = arith.constant 0 : index
    %get3A_7 = arith.constant 0 : index
    %get3A_8 = vector.load %arg2[%get3A_6, %get3A_7] : memref<128x1xf32, #tpu.memory_space<vmem>>, vector<128x1xf32>
    %dot_general3A_9 = arith.constant dense<0.000000e+00> : vector<10000x1xf32>
    %dot_general3A_10 = tpu.matmul %dot_general3A_5, %get3A_8, %dot_general3A_9 {dimension_numbers = #tpu.dot_dimension_numbers<[1], [0], [0], [1], [0, 0, 1, 1], [], []>, transpose_lhs_hint = false} : vector<10000x128xf32>, vector<128x1xf32>, vector<10000x1xf32> -> vector<10000x1xf32>
    %get3A_11 = arith.constant 0 : index
    %get3A_12 = arith.constant 0 : index
    %get3A_13 = vector.load %arg3[%get3A_11, %get3A_12] : memref<128x1xf32, #tpu.memory_space<vmem>>, vector<128x1xf32>
    %dot_general3A_14 = arith.constant dense<0.000000e+00> : vector<10000x1xf32>
    %dot_general3A_15 = tpu.matmul %dot_general3A_5, %get3A_13, %dot_general3A_14 {dimension_numbers = #tpu.dot_dimension_numbers<[1], [0], [0], [1], [0, 0, 1, 1], [], []>, transpose_lhs_hint = false} : vector<10000x128xf32>, vector<128x1xf32>, vector<10000x1xf32> -> vector<10000x1xf32>
    %broadcast_in_dim3A = arith.constant 1.000000e+00 : f32
    %broadcast_in_dim3A_16 = vector.broadcast %broadcast_in_dim3A : f32 to vector<10000x15xf32>
    %concatenate3A = tpu.concatenate %dot_general3A_5, %dot_general3A_10, %broadcast_in_dim3A_16 in 1 : vector<10000x128xf32>, vector<10000x1xf32>, vector<10000x15xf32> -> vector<10000x144xf32>
    %swap3A = arith.constant 0 : index
    %swap3A_17 = arith.constant 0 : index
    %swap3A_18 = vector.load %arg8[%swap3A, %swap3A_17] : memref<10000x144xf32, #tpu.memory_space<vmem>>, vector<10000x144xf32>
    tpu.vector_store %arg8[%swap3A, %swap3A_17], %concatenate3A {strides = array<i32>} : memref<10000x144xf32, #tpu.memory_space<vmem>>, vector<10000x144xf32>,
    %swap3A_19 = arith.constant 0 : index
    %swap3A_20 = arith.constant 0 : index
    %swap3A_21 = vector.load %arg9[%swap3A_19, %swap3A_20] : memref<10000x1xf32, #tpu.memory_space<vmem>>, vector<10000x1xf32>
    tpu.vector_store %arg9[%swap3A_19, %swap3A_20], %dot_general3A_15 {strides = array<i32>} : memref<10000x1xf32, #tpu.memory_space<vmem>>, vector<10000x1xf32>,
    %reduce_max3A = vector.shape_cast %dot_general3A_10 : vector<10000x1xf32> to vector<1x10000x1xf32>
    %reduce_max3A_22 = arith.constant dense<0xFF800000> : vector<1xf32>
    %reduce_max3A_23 = vector.multi_reduction <maximumf>, %reduce_max3A, %reduce_max3A_22 [1, 2] : vector<1x10000x1xf32> to vector<1xf32>
    %reduce_max3A_24 = vector.shape_cast %reduce_max3A_23 : vector<1xf32> to vector<1x1x1xf32>
    %reduce_max3A_25 = vector.extract %reduce_max3A_24[0, 0, 0] : f32 from vector<1x1x1xf32>
    %reduce_max3A_26 = vector.shape_cast %dot_general3A_15 : vector<10000x1xf32> to vector<1x10000x1xf32>
    %reduce_max3A_27 = arith.constant dense<0xFF800000> : vector<1xf32>
    %reduce_max3A_28 = vector.multi_reduction <maximumf>, %reduce_max3A_26, %reduce_max3A_27 [1, 2] : vector<1x10000x1xf32> to vector<1xf32>
    %reduce_max3A_29 = vector.shape_cast %reduce_max3A_28 : vector<1xf32> to vector<1x1x1xf32>
    %reduce_max3A_30 = vector.extract %reduce_max3A_29[0, 0, 0] : f32 from vector<1x1x1xf32>
    %add3A = arith.addf %reduce_max3A_25, %reduce_max3A_30 : f32
    %mul3A = arith.constant 2.000000e-01 : f32
    %mul3A_31 = arith.mulf %mul3A, %add3A : f32
    %max3A = arith.maximumf %add3A, %mul3A_31 : f32
    %broadcast_in_dim3A_32 = vector.broadcast %max3A : f32 to vector<1x1xf32>
    %swap3A_33 = arith.constant 0 : index
    %swap3A_34 = arith.constant 0 : index
    %swap3A_35 = vector.load %arg10[%swap3A_33, %swap3A_34] : memref<1x1xf32, #tpu.memory_space<vmem>>, vector<1x1xf32>
    tpu.vector_store %arg10[%swap3A_33, %swap3A_34], %broadcast_in_dim3A_32 {strides = array<i32>} : memref<1x1xf32, #tpu.memory_space<vmem>>, vector<1x1xf32>,
    %get3A_36 = arith.constant 0 : index
    %get3A_37 = arith.constant 0 : index
    %get3A_38 = vector.load %arg4[%get3A_36, %get3A_37] : memref<16x128xf32, #tpu.memory_space<vmem>>, vector<16x128xf32>
    %get3A_39 = arith.constant 0 : index
    %get3A_40 = arith.constant 0 : index
    %get3A_41 = vector.load %arg5[%get3A_39, %get3A_40] : memref<1x128xf32, #tpu.memory_space<vmem>>, vector<1x128xf32>
    %mul3A_42 = vector.broadcast %get3A_41 : vector<1x128xf32> to vector<16x128xf32>
    %mul3A_43 = arith.mulf %get3A_38, %mul3A_42 : vector<16x128xf32>
    %reduce_sum3A = arith.constant dense<0.000000e+00> : vector<16xf32>
    %reduce_sum3A_44 = vector.multi_reduction <add>, %mul3A_43, %reduce_sum3A [1] : vector<16x128xf32> to vector<16xf32>
    %broadcast_in_dim3A_45 = vector.shape_cast %reduce_sum3A_44 : vector<16xf32> to vector<1x16xf32>
    %swap3A_46 = arith.constant 0 : index
    %swap3A_47 = arith.constant 0 : index
    %swap3A_48 = vector.load %arg11[%swap3A_46, %swap3A_47] : memref<1x16xf32, #tpu.memory_space<vmem>>, vector<1x16xf32>
    tpu.vector_store %arg11[%swap3A_46, %swap3A_47], %broadcast_in_dim3A_45 {strides = array<i32>} : memref<1x16xf32, #tpu.memory_space<vmem>>, vector<1x16xf32>,
    %get3A_49 = arith.constant 0 : index
    %get3A_50 = arith.constant 0 : index
    %get3A_51 = vector.load %arg6[%get3A_49, %get3A_50] : memref<16x128xf32, #tpu.memory_space<vmem>>, vector<16x128xf32>
    %get3A_52 = arith.constant 0 : index
    %get3A_53 = arith.constant 0 : index
    %get3A_54 = vector.load %arg7[%get3A_52, %get3A_53] : memref<1x128xf32, #tpu.memory_space<vmem>>, vector<1x128xf32>
    %mul3A_55 = vector.broadcast %get3A_54 : vector<1x128xf32> to vector<16x128xf32>
    %mul3A_56 = arith.mulf %get3A_51, %mul3A_55 : vector<16x128xf32>
    %reduce_sum3A_57 = arith.constant dense<0.000000e+00> : vector<16xf32>
    %reduce_sum3A_58 = vector.multi_reduction <add>, %mul3A_56, %reduce_sum3A_57 [1] : vector<16x128xf32> to vector<16xf32>
    %broadcast_in_dim3A_59 = vector.shape_cast %reduce_sum3A_58 : vector<16xf32> to vector<1x16xf32>
    %swap3A_60 = arith.constant 0 : index
    %swap3A_61 = arith.constant 0 : index
    %swap3A_62 = vector.load %arg12[%swap3A_60, %swap3A_61] : memref<1x16xf32, #tpu.memory_space<vmem>>, vector<1x16xf32>
    tpu.vector_store %arg12[%swap3A_60, %swap3A_61], %broadcast_in_dim3A_59 {strides = array<i32>} : memref<1x16xf32, #tpu.memory_space<vmem>>, vector<1x16xf32>,
    return
  }
}

module attributes {stable_mosaic.version = 14 : i64} {
  func.func @_ae_body(%arg0: i32, %arg1: memref<1x16xf32, #tpu.memory_space<vmem>>, %arg2: memref<1x16xf32, #tpu.memory_space<vmem>>, %arg3: memref<4000x128xf32, #tpu.memory_space<vmem>>, %arg4: memref<8x4000xf32, #tpu.memory_space<vmem>>, %arg5: memref<8x4000xf32, #tpu.memory_space<vmem>>) attributes {dimension_semantics = [#tpu.dimension_semantics<arbitrary>], iteration_bounds = array<i64: 10>, scalar_prefetch = 0 : i64, scratch_operands = 0 : i64, tpu.core_type = #tpu.core_type<tc>, window_params = [{pipeline_mode = #tpu.pipeline_mode<synchronous>, transform_indices = @transform_0, window_bounds = array<i64: 1, 16>}, {pipeline_mode = #tpu.pipeline_mode<synchronous>, transform_indices = @transform_1, window_bounds = array<i64: 1, 16>}, {transform_indices = @transform_2, window_bounds = array<i64: 4000, 128>}, {transform_indices = @transform_3, window_bounds = array<i64: 8, 4000>}, {transform_indices = @transform_4, window_bounds = array<i64: 8, 4000>}]} {
    %get3A = arith.constant 0 : index
    %get3A_0 = arith.constant 0 : index
    %get3A_1 = vector.load %arg3[%get3A, %get3A_0] : memref<4000x128xf32, #tpu.memory_space<vmem>>, vector<4000x128xf32>
    %get3A_2 = arith.constant 0 : index
    %get3A_3 = arith.constant 0 : index
    %get3A_4 = vector.load %arg1[%get3A_2, %get3A_3] : memref<1x16xf32, #tpu.memory_space<vmem>>, vector<1x16xf32>
    %iota3A = tpu.iota {dimensions = array<i32: 0>} : vector<8x128xi32>
    %iota3A_5 = tpu.iota {dimensions = array<i32: 1>} : vector<8x128xi32>
    %shift_right_arithmetic3A = arith.constant 4 : i32
    %shift_right_arithmetic3A_6 = vector.broadcast %shift_right_arithmetic3A : i32 to vector<8x128xi32>
    %shift_right_arithmetic3A_7 = arith.shrsi %iota3A_5, %shift_right_arithmetic3A_6 : vector<8x128xi32>
    %eq3A = arith.cmpi eq, %shift_right_arithmetic3A_7, %iota3A : vector<8x128xi32>
    %broadcast_in_dim3A = arith.constant 0.000000e+00 : f32
    %broadcast_in_dim3A_8 = vector.broadcast %broadcast_in_dim3A : f32 to vector<8x128xf32>
    %slice3A = vector.extract_strided_slice %get3A_4 {offsets = [0, 0], sizes = [1, 1], strides = [1, 1]} : vector<1x16xf32> to vector<1x1xf32>
    %squeeze3A = vector.extract %slice3A[0, 0] : f32 from vector<1x1xf32>
    %and3A = arith.constant 15 : i32
    %and3A_9 = vector.broadcast %and3A : i32 to vector<8x128xi32>
    %and3A_10 = arith.andi %iota3A_5, %and3A_9 : vector<8x128xi32>
    %eq3A_11 = arith.constant 0 : i32
    %eq3A_12 = vector.broadcast %eq3A_11 : i32 to vector<8x128xi32>
    %eq3A_13 = arith.cmpi eq, %and3A_10, %eq3A_12 : vector<8x128xi32>
    %jit3A = arith.constant 1.000000e+00 : f32
    %jit3A_14 = arith.constant 0.000000e+00 : f32
    %broadcast_in_dim3A_15 = vector.broadcast %jit3A : f32 to vector<8x128xf32>
    %broadcast_in_dim3A_16 = vector.broadcast %jit3A_14 : f32 to vector<8x128xf32>
    %select_n3A = arith.select %eq3A_13, %broadcast_in_dim3A_15, %broadcast_in_dim3A_16 : vector<8x128xi1>, vector<8x128xf32>
    %mul3A = vector.broadcast %squeeze3A : f32 to vector<8x128xf32>
    %mul3A_17 = arith.mulf %mul3A, %select_n3A : vector<8x128xf32>
    %add3A = arith.addf %broadcast_in_dim3A_8, %mul3A_17 : vector<8x128xf32>
    %slice3A_18 = vector.extract_strided_slice %get3A_4 {offsets = [0, 1], sizes = [1, 1], strides = [1, 1]} : vector<1x16xf32> to vector<1x1xf32>
    %squeeze3A_19 = vector.extract %slice3A_18[0, 0] : f32 from vector<1x1xf32>
    %and3A_20 = arith.constant 15 : i32
    %and3A_21 = vector.broadcast %and3A_20 : i32 to vector<8x128xi32>
    %and3A_22 = arith.andi %iota3A_5, %and3A_21 : vector<8x128xi32>
    %eq3A_23 = arith.constant 1 : i32
    %eq3A_24 = vector.broadcast %eq3A_23 : i32 to vector<8x128xi32>
    %eq3A_25 = arith.cmpi eq, %and3A_22, %eq3A_24 : vector<8x128xi32>
    %jit3A_26 = arith.constant 1.000000e+00 : f32
    %jit3A_27 = arith.constant 0.000000e+00 : f32
    %broadcast_in_dim3A_28 = vector.broadcast %jit3A_26 : f32 to vector<8x128xf32>
    %broadcast_in_dim3A_29 = vector.broadcast %jit3A_27 : f32 to vector<8x128xf32>
    %select_n3A_30 = arith.select %eq3A_25, %broadcast_in_dim3A_28, %broadcast_in_dim3A_29 : vector<8x128xi1>, vector<8x128xf32>
    %mul3A_31 = vector.broadcast %squeeze3A_19 : f32 to vector<8x128xf32>
    %mul3A_32 = arith.mulf %mul3A_31, %select_n3A_30 : vector<8x128xf32>
    %add3A_33 = arith.addf %add3A, %mul3A_32 : vector<8x128xf32>
    %slice3A_34 = vector.extract_strided_slice %get3A_4 {offsets = [0, 2], sizes = [1, 1], strides = [1, 1]} : vector<1x16xf32> to vector<1x1xf32>
    %squeeze3A_35 = vector.extract %slice3A_34[0, 0] : f32 from vector<1x1xf32>
    %and3A_36 = arith.constant 15 : i32
    %and3A_37 = vector.broadcast %and3A_36 : i32 to vector<8x128xi32>
    %and3A_38 = arith.andi %iota3A_5, %and3A_37 : vector<8x128xi32>
    %eq3A_39 = arith.constant 2 : i32
    %eq3A_40 = vector.broadcast %eq3A_39 : i32 to vector<8x128xi32>
    %eq3A_41 = arith.cmpi eq, %and3A_38, %eq3A_40 : vector<8x128xi32>
    %jit3A_42 = arith.constant 1.000000e+00 : f32
    %jit3A_43 = arith.constant 0.000000e+00 : f32
    %broadcast_in_dim3A_44 = vector.broadcast %jit3A_42 : f32 to vector<8x128xf32>
    %broadcast_in_dim3A_45 = vector.broadcast %jit3A_43 : f32 to vector<8x128xf32>
    %select_n3A_46 = arith.select %eq3A_41, %broadcast_in_dim3A_44, %broadcast_in_dim3A_45 : vector<8x128xi1>, vector<8x128xf32>
    %mul3A_47 = vector.broadcast %squeeze3A_35 : f32 to vector<8x128xf32>
    %mul3A_48 = arith.mulf %mul3A_47, %select_n3A_46 : vector<8x128xf32>
    %add3A_49 = arith.addf %add3A_33, %mul3A_48 : vector<8x128xf32>
    %slice3A_50 = vector.extract_strided_slice %get3A_4 {offsets = [0, 3], sizes = [1, 1], strides = [1, 1]} : vector<1x16xf32> to vector<1x1xf32>
    %squeeze3A_51 = vector.extract %slice3A_50[0, 0] : f32 from vector<1x1xf32>
    %and3A_52 = arith.constant 15 : i32
    %and3A_53 = vector.broadcast %and3A_52 : i32 to vector<8x128xi32>
    %and3A_54 = arith.andi %iota3A_5, %and3A_53 : vector<8x128xi32>
    %eq3A_55 = arith.constant 3 : i32
    %eq3A_56 = vector.broadcast %eq3A_55 : i32 to vector<8x128xi32>
    %eq3A_57 = arith.cmpi eq, %and3A_54, %eq3A_56 : vector<8x128xi32>
    %jit3A_58 = arith.constant 1.000000e+00 : f32
    %jit3A_59 = arith.constant 0.000000e+00 : f32
    %broadcast_in_dim3A_60 = vector.broadcast %jit3A_58 : f32 to vector<8x128xf32>
    %broadcast_in_dim3A_61 = vector.broadcast %jit3A_59 : f32 to vector<8x128xf32>
    %select_n3A_62 = arith.select %eq3A_57, %broadcast_in_dim3A_60, %broadcast_in_dim3A_61 : vector<8x128xi1>, vector<8x128xf32>
    %mul3A_63 = vector.broadcast %squeeze3A_51 : f32 to vector<8x128xf32>
    %mul3A_64 = arith.mulf %mul3A_63, %select_n3A_62 : vector<8x128xf32>
    %add3A_65 = arith.addf %add3A_49, %mul3A_64 : vector<8x128xf32>
    %slice3A_66 = vector.extract_strided_slice %get3A_4 {offsets = [0, 4], sizes = [1, 1], strides = [1, 1]} : vector<1x16xf32> to vector<1x1xf32>
    %squeeze3A_67 = vector.extract %slice3A_66[0, 0] : f32 from vector<1x1xf32>
    %and3A_68 = arith.constant 15 : i32
    %and3A_69 = vector.broadcast %and3A_68 : i32 to vector<8x128xi32>
    %and3A_70 = arith.andi %iota3A_5, %and3A_69 : vector<8x128xi32>
    %eq3A_71 = arith.constant 4 : i32
    %eq3A_72 = vector.broadcast %eq3A_71 : i32 to vector<8x128xi32>
    %eq3A_73 = arith.cmpi eq, %and3A_70, %eq3A_72 : vector<8x128xi32>
    %jit3A_74 = arith.constant 1.000000e+00 : f32
    %jit3A_75 = arith.constant 0.000000e+00 : f32
    %broadcast_in_dim3A_76 = vector.broadcast %jit3A_74 : f32 to vector<8x128xf32>
    %broadcast_in_dim3A_77 = vector.broadcast %jit3A_75 : f32 to vector<8x128xf32>
    %select_n3A_78 = arith.select %eq3A_73, %broadcast_in_dim3A_76, %broadcast_in_dim3A_77 : vector<8x128xi1>, vector<8x128xf32>
    %mul3A_79 = vector.broadcast %squeeze3A_67 : f32 to vector<8x128xf32>
    %mul3A_80 = arith.mulf %mul3A_79, %select_n3A_78 : vector<8x128xf32>
    %add3A_81 = arith.addf %add3A_65, %mul3A_80 : vector<8x128xf32>
    %slice3A_82 = vector.extract_strided_slice %get3A_4 {offsets = [0, 5], sizes = [1, 1], strides = [1, 1]} : vector<1x16xf32> to vector<1x1xf32>
    %squeeze3A_83 = vector.extract %slice3A_82[0, 0] : f32 from vector<1x1xf32>
    %and3A_84 = arith.constant 15 : i32
    %and3A_85 = vector.broadcast %and3A_84 : i32 to vector<8x128xi32>
    %and3A_86 = arith.andi %iota3A_5, %and3A_85 : vector<8x128xi32>
    %eq3A_87 = arith.constant 5 : i32
    %eq3A_88 = vector.broadcast %eq3A_87 : i32 to vector<8x128xi32>
    %eq3A_89 = arith.cmpi eq, %and3A_86, %eq3A_88 : vector<8x128xi32>
    %jit3A_90 = arith.constant 1.000000e+00 : f32
    %jit3A_91 = arith.constant 0.000000e+00 : f32
    %broadcast_in_dim3A_92 = vector.broadcast %jit3A_90 : f32 to vector<8x128xf32>
    %broadcast_in_dim3A_93 = vector.broadcast %jit3A_91 : f32 to vector<8x128xf32>
    %select_n3A_94 = arith.select %eq3A_89, %broadcast_in_dim3A_92, %broadcast_in_dim3A_93 : vector<8x128xi1>, vector<8x128xf32>
    %mul3A_95 = vector.broadcast %squeeze3A_83 : f32 to vector<8x128xf32>
    %mul3A_96 = arith.mulf %mul3A_95, %select_n3A_94 : vector<8x128xf32>
    %add3A_97 = arith.addf %add3A_81, %mul3A_96 : vector<8x128xf32>
    %slice3A_98 = vector.extract_strided_slice %get3A_4 {offsets = [0, 6], sizes = [1, 1], strides = [1, 1]} : vector<1x16xf32> to vector<1x1xf32>
    %squeeze3A_99 = vector.extract %slice3A_98[0, 0] : f32 from vector<1x1xf32>
    %and3A_100 = arith.constant 15 : i32
    %and3A_101 = vector.broadcast %and3A_100 : i32 to vector<8x128xi32>
    %and3A_102 = arith.andi %iota3A_5, %and3A_101 : vector<8x128xi32>
    %eq3A_103 = arith.constant 6 : i32
    %eq3A_104 = vector.broadcast %eq3A_103 : i32 to vector<8x128xi32>
    %eq3A_105 = arith.cmpi eq, %and3A_102, %eq3A_104 : vector<8x128xi32>
    %jit3A_106 = arith.constant 1.000000e+00 : f32
    %jit3A_107 = arith.constant 0.000000e+00 : f32
    %broadcast_in_dim3A_108 = vector.broadcast %jit3A_106 : f32 to vector<8x128xf32>
    %broadcast_in_dim3A_109 = vector.broadcast %jit3A_107 : f32 to vector<8x128xf32>
    %select_n3A_110 = arith.select %eq3A_105, %broadcast_in_dim3A_108, %broadcast_in_dim3A_109 : vector<8x128xi1>, vector<8x128xf32>
    %mul3A_111 = vector.broadcast %squeeze3A_99 : f32 to vector<8x128xf32>
    %mul3A_112 = arith.mulf %mul3A_111, %select_n3A_110 : vector<8x128xf32>
    %add3A_113 = arith.addf %add3A_97, %mul3A_112 : vector<8x128xf32>
    %slice3A_114 = vector.extract_strided_slice %get3A_4 {offsets = [0, 7], sizes = [1, 1], strides = [1, 1]} : vector<1x16xf32> to vector<1x1xf32>
    %squeeze3A_115 = vector.extract %slice3A_114[0, 0] : f32 from vector<1x1xf32>
    %and3A_116 = arith.constant 15 : i32
    %and3A_117 = vector.broadcast %and3A_116 : i32 to vector<8x128xi32>
    %and3A_118 = arith.andi %iota3A_5, %and3A_117 : vector<8x128xi32>
    %eq3A_119 = arith.constant 7 : i32
    %eq3A_120 = vector.broadcast %eq3A_119 : i32 to vector<8x128xi32>
    %eq3A_121 = arith.cmpi eq, %and3A_118, %eq3A_120 : vector<8x128xi32>
    %jit3A_122 = arith.constant 1.000000e+00 : f32
    %jit3A_123 = arith.constant 0.000000e+00 : f32
    %broadcast_in_dim3A_124 = vector.broadcast %jit3A_122 : f32 to vector<8x128xf32>
    %broadcast_in_dim3A_125 = vector.broadcast %jit3A_123 : f32 to vector<8x128xf32>
    %select_n3A_126 = arith.select %eq3A_121, %broadcast_in_dim3A_124, %broadcast_in_dim3A_125 : vector<8x128xi1>, vector<8x128xf32>
    %mul3A_127 = vector.broadcast %squeeze3A_115 : f32 to vector<8x128xf32>
    %mul3A_128 = arith.mulf %mul3A_127, %select_n3A_126 : vector<8x128xf32>
    %add3A_129 = arith.addf %add3A_113, %mul3A_128 : vector<8x128xf32>
    %slice3A_130 = vector.extract_strided_slice %get3A_4 {offsets = [0, 8], sizes = [1, 1], strides = [1, 1]} : vector<1x16xf32> to vector<1x1xf32>
    %squeeze3A_131 = vector.extract %slice3A_130[0, 0] : f32 from vector<1x1xf32>
    %and3A_132 = arith.constant 15 : i32
    %and3A_133 = vector.broadcast %and3A_132 : i32 to vector<8x128xi32>
    %and3A_134 = arith.andi %iota3A_5, %and3A_133 : vector<8x128xi32>
    %eq3A_135 = arith.constant 8 : i32
    %eq3A_136 = vector.broadcast %eq3A_135 : i32 to vector<8x128xi32>
    %eq3A_137 = arith.cmpi eq, %and3A_134, %eq3A_136 : vector<8x128xi32>
    %jit3A_138 = arith.constant 1.000000e+00 : f32
    %jit3A_139 = arith.constant 0.000000e+00 : f32
    %broadcast_in_dim3A_140 = vector.broadcast %jit3A_138 : f32 to vector<8x128xf32>
    %broadcast_in_dim3A_141 = vector.broadcast %jit3A_139 : f32 to vector<8x128xf32>
    %select_n3A_142 = arith.select %eq3A_137, %broadcast_in_dim3A_140, %broadcast_in_dim3A_141 : vector<8x128xi1>, vector<8x128xf32>
    %mul3A_143 = vector.broadcast %squeeze3A_131 : f32 to vector<8x128xf32>
    %mul3A_144 = arith.mulf %mul3A_143, %select_n3A_142 : vector<8x128xf32>
    %add3A_145 = arith.addf %add3A_129, %mul3A_144 : vector<8x128xf32>
    %slice3A_146 = vector.extract_strided_slice %get3A_4 {offsets = [0, 9], sizes = [1, 1], strides = [1, 1]} : vector<1x16xf32> to vector<1x1xf32>
    %squeeze3A_147 = vector.extract %slice3A_146[0, 0] : f32 from vector<1x1xf32>
    %and3A_148 = arith.constant 15 : i32
    %and3A_149 = vector.broadcast %and3A_148 : i32 to vector<8x128xi32>
    %and3A_150 = arith.andi %iota3A_5, %and3A_149 : vector<8x128xi32>
    %eq3A_151 = arith.constant 9 : i32
    %eq3A_152 = vector.broadcast %eq3A_151 : i32 to vector<8x128xi32>
    %eq3A_153 = arith.cmpi eq, %and3A_150, %eq3A_152 : vector<8x128xi32>
    %jit3A_154 = arith.constant 1.000000e+00 : f32
    %jit3A_155 = arith.constant 0.000000e+00 : f32
    %broadcast_in_dim3A_156 = vector.broadcast %jit3A_154 : f32 to vector<8x128xf32>
    %broadcast_in_dim3A_157 = vector.broadcast %jit3A_155 : f32 to vector<8x128xf32>
    %select_n3A_158 = arith.select %eq3A_153, %broadcast_in_dim3A_156, %broadcast_in_dim3A_157 : vector<8x128xi1>, vector<8x128xf32>
    %mul3A_159 = vector.broadcast %squeeze3A_147 : f32 to vector<8x128xf32>
    %mul3A_160 = arith.mulf %mul3A_159, %select_n3A_158 : vector<8x128xf32>
    %add3A_161 = arith.addf %add3A_145, %mul3A_160 : vector<8x128xf32>
    %slice3A_162 = vector.extract_strided_slice %get3A_4 {offsets = [0, 10], sizes = [1, 1], strides = [1, 1]} : vector<1x16xf32> to vector<1x1xf32>
    %squeeze3A_163 = vector.extract %slice3A_162[0, 0] : f32 from vector<1x1xf32>
    %and3A_164 = arith.constant 15 : i32
    %and3A_165 = vector.broadcast %and3A_164 : i32 to vector<8x128xi32>
    %and3A_166 = arith.andi %iota3A_5, %and3A_165 : vector<8x128xi32>
    %eq3A_167 = arith.constant 10 : i32
    %eq3A_168 = vector.broadcast %eq3A_167 : i32 to vector<8x128xi32>
    %eq3A_169 = arith.cmpi eq, %and3A_166, %eq3A_168 : vector<8x128xi32>
    %jit3A_170 = arith.constant 1.000000e+00 : f32
    %jit3A_171 = arith.constant 0.000000e+00 : f32
    %broadcast_in_dim3A_172 = vector.broadcast %jit3A_170 : f32 to vector<8x128xf32>
    %broadcast_in_dim3A_173 = vector.broadcast %jit3A_171 : f32 to vector<8x128xf32>
    %select_n3A_174 = arith.select %eq3A_169, %broadcast_in_dim3A_172, %broadcast_in_dim3A_173 : vector<8x128xi1>, vector<8x128xf32>
    %mul3A_175 = vector.broadcast %squeeze3A_163 : f32 to vector<8x128xf32>
    %mul3A_176 = arith.mulf %mul3A_175, %select_n3A_174 : vector<8x128xf32>
    %add3A_177 = arith.addf %add3A_161, %mul3A_176 : vector<8x128xf32>
    %slice3A_178 = vector.extract_strided_slice %get3A_4 {offsets = [0, 11], sizes = [1, 1], strides = [1, 1]} : vector<1x16xf32> to vector<1x1xf32>
    %squeeze3A_179 = vector.extract %slice3A_178[0, 0] : f32 from vector<1x1xf32>
    %and3A_180 = arith.constant 15 : i32
    %and3A_181 = vector.broadcast %and3A_180 : i32 to vector<8x128xi32>
    %and3A_182 = arith.andi %iota3A_5, %and3A_181 : vector<8x128xi32>
    %eq3A_183 = arith.constant 11 : i32
    %eq3A_184 = vector.broadcast %eq3A_183 : i32 to vector<8x128xi32>
    %eq3A_185 = arith.cmpi eq, %and3A_182, %eq3A_184 : vector<8x128xi32>
    %jit3A_186 = arith.constant 1.000000e+00 : f32
    %jit3A_187 = arith.constant 0.000000e+00 : f32
    %broadcast_in_dim3A_188 = vector.broadcast %jit3A_186 : f32 to vector<8x128xf32>
    %broadcast_in_dim3A_189 = vector.broadcast %jit3A_187 : f32 to vector<8x128xf32>
    %select_n3A_190 = arith.select %eq3A_185, %broadcast_in_dim3A_188, %broadcast_in_dim3A_189 : vector<8x128xi1>, vector<8x128xf32>
    %mul3A_191 = vector.broadcast %squeeze3A_179 : f32 to vector<8x128xf32>
    %mul3A_192 = arith.mulf %mul3A_191, %select_n3A_190 : vector<8x128xf32>
    %add3A_193 = arith.addf %add3A_177, %mul3A_192 : vector<8x128xf32>
    %slice3A_194 = vector.extract_strided_slice %get3A_4 {offsets = [0, 12], sizes = [1, 1], strides = [1, 1]} : vector<1x16xf32> to vector<1x1xf32>
    %squeeze3A_195 = vector.extract %slice3A_194[0, 0] : f32 from vector<1x1xf32>
    %and3A_196 = arith.constant 15 : i32
    %and3A_197 = vector.broadcast %and3A_196 : i32 to vector<8x128xi32>
    %and3A_198 = arith.andi %iota3A_5, %and3A_197 : vector<8x128xi32>
    %eq3A_199 = arith.constant 12 : i32
    %eq3A_200 = vector.broadcast %eq3A_199 : i32 to vector<8x128xi32>
    %eq3A_201 = arith.cmpi eq, %and3A_198, %eq3A_200 : vector<8x128xi32>
    %jit3A_202 = arith.constant 1.000000e+00 : f32
    %jit3A_203 = arith.constant 0.000000e+00 : f32
    %broadcast_in_dim3A_204 = vector.broadcast %jit3A_202 : f32 to vector<8x128xf32>
    %broadcast_in_dim3A_205 = vector.broadcast %jit3A_203 : f32 to vector<8x128xf32>
    %select_n3A_206 = arith.select %eq3A_201, %broadcast_in_dim3A_204, %broadcast_in_dim3A_205 : vector<8x128xi1>, vector<8x128xf32>
    %mul3A_207 = vector.broadcast %squeeze3A_195 : f32 to vector<8x128xf32>
    %mul3A_208 = arith.mulf %mul3A_207, %select_n3A_206 : vector<8x128xf32>
    %add3A_209 = arith.addf %add3A_193, %mul3A_208 : vector<8x128xf32>
    %slice3A_210 = vector.extract_strided_slice %get3A_4 {offsets = [0, 13], sizes = [1, 1], strides = [1, 1]} : vector<1x16xf32> to vector<1x1xf32>
    %squeeze3A_211 = vector.extract %slice3A_210[0, 0] : f32 from vector<1x1xf32>
    %and3A_212 = arith.constant 15 : i32
    %and3A_213 = vector.broadcast %and3A_212 : i32 to vector<8x128xi32>
    %and3A_214 = arith.andi %iota3A_5, %and3A_213 : vector<8x128xi32>
    %eq3A_215 = arith.constant 13 : i32
    %eq3A_216 = vector.broadcast %eq3A_215 : i32 to vector<8x128xi32>
    %eq3A_217 = arith.cmpi eq, %and3A_214, %eq3A_216 : vector<8x128xi32>
    %jit3A_218 = arith.constant 1.000000e+00 : f32
    %jit3A_219 = arith.constant 0.000000e+00 : f32
    %broadcast_in_dim3A_220 = vector.broadcast %jit3A_218 : f32 to vector<8x128xf32>
    %broadcast_in_dim3A_221 = vector.broadcast %jit3A_219 : f32 to vector<8x128xf32>
    %select_n3A_222 = arith.select %eq3A_217, %broadcast_in_dim3A_220, %broadcast_in_dim3A_221 : vector<8x128xi1>, vector<8x128xf32>
    %mul3A_223 = vector.broadcast %squeeze3A_211 : f32 to vector<8x128xf32>
    %mul3A_224 = arith.mulf %mul3A_223, %select_n3A_222 : vector<8x128xf32>
    %add3A_225 = arith.addf %add3A_209, %mul3A_224 : vector<8x128xf32>
    %slice3A_226 = vector.extract_strided_slice %get3A_4 {offsets = [0, 14], sizes = [1, 1], strides = [1, 1]} : vector<1x16xf32> to vector<1x1xf32>
    %squeeze3A_227 = vector.extract %slice3A_226[0, 0] : f32 from vector<1x1xf32>
    %and3A_228 = arith.constant 15 : i32
    %and3A_229 = vector.broadcast %and3A_228 : i32 to vector<8x128xi32>
    %and3A_230 = arith.andi %iota3A_5, %and3A_229 : vector<8x128xi32>
    %eq3A_231 = arith.constant 14 : i32
    %eq3A_232 = vector.broadcast %eq3A_231 : i32 to vector<8x128xi32>
    %eq3A_233 = arith.cmpi eq, %and3A_230, %eq3A_232 : vector<8x128xi32>
    %jit3A_234 = arith.constant 1.000000e+00 : f32
    %jit3A_235 = arith.constant 0.000000e+00 : f32
    %broadcast_in_dim3A_236 = vector.broadcast %jit3A_234 : f32 to vector<8x128xf32>
    %broadcast_in_dim3A_237 = vector.broadcast %jit3A_235 : f32 to vector<8x128xf32>
    %select_n3A_238 = arith.select %eq3A_233, %broadcast_in_dim3A_236, %broadcast_in_dim3A_237 : vector<8x128xi1>, vector<8x128xf32>
    %mul3A_239 = vector.broadcast %squeeze3A_227 : f32 to vector<8x128xf32>
    %mul3A_240 = arith.mulf %mul3A_239, %select_n3A_238 : vector<8x128xf32>
    %add3A_241 = arith.addf %add3A_225, %mul3A_240 : vector<8x128xf32>
    %slice3A_242 = vector.extract_strided_slice %get3A_4 {offsets = [0, 15], sizes = [1, 1], strides = [1, 1]} : vector<1x16xf32> to vector<1x1xf32>
    %squeeze3A_243 = vector.extract %slice3A_242[0, 0] : f32 from vector<1x1xf32>
    %and3A_244 = arith.constant 15 : i32
    %and3A_245 = vector.broadcast %and3A_244 : i32 to vector<8x128xi32>
    %and3A_246 = arith.andi %iota3A_5, %and3A_245 : vector<8x128xi32>
    %eq3A_247 = arith.constant 15 : i32
    %eq3A_248 = vector.broadcast %eq3A_247 : i32 to vector<8x128xi32>
    %eq3A_249 = arith.cmpi eq, %and3A_246, %eq3A_248 : vector<8x128xi32>
    %jit3A_250 = arith.constant 1.000000e+00 : f32
    %jit3A_251 = arith.constant 0.000000e+00 : f32
    %broadcast_in_dim3A_252 = vector.broadcast %jit3A_250 : f32 to vector<8x128xf32>
    %broadcast_in_dim3A_253 = vector.broadcast %jit3A_251 : f32 to vector<8x128xf32>
    %select_n3A_254 = arith.select %eq3A_249, %broadcast_in_dim3A_252, %broadcast_in_dim3A_253 : vector<8x128xi1>, vector<8x128xf32>
    %mul3A_255 = vector.broadcast %squeeze3A_243 : f32 to vector<8x128xf32>
    %mul3A_256 = arith.mulf %mul3A_255, %select_n3A_254 : vector<8x128xf32>
    %add3A_257 = arith.addf %add3A_241, %mul3A_256 : vector<8x128xf32>
    %jit3A_258 = arith.constant 0.000000e+00 : f32
    %broadcast_in_dim3A_259 = vector.broadcast %jit3A_258 : f32 to vector<8x128xf32>
    %select_n3A_260 = arith.select %eq3A, %add3A_257, %broadcast_in_dim3A_259 : vector<8x128xi1>, vector<8x128xf32>
    %dot_general3A = arith.constant dense<0.000000e+00> : vector<8x4000xf32>
    %dot_general3A_261 = tpu.matmul %select_n3A_260, %get3A_1, %dot_general3A {dimension_numbers = #tpu.dot_dimension_numbers<[1], [1], [0], [0], [0, 0, 1, 0], [], []>, transpose_lhs_hint = false} : vector<8x128xf32>, vector<4000x128xf32>, vector<8x4000xf32> -> vector<8x4000xf32>
    %swap3A = arith.constant 0 : index
    %swap3A_262 = arith.constant 0 : index
    %swap3A_263 = vector.load %arg4[%swap3A, %swap3A_262] : memref<8x4000xf32, #tpu.memory_space<vmem>>, vector<8x4000xf32>
    tpu.vector_store %arg4[%swap3A, %swap3A_262], %dot_general3A_261 {strides = array<i32>} : memref<8x4000xf32, #tpu.memory_space<vmem>>, vector<8x4000xf32>,
    %get3A_264 = arith.constant 0 : index
    %get3A_265 = arith.constant 0 : index
    %get3A_266 = vector.load %arg2[%get3A_264, %get3A_265] : memref<1x16xf32, #tpu.memory_space<vmem>>, vector<1x16xf32>
    %iota3A_267 = tpu.iota {dimensions = array<i32: 0>} : vector<8x128xi32>
    %iota3A_268 = tpu.iota {dimensions = array<i32: 1>} : vector<8x128xi32>
    %shift_right_arithmetic3A_269 = arith.constant 4 : i32
    %shift_right_arithmetic3A_270 = vector.broadcast %shift_right_arithmetic3A_269 : i32 to vector<8x128xi32>
    %shift_right_arithmetic3A_271 = arith.shrsi %iota3A_268, %shift_right_arithmetic3A_270 : vector<8x128xi32>
    %eq3A_272 = arith.cmpi eq, %shift_right_arithmetic3A_271, %iota3A_267 : vector<8x128xi32>
    %broadcast_in_dim3A_273 = arith.constant 0.000000e+00 : f32
    %broadcast_in_dim3A_274 = vector.broadcast %broadcast_in_dim3A_273 : f32 to vector<8x128xf32>
    %slice3A_275 = vector.extract_strided_slice %get3A_266 {offsets = [0, 0], sizes = [1, 1], strides = [1, 1]} : vector<1x16xf32> to vector<1x1xf32>
    %squeeze3A_276 = vector.extract %slice3A_275[0, 0] : f32 from vector<1x1xf32>
    %and3A_277 = arith.constant 15 : i32
    %and3A_278 = vector.broadcast %and3A_277 : i32 to vector<8x128xi32>
    %and3A_279 = arith.andi %iota3A_268, %and3A_278 : vector<8x128xi32>
    %eq3A_280 = arith.constant 0 : i32
    %eq3A_281 = vector.broadcast %eq3A_280 : i32 to vector<8x128xi32>
    %eq3A_282 = arith.cmpi eq, %and3A_279, %eq3A_281 : vector<8x128xi32>
    %jit3A_283 = arith.constant 1.000000e+00 : f32
    %jit3A_284 = arith.constant 0.000000e+00 : f32
    %broadcast_in_dim3A_285 = vector.broadcast %jit3A_283 : f32 to vector<8x128xf32>
    %broadcast_in_dim3A_286 = vector.broadcast %jit3A_284 : f32 to vector<8x128xf32>
    %select_n3A_287 = arith.select %eq3A_282, %broadcast_in_dim3A_285, %broadcast_in_dim3A_286 : vector<8x128xi1>, vector<8x128xf32>
    %mul3A_288 = vector.broadcast %squeeze3A_276 : f32 to vector<8x128xf32>
    %mul3A_289 = arith.mulf %mul3A_288, %select_n3A_287 : vector<8x128xf32>
    %add3A_290 = arith.addf %broadcast_in_dim3A_274, %mul3A_289 : vector<8x128xf32>
    %slice3A_291 = vector.extract_strided_slice %get3A_266 {offsets = [0, 1], sizes = [1, 1], strides = [1, 1]} : vector<1x16xf32> to vector<1x1xf32>
    %squeeze3A_292 = vector.extract %slice3A_291[0, 0] : f32 from vector<1x1xf32>
    %and3A_293 = arith.constant 15 : i32
    %and3A_294 = vector.broadcast %and3A_293 : i32 to vector<8x128xi32>
    %and3A_295 = arith.andi %iota3A_268, %and3A_294 : vector<8x128xi32>
    %eq3A_296 = arith.constant 1 : i32
    %eq3A_297 = vector.broadcast %eq3A_296 : i32 to vector<8x128xi32>
    %eq3A_298 = arith.cmpi eq, %and3A_295, %eq3A_297 : vector<8x128xi32>
    %jit3A_299 = arith.constant 1.000000e+00 : f32
    %jit3A_300 = arith.constant 0.000000e+00 : f32
    %broadcast_in_dim3A_301 = vector.broadcast %jit3A_299 : f32 to vector<8x128xf32>
    %broadcast_in_dim3A_302 = vector.broadcast %jit3A_300 : f32 to vector<8x128xf32>
    %select_n3A_303 = arith.select %eq3A_298, %broadcast_in_dim3A_301, %broadcast_in_dim3A_302 : vector<8x128xi1>, vector<8x128xf32>
    %mul3A_304 = vector.broadcast %squeeze3A_292 : f32 to vector<8x128xf32>
    %mul3A_305 = arith.mulf %mul3A_304, %select_n3A_303 : vector<8x128xf32>
    %add3A_306 = arith.addf %add3A_290, %mul3A_305 : vector<8x128xf32>
    %slice3A_307 = vector.extract_strided_slice %get3A_266 {offsets = [0, 2], sizes = [1, 1], strides = [1, 1]} : vector<1x16xf32> to vector<1x1xf32>
    %squeeze3A_308 = vector.extract %slice3A_307[0, 0] : f32 from vector<1x1xf32>
    %and3A_309 = arith.constant 15 : i32
    %and3A_310 = vector.broadcast %and3A_309 : i32 to vector<8x128xi32>
    %and3A_311 = arith.andi %iota3A_268, %and3A_310 : vector<8x128xi32>
    %eq3A_312 = arith.constant 2 : i32
    %eq3A_313 = vector.broadcast %eq3A_312 : i32 to vector<8x128xi32>
    %eq3A_314 = arith.cmpi eq, %and3A_311, %eq3A_313 : vector<8x128xi32>
    %jit3A_315 = arith.constant 1.000000e+00 : f32
    %jit3A_316 = arith.constant 0.000000e+00 : f32
    %broadcast_in_dim3A_317 = vector.broadcast %jit3A_315 : f32 to vector<8x128xf32>
    %broadcast_in_dim3A_318 = vector.broadcast %jit3A_316 : f32 to vector<8x128xf32>
    %select_n3A_319 = arith.select %eq3A_314, %broadcast_in_dim3A_317, %broadcast_in_dim3A_318 : vector<8x128xi1>, vector<8x128xf32>
    %mul3A_320 = vector.broadcast %squeeze3A_308 : f32 to vector<8x128xf32>
    %mul3A_321 = arith.mulf %mul3A_320, %select_n3A_319 : vector<8x128xf32>
    %add3A_322 = arith.addf %add3A_306, %mul3A_321 : vector<8x128xf32>
    %slice3A_323 = vector.extract_strided_slice %get3A_266 {offsets = [0, 3], sizes = [1, 1], strides = [1, 1]} : vector<1x16xf32> to vector<1x1xf32>
    %squeeze3A_324 = vector.extract %slice3A_323[0, 0] : f32 from vector<1x1xf32>
    %and3A_325 = arith.constant 15 : i32
    %and3A_326 = vector.broadcast %and3A_325 : i32 to vector<8x128xi32>
    %and3A_327 = arith.andi %iota3A_268, %and3A_326 : vector<8x128xi32>
    %eq3A_328 = arith.constant 3 : i32
    %eq3A_329 = vector.broadcast %eq3A_328 : i32 to vector<8x128xi32>
    %eq3A_330 = arith.cmpi eq, %and3A_327, %eq3A_329 : vector<8x128xi32>
    %jit3A_331 = arith.constant 1.000000e+00 : f32
    %jit3A_332 = arith.constant 0.000000e+00 : f32
    %broadcast_in_dim3A_333 = vector.broadcast %jit3A_331 : f32 to vector<8x128xf32>
    %broadcast_in_dim3A_334 = vector.broadcast %jit3A_332 : f32 to vector<8x128xf32>
    %select_n3A_335 = arith.select %eq3A_330, %broadcast_in_dim3A_333, %broadcast_in_dim3A_334 : vector<8x128xi1>, vector<8x128xf32>
    %mul3A_336 = vector.broadcast %squeeze3A_324 : f32 to vector<8x128xf32>
    %mul3A_337 = arith.mulf %mul3A_336, %select_n3A_335 : vector<8x128xf32>
    %add3A_338 = arith.addf %add3A_322, %mul3A_337 : vector<8x128xf32>
    %slice3A_339 = vector.extract_strided_slice %get3A_266 {offsets = [0, 4], sizes = [1, 1], strides = [1, 1]} : vector<1x16xf32> to vector<1x1xf32>
    %squeeze3A_340 = vector.extract %slice3A_339[0, 0] : f32 from vector<1x1xf32>
    %and3A_341 = arith.constant 15 : i32
    %and3A_342 = vector.broadcast %and3A_341 : i32 to vector<8x128xi32>
    %and3A_343 = arith.andi %iota3A_268, %and3A_342 : vector<8x128xi32>
    %eq3A_344 = arith.constant 4 : i32
    %eq3A_345 = vector.broadcast %eq3A_344 : i32 to vector<8x128xi32>
    %eq3A_346 = arith.cmpi eq, %and3A_343, %eq3A_345 : vector<8x128xi32>
    %jit3A_347 = arith.constant 1.000000e+00 : f32
    %jit3A_348 = arith.constant 0.000000e+00 : f32
    %broadcast_in_dim3A_349 = vector.broadcast %jit3A_347 : f32 to vector<8x128xf32>
    %broadcast_in_dim3A_350 = vector.broadcast %jit3A_348 : f32 to vector<8x128xf32>
    %select_n3A_351 = arith.select %eq3A_346, %broadcast_in_dim3A_349, %broadcast_in_dim3A_350 : vector<8x128xi1>, vector<8x128xf32>
    %mul3A_352 = vector.broadcast %squeeze3A_340 : f32 to vector<8x128xf32>
    %mul3A_353 = arith.mulf %mul3A_352, %select_n3A_351 : vector<8x128xf32>
    %add3A_354 = arith.addf %add3A_338, %mul3A_353 : vector<8x128xf32>
    %slice3A_355 = vector.extract_strided_slice %get3A_266 {offsets = [0, 5], sizes = [1, 1], strides = [1, 1]} : vector<1x16xf32> to vector<1x1xf32>
    %squeeze3A_356 = vector.extract %slice3A_355[0, 0] : f32 from vector<1x1xf32>
    %and3A_357 = arith.constant 15 : i32
    %and3A_358 = vector.broadcast %and3A_357 : i32 to vector<8x128xi32>
    %and3A_359 = arith.andi %iota3A_268, %and3A_358 : vector<8x128xi32>
    %eq3A_360 = arith.constant 5 : i32
    %eq3A_361 = vector.broadcast %eq3A_360 : i32 to vector<8x128xi32>
    %eq3A_362 = arith.cmpi eq, %and3A_359, %eq3A_361 : vector<8x128xi32>
    %jit3A_363 = arith.constant 1.000000e+00 : f32
    %jit3A_364 = arith.constant 0.000000e+00 : f32
    %broadcast_in_dim3A_365 = vector.broadcast %jit3A_363 : f32 to vector<8x128xf32>
    %broadcast_in_dim3A_366 = vector.broadcast %jit3A_364 : f32 to vector<8x128xf32>
    %select_n3A_367 = arith.select %eq3A_362, %broadcast_in_dim3A_365, %broadcast_in_dim3A_366 : vector<8x128xi1>, vector<8x128xf32>
    %mul3A_368 = vector.broadcast %squeeze3A_356 : f32 to vector<8x128xf32>
    %mul3A_369 = arith.mulf %mul3A_368, %select_n3A_367 : vector<8x128xf32>
    %add3A_370 = arith.addf %add3A_354, %mul3A_369 : vector<8x128xf32>
    %slice3A_371 = vector.extract_strided_slice %get3A_266 {offsets = [0, 6], sizes = [1, 1], strides = [1, 1]} : vector<1x16xf32> to vector<1x1xf32>
    %squeeze3A_372 = vector.extract %slice3A_371[0, 0] : f32 from vector<1x1xf32>
    %and3A_373 = arith.constant 15 : i32
    %and3A_374 = vector.broadcast %and3A_373 : i32 to vector<8x128xi32>
    %and3A_375 = arith.andi %iota3A_268, %and3A_374 : vector<8x128xi32>
    %eq3A_376 = arith.constant 6 : i32
    %eq3A_377 = vector.broadcast %eq3A_376 : i32 to vector<8x128xi32>
    %eq3A_378 = arith.cmpi eq, %and3A_375, %eq3A_377 : vector<8x128xi32>
    %jit3A_379 = arith.constant 1.000000e+00 : f32
    %jit3A_380 = arith.constant 0.000000e+00 : f32
    %broadcast_in_dim3A_381 = vector.broadcast %jit3A_379 : f32 to vector<8x128xf32>
    %broadcast_in_dim3A_382 = vector.broadcast %jit3A_380 : f32 to vector<8x128xf32>
    %select_n3A_383 = arith.select %eq3A_378, %broadcast_in_dim3A_381, %broadcast_in_dim3A_382 : vector<8x128xi1>, vector<8x128xf32>
    %mul3A_384 = vector.broadcast %squeeze3A_372 : f32 to vector<8x128xf32>
    %mul3A_385 = arith.mulf %mul3A_384, %select_n3A_383 : vector<8x128xf32>
    %add3A_386 = arith.addf %add3A_370, %mul3A_385 : vector<8x128xf32>
    %slice3A_387 = vector.extract_strided_slice %get3A_266 {offsets = [0, 7], sizes = [1, 1], strides = [1, 1]} : vector<1x16xf32> to vector<1x1xf32>
    %squeeze3A_388 = vector.extract %slice3A_387[0, 0] : f32 from vector<1x1xf32>
    %and3A_389 = arith.constant 15 : i32
    %and3A_390 = vector.broadcast %and3A_389 : i32 to vector<8x128xi32>
    %and3A_391 = arith.andi %iota3A_268, %and3A_390 : vector<8x128xi32>
    %eq3A_392 = arith.constant 7 : i32
    %eq3A_393 = vector.broadcast %eq3A_392 : i32 to vector<8x128xi32>
    %eq3A_394 = arith.cmpi eq, %and3A_391, %eq3A_393 : vector<8x128xi32>
    %jit3A_395 = arith.constant 1.000000e+00 : f32
    %jit3A_396 = arith.constant 0.000000e+00 : f32
    %broadcast_in_dim3A_397 = vector.broadcast %jit3A_395 : f32 to vector<8x128xf32>
    %broadcast_in_dim3A_398 = vector.broadcast %jit3A_396 : f32 to vector<8x128xf32>
    %select_n3A_399 = arith.select %eq3A_394, %broadcast_in_dim3A_397, %broadcast_in_dim3A_398 : vector<8x128xi1>, vector<8x128xf32>
    %mul3A_400 = vector.broadcast %squeeze3A_388 : f32 to vector<8x128xf32>
    %mul3A_401 = arith.mulf %mul3A_400, %select_n3A_399 : vector<8x128xf32>
    %add3A_402 = arith.addf %add3A_386, %mul3A_401 : vector<8x128xf32>
    %slice3A_403 = vector.extract_strided_slice %get3A_266 {offsets = [0, 8], sizes = [1, 1], strides = [1, 1]} : vector<1x16xf32> to vector<1x1xf32>
    %squeeze3A_404 = vector.extract %slice3A_403[0, 0] : f32 from vector<1x1xf32>
    %and3A_405 = arith.constant 15 : i32
    %and3A_406 = vector.broadcast %and3A_405 : i32 to vector<8x128xi32>
    %and3A_407 = arith.andi %iota3A_268, %and3A_406 : vector<8x128xi32>
    %eq3A_408 = arith.constant 8 : i32
    %eq3A_409 = vector.broadcast %eq3A_408 : i32 to vector<8x128xi32>
    %eq3A_410 = arith.cmpi eq, %and3A_407, %eq3A_409 : vector<8x128xi32>
    %jit3A_411 = arith.constant 1.000000e+00 : f32
    %jit3A_412 = arith.constant 0.000000e+00 : f32
    %broadcast_in_dim3A_413 = vector.broadcast %jit3A_411 : f32 to vector<8x128xf32>
    %broadcast_in_dim3A_414 = vector.broadcast %jit3A_412 : f32 to vector<8x128xf32>
    %select_n3A_415 = arith.select %eq3A_410, %broadcast_in_dim3A_413, %broadcast_in_dim3A_414 : vector<8x128xi1>, vector<8x128xf32>
    %mul3A_416 = vector.broadcast %squeeze3A_404 : f32 to vector<8x128xf32>
    %mul3A_417 = arith.mulf %mul3A_416, %select_n3A_415 : vector<8x128xf32>
    %add3A_418 = arith.addf %add3A_402, %mul3A_417 : vector<8x128xf32>
    %slice3A_419 = vector.extract_strided_slice %get3A_266 {offsets = [0, 9], sizes = [1, 1], strides = [1, 1]} : vector<1x16xf32> to vector<1x1xf32>
    %squeeze3A_420 = vector.extract %slice3A_419[0, 0] : f32 from vector<1x1xf32>
    %and3A_421 = arith.constant 15 : i32
    %and3A_422 = vector.broadcast %and3A_421 : i32 to vector<8x128xi32>
    %and3A_423 = arith.andi %iota3A_268, %and3A_422 : vector<8x128xi32>
    %eq3A_424 = arith.constant 9 : i32
    %eq3A_425 = vector.broadcast %eq3A_424 : i32 to vector<8x128xi32>
    %eq3A_426 = arith.cmpi eq, %and3A_423, %eq3A_425 : vector<8x128xi32>
    %jit3A_427 = arith.constant 1.000000e+00 : f32
    %jit3A_428 = arith.constant 0.000000e+00 : f32
    %broadcast_in_dim3A_429 = vector.broadcast %jit3A_427 : f32 to vector<8x128xf32>
    %broadcast_in_dim3A_430 = vector.broadcast %jit3A_428 : f32 to vector<8x128xf32>
    %select_n3A_431 = arith.select %eq3A_426, %broadcast_in_dim3A_429, %broadcast_in_dim3A_430 : vector<8x128xi1>, vector<8x128xf32>
    %mul3A_432 = vector.broadcast %squeeze3A_420 : f32 to vector<8x128xf32>
    %mul3A_433 = arith.mulf %mul3A_432, %select_n3A_431 : vector<8x128xf32>
    %add3A_434 = arith.addf %add3A_418, %mul3A_433 : vector<8x128xf32>
    %slice3A_435 = vector.extract_strided_slice %get3A_266 {offsets = [0, 10], sizes = [1, 1], strides = [1, 1]} : vector<1x16xf32> to vector<1x1xf32>
    %squeeze3A_436 = vector.extract %slice3A_435[0, 0] : f32 from vector<1x1xf32>
    %and3A_437 = arith.constant 15 : i32
    %and3A_438 = vector.broadcast %and3A_437 : i32 to vector<8x128xi32>
    %and3A_439 = arith.andi %iota3A_268, %and3A_438 : vector<8x128xi32>
    %eq3A_440 = arith.constant 10 : i32
    %eq3A_441 = vector.broadcast %eq3A_440 : i32 to vector<8x128xi32>
    %eq3A_442 = arith.cmpi eq, %and3A_439, %eq3A_441 : vector<8x128xi32>
    %jit3A_443 = arith.constant 1.000000e+00 : f32
    %jit3A_444 = arith.constant 0.000000e+00 : f32
    %broadcast_in_dim3A_445 = vector.broadcast %jit3A_443 : f32 to vector<8x128xf32>
    %broadcast_in_dim3A_446 = vector.broadcast %jit3A_444 : f32 to vector<8x128xf32>
    %select_n3A_447 = arith.select %eq3A_442, %broadcast_in_dim3A_445, %broadcast_in_dim3A_446 : vector<8x128xi1>, vector<8x128xf32>
    %mul3A_448 = vector.broadcast %squeeze3A_436 : f32 to vector<8x128xf32>
    %mul3A_449 = arith.mulf %mul3A_448, %select_n3A_447 : vector<8x128xf32>
    %add3A_450 = arith.addf %add3A_434, %mul3A_449 : vector<8x128xf32>
    %slice3A_451 = vector.extract_strided_slice %get3A_266 {offsets = [0, 11], sizes = [1, 1], strides = [1, 1]} : vector<1x16xf32> to vector<1x1xf32>
    %squeeze3A_452 = vector.extract %slice3A_451[0, 0] : f32 from vector<1x1xf32>
    %and3A_453 = arith.constant 15 : i32
    %and3A_454 = vector.broadcast %and3A_453 : i32 to vector<8x128xi32>
    %and3A_455 = arith.andi %iota3A_268, %and3A_454 : vector<8x128xi32>
    %eq3A_456 = arith.constant 11 : i32
    %eq3A_457 = vector.broadcast %eq3A_456 : i32 to vector<8x128xi32>
    %eq3A_458 = arith.cmpi eq, %and3A_455, %eq3A_457 : vector<8x128xi32>
    %jit3A_459 = arith.constant 1.000000e+00 : f32
    %jit3A_460 = arith.constant 0.000000e+00 : f32
    %broadcast_in_dim3A_461 = vector.broadcast %jit3A_459 : f32 to vector<8x128xf32>
    %broadcast_in_dim3A_462 = vector.broadcast %jit3A_460 : f32 to vector<8x128xf32>
    %select_n3A_463 = arith.select %eq3A_458, %broadcast_in_dim3A_461, %broadcast_in_dim3A_462 : vector<8x128xi1>, vector<8x128xf32>
    %mul3A_464 = vector.broadcast %squeeze3A_452 : f32 to vector<8x128xf32>
    %mul3A_465 = arith.mulf %mul3A_464, %select_n3A_463 : vector<8x128xf32>
    %add3A_466 = arith.addf %add3A_450, %mul3A_465 : vector<8x128xf32>
    %slice3A_467 = vector.extract_strided_slice %get3A_266 {offsets = [0, 12], sizes = [1, 1], strides = [1, 1]} : vector<1x16xf32> to vector<1x1xf32>
    %squeeze3A_468 = vector.extract %slice3A_467[0, 0] : f32 from vector<1x1xf32>
    %and3A_469 = arith.constant 15 : i32
    %and3A_470 = vector.broadcast %and3A_469 : i32 to vector<8x128xi32>
    %and3A_471 = arith.andi %iota3A_268, %and3A_470 : vector<8x128xi32>
    %eq3A_472 = arith.constant 12 : i32
    %eq3A_473 = vector.broadcast %eq3A_472 : i32 to vector<8x128xi32>
    %eq3A_474 = arith.cmpi eq, %and3A_471, %eq3A_473 : vector<8x128xi32>
    %jit3A_475 = arith.constant 1.000000e+00 : f32
    %jit3A_476 = arith.constant 0.000000e+00 : f32
    %broadcast_in_dim3A_477 = vector.broadcast %jit3A_475 : f32 to vector<8x128xf32>
    %broadcast_in_dim3A_478 = vector.broadcast %jit3A_476 : f32 to vector<8x128xf32>
    %select_n3A_479 = arith.select %eq3A_474, %broadcast_in_dim3A_477, %broadcast_in_dim3A_478 : vector<8x128xi1>, vector<8x128xf32>
    %mul3A_480 = vector.broadcast %squeeze3A_468 : f32 to vector<8x128xf32>
    %mul3A_481 = arith.mulf %mul3A_480, %select_n3A_479 : vector<8x128xf32>
    %add3A_482 = arith.addf %add3A_466, %mul3A_481 : vector<8x128xf32>
    %slice3A_483 = vector.extract_strided_slice %get3A_266 {offsets = [0, 13], sizes = [1, 1], strides = [1, 1]} : vector<1x16xf32> to vector<1x1xf32>
    %squeeze3A_484 = vector.extract %slice3A_483[0, 0] : f32 from vector<1x1xf32>
    %and3A_485 = arith.constant 15 : i32
    %and3A_486 = vector.broadcast %and3A_485 : i32 to vector<8x128xi32>
    %and3A_487 = arith.andi %iota3A_268, %and3A_486 : vector<8x128xi32>
    %eq3A_488 = arith.constant 13 : i32
    %eq3A_489 = vector.broadcast %eq3A_488 : i32 to vector<8x128xi32>
    %eq3A_490 = arith.cmpi eq, %and3A_487, %eq3A_489 : vector<8x128xi32>
    %jit3A_491 = arith.constant 1.000000e+00 : f32
    %jit3A_492 = arith.constant 0.000000e+00 : f32
    %broadcast_in_dim3A_493 = vector.broadcast %jit3A_491 : f32 to vector<8x128xf32>
    %broadcast_in_dim3A_494 = vector.broadcast %jit3A_492 : f32 to vector<8x128xf32>
    %select_n3A_495 = arith.select %eq3A_490, %broadcast_in_dim3A_493, %broadcast_in_dim3A_494 : vector<8x128xi1>, vector<8x128xf32>
    %mul3A_496 = vector.broadcast %squeeze3A_484 : f32 to vector<8x128xf32>
    %mul3A_497 = arith.mulf %mul3A_496, %select_n3A_495 : vector<8x128xf32>
    %add3A_498 = arith.addf %add3A_482, %mul3A_497 : vector<8x128xf32>
    %slice3A_499 = vector.extract_strided_slice %get3A_266 {offsets = [0, 14], sizes = [1, 1], strides = [1, 1]} : vector<1x16xf32> to vector<1x1xf32>
    %squeeze3A_500 = vector.extract %slice3A_499[0, 0] : f32 from vector<1x1xf32>
    %and3A_501 = arith.constant 15 : i32
    %and3A_502 = vector.broadcast %and3A_501 : i32 to vector<8x128xi32>
    %and3A_503 = arith.andi %iota3A_268, %and3A_502 : vector<8x128xi32>
    %eq3A_504 = arith.constant 14 : i32
    %eq3A_505 = vector.broadcast %eq3A_504 : i32 to vector<8x128xi32>
    %eq3A_506 = arith.cmpi eq, %and3A_503, %eq3A_505 : vector<8x128xi32>
    %jit3A_507 = arith.constant 1.000000e+00 : f32
    %jit3A_508 = arith.constant 0.000000e+00 : f32
    %broadcast_in_dim3A_509 = vector.broadcast %jit3A_507 : f32 to vector<8x128xf32>
    %broadcast_in_dim3A_510 = vector.broadcast %jit3A_508 : f32 to vector<8x128xf32>
    %select_n3A_511 = arith.select %eq3A_506, %broadcast_in_dim3A_509, %broadcast_in_dim3A_510 : vector<8x128xi1>, vector<8x128xf32>
    %mul3A_512 = vector.broadcast %squeeze3A_500 : f32 to vector<8x128xf32>
    %mul3A_513 = arith.mulf %mul3A_512, %select_n3A_511 : vector<8x128xf32>
    %add3A_514 = arith.addf %add3A_498, %mul3A_513 : vector<8x128xf32>
    %slice3A_515 = vector.extract_strided_slice %get3A_266 {offsets = [0, 15], sizes = [1, 1], strides = [1, 1]} : vector<1x16xf32> to vector<1x1xf32>
    %squeeze3A_516 = vector.extract %slice3A_515[0, 0] : f32 from vector<1x1xf32>
    %and3A_517 = arith.constant 15 : i32
    %and3A_518 = vector.broadcast %and3A_517 : i32 to vector<8x128xi32>
    %and3A_519 = arith.andi %iota3A_268, %and3A_518 : vector<8x128xi32>
    %eq3A_520 = arith.constant 15 : i32
    %eq3A_521 = vector.broadcast %eq3A_520 : i32 to vector<8x128xi32>
    %eq3A_522 = arith.cmpi eq, %and3A_519, %eq3A_521 : vector<8x128xi32>
    %jit3A_523 = arith.constant 1.000000e+00 : f32
    %jit3A_524 = arith.constant 0.000000e+00 : f32
    %broadcast_in_dim3A_525 = vector.broadcast %jit3A_523 : f32 to vector<8x128xf32>
    %broadcast_in_dim3A_526 = vector.broadcast %jit3A_524 : f32 to vector<8x128xf32>
    %select_n3A_527 = arith.select %eq3A_522, %broadcast_in_dim3A_525, %broadcast_in_dim3A_526 : vector<8x128xi1>, vector<8x128xf32>
    %mul3A_528 = vector.broadcast %squeeze3A_516 : f32 to vector<8x128xf32>
    %mul3A_529 = arith.mulf %mul3A_528, %select_n3A_527 : vector<8x128xf32>
    %add3A_530 = arith.addf %add3A_514, %mul3A_529 : vector<8x128xf32>
    %jit3A_531 = arith.constant 0.000000e+00 : f32
    %broadcast_in_dim3A_532 = vector.broadcast %jit3A_531 : f32 to vector<8x128xf32>
    %select_n3A_533 = arith.select %eq3A_272, %add3A_530, %broadcast_in_dim3A_532 : vector<8x128xi1>, vector<8x128xf32>
    %dot_general3A_534 = arith.constant dense<0.000000e+00> : vector<8x4000xf32>
    %dot_general3A_535 = tpu.matmul %select_n3A_533, %get3A_1, %dot_general3A_534 {dimension_numbers = #tpu.dot_dimension_numbers<[1], [1], [0], [0], [0, 0, 1, 0], [], []>, transpose_lhs_hint = false} : vector<8x128xf32>, vector<4000x128xf32>, vector<8x4000xf32> -> vector<8x4000xf32>
    %swap3A_536 = arith.constant 0 : index
    %swap3A_537 = arith.constant 0 : index
    %swap3A_538 = vector.load %arg5[%swap3A_536, %swap3A_537] : memref<8x4000xf32, #tpu.memory_space<vmem>>, vector<8x4000xf32>
    tpu.vector_store %arg5[%swap3A_536, %swap3A_537], %dot_general3A_535 {strides = array<i32>} : memref<8x4000xf32, #tpu.memory_space<vmem>>, vector<8x4000xf32>,
    return
  }
  func.func @transform_0(%arg0: i32) -> (i32, i32) {
    %c0_i32 = arith.constant 0 : i32
    %c0_i32_0 = arith.constant 0 : i32
    %c0_i32_1 = arith.constant 0 : i32
    return %c0_i32, %c0_i32_0 : i32, i32
  }
  func.func @transform_1(%arg0: i32) -> (i32, i32) {
    %c0_i32 = arith.constant 0 : i32
    %c0_i32_0 = arith.constant 0 : i32
    %c0_i32_1 = arith.constant 0 : i32
    return %c0_i32, %c0_i32_0 : i32, i32
  }
  func.func @transform_2(%arg0: i32) -> (i32, i32) {
    %c0_i32 = arith.constant 0 : i32
    %c0_i32_0 = arith.constant 0 : i32
    return %arg0, %c0_i32 : i32, i32
  }
  func.func @transform_3(%arg0: i32) -> (i32, i32) {
    %c0_i32 = arith.constant 0 : i32
    %c0_i32_0 = arith.constant 0 : i32
    return %arg0, %c0_i32 : i32, i32
  }
  func.func @transform_4(%arg0: i32) -> (i32, i32) {
    %c0_i32 = arith.constant 0 : i32
    %c0_i32_0 = arith.constant 0 : i32
    return %arg0, %c0_i32 : i32, i32
  }
}

module attributes {stable_mosaic.version = 14 : i64} {
  func.func @_mid_body(%arg0: i32, %arg1: memref<2x2000x144xf32, #tpu.memory_space<vmem>>, %arg2: memref<1x128xf32, #tpu.memory_space<vmem>>, %arg3: memref<128x128xf32, #tpu.memory_space<vmem>>, %arg4: memref<128x1xf32, #tpu.memory_space<vmem>>, %arg5: memref<128x1xf32, #tpu.memory_space<vmem>>, %arg6: memref<128x1xf32, #tpu.memory_space<vmem>>, %arg7: memref<2000x144xf32, #tpu.memory_space<vmem>>, %arg8: memref<2000x1xf32, #tpu.memory_space<vmem>>, %arg9: memref<1x1xf32, #tpu.memory_space<vmem>>, %arg10: memref<1x1xf32, #tpu.memory_space<vmem>>, %arg11: memref<1x1xf32, #tpu.memory_space<vmem>>, %arg12: memref<2000x1xf32, #tpu.memory_space<vmem>>) attributes {dimension_semantics = [#tpu.dimension_semantics<arbitrary>], iteration_bounds = array<i64: 5>, scalar_prefetch = 0 : i64, scratch_operands = 0 : i64, tpu.core_type = #tpu.core_type<tc>, window_params = [{transform_indices = @transform_0, window_bounds = array<i64: 2, 2000, 144>}, {pipeline_mode = #tpu.pipeline_mode<synchronous>, transform_indices = @transform_1, window_bounds = array<i64: 1, 128>}, {pipeline_mode = #tpu.pipeline_mode<synchronous>, transform_indices = @transform_2, window_bounds = array<i64: 128, 128>}, {pipeline_mode = #tpu.pipeline_mode<synchronous>, transform_indices = @transform_3, window_bounds = array<i64: 128, 1>}, {pipeline_mode = #tpu.pipeline_mode<synchronous>, transform_indices = @transform_4, window_bounds = array<i64: 128, 1>}, {pipeline_mode = #tpu.pipeline_mode<synchronous>, transform_indices = @transform_5, window_bounds = array<i64: 128, 1>}, {transform_indices = @transform_6, window_bounds = array<i64: 2000, 144>}, {transform_indices = @transform_7, window_bounds = array<i64: 2000, 1>}, {pipeline_mode = #tpu.pipeline_mode<synchronous>, transform_indices = @transform_8, window_bounds = array<i64: 1, 1>}, {pipeline_mode = #tpu.pipeline_mode<synchronous>, transform_indices = @transform_9, window_bounds = array<i64: 1, 1>}, {pipeline_mode = #tpu.pipeline_mode<synchronous>, transform_indices = @transform_10, window_bounds = array<i64: 1, 1>}, {transform_indices = @transform_11, window_bounds = array<i64: 2000, 1>}]} {
    %get3A = arith.constant 0 : index
    %get3A_0 = arith.constant 0 : index
    %get3A_1 = arith.constant 0 : index
    %get3A_2 = vector.load %arg1[%get3A, %get3A_0, %get3A_1] : memref<2x2000x144xf32, #tpu.memory_space<vmem>>, vector<1x2000x144xf32>
    %get3A_3 = vector.shape_cast %get3A_2 : vector<1x2000x144xf32> to vector<2000x144xf32>
    %get3A_4 = arith.constant 1 : index
    %get3A_5 = arith.constant 0 : index
    %get3A_6 = arith.constant 0 : index
    %get3A_7 = vector.load %arg1[%get3A_4, %get3A_5, %get3A_6] : memref<2x2000x144xf32, #tpu.memory_space<vmem>>, vector<1x2000x144xf32>
    %get3A_8 = vector.shape_cast %get3A_7 : vector<1x2000x144xf32> to vector<2000x144xf32>
    %add3A = arith.addf %get3A_3, %get3A_8 : vector<2000x144xf32>
    %slice3A = vector.extract_strided_slice %add3A {offsets = [0, 0], sizes = [2000, 128], strides = [1, 1]} : vector<2000x144xf32> to vector<2000x128xf32>
    %slice3A_9 = vector.extract_strided_slice %add3A {offsets = [0, 129], sizes = [2000, 1], strides = [1, 1]} : vector<2000x144xf32> to vector<2000x1xf32>
    %add3A_10 = arith.constant 1.000000e-16 : f32
    %add3A_11 = vector.broadcast %add3A_10 : f32 to vector<2000x1xf32>
    %add3A_12 = arith.addf %slice3A_9, %add3A_11 : vector<2000x1xf32>
    %div3A = vector.broadcast %add3A_12 : vector<2000x1xf32> to vector<2000x128xf32>
    %div3A_13 = arith.divf %slice3A, %div3A : vector<2000x128xf32>
    %get3A_14 = arith.constant 0 : index
    %get3A_15 = arith.constant 0 : index
    %get3A_16 = vector.load %arg2[%get3A_14, %get3A_15] : memref<1x128xf32, #tpu.memory_space<vmem>>, vector<1x128xf32>
    %add3A_17 = vector.broadcast %get3A_16 : vector<1x128xf32> to vector<2000x128xf32>
    %add3A_18 = arith.addf %div3A_13, %add3A_17 : vector<2000x128xf32>
    %max3A = arith.constant 0.000000e+00 : f32
    %max3A_19 = vector.broadcast %max3A : f32 to vector<2000x128xf32>
    %max3A_20 = arith.maximumf %add3A_18, %max3A_19 : vector<2000x128xf32>
    %get3A_21 = arith.constant 0 : index
    %get3A_22 = arith.constant 0 : index
    %get3A_23 = vector.load %arg3[%get3A_21, %get3A_22] : memref<128x128xf32, #tpu.memory_space<vmem>>, vector<128x128xf32>
    %dot_general3A = arith.constant dense<0.000000e+00> : vector<2000x128xf32>
    %dot_general3A_24 = tpu.matmul %max3A_20, %get3A_23, %dot_general3A {dimension_numbers = #tpu.dot_dimension_numbers<[1], [0], [0], [1], [0, 0, 1, 1], [], []>, transpose_lhs_hint = false} : vector<2000x128xf32>, vector<128x128xf32>, vector<2000x128xf32> -> vector<2000x128xf32>
    %get3A_25 = arith.constant 0 : index
    %get3A_26 = arith.constant 0 : index
    %get3A_27 = vector.load %arg4[%get3A_25, %get3A_26] : memref<128x1xf32, #tpu.memory_space<vmem>>, vector<128x1xf32>
    %dot_general3A_28 = arith.constant dense<0.000000e+00> : vector<2000x1xf32>
    %dot_general3A_29 = tpu.matmul %dot_general3A_24, %get3A_27, %dot_general3A_28 {dimension_numbers = #tpu.dot_dimension_numbers<[1], [0], [0], [1], [0, 0, 1, 1], [], []>, transpose_lhs_hint = false} : vector<2000x128xf32>, vector<128x1xf32>, vector<2000x1xf32> -> vector<2000x1xf32>
    %get3A_30 = arith.constant 0 : index
    %get3A_31 = arith.constant 0 : index
    %get3A_32 = vector.load %arg5[%get3A_30, %get3A_31] : memref<128x1xf32, #tpu.memory_space<vmem>>, vector<128x1xf32>
    %dot_general3A_33 = arith.constant dense<0.000000e+00> : vector<2000x1xf32>
    %dot_general3A_34 = tpu.matmul %dot_general3A_24, %get3A_32, %dot_general3A_33 {dimension_numbers = #tpu.dot_dimension_numbers<[1], [0], [0], [1], [0, 0, 1, 1], [], []>, transpose_lhs_hint = false} : vector<2000x128xf32>, vector<128x1xf32>, vector<2000x1xf32> -> vector<2000x1xf32>
    %broadcast_in_dim3A = arith.constant 1.000000e+00 : f32
    %broadcast_in_dim3A_35 = vector.broadcast %broadcast_in_dim3A : f32 to vector<2000x15xf32>
    %concatenate3A = tpu.concatenate %dot_general3A_24, %dot_general3A_29, %broadcast_in_dim3A_35 in 1 : vector<2000x128xf32>, vector<2000x1xf32>, vector<2000x15xf32> -> vector<2000x144xf32>
    %swap3A = arith.constant 0 : index
    %swap3A_36 = arith.constant 0 : index
    %swap3A_37 = vector.load %arg7[%swap3A, %swap3A_36] : memref<2000x144xf32, #tpu.memory_space<vmem>>, vector<2000x144xf32>
    tpu.vector_store %arg7[%swap3A, %swap3A_36], %concatenate3A {strides = array<i32>} : memref<2000x144xf32, #tpu.memory_space<vmem>>, vector<2000x144xf32>,
    %swap3A_38 = arith.constant 0 : index
    %swap3A_39 = arith.constant 0 : index
    %swap3A_40 = vector.load %arg8[%swap3A_38, %swap3A_39] : memref<2000x1xf32, #tpu.memory_space<vmem>>, vector<2000x1xf32>
    tpu.vector_store %arg8[%swap3A_38, %swap3A_39], %dot_general3A_34 {strides = array<i32>} : memref<2000x1xf32, #tpu.memory_space<vmem>>, vector<2000x1xf32>,
    %get3A_41 = arith.constant 0 : index
    %get3A_42 = arith.constant 0 : index
    %get3A_43 = vector.load %arg6[%get3A_41, %get3A_42] : memref<128x1xf32, #tpu.memory_space<vmem>>, vector<128x1xf32>
    %dot_general3A_44 = arith.constant dense<0.000000e+00> : vector<2000x1xf32>
    %dot_general3A_45 = tpu.matmul %max3A_20, %get3A_43, %dot_general3A_44 {dimension_numbers = #tpu.dot_dimension_numbers<[1], [0], [0], [1], [0, 0, 1, 1], [], []>, transpose_lhs_hint = false} : vector<2000x128xf32>, vector<128x1xf32>, vector<2000x1xf32> -> vector<2000x1xf32>
    %swap3A_46 = arith.constant 0 : index
    %swap3A_47 = arith.constant 0 : index
    %swap3A_48 = vector.load %arg12[%swap3A_46, %swap3A_47] : memref<2000x1xf32, #tpu.memory_space<vmem>>, vector<2000x1xf32>
    tpu.vector_store %arg12[%swap3A_46, %swap3A_47], %dot_general3A_45 {strides = array<i32>} : memref<2000x1xf32, #tpu.memory_space<vmem>>, vector<2000x1xf32>,
    %eq3A = arith.constant 0 : i32
    %eq3A_49 = arith.cmpi eq, %arg0, %eq3A : i32
    %convert_element_type3A = arith.extui %eq3A_49 : i1 to i32
    %cond3A = arith.constant 0 : i32
    %cond3A_50 = arith.cmpi ne, %convert_element_type3A, %cond3A : i32
    scf.if %cond3A_50 {
      %broadcast_in_dim3A_81 = arith.constant 0xFF800000 : f32
      %broadcast_in_dim3A_82 = vector.broadcast %broadcast_in_dim3A_81 : f32 to vector<1x1xf32>
      %swap3A_83 = arith.constant 0 : index
      %swap3A_84 = arith.constant 0 : index
      %swap3A_85 = vector.load %arg9[%swap3A_83, %swap3A_84] : memref<1x1xf32, #tpu.memory_space<vmem>>, vector<1x1xf32>
      tpu.vector_store %arg9[%swap3A_83, %swap3A_84], %broadcast_in_dim3A_82 {strides = array<i32>} : memref<1x1xf32, #tpu.memory_space<vmem>>, vector<1x1xf32>,
      %broadcast_in_dim3A_86 = arith.constant 0xFF800000 : f32
      %broadcast_in_dim3A_87 = vector.broadcast %broadcast_in_dim3A_86 : f32 to vector<1x1xf32>
      %swap3A_88 = arith.constant 0 : index
      %swap3A_89 = arith.constant 0 : index
      %swap3A_90 = vector.load %arg10[%swap3A_88, %swap3A_89] : memref<1x1xf32, #tpu.memory_space<vmem>>, vector<1x1xf32>
      tpu.vector_store %arg10[%swap3A_88, %swap3A_89], %broadcast_in_dim3A_87 {strides = array<i32>} : memref<1x1xf32, #tpu.memory_space<vmem>>, vector<1x1xf32>,
    } else {
    }
    %get3A_51 = arith.constant 0 : index
    %get3A_52 = arith.constant 0 : index
    %get3A_53 = vector.load %arg9[%get3A_51, %get3A_52] : memref<1x1xf32, #tpu.memory_space<vmem>>, vector<1x1xf32>
    %reduce_max3A = vector.shape_cast %dot_general3A_29 : vector<2000x1xf32> to vector<1x2000x1xf32>
    %reduce_max3A_54 = arith.constant dense<0xFF800000> : vector<1xf32>
    %reduce_max3A_55 = vector.multi_reduction <maximumf>, %reduce_max3A, %reduce_max3A_54 [1, 2] : vector<1x2000x1xf32> to vector<1xf32>
    %reduce_max3A_56 = vector.shape_cast %reduce_max3A_55 : vector<1xf32> to vector<1x1x1xf32>
    %reduce_max3A_57 = vector.extract %reduce_max3A_56[0, 0, 0] : f32 from vector<1x1x1xf32>
    %max3A_58 = vector.broadcast %reduce_max3A_57 : f32 to vector<1x1xf32>
    %max3A_59 = arith.maximumf %get3A_53, %max3A_58 : vector<1x1xf32>
    %swap3A_60 = arith.constant 0 : index
    %swap3A_61 = arith.constant 0 : index
    %swap3A_62 = vector.load %arg9[%swap3A_60, %swap3A_61] : memref<1x1xf32, #tpu.memory_space<vmem>>, vector<1x1xf32>
    tpu.vector_store %arg9[%swap3A_60, %swap3A_61], %max3A_59 {strides = array<i32>} : memref<1x1xf32, #tpu.memory_space<vmem>>, vector<1x1xf32>,
    %get3A_63 = arith.constant 0 : index
    %get3A_64 = arith.constant 0 : index
    %get3A_65 = vector.load %arg10[%get3A_63, %get3A_64] : memref<1x1xf32, #tpu.memory_space<vmem>>, vector<1x1xf32>
    %reduce_max3A_66 = vector.shape_cast %dot_general3A_34 : vector<2000x1xf32> to vector<1x2000x1xf32>
    %reduce_max3A_67 = arith.constant dense<0xFF800000> : vector<1xf32>
    %reduce_max3A_68 = vector.multi_reduction <maximumf>, %reduce_max3A_66, %reduce_max3A_67 [1, 2] : vector<1x2000x1xf32> to vector<1xf32>
    %reduce_max3A_69 = vector.shape_cast %reduce_max3A_68 : vector<1xf32> to vector<1x1x1xf32>
    %reduce_max3A_70 = vector.extract %reduce_max3A_69[0, 0, 0] : f32 from vector<1x1x1xf32>
    %max3A_71 = vector.broadcast %reduce_max3A_70 : f32 to vector<1x1xf32>
    %max3A_72 = arith.maximumf %get3A_65, %max3A_71 : vector<1x1xf32>
    %swap3A_73 = arith.constant 0 : index
    %swap3A_74 = arith.constant 0 : index
    %swap3A_75 = vector.load %arg10[%swap3A_73, %swap3A_74] : memref<1x1xf32, #tpu.memory_space<vmem>>, vector<1x1xf32>
    tpu.vector_store %arg10[%swap3A_73, %swap3A_74], %max3A_72 {strides = array<i32>} : memref<1x1xf32, #tpu.memory_space<vmem>>, vector<1x1xf32>,
    %eq3A_76 = arith.constant 4 : i32
    %eq3A_77 = arith.cmpi eq, %arg0, %eq3A_76 : i32
    %convert_element_type3A_78 = arith.extui %eq3A_77 : i1 to i32
    %cond3A_79 = arith.constant 0 : i32
    %cond3A_80 = arith.cmpi ne, %convert_element_type3A_78, %cond3A_79 : i32
    scf.if %cond3A_80 {
      %get3A_81 = arith.constant 0 : index
      %get3A_82 = arith.constant 0 : index
      %get3A_83 = vector.load %arg9[%get3A_81, %get3A_82] : memref<1x1xf32, #tpu.memory_space<vmem>>, vector<1x1xf32>
      %get3A_84 = vector.extract %get3A_83[0, 0] : f32 from vector<1x1xf32>
      %get3A_85 = arith.constant 0 : index
      %get3A_86 = arith.constant 0 : index
      %get3A_87 = vector.load %arg10[%get3A_85, %get3A_86] : memref<1x1xf32, #tpu.memory_space<vmem>>, vector<1x1xf32>
      %get3A_88 = vector.extract %get3A_87[0, 0] : f32 from vector<1x1xf32>
      %add3A_89 = arith.addf %get3A_84, %get3A_88 : f32
      %mul3A = arith.constant 2.000000e-01 : f32
      %mul3A_90 = arith.mulf %mul3A, %add3A_89 : f32
      %max3A_91 = arith.maximumf %add3A_89, %mul3A_90 : f32
      %broadcast_in_dim3A_92 = vector.broadcast %max3A_91 : f32 to vector<1x1xf32>
      %swap3A_93 = arith.constant 0 : index
      %swap3A_94 = arith.constant 0 : index
      %swap3A_95 = vector.load %arg11[%swap3A_93, %swap3A_94] : memref<1x1xf32, #tpu.memory_space<vmem>>, vector<1x1xf32>
      tpu.vector_store %arg11[%swap3A_93, %swap3A_94], %broadcast_in_dim3A_92 {strides = array<i32>} : memref<1x1xf32, #tpu.memory_space<vmem>>, vector<1x1xf32>,
    } else {
    }
    return
  }
  func.func @transform_0(%arg0: i32) -> (i32, i32, i32) {
    %c0_i32 = arith.constant 0 : i32
    %c0_i32_0 = arith.constant 0 : i32
    %c0_i32_1 = arith.constant 0 : i32
    return %c0_i32, %arg0, %c0_i32_0 : i32, i32, i32
  }
  func.func @transform_1(%arg0: i32) -> (i32, i32) {
    %c0_i32 = arith.constant 0 : i32
    %c0_i32_0 = arith.constant 0 : i32
    %c0_i32_1 = arith.constant 0 : i32
    return %c0_i32, %c0_i32_0 : i32, i32
  }
  func.func @transform_2(%arg0: i32) -> (i32, i32) {
    %c0_i32 = arith.constant 0 : i32
    %c0_i32_0 = arith.constant 0 : i32
    %c0_i32_1 = arith.constant 0 : i32
    return %c0_i32, %c0_i32_0 : i32, i32
  }
  func.func @transform_3(%arg0: i32) -> (i32, i32) {
    %c0_i32 = arith.constant 0 : i32
    %c0_i32_0 = arith.constant 0 : i32
    %c0_i32_1 = arith.constant 0 : i32
    return %c0_i32, %c0_i32_0 : i32, i32
  }
  func.func @transform_4(%arg0: i32) -> (i32, i32) {
    %c0_i32 = arith.constant 0 : i32
    %c0_i32_0 = arith.constant 0 : i32
    %c0_i32_1 = arith.constant 0 : i32
    return %c0_i32, %c0_i32_0 : i32, i32
  }
  func.func @transform_5(%arg0: i32) -> (i32, i32) {
    %c0_i32 = arith.constant 0 : i32
    %c0_i32_0 = arith.constant 0 : i32
    %c0_i32_1 = arith.constant 0 : i32
    return %c0_i32, %c0_i32_0 : i32, i32
  }
  func.func @transform_6(%arg0: i32) -> (i32, i32) {
    %c0_i32 = arith.constant 0 : i32
    %c0_i32_0 = arith.constant 0 : i32
    return %arg0, %c0_i32 : i32, i32
  }
  func.func @transform_7(%arg0: i32) -> (i32, i32) {
    %c0_i32 = arith.constant 0 : i32
    %c0_i32_0 = arith.constant 0 : i32
    return %arg0, %c0_i32 : i32, i32
  }
  func.func @transform_8(%arg0: i32) -> (i32, i32) {
    %c0_i32 = arith.constant 0 : i32
    %c0_i32_0 = arith.constant 0 : i32
    %c0_i32_1 = arith.constant 0 : i32
    return %c0_i32, %c0_i32_0 : i32, i32
  }
  func.func @transform_9(%arg0: i32) -> (i32, i32) {
    %c0_i32 = arith.constant 0 : i32
    %c0_i32_0 = arith.constant 0 : i32
    %c0_i32_1 = arith.constant 0 : i32
    return %c0_i32, %c0_i32_0 : i32, i32
  }
  func.func @transform_10(%arg0: i32) -> (i32, i32) {
    %c0_i32 = arith.constant 0 : i32
    %c0_i32_0 = arith.constant 0 : i32
    %c0_i32_1 = arith.constant 0 : i32
    return %c0_i32, %c0_i32_0 : i32, i32
  }
  func.func @transform_11(%arg0: i32) -> (i32, i32) {
    %c0_i32 = arith.constant 0 : i32
    %c0_i32_0 = arith.constant 0 : i32
    return %arg0, %c0_i32 : i32, i32
  }
}

module attributes {stable_mosaic.version = 14 : i64} {
  func.func @_post_body(%arg0: i32, %arg1: memref<2x2000x144xf32, #tpu.memory_space<vmem>>, %arg2: memref<1x128xf32, #tpu.memory_space<vmem>>, %arg3: memref<128x100xf32, #tpu.memory_space<vmem>>, %arg4: memref<1x100xf32, #tpu.memory_space<vmem>>, %arg5: memref<128x1xf32, #tpu.memory_space<vmem>>, %arg6: memref<2000x1xf32, #tpu.memory_space<vmem>>, %arg7: memref<2000x100xf32, #tpu.memory_space<vmem>>, %arg8: memref<2000x1xf32, #tpu.memory_space<vmem>>) attributes {dimension_semantics = [#tpu.dimension_semantics<arbitrary>], iteration_bounds = array<i64: 5>, scalar_prefetch = 0 : i64, scratch_operands = 0 : i64, tpu.core_type = #tpu.core_type<tc>, window_params = [{transform_indices = @transform_0, window_bounds = array<i64: 2, 2000, 144>}, {pipeline_mode = #tpu.pipeline_mode<synchronous>, transform_indices = @transform_1, window_bounds = array<i64: 1, 128>}, {pipeline_mode = #tpu.pipeline_mode<synchronous>, transform_indices = @transform_2, window_bounds = array<i64: 128, 100>}, {pipeline_mode = #tpu.pipeline_mode<synchronous>, transform_indices = @transform_3, window_bounds = array<i64: 1, 100>}, {pipeline_mode = #tpu.pipeline_mode<synchronous>, transform_indices = @transform_4, window_bounds = array<i64: 128, 1>}, {transform_indices = @transform_5, window_bounds = array<i64: 2000, 1>}, {transform_indices = @transform_6, window_bounds = array<i64: 2000, 100>}, {transform_indices = @transform_7, window_bounds = array<i64: 2000, 1>}]} {
    %get3A = arith.constant 0 : index
    %get3A_0 = arith.constant 0 : index
    %get3A_1 = arith.constant 0 : index
    %get3A_2 = vector.load %arg1[%get3A, %get3A_0, %get3A_1] : memref<2x2000x144xf32, #tpu.memory_space<vmem>>, vector<1x2000x144xf32>
    %get3A_3 = vector.shape_cast %get3A_2 : vector<1x2000x144xf32> to vector<2000x144xf32>
    %get3A_4 = arith.constant 1 : index
    %get3A_5 = arith.constant 0 : index
    %get3A_6 = arith.constant 0 : index
    %get3A_7 = vector.load %arg1[%get3A_4, %get3A_5, %get3A_6] : memref<2x2000x144xf32, #tpu.memory_space<vmem>>, vector<1x2000x144xf32>
    %get3A_8 = vector.shape_cast %get3A_7 : vector<1x2000x144xf32> to vector<2000x144xf32>
    %add3A = arith.addf %get3A_3, %get3A_8 : vector<2000x144xf32>
    %slice3A = vector.extract_strided_slice %add3A {offsets = [0, 0], sizes = [2000, 128], strides = [1, 1]} : vector<2000x144xf32> to vector<2000x128xf32>
    %slice3A_9 = vector.extract_strided_slice %add3A {offsets = [0, 129], sizes = [2000, 1], strides = [1, 1]} : vector<2000x144xf32> to vector<2000x1xf32>
    %add3A_10 = arith.constant 1.000000e-16 : f32
    %add3A_11 = vector.broadcast %add3A_10 : f32 to vector<2000x1xf32>
    %add3A_12 = arith.addf %slice3A_9, %add3A_11 : vector<2000x1xf32>
    %div3A = vector.broadcast %add3A_12 : vector<2000x1xf32> to vector<2000x128xf32>
    %div3A_13 = arith.divf %slice3A, %div3A : vector<2000x128xf32>
    %get3A_14 = arith.constant 0 : index
    %get3A_15 = arith.constant 0 : index
    %get3A_16 = vector.load %arg2[%get3A_14, %get3A_15] : memref<1x128xf32, #tpu.memory_space<vmem>>, vector<1x128xf32>
    %add3A_17 = vector.broadcast %get3A_16 : vector<1x128xf32> to vector<2000x128xf32>
    %add3A_18 = arith.addf %div3A_13, %add3A_17 : vector<2000x128xf32>
    %max3A = arith.constant 0.000000e+00 : f32
    %max3A_19 = vector.broadcast %max3A : f32 to vector<2000x128xf32>
    %max3A_20 = arith.maximumf %add3A_18, %max3A_19 : vector<2000x128xf32>
    %get3A_21 = arith.constant 0 : index
    %get3A_22 = arith.constant 0 : index
    %get3A_23 = vector.load %arg3[%get3A_21, %get3A_22] : memref<128x100xf32, #tpu.memory_space<vmem>>, vector<128x100xf32>
    %dot_general3A = arith.constant dense<0.000000e+00> : vector<2000x100xf32>
    %dot_general3A_24 = tpu.matmul %max3A_20, %get3A_23, %dot_general3A {dimension_numbers = #tpu.dot_dimension_numbers<[1], [0], [0], [1], [0, 0, 1, 1], [], []>, transpose_lhs_hint = false} : vector<2000x128xf32>, vector<128x100xf32>, vector<2000x100xf32> -> vector<2000x100xf32>
    %get3A_25 = arith.constant 0 : index
    %get3A_26 = arith.constant 0 : index
    %get3A_27 = vector.load %arg4[%get3A_25, %get3A_26] : memref<1x100xf32, #tpu.memory_space<vmem>>, vector<1x100xf32>
    %add3A_28 = vector.broadcast %get3A_27 : vector<1x100xf32> to vector<2000x100xf32>
    %add3A_29 = arith.addf %dot_general3A_24, %add3A_28 : vector<2000x100xf32>
    %swap3A = arith.constant 0 : index
    %swap3A_30 = arith.constant 0 : index
    %swap3A_31 = vector.load %arg7[%swap3A, %swap3A_30] : memref<2000x100xf32, #tpu.memory_space<vmem>>, vector<2000x100xf32>
    tpu.vector_store %arg7[%swap3A, %swap3A_30], %add3A_29 {strides = array<i32>} : memref<2000x100xf32, #tpu.memory_space<vmem>>, vector<2000x100xf32>,
    %get3A_32 = arith.constant 0 : index
    %get3A_33 = arith.constant 0 : index
    %get3A_34 = vector.load %arg6[%get3A_32, %get3A_33] : memref<2000x1xf32, #tpu.memory_space<vmem>>, vector<2000x1xf32>
    %get3A_35 = arith.constant 0 : index
    %get3A_36 = arith.constant 0 : index
    %get3A_37 = vector.load %arg5[%get3A_35, %get3A_36] : memref<128x1xf32, #tpu.memory_space<vmem>>, vector<128x1xf32>
    %dot_general3A_38 = arith.constant dense<0.000000e+00> : vector<2000x1xf32>
    %dot_general3A_39 = tpu.matmul %max3A_20, %get3A_37, %dot_general3A_38 {dimension_numbers = #tpu.dot_dimension_numbers<[1], [0], [0], [1], [0, 0, 1, 1], [], []>, transpose_lhs_hint = false} : vector<2000x128xf32>, vector<128x1xf32>, vector<2000x1xf32> -> vector<2000x1xf32>
    %add3A_40 = arith.addf %get3A_34, %dot_general3A_39 : vector<2000x1xf32>
    %swap3A_41 = arith.constant 0 : index
    %swap3A_42 = arith.constant 0 : index
    %swap3A_43 = vector.load %arg8[%swap3A_41, %swap3A_42] : memref<2000x1xf32, #tpu.memory_space<vmem>>, vector<2000x1xf32>
    tpu.vector_store %arg8[%swap3A_41, %swap3A_42], %add3A_40 {strides = array<i32>} : memref<2000x1xf32, #tpu.memory_space<vmem>>, vector<2000x1xf32>,
    return
  }
  func.func @transform_0(%arg0: i32) -> (i32, i32, i32) {
    %c0_i32 = arith.constant 0 : i32
    %c0_i32_0 = arith.constant 0 : i32
    %c0_i32_1 = arith.constant 0 : i32
    return %c0_i32, %arg0, %c0_i32_0 : i32, i32, i32
  }
  func.func @transform_1(%arg0: i32) -> (i32, i32) {
    %c0_i32 = arith.constant 0 : i32
    %c0_i32_0 = arith.constant 0 : i32
    %c0_i32_1 = arith.constant 0 : i32
    return %c0_i32, %c0_i32_0 : i32, i32
  }
  func.func @transform_2(%arg0: i32) -> (i32, i32) {
    %c0_i32 = arith.constant 0 : i32
    %c0_i32_0 = arith.constant 0 : i32
    %c0_i32_1 = arith.constant 0 : i32
    return %c0_i32, %c0_i32_0 : i32, i32
  }
  func.func @transform_3(%arg0: i32) -> (i32, i32) {
    %c0_i32 = arith.constant 0 : i32
    %c0_i32_0 = arith.constant 0 : i32
    %c0_i32_1 = arith.constant 0 : i32
    return %c0_i32, %c0_i32_0 : i32, i32
  }
  func.func @transform_4(%arg0: i32) -> (i32, i32) {
    %c0_i32 = arith.constant 0 : i32
    %c0_i32_0 = arith.constant 0 : i32
    %c0_i32_1 = arith.constant 0 : i32
    return %c0_i32, %c0_i32_0 : i32, i32
  }
  func.func @transform_5(%arg0: i32) -> (i32, i32) {
    %c0_i32 = arith.constant 0 : i32
    %c0_i32_0 = arith.constant 0 : i32
    return %arg0, %c0_i32 : i32, i32
  }
  func.func @transform_6(%arg0: i32) -> (i32, i32) {
    %c0_i32 = arith.constant 0 : i32
    %c0_i32_0 = arith.constant 0 : i32
    return %arg0, %c0_i32 : i32, i32
  }
  func.func @transform_7(%arg0: i32) -> (i32, i32) {
    %c0_i32 = arith.constant 0 : i32
    %c0_i32_0 = arith.constant 0 : i32
    return %arg0, %c0_i32 : i32, i32
  }
}

</mosaic_0001>

<sc_bundles>
// kernel: kernel.11.cloned.1.call-start
scs
__scs_entry_jumppad:
0x0: {  	(pc) =	sbr.rel $0x88, $3  }
0x1: {  	(tag) =	ssettag $0x0;
	lr =	simm.s32 $0x1  }
0x2: {  	[smem:$0x3F8E] =	sst lr;
	_ =	strace $0xD0000000  }
0x3: {  	_ = 	snop  }
0x4: {  	_ = 	snop  }
0x5: {  	_ = 	snop  }
0x6: {  	_ = 	snop  }
0x7: {  	_ = 	snop  }
__scs_overlays_trampoline_lowered:
0x8: {  	[smem:$0x3F9D] =	sst s0  }
0x9: {  	[smem:$0x3F9E] =	sst s1  }
0xa: {  	[smem:$0x3F9F] =	sst s2  }
0xb: {  	[smem:$0x3FA0] =	sst s3  }
0xc: {  	[smem:$0x3FA1] =	sst s4  }
0xd: {  	[smem:$0x3FA2] =	sst s5  }
0xe: {  	[smem:$0x3FA3] =	sst s6  }
0xf: {  	[smem:$0x3FA4] =	sst s7  }
0x10: {  	[smem:$0x3FA5] =	sst s8  }
0x11: {  	[smem:$0x3FA6] =	sst s9;
	s0 =	simm.s32 @!p0 $0x0  }
0x12: {  	s1 =	sld [smem:$0x3F8C];
	s0 =	simm.s32 @p0 $0x1  }
0x13: {  	[smem:$0x3FA7] =	sst s0;
	s0 =	simm.s32 @!p1 $0x0  }
0x14: {  	s2 =	sld [smem:$0x3F8B];
	s0 =	simm.s32 @p1 $0x1  }
0x15: {  	[smem:$0x3FA8] =	sst s0;
	s0 =	simm.s32 @!p2 $0x0  }
0x16: {  	s3 =	sld [smem:$0x3FDB];
	s0 =	simm.s32 @p2 $0x1  }
0x17: {  	s4 =	simm.s32 $0x1BF5;
	[smem:$0x3FAA] =	sst s0  }
0x18: {  	s0 =	sld [smem:$0x3F8D];
	_ =	swait.ge [sflag:s4], $0x0  }
0x19: {  	s7 =	sld [smem:$0x3F8E]  }
0x1a: {  	s8 =	sadd.s32 $0xFFFFE003, lr  }
0x1b: {  	s9 =	sadd.s32 $0xFFFFFEF7, lr;
	s5 =	simm.s32 $0xFFFFFFFF;
	p2 =	slt.u32 s8, $0xFFFFF086  }
0x1c: {  	p1 =	slt.u32 s9, $0xF7A;
	s5 =	simm.s32 @!p2 $0x0  }
0x1d: {  	s5 =	simm.s32 @p1 $0x1;
	p0 =	seq.s32 s7, s2  }
0x1e: {  	s7 =	smul.u32 @!p0 $0xF7A, s2;
	p2 =	seq.s32 @!p0 s5, $0x0  }
0x1f: {  	s9 =	smul.u32 $0xF7A, s1;
	s8 =	simm.s32 @!p0 $0x1BF5;
	p2 =	por !p2, p0  }
0x20: {  	[sflag:s8] =	ssyncset.s32 @!p0 $0xFFFFF086;
	s6 =	sadd.s32 @!p0 s3, s7;
	s7 =	simm.s32 @!p0 $0x108  }
0x21: {  	s3 =	sadd.s32 s3, s9;
	s6 =	sadd.s32 @!p0 $0x88, s6;
	s7 =	simm.s32 @p2 $0x1082  }
0x22: {  	[simem:s7], [sflag:s8] =	dma.local @!p0 [hbm:s6], $0xF7A  }
0x23: {  	s9 =	sor.u32 $0xD0000000, s2;
	s6 =	simm.s32 $0x108;
	_ =	swait.ge @!p0 [sflag:s8], $0x0  }
0x24: {  	s3 =	sadd.s32 $0x88, s3;
	s6 =	simm.s32 @!p1 $0x1082;
	[sflag:s4] =	ssyncset.s32 $0xFFFFF086  }
0x25: {  	[simem:s6], [sflag:s4] =	dma.local [hbm:s3], $0xF7A  }
0x26: {  	[smem:$0x3F8E] =	sst s1;
	(tag) =	ssettag s2;
	_ =	strace s9  }
0x27: {  	s1 =	sld [smem:$0x3F9E]  }
0x28: {  	s2 =	sld [smem:$0x3F9F]  }
0x29: {  	s4 =	sld [smem:$0x3FA1]  }
0x2a: {  	p0 =	seq.s32 s5, $0x0;
	s5 =	sld [smem:$0x3FA2]  }
0x2b: {  	s6 =	sld [smem:$0x3FA3]  }
0x2c: {  	s7 =	sld [smem:$0x3FA4]  }
0x2d: {  	s3 =	simm.s32 $0x108;
	s8 =	sld [smem:$0x3FA5]  }
0x2e: {  	s3 =	simm.s32 @!p0 $0x1082;
	s9 =	sld [smem:$0x3FA6]  }
0x2f: {  	lr =	sadd.s32 s0, s3;
	s0 =	sld [smem:$0x3F9D]  }
0x30: {  	s3 =	sld [smem:$0x3FA0]  }
0x31: {  	[smem:$0x3FA9] =	sst s10  }
0x32: {  	s10 =	sld [smem:$0x3FA7];
	_ =	sdelay $0x3  }
0x33: {  	p0 =	seq.s32 s10, $0x1;
	s10 =	sld [smem:$0x3FA9];
	_ =	sdelay $0x3  }
0x34: {  	[smem:$0x3FA9] =	sst s10  }
0x35: {  	s10 =	sld [smem:$0x3FA8];
	_ =	sdelay $0x3  }
0x36: {  	p1 =	seq.s32 s10, $0x1;
	s10 =	sld [smem:$0x3FA9];
	_ =	sdelay $0x3  }
0x37: {  	[smem:$0x3FA9] =	sst s10  }
0x38: {  	s10 =	sld [smem:$0x3FAA]  }
0x39: {  	_ = 	snop;
	(pc) =	sbr.ind lr, $3  }
0x3a: {  	_ = 	snop  }
0x3b: {  	_ = 	snop  }
0x3c: {  	p2 =	seq.s32 s10, $0x1;
	s10 =	sld [smem:$0x3FA9]  }
0x3d: {  	_ =	shalt  }
0x3e: {  	_ =	shalt  }
0x3f: {  	_ =	shalt  }
0x40: {  	_ =	shalt  }
0x41: {  	_ =	shalt  }
0x42: {  	_ =	shalt  }
0x43: {  	_ =	shalt  }
0x44: {  	_ =	shalt  }
0x45: {  	_ =	shalt  }
0x46: {  	_ =	shalt  }
0x47: {  	_ =	shalt  }
0x48: {  	_ =	shalt  }
0x49: {  	_ =	shalt  }
0x4a: {  	_ =	shalt  }
0x4b: {  	_ =	shalt  }
0x4c: {  	_ =	shalt  }
0x4d: {  	_ =	shalt  }
0x4e: {  	_ =	shalt  }
0x4f: {  	_ =	shalt  }
0x50: {  	_ =	shalt  }
0x51: {  	_ =	shalt  }
0x52: {  	_ =	shalt  }
0x53: {  	_ =	shalt  }
0x54: {  	_ =	shalt  }
0x55: {  	_ =	shalt  }
0x56: {  	_ =	shalt  }
0x57: {  	_ =	shalt  }
0x58: {  	_ =	shalt  }
0x59: {  	_ =	shalt  }
0x5a: {  	_ =	shalt  }
0x5b: {  	_ =	shalt  }
0x5c: {  	_ =	shalt  }
0x5d: {  	_ =	shalt  }
0x5e: {  	_ =	shalt  }
0x5f: {  	_ =	shalt  }
0x60: {  	_ =	shalt  }
0x61: {  	_ =	shalt  }
0x62: {  	_ =	shalt  }
0x63: {  	_ =	shalt  }
0x64: {  	_ =	shalt  }
0x65: {  	_ =	shalt  }
0x66: {  	_ =	shalt  }
0x67: {  	_ =	shalt  }
0x68: {  	_ =	shalt  }
0x69: {  	_ =	shalt  }
0x6a: {  	_ =	shalt  }
0x6b: {  	_ =	shalt  }
0x6c: {  	_ =	shalt  }
0x6d: {  	_ =	shalt  }
0x6e: {  	_ =	shalt  }
0x6f: {  	_ =	shalt  }
0x70: {  	_ =	shalt  }
0x71: {  	_ =	shalt  }
0x72: {  	_ =	shalt  }
0x73: {  	_ =	shalt  }
0x74: {  	_ =	shalt  }
0x75: {  	_ =	shalt  }
0x76: {  	_ =	shalt  }
0x77: {  	_ =	shalt  }
0x78: {  	_ =	shalt  }
0x79: {  	_ =	shalt  }
0x7a: {  	_ =	shalt  }
0x7b: {  	_ =	shalt  }
0x7c: {  	_ =	shalt  }
0x7d: {  	_ =	shalt  }
0x7e: {  	_ =	shalt  }
0x7f: {  	_ =	shalt  }
0x80: {  	_ =	shalt  }
0x81: {  	_ =	shalt  }
0x82: {  	_ =	shalt  }
0x83: {  	_ =	shalt  }
0x84: {  	_ =	shalt  }
0x85: {  	_ =	shalt  }
0x86: {  	_ =	shalt  }
0x87: {  	_ =	shalt  }
.Lfunc_end0:
.L_simem_size_0:
called_computation.1_lowered:
.L_overlay_start_0:
0x88: {  	s2 =	sld [smem:$0x3FD9]  }
0x89: {  	s3 =	sld [smem:$0x3FFE];
	_ =	sdelay $0x1  }
0x8a: {  	s1 =	srdreg.scid  }
0x8b: {  	s0 =	sand.u32 $0x1, s1  }
0x8c: {  	s14 =	sshll.u32 s0, $0xA;
	s2 =	sadd.s32 s3, s2  }
0x8d: {  	s2 =	sadd.s32 s2, s14  }
0x8e: {  	[smem:$0x3FB5] =	sst s2  }
0x8f: {  	_ = 	snop  }
0x90: {  	s2 =	sld [smem:$0x3FD0];
	_ =	sdelay $0x2  }
0x91: {  	s15 =	simm.s32 $0xA;
	s4 =	simm.s32 $0x10  }
0x92: {  	[smem:s4], [sflag:s15] =	dma.local [hbm:s2], $0x1  }
0x93: {  	_ =	swait.eq [sflag:s15], $0x1  }
0x94: {  	[sflag:s15] =	ssyncset.done $0x0  }
0x95: {  	s16 =	sld [smem:$0x10];
	[sflag:s15] =	ssyncadd.s32 $0xFFFFFFFF  }
0x96: {  	s17 =	sld [smem:$0x11];
	(tm) =	ssettm $0x1  }
0x97: {  	s18 =	sld [smem:$0x3FFB];
	_ =	sdelay $0x3  }
0x98: {  	_ =	strace s18  }
0x99: {  	s4 =	sld [smem:$0x3FFC];
	_ =	sdelay $0x3  }
0x9a: {  	_ =	strace s4  }
0x9b: {  	s4 =	sld [smem:$0x3FFD];
	_ =	sdelay $0x3  }
0x9c: {  	_ =	strace s4  }
0x9d: {  	_ =	strace $0x8FFFFFFF  }
0x9e: {  	s19 =	sld [smem:$0x3FDB];
	_ =	sdelay $0x1  }
0x9f: {  	s5 =	simm.s32 $_scs_section_size  }
0xa0: {  	s6 =	simm.s32 $_size__tile_overlayer_lowered;
	s7 =	simm.s32 $_tile_overlayer_lowered  }
0xa1: {  	s22 =	simm.s32 $0x1BFF;
	s21 =	sshll.u32 s7, $0x1;
	s4 =	sadd.s32 s5, s19  }
0xa2: {  	s8 =	simm.s32 $0x0;
	s20 =	sshll.u32 s6, $0x1;
	s6 =	sadd.s32 s21, s4  }
0xa3: {  	[timem:s8], [sflag:s22] =	dma.local [hbm:s6], s20  }
0xa4: {  	_ =	swait.ge [sflag:s22], s20  }
0xa5: {  	s5 =	ssub.s32 $0x0, s20;
	[sflag:s22] =	ssyncset.done $0x0  }
0xa6: {  	[sflag:s22] =	ssyncadd.s32 s5;
	_ =	sdelay $0x1  }
0xa7: {  	s23 =	simm.s32 $0x1B8B  }
0xa8: {  	_ =	swait.ge [sflag:s23], $0x1  }
0xa9: {  	[sflag:s23] =	ssyncset.done $0x0  }
0xaa: {  	s25 =	simm.s32 $0x1B8E;
	s24 =	sld [smem:$0x3FFE];
	[sflag:s23] =	ssyncadd.s32 $0xFFFFFFFF  }
0xab: {  	s26 =	simm.s32 $execute0_lowered;
	[smem:$0x3FD2] =	sst s25  }
0xac: {  	s6 =	sshll.u32 s26, $0x1;
	_ =	strace $0x80000049;
	[dreg:$0x1] =	wrdreg $0xFFFFFFFF  }
0xad: {  	s28 =	simm.s32 $_size_execute0_lowered;
	s4 =	sadd.s32 s4, s6;
	[dreg:$0x0] =	wrdreg $0x0  }
0xae: {  	s6 =	sshll.u32 s28, $0x1;
	[dreg:$0x2] =	wrdreg s4  }
0xaf: {  	[dreg:$0x3] =	wrdreg s6  }
0xb0: {  	[dreg:$0x4] =	wrdreg $0xC0  }
0xb1: {  	_ =	task [dreg:s8], $0x5FFFF  }
0xb2: {  	[dreg:$0x1] =	wrdreg $0xFFFFFFFF  }
0xb3: {  	[dreg:$0x0] =	wrdreg $0x60  }
0xb4: {  	[dreg:$0x2] =	wrdreg s24  }
0xb5: {  	[dreg:$0x3] =	wrdreg s17  }
0xb6: {  	[dreg:$0x4] =	wrdreg s16  }
0xb7: {  	[dreg:$0x5] =	wrdreg $0x0  }
0xb8: {  	[dreg:$0x6] =	wrdreg $0x9  }
0xb9: {  	_ =	task.clear_ibuf [dreg:s8], $0x7FFFF;
	_ =	strace $0x90000049  }
0xba: {  	s29 =	simm.s32 $0x9;
	_ =	strace $0x8000004B  }
0xbb: {  	_ =	swait.ge [sflag:s29], $0x1  }
0xbc: {  	[sflag:s29] =	ssyncadd.s32 $0xFFFFFFFF  }
0xbd: {  	_ =	strace $0x9000004B  }
0xbe: {  	_ =	sfence  }
0xbf: {  	s30 =	sld [smem:$0x0];
	_ =	sdelay $0x2  }
0xc0: {  	s31 =	sshll.u32 s1, $0xD;
	s1 =	sshrl.u32 s1, $0x2  }
0xc1: {  	s3 =	sand.u32 $0x4000, s31;
	s1 =	sadd.s32 s1, s30  }
0xc2: {  	s0 =	sor.u32 s3, s0;
	s1 =	sshll.u32 s1, $0x11  }
0xc3: {  	s0 =	sor.u32 s1, s0  }
0xc4: {  	s0 =	sadd.s32 $0x8F2B, s0  }
0xc5: {  	[sflag:s0] =	ssyncadd.remote.s32 $0x1  }
0xc6: {  	_ =	sfence.sel $0xFFFF  }
0xc7: {  	[dreg:$0x0] =	wrdreg $0xFFFFFFFF;
	(pc) =	sbr.abs _section_cstart, $3  }
0xc8: {  	[dreg:$0x1] =	wrdreg $0xFFFFFFFF  }
0xc9: {  	_ =	task.clear_ibuf [dreg:s8], $0x2FFFF;
	_ =	strace $0x9FFFFFFF  }
0xca: {  	(tm) =	ssettm $0x7FFFFFFF  }
0xcb: {  	_ =	shalt  }
tec
execute0_lowered:
.L_overlay_start_1:
0x0: {  	(tag) =	ssettag $0x1  }
0x1: {  	s0 =	rddreg [dreg:$0x0]  }
0x2: {  	s4 =	rddreg [dreg:$0x3];
	s1 =	simm.s32 $0x0  }
0x3: {  	s12 =	stileid.u32;
	s22 =	srdreg.scid;
	s14 =	simm.s32 $0x15F90  }
0x4: {  	s15 =	simm.s32 $0x5;
	s19 =	simm.s32 $0x186B0;
	s20 =	simm.s32 $0x18E80  }
0x5: {  	s28 =	simm.s32 $0x19E20;
	s29 =	simm.s32 $0x2;
	s30 =	simm.s32 $0x3  }
0x6: {  	s31 =	simm.s32 $0x4;
	[smem:$0x7FF] =	sst s1;
	s2 =	smul.u32 $0x15F90, s12  }
0x7: {  	s1 =	sand.u32 $0x1, s22;
	s6 =	sadd.s32 $0x1600, s0;
	s7 =	sadd.s32 $0x2D800, s0  }
0x8: {  	s8 =	sadd.s32 $0xC5600, s0;
	s5 =	sadd.s32 $0x37600, s0;
	s11 =	sshll.u32 s12, $0x1  }
0x9: {  	s26 =	sshll.u32 s12, $0x6;
	s22 =	simm.s32 $0x50;
	_ =	strace $0x8000004A  }
0xa: {  	s3 =	smul.u32 $0x15F900, s1;
	[dreg:$0x5] =	wrdreg s5;
	s9 =	ssub.s32 $0x2, s1  }
0xb: {  	s1 =	sor.u32 s1, s11;
	s23 =	sshrl.u32 s2, $0x3;
	s10 =	sshrl.u32 s9, $0x1  }
0xc: {  	s11 =	smul.u32 $0x7D, s1;
	s1 =	simm.s32 $0x19600;
	s5 =	sadd.s32 s23, s0  }
0xd: {  	s3 =	sadd.s32 s2, s3;
	s24 =	ssub.s32 s9, s10;
	s2 =	sadd.s32 s2, s4  }
0xe: {  	s10 =	sor.u32 $0x1C05, s26;
	s23 =	simm.s32 $0x19E70;
	s26 =	simm.s32 $0x1CB70  }
0xf: {  	v0 =	vlaneseq.u32;
	s3 =	sshrl.u32 s3, $0x3;
	s5 =	sadd.s32 $0x41600, s5;
	[dreg:$0x9] =	wrdreg s10  }
0x10: {  	v4 =	vmul.u32 $0x90, v0;
	s25 =	smax.u32 s24, $0x1;
	s12 =	sshrl.u32 s2, $0x3;
	[dreg:$0x6] =	wrdreg s5  }
0x11: {  	s24 =	simm.s32 $0x1;
	s0 =	sadd.s32 s3, s0;
	[dreg:$0x8] =	wrdreg s25  }
0x12: {  	v0 =	vadd.s32 $0x80, v4;
	v1 =	vadd.s32 $0x980, v4;
	s3 =	simm.s32 $0x195B0;
	[dreg:$0xa] =	wrdreg s12;
	s0 =	sadd.s32 $0x6D600, s0  }
0x13: {  	v2 =	vadd.s32 $0x1280, v4;
	v3 =	vadd.s32 $0x1B80, v4;
	v4 =	vadd.s32 $0x2480, v4;
	s5 =	simm.s32 $0x0;
	[dreg:$0x7] =	wrdreg s0;
	s0 =	simm.s32 $0x18E30  }
.LBB2_1:
0x14: {  	[dreg:$0xb] =	wrdreg s5  }
0x15: {  	s2 =	rddreg [dreg:$0x1];
	s18 =	simm.s32 $0x0  }
0x16: {  	[tilespmem:s14], [sflag:$0x5] =	stream.linear.gather [hbm4b:s2+s18], $0x2710, $0x38;
	[tilespmem:$0x1F870] =	vst v63  }
0x17: {  	_ =	swait.ge [sflag:s15], $0x2710  }
0x18: {  	[sflag:s15] =	ssyncset.done $0x0  }
0x19: {  	s9 =	simm.s32 $0x186A0;
	s21 =	rddreg [dreg:$0x5];
	[sflag:s15] =	ssyncadd.s32 $0xFFFFD8F0  }
0x1a: {  	[tilespmem:s9], [sflag:$0x5] =	stream.linear.gather [hbm4b:s21+s18], $0x10, $0x38;
	[tilespmem:$0x1F870] =	vst v63  }
0x1b: {  	_ =	swait.ge [sflag:s15], $0x10  }
0x1c: {  	[sflag:s15] =	ssyncset.done $0x0  }
0x1d: {  	s25 =	rddreg [dreg:$0x6];
	[sflag:s15] =	ssyncadd.s32 $0xFFFFFFF0  }
0x1e: {  	[spmem:s12], [sflag:s10] =	dma.local [hbm:s25], $0x2BF2  }
0x1f: {  	_ =	swait.ge [sflag:s15], $0x2BF2  }
0x20: {  	[sflag:s15] =	ssyncset.done $0x0  }
0x21: {  	[sflag:s15] =	ssyncadd.s32 $0xFFFFD40E  }
0x22: {  	[bflag:$0x0] =	sbarrier.arrive $0xFFFF  }
0x23: {  	s5 =	simm.s32 $0x0;
	v5 =	vld [tilespmem:$0x186A0]  }
.LBB2_2:
0x24: {  	s2 =	smul.u32 $0x19, s5;
	_ =	sdelay $0x1  }
0x25: {  	s2 =	sadd.s32 s11, s2  }
0x26: {  	s9 =	smul.u32 $0xA, s2;
	_ =	sdelay $0x1  }
0x27: {  	s16 =	simm.s32 $0x0;
	s10 =	sadd.s32 s7, s9  }
0x28: {  	[tilespmem:s19], [sflag:$0x5] =	stream.linear.gather [hbm4b:s10+s16], $0x7D0, $0x38;
	[tilespmem:$0x1F870] =	vst v63  }
0x29: {  	_ =	swait.ge [sflag:s15], $0x7D0  }
0x2a: {  	[sflag:s15] =	ssyncset.done $0x0  }
0x2b: {  	[sflag:s15] =	ssyncadd.s32 $0xFFFFF830  }
0x2c: {  	s17 =	rddreg [dreg:$0x2]  }
0x2d: {  	s10 =	sadd.s32 s17, s9  }
0x2e: {  	[tilespmem:s20], [sflag:$0x5] =	stream.linear.gather [hbm4b:s10+s16], $0x7D0, $0x38;
	[tilespmem:$0x1F870] =	vst v63  }
0x2f: {  	_ =	swait.ge [sflag:s15], $0x7D0  }
0x30: {  	[sflag:s15] =	ssyncset.done $0x0  }
0x31: {  	s18 =	simm.s32 $0x19650;
	s9 =	sadd.s32 s8, s9;
	[sflag:s15] =	ssyncadd.s32 $0xFFFFF830  }
0x32: {  	[tilespmem:s18], [sflag:$0x5] =	stream.linear.gather [hbm4b:s9+s16], $0x7D0, $0x38;
	[tilespmem:$0x1F870] =	vst v63  }
0x33: {  	_ =	swait.ge [sflag:s15], $0x7D0  }
0x34: {  	[sflag:s15] =	ssyncset.done $0x0  }
0x35: {  	[sflag:s15] =	ssyncadd.s32 $0xFFFFF830  }
0x36: {  	[tilespmem:s23], [sflag:$0x1] =	stream.indirect.gather [hbm4b:s6+s22], $0x90, s19, s22, $0xb8;
	[tilespmem:$0x1F870] =	vst v63  }
0x37: {  	_ =	swait.ge [sflag:s24], $0x2D00  }
0x38: {  	[sflag:s24] =	ssyncset.done $0x0  }
0x39: {  	s21 =	simm.s32 $0x18700;
	[sflag:s24] =	ssyncadd.s32 $0xFFFFD300  }
0x3a: {  	[tilespmem:s26], [sflag:$0x2] =	stream.indirect.gather [hbm4b:s6+s22], $0x90, s21, s22, $0xb8;
	[tilespmem:$0x1F870] =	vst v63  }
0x3b: {  	v6 =	vld [tilespmem:$0x18E80];
	_ =	sdelay $0x6  }
0x3c: {  	v7 =	vld.idx.msk [tilespmem:v0+s23+$0x0], $0xffff  }
0x3d: {  	v6 =	vld.idx.msk [tilespmem:v6+s14+$0x0], $0xffff;
	_ =	sdelay $0x1  }
0x3e: {  	v8 =	vld [tilespmem:$0x19650];
	_ =	sdelay $0x2  }
0x3f: {  	v6 =	vadd.f32 v6, v7;
	_ =	sdelay $0x1  }
0x40: {  	v6 =	vadd.f32 v8, v6;
	_ =	sdelay $0x1  }
0x41: {  	v7 =	vmul.f32 $2.000000030e-01, v6;
	_ =	sdelay $0x1  }
0x42: {  	v6 =	vmax.f32 v6, v7  }
0x43: {  	v6 =	vsub.f32 v6, v5;
	_ =	sdelay $0x1  }
0x44: {  	v6 =	vmul.f32 $1.442695020e+00, v6;
	_ =	sdelay $0x1  }
0x45: {  	(erf) = vpow2.f32 v6;
	_ =	sdelay $0x3  }
0x46: {  	v6 =	vld [tilespmem:$0x18E90];
	_ =	sdelay $0x4  }
0x47: {  	v7 =	vpop (erf)  }
0x48: {  	[tilespmem:$0x19E20] =	vst v7  }
0x49: {  	v7 =	vld.idx.msk [tilespmem:v1+s23+$0x0], $0xffff  }
0x4a: {  	v6 =	vld.idx.msk [tilespmem:v6+s14+$0x0], $0xffff;
	_ =	sdelay $0x1  }
0x4b: {  	v8 =	vld [tilespmem:$0x19660];
	_ =	sdelay $0x2  }
0x4c: {  	v6 =	vadd.f32 v6, v7;
	_ =	sdelay $0x1  }
0x4d: {  	v6 =	vadd.f32 v8, v6;
	_ =	sdelay $0x1  }
0x4e: {  	v7 =	vmul.f32 $2.000000030e-01, v6;
	_ =	sdelay $0x1  }
0x4f: {  	v6 =	vmax.f32 v6, v7  }
0x50: {  	v6 =	vsub.f32 v6, v5;
	_ =	sdelay $0x1  }
0x51: {  	v6 =	vmul.f32 $1.442695020e+00, v6;
	_ =	sdelay $0x1  }
0x52: {  	(erf) = vpow2.f32 v6;
	_ =	sdelay $0x3  }
0x53: {  	v6 =	vld [tilespmem:$0x18EA0];
	_ =	sdelay $0x4  }
0x54: {  	v7 =	vpop (erf)  }
0x55: {  	[tilespmem:$0x19E30] =	vst v7  }
0x56: {  	v7 =	vld.idx.msk [tilespmem:v2+s23+$0x0], $0xffff  }
0x57: {  	v6 =	vld.idx.msk [tilespmem:v6+s14+$0x0], $0xffff;
	_ =	sdelay $0x1  }
0x58: {  	v8 =	vld [tilespmem:$0x19670];
	_ =	sdelay $0x2  }
0x59: {  	v6 =	vadd.f32 v6, v7;
	_ =	sdelay $0x1  }
0x5a: {  	v6 =	vadd.f32 v8, v6;
	_ =	sdelay $0x1  }
0x5b: {  	v7 =	vmul.f32 $2.000000030e-01, v6;
	_ =	sdelay $0x1  }
0x5c: {  	v6 =	vmax.f32 v6, v7  }
0x5d: {  	v6 =	vsub.f32 v6, v5;
	_ =	sdelay $0x1  }
0x5e: {  	v6 =	vmul.f32 $1.442695020e+00, v6;
	_ =	sdelay $0x1  }
0x5f: {  	(erf) = vpow2.f32 v6;
	_ =	sdelay $0x3  }
0x60: {  	v6 =	vld [tilespmem:$0x18EB0];
	_ =	sdelay $0x4  }
0x61: {  	v7 =	vpop (erf)  }
0x62: {  	[tilespmem:$0x19E40] =	vst v7  }
0x63: {  	v7 =	vld.idx.msk [tilespmem:v3+s23+$0x0], $0xffff  }
0x64: {  	v6 =	vld.idx.msk [tilespmem:v6+s14+$0x0], $0xffff;
	_ =	sdelay $0x1  }
0x65: {  	v8 =	vld [tilespmem:$0x19680];
	_ =	sdelay $0x2  }
0x66: {  	v6 =	vadd.f32 v6, v7;
	_ =	sdelay $0x1  }
0x67: {  	v6 =	vadd.f32 v8, v6;
	_ =	sdelay $0x1  }
0x68: {  	v7 =	vmul.f32 $2.000000030e-01, v6;
	_ =	sdelay $0x1  }
0x69: {  	v6 =	vmax.f32 v6, v7  }
0x6a: {  	v6 =	vsub.f32 v6, v5;
	_ =	sdelay $0x1  }
0x6b: {  	v6 =	vmul.f32 $1.442695020e+00, v6;
	_ =	sdelay $0x1  }
0x6c: {  	(erf) = vpow2.f32 v6;
	_ =	sdelay $0x3  }
0x6d: {  	v6 =	vld [tilespmem:$0x18EC0];
	_ =	sdelay $0x4  }
0x6e: {  	v7 =	vpop (erf)  }
0x6f: {  	[tilespmem:$0x19E50] =	vst v7  }
0x70: {  	v7 =	vld.idx.msk [tilespmem:v4+s23+$0x0], $0xffff  }
0x71: {  	v6 =	vld.idx.msk [tilespmem:v6+s14+$0x0], $0xffff;
	_ =	sdelay $0x1  }
0x72: {  	v8 =	vld [tilespmem:$0x19690];
	_ =	sdelay $0x2  }
0x73: {  	v6 =	vadd.f32 v6, v7;
	_ =	sdelay $0x1  }
0x74: {  	v6 =	vadd.f32 v8, v6;
	_ =	sdelay $0x1  }
0x75: {  	v7 =	vmul.f32 $2.000000030e-01, v6;
	_ =	sdelay $0x1  }
0x76: {  	v6 =	vmax.f32 v6, v7  }
0x77: {  	v6 =	vsub.f32 v6, v5;
	_ =	sdelay $0x1  }
0x78: {  	v6 =	vmul.f32 $1.442695020e+00, v6;
	_ =	sdelay $0x1  }
0x79: {  	(erf) = vpow2.f32 v6;
	_ =	sdelay $0x2  }
0x7a: {  	v6 =	vmov s16  }
0x7b: {  	v6 =	vand.u32 $0xFFFFFFFE, v6  }
0x7c: {  	v6 =	vbroadcast v6, $0x0;
	_ =	sdelay $0x3  }
0x7d: {  	v7 =	vpop (erf)  }
0x7e: {  	[tilespmem:$0x19E60] =	vst v7  }
0x7f: {  	s9 =	simm.s32 $0x19F00;
	v7 =	vld.idx.msk [tilespmem:v6+s28+$0x0], $0xffff  }
0x80: {  	v6 =	vld [tilespmem:s9+$0xFFFFFFF0]  }
0x81: {  	v8 =	vld [tilespmem:s9+$0xFFFFFF70]  }
0x82: {  	s25 =	simm.s32 $0x1;
	v9 =	vld [tilespmem:s9+$0xFFFFFF80]  }
0x83: {  	v11 =	vmov s25;
	v10 =	vld [tilespmem:s9+$0xFFFFFF90]  }
0x84: {  	v12 =	vld [tilespmem:s9+$0xFFFFFFA0]  }
0x85: {  	v13 =	vld [tilespmem:s9+$0xFFFFFFB0]  }
0x86: {  	v16 =	vld [tilespmem:s9+$0xFFFFFFC0];
	v6 =	vmul.f32 v6, v7  }
0x87: {  	v14 =	vmul.f32 v8, v7;
	v8 =	vld [tilespmem:s9+$0xFFFFFFD0]  }
0x88: {  	v10 =	vmul.f32 v10, v7;
	[tilespmem:s9+$0xFFFFFFF0] =	vst v6;
	v6 =	vld.idx.msk [tilespmem:v11+s28+$0x0], $0xffff  }
0x89: {  	v11 =	vmul.f32 v9, v7;
	[tilespmem:s9+$0xFFFFFF70] =	vst v14;
	v9 =	vld [tilespmem:s9+$0xFFFFFFE0]  }
0x8a: {  	v17 =	vmul.f32 v12, v7;
	v12 =	vld [tilespmem:s9+$0x0];
	[tilespmem:s9+$0xFFFFFF90] =	vst v10  }
0x8b: {  	s2 =	simm.s32 $0x2;
	v14 =	vmul.f32 v13, v7;
	[tilespmem:s9+$0xFFFFFF80] =	vst v11;
	v11 =	vld [tilespmem:s9+$0x10]  }
0x8c: {  	s12 =	simm.s32 $0x4;
	v15 =	vmov s2;
	s10 =	simm.s32 $0x19F00;
	[tilespmem:s9+$0xFFFFFFA0] =	vst v17;
	v13 =	vmul.f32 v16, v7;
	v10 =	vld [tilespmem:s9+$0x20]  }
.LBB2_3:
0x8d: {  	p0 =	slt.u32 s12, $0x4E;
	v15 =	vand.u32 $0xFFFFFFFE, v15;
	s13 =	sadd.s32 $0x1, s2;
	[tilespmem:s9+$0xFFFFFFB0] =	vst v14;
	v8 =	vmul.f32 v8, v7;
	v14 =	vld [tilespmem:s9+$0x30];
	s2 =	smov.u32 s12  }
0x8e: {  	v15 =	vbroadcast v15, $0x0;
	v16 =	vmov s13;
	[tilespmem:s9+$0xFFFFFFC0] =	vst v13;
	v7 =	vmul.f32 v9, v7;
	v9 =	vld [tilespmem:s9+$0x40]  }
0x8f: {  	[tilespmem:s9+$0xFFFFFFD0] =	vst v8;
	v8 =	vmul.f32 v12, v6;
	v12 =	vld [tilespmem:s9+$0x50]  }
0x90: {  	[tilespmem:s9+$0xFFFFFFE0] =	vst v7;
	v7 =	vmul.f32 v11, v6;
	v11 =	vld [tilespmem:s9+$0x60]  }
0x91: {  	[tilespmem:s9+$0x0] =	vst v8;
	v8 =	vmul.f32 v10, v6;
	v10 =	vld [tilespmem:s9+$0x70]  }
0x92: {  	[tilespmem:s9+$0x10] =	vst v7;
	v13 =	vmul.f32 v14, v6;
	v14 =	vld [tilespmem:s9+$0x80]  }
0x93: {  	v16 =	vld.idx.msk [tilespmem:v16+s28+$0x0], $0xffff;
	[tilespmem:s9+$0x20] =	vst v8;
	v8 =	vmul.f32 v9, v6  }
0x94: {  	s9 =	sadd.s32 $0x120, s9;
	v7 =	vld.idx.msk [tilespmem:v15+s28+$0x0], $0xffff;
	[tilespmem:s10+$0x30] =	vst v13;
	v9 =	vmul.f32 v12, v6  }
0x95: {  	v12 =	vld [tilespmem:s9+$0xFFFFFFF0];
	[tilespmem:s10+$0x40] =	vst v8;
	v8 =	vmul.f32 v11, v6  }
0x96: {  	v11 =	vld [tilespmem:s9+$0xFFFFFF70];
	[tilespmem:s10+$0x50] =	vst v9;
	v9 =	vmul.f32 v10, v6  }
0x97: {  	v10 =	vld [tilespmem:s9+$0xFFFFFF80];
	[tilespmem:s10+$0x60] =	vst v8;
	v8 =	vmul.f32 v14, v6  }
0x98: {  	v13 =	vld [tilespmem:s9+$0xFFFFFF90];
	[tilespmem:s10+$0x70] =	vst v9  }
0x99: {  	v6 =	vmov v16;
	v14 =	vld [tilespmem:s9+$0xFFFFFFA0];
	[tilespmem:s10+$0x80] =	vst v8;
	s10 =	smov.u32 s9  }
0x9a: {  	v15 =	vld [tilespmem:s9+$0xFFFFFFB0];
	v9 =	vmul.f32 v12, v7  }
0x9b: {  	v11 =	vmul.f32 v11, v7;
	v16 =	vld [tilespmem:s9+$0xFFFFFFC0]  }
.Ltmp0:
0x9c: {  	v10 =	vmul.f32 v10, v7;
	v8 =	vld [tilespmem:s9+$0xFFFFFFD0];
	[tilespmem:s9+$0xFFFFFFF0] =	vst v9;
	(pc) =	sbr.rel @p0 .LBB2_3-.Ltmp0, $4  }
0x9d: {  	[tilespmem:s9+$0xFFFFFF70] =	vst v11;
	v11 =	vmul.f32 v13, v7;
	v9 =	vld [tilespmem:s9+$0xFFFFFFE0]  }
0x9e: {  	[tilespmem:s9+$0xFFFFFF80] =	vst v10;
	v10 =	vmul.f32 v14, v7;
	v12 =	vld [tilespmem:s9+$0x0]  }
0x9f: {  	[tilespmem:s9+$0xFFFFFF90] =	vst v11;
	v14 =	vmul.f32 v15, v7;
	v11 =	vld [tilespmem:s9+$0x10]  }
0xa0: {  	s12 =	sadd.s32 $0x2, s12;
	v15 =	vmov s2;
	[tilespmem:s9+$0xFFFFFFA0] =	vst v10;
	v13 =	vmul.f32 v16, v7;
	v10 =	vld [tilespmem:s9+$0x20]  }
0xa1: {  	v16 =	vld [tilespmem:s9+$0x30]  }
0xa2: {  	v17 =	vld [tilespmem:s9+$0x40];
	v15 =	vand.u32 $0xFFFFFFFE, v15  }
0xa3: {  	v18 =	vld [tilespmem:s9+$0x50];
	[tilespmem:s9+$0xFFFFFFB0] =	vst v14;
	v8 =	vmul.f32 v8, v7;
	v15 =	vbroadcast v15, $0x0  }
0xa4: {  	v20 =	vld [tilespmem:s9+$0x60];
	[tilespmem:s9+$0xFFFFFFC0] =	vst v13;
	v7 =	vmul.f32 v9, v7  }
0xa5: {  	v37 =	vld [tilespmem:s9+$0x70];
	v12 =	vmul.f32 v12, v6;
	[tilespmem:s9+$0xFFFFFFD0] =	vst v8  }
0xa6: {  	v38 =	vld [tilespmem:s9+$0x80];
	s25 =	sadd.s32 $0x120, s9;
	v11 =	vmul.f32 v11, v6;
	[tilespmem:s9+$0xFFFFFFE0] =	vst v7  }
0xa7: {  	v43 =	vld [tilespmem:s25+$0xFFFFFFF0];
	[tilespmem:s9+$0x0] =	vst v12;
	v39 =	vmul.f32 v10, v6  }
0xa8: {  	v44 =	vld [tilespmem:s25+$0xFFFFFF70];
	[tilespmem:s9+$0x10] =	vst v11;
	v7 =	vmul.f32 v16, v6  }
0xa9: {  	v42 =	vmul.f32 v17, v6;
	[tilespmem:s9+$0x20] =	vst v39;
	v41 =	vld.idx.msk [tilespmem:v15+s28+$0x0], $0xffff  }
0xaa: {  	v46 =	vld [tilespmem:s25+$0xFFFFFF80];
	[tilespmem:s10+$0x30] =	vst v7;
	v7 =	vmul.f32 v18, v6  }
0xab: {  	v47 =	vld [tilespmem:s25+$0xFFFFFF90];
	v45 =	vmul.f32 v20, v6;
	[tilespmem:s10+$0x40] =	vst v42  }
0xac: {  	s2 =	sadd.s32 $0x1, s2;
	v48 =	vld [tilespmem:s25+$0xFFFFFFA0];
	[tilespmem:s10+$0x50] =	vst v7;
	v7 =	vmul.f32 v37, v6  }
0xad: {  	v19 =	vmov s2;
	v50 =	vld [tilespmem:s25+$0xFFFFFFC0];
	[tilespmem:s10+$0x60] =	vst v45;
	v6 =	vmul.f32 v38, v6  }
0xae: {  	[tilespmem:s10+$0x70] =	vst v7;
	v7 =	vld [tilespmem:s25+$0xFFFFFFB0];
	v49 =	vmul.f32 v43, v41  }
0xaf: {  	v52 =	vld [tilespmem:s25+$0xFFFFFFD0];
	[tilespmem:s10+$0x80] =	vst v6;
	v6 =	vmul.f32 v44, v41  }
0xb0: {  	v53 =	vld [tilespmem:s25+$0xFFFFFFE0];
	v51 =	vmul.f32 v46, v41;
	[tilespmem:s25+$0xFFFFFFF0] =	vst v49  }
0xb1: {  	v54 =	vld [tilespmem:s25+$0x0];
	[tilespmem:s25+$0xFFFFFF70] =	vst v6;
	v6 =	vmul.f32 v47, v41  }
0xb2: {  	v40 =	vld.idx.msk [tilespmem:v19+s28+$0x0], $0xffff;
	v8 =	vmul.f32 v48, v41;
	[tilespmem:s25+$0xFFFFFF80] =	vst v51  }
0xb3: {  	[tilespmem:s25+$0xFFFFFF90] =	vst v6;
	v6 =	vmul.f32 v7, v41;
	v7 =	vld [tilespmem:s25+$0x10]  }
0xb4: {  	v56 =	vld [tilespmem:s25+$0x20];
	v55 =	vmul.f32 v50, v41;
	[tilespmem:s25+$0xFFFFFFA0] =	vst v8  }
0xb5: {  	v57 =	vld [tilespmem:s25+$0x30];
	[tilespmem:s25+$0xFFFFFFB0] =	vst v6;
	v6 =	vmul.f32 v52, v41  }
0xb6: {  	v59 =	vld [tilespmem:s25+$0x40];
	v58 =	vmul.f32 v53, v41;
	[tilespmem:s25+$0xFFFFFFC0] =	vst v55  }
0xb7: {  	v60 =	vld [tilespmem:s25+$0x50];
	[tilespmem:s25+$0xFFFFFFD0] =	vst v6;
	v6 =	vmul.f32 v54, v40  }
0xb8: {  	v61 =	vld [tilespmem:s25+$0x60];
	[tilespmem:s25+$0xFFFFFFE0] =	vst v58;
	v7 =	vmul.f32 v7, v40  }
0xb9: {  	v62 =	vld [tilespmem:s25+$0x70];
	[tilespmem:s25+$0x0] =	vst v6;
	v6 =	vmul.f32 v56, v40  }
0xba: {  	v63 =	vld [tilespmem:s25+$0x80];
	[tilespmem:s25+$0x10] =	vst v7;
	v7 =	vmul.f32 v57, v40  }
0xbb: {  	[tilespmem:s25+$0x20] =	vst v6;
	v6 =	vmul.f32 v59, v40  }
0xbc: {  	[tilespmem:s25+$0x30] =	vst v7;
	v7 =	vmul.f32 v60, v40  }
0xbd: {  	[tilespmem:s25+$0x40] =	vst v6;
	v6 =	vmul.f32 v61, v40  }
0xbe: {  	[tilespmem:s25+$0x50] =	vst v7;
	v7 =	vmul.f32 v62, v40  }
0xbf: {  	[tilespmem:s25+$0x60] =	vst v6;
	v6 =	vmul.f32 v63, v40  }
0xc0: {  	[tilespmem:s25+$0x70] =	vst v7  }
0xc1: {  	s9 =	simm.s32 $0x0;
	s10 =	simm.s32 $0x0;
	[tilespmem:s25+$0x80] =	vst v6  }
0xc2: {  	[spmem:s4] =	stream.indirect.scatter.add.f32 [tilespmem:s23], [sflag:$0x3], $0x90, s20, s22, $0xb8;
	[tilespmem:$0x1F870] =	vst v63  }
.LBB2_5:
0xc3: {  	_ =	swait.ge [sflag:s29], $0x2D00  }
0xc4: {  	[sflag:s29] =	ssyncset.done $0x0  }
0xc5: {  	[sflag:s29] =	ssyncadd.s32 $0xFFFFD300  }
0xc6: {  	s12 =	smul.u32 $0xA0, s10;
	_ =	swait.ge [sflag:s30], $0x2D00  }
0xc7: {  	[sflag:s30] =	ssyncset.done $0x0  }
0xc8: {  	s2 =	sadd.s32 $0x18750, s12;
	[sflag:s30] =	ssyncadd.s32 $0xFFFFD300  }
0xc9: {  	[tilespmem:s23], [sflag:$0x1] =	stream.indirect.gather [hbm4b:s6+s22], $0x90, s2, s22, $0xb8;
	[tilespmem:$0x1F870] =	vst v63  }
0xca: {  	v6 =	vld [tilespmem:s12+$0x18ED0];
	_ =	sdelay $0x6  }
0xcb: {  	v7 =	vld.idx.msk [tilespmem:v0+s26+$0x0], $0xffff  }
0xcc: {  	v6 =	vld.idx.msk [tilespmem:v6+s14+$0x0], $0xffff;
	_ =	sdelay $0x1  }
0xcd: {  	v8 =	vld [tilespmem:s12+$0x196A0];
	_ =	sdelay $0x2  }
0xce: {  	v6 =	vadd.f32 v6, v7;
	_ =	sdelay $0x1  }
0xcf: {  	v6 =	vadd.f32 v8, v6;
	_ =	sdelay $0x1  }
0xd0: {  	v7 =	vmul.f32 $2.000000030e-01, v6;
	_ =	sdelay $0x1  }
0xd1: {  	v6 =	vmax.f32 v6, v7  }
0xd2: {  	v6 =	vsub.f32 v6, v5;
	_ =	sdelay $0x1  }
0xd3: {  	v6 =	vmul.f32 $1.442695020e+00, v6;
	_ =	sdelay $0x1  }
0xd4: {  	(erf) = vpow2.f32 v6;
	_ =	sdelay $0x8  }
0xd5: {  	v6 =	vpop (erf)  }
0xd6: {  	[tilespmem:$0x19E20] =	vst v6  }
0xd7: {  	v6 =	vld [tilespmem:s12+$0x18EE0];
	_ =	sdelay $0x6  }
0xd8: {  	v7 =	vld.idx.msk [tilespmem:v1+s26+$0x0], $0xffff  }
0xd9: {  	v6 =	vld.idx.msk [tilespmem:v6+s14+$0x0], $0xffff;
	_ =	sdelay $0x1  }
0xda: {  	v8 =	vld [tilespmem:s12+$0x196B0];
	_ =	sdelay $0x2  }
0xdb: {  	v6 =	vadd.f32 v6, v7;
	_ =	sdelay $0x1  }
0xdc: {  	v6 =	vadd.f32 v8, v6;
	_ =	sdelay $0x1  }
0xdd: {  	v7 =	vmul.f32 $2.000000030e-01, v6;
	_ =	sdelay $0x1  }
0xde: {  	v6 =	vmax.f32 v6, v7  }
0xdf: {  	v6 =	vsub.f32 v6, v5;
	_ =	sdelay $0x1  }
0xe0: {  	v6 =	vmul.f32 $1.442695020e+00, v6;
	_ =	sdelay $0x1  }
0xe1: {  	(erf) = vpow2.f32 v6;
	_ =	sdelay $0x8  }
0xe2: {  	v6 =	vpop (erf)  }
0xe3: {  	[tilespmem:$0x19E30] =	vst v6  }
0xe4: {  	v6 =	vld [tilespmem:s12+$0x18EF0];
	_ =	sdelay $0x6  }
0xe5: {  	v7 =	vld.idx.msk [tilespmem:v2+s26+$0x0], $0xffff  }
0xe6: {  	v6 =	vld.idx.msk [tilespmem:v6+s14+$0x0], $0xffff;
	_ =	sdelay $0x1  }
0xe7: {  	v8 =	vld [tilespmem:s12+$0x196C0];
	_ =	sdelay $0x2  }
0xe8: {  	v6 =	vadd.f32 v6, v7;
	_ =	sdelay $0x1  }
0xe9: {  	v6 =	vadd.f32 v8, v6;
	_ =	sdelay $0x1  }
0xea: {  	v7 =	vmul.f32 $2.000000030e-01, v6;
	_ =	sdelay $0x1  }
0xeb: {  	v6 =	vmax.f32 v6, v7  }
0xec: {  	v6 =	vsub.f32 v6, v5;
	_ =	sdelay $0x1  }
0xed: {  	v6 =	vmul.f32 $1.442695020e+00, v6;
	_ =	sdelay $0x1  }
0xee: {  	(erf) = vpow2.f32 v6;
	_ =	sdelay $0x8  }
0xef: {  	v6 =	vpop (erf)  }
0xf0: {  	[tilespmem:$0x19E40] =	vst v6  }
0xf1: {  	v6 =	vld [tilespmem:s12+$0x18F00];
	_ =	sdelay $0x6  }
0xf2: {  	v7 =	vld.idx.msk [tilespmem:v3+s26+$0x0], $0xffff  }
0xf3: {  	v6 =	vld.idx.msk [tilespmem:v6+s14+$0x0], $0xffff;
	_ =	sdelay $0x1  }
0xf4: {  	v8 =	vld [tilespmem:s12+$0x196D0];
	_ =	sdelay $0x2  }
0xf5: {  	v6 =	vadd.f32 v6, v7;
	_ =	sdelay $0x1  }
0xf6: {  	v6 =	vadd.f32 v8, v6;
	_ =	sdelay $0x1  }
0xf7: {  	v7 =	vmul.f32 $2.000000030e-01, v6;
	_ =	sdelay $0x1  }
0xf8: {  	v6 =	vmax.f32 v6, v7  }
0xf9: {  	v6 =	vsub.f32 v6, v5;
	_ =	sdelay $0x1  }
0xfa: {  	v6 =	vmul.f32 $1.442695020e+00, v6;
	_ =	sdelay $0x1  }
0xfb: {  	(erf) = vpow2.f32 v6;
	_ =	sdelay $0x8  }
0xfc: {  	v6 =	vpop (erf)  }
0xfd: {  	[tilespmem:$0x19E50] =	vst v6  }
0xfe: {  	v6 =	vld [tilespmem:s12+$0x18F10];
	_ =	sdelay $0x6  }
0xff: {  	v7 =	vld.idx.msk [tilespmem:v4+s26+$0x0], $0xffff  }
0x100: {  	v6 =	vld.idx.msk [tilespmem:v6+s14+$0x0], $0xffff;
	_ =	sdelay $0x1  }
0x101: {  	v8 =	vld [tilespmem:s12+$0x196E0];
	_ =	sdelay $0x2  }
0x102: {  	v6 =	vadd.f32 v6, v7;
	_ =	sdelay $0x1  }
0x103: {  	v6 =	vadd.f32 v8, v6;
	_ =	sdelay $0x1  }
0x104: {  	v7 =	vmul.f32 $2.000000030e-01, v6;
	_ =	sdelay $0x1  }
0x105: {  	v6 =	vmax.f32 v6, v7  }
0x106: {  	v6 =	vsub.f32 v6, v5;
	_ =	sdelay $0x1  }
0x107: {  	v6 =	vmul.f32 $1.442695020e+00, v6;
	_ =	sdelay $0x1  }
0x108: {  	(erf) = vpow2.f32 v6;
	_ =	sdelay $0x2  }
0x109: {  	v6 =	vmov s9  }
0x10a: {  	v6 =	vand.u32 $0xFFFFFFFE, v6  }
0x10b: {  	v6 =	vbroadcast v6, $0x0;
	_ =	sdelay $0x3  }
0x10c: {  	v7 =	vpop (erf)  }
0x10d: {  	[tilespmem:$0x19E60] =	vst v7  }
0x10e: {  	s18 =	simm.s32 $0x1CC00;
	v7 =	vld.idx.msk [tilespmem:v6+s28+$0x0], $0xffff  }
0x10f: {  	v6 =	vld [tilespmem:s18+$0xFFFFFFF0]  }
0x110: {  	v8 =	vld [tilespmem:s18+$0xFFFFFF70]  }
0x111: {  	s25 =	simm.s32 $0x1;
	v9 =	vld [tilespmem:s18+$0xFFFFFF80]  }
0x112: {  	v11 =	vmov s25;
	v10 =	vld [tilespmem:s18+$0xFFFFFF90]  }
0x113: {  	v12 =	vld [tilespmem:s18+$0xFFFFFFA0]  }
0x114: {  	v13 =	vld [tilespmem:s18+$0xFFFFFFB0]  }
0x115: {  	v16 =	vld [tilespmem:s18+$0xFFFFFFC0];
	v6 =	vmul.f32 v6, v7  }
0x116: {  	v14 =	vmul.f32 v8, v7;
	v8 =	vld [tilespmem:s18+$0xFFFFFFD0]  }
0x117: {  	[tilespmem:s18+$0xFFFFFFF0] =	vst v6;
	v6 =	vld.idx.msk [tilespmem:v11+s28+$0x0], $0xffff;
	v11 =	vmul.f32 v9, v7  }
0x118: {  	v10 =	vmul.f32 v10, v7;
	[tilespmem:s18+$0xFFFFFF70] =	vst v14;
	v9 =	vld [tilespmem:s18+$0xFFFFFFE0]  }
0x119: {  	[tilespmem:s18+$0xFFFFFF80] =	vst v11;
	v11 =	vmul.f32 v12, v7;
	v12 =	vld [tilespmem:s18+$0x0]  }
0x11a: {  	s21 =	simm.s32 $0x4;
	s2 =	simm.s32 $0x2;
	[tilespmem:s18+$0xFFFFFF90] =	vst v10;
	v10 =	vld [tilespmem:s18+$0x10];
	v14 =	vmul.f32 v13, v7  }
0x11b: {  	s16 =	simm.s32 $0x1CC00;
	s13 =	sadd.s32 $0xA0, s12;
	s17 =	sadd.s32 $0x18ED0, s12;
	v15 =	vmov s2;
	v13 =	vmul.f32 v16, v7;
	[tilespmem:s18+$0xFFFFFFA0] =	vst v11;
	v11 =	vld [tilespmem:s18+$0x20]  }
.LBB2_6:
0x11c: {  	p0 =	slt.u32 s21, $0x4E;
	v15 =	vand.u32 $0xFFFFFFFE, v15;
	s25 =	sadd.s32 $0x1, s2;
	[tilespmem:s18+$0xFFFFFFB0] =	vst v14;
	v8 =	vmul.f32 v8, v7;
	v14 =	vld [tilespmem:s18+$0x30];
	s2 =	smov.u32 s21  }
0x11d: {  	v15 =	vbroadcast v15, $0x0;
	v16 =	vmov s25;
	[tilespmem:s18+$0xFFFFFFC0] =	vst v13;
	v7 =	vmul.f32 v9, v7;
	v9 =	vld [tilespmem:s18+$0x40]  }
0x11e: {  	[tilespmem:s18+$0xFFFFFFD0] =	vst v8;
	v8 =	vmul.f32 v12, v6;
	v12 =	vld [tilespmem:s18+$0x50]  }
0x11f: {  	[tilespmem:s18+$0xFFFFFFE0] =	vst v7;
	v7 =	vmul.f32 v10, v6;
	v10 =	vld [tilespmem:s18+$0x60]  }
0x120: {  	[tilespmem:s18+$0x0] =	vst v8;
	v8 =	vmul.f32 v11, v6;
	v11 =	vld [tilespmem:s18+$0x70]  }
0x121: {  	[tilespmem:s18+$0x10] =	vst v7;
	v13 =	vmul.f32 v14, v6;
	v14 =	vld [tilespmem:s18+$0x80]  }
0x122: {  	v16 =	vld.idx.msk [tilespmem:v16+s28+$0x0], $0xffff;
	[tilespmem:s18+$0x20] =	vst v8;
	v8 =	vmul.f32 v9, v6  }
0x123: {  	s18 =	sadd.s32 $0x120, s18;
	v7 =	vld.idx.msk [tilespmem:v15+s28+$0x0], $0xffff;
	[tilespmem:s16+$0x30] =	vst v13;
	v9 =	vmul.f32 v12, v6  }
0x124: {  	v12 =	vld [tilespmem:s18+$0xFFFFFFF0];
	[tilespmem:s16+$0x40] =	vst v8;
	v8 =	vmul.f32 v10, v6  }
0x125: {  	v10 =	vld [tilespmem:s18+$0xFFFFFF70];
	[tilespmem:s16+$0x50] =	vst v9;
	v9 =	vmul.f32 v11, v6  }
0x126: {  	v11 =	vld [tilespmem:s18+$0xFFFFFF80];
	[tilespmem:s16+$0x60] =	vst v8;
	v8 =	vmul.f32 v14, v6  }
0x127: {  	v13 =	vld [tilespmem:s18+$0xFFFFFF90];
	[tilespmem:s16+$0x70] =	vst v9  }
0x128: {  	v6 =	vmov v16;
	v14 =	vld [tilespmem:s18+$0xFFFFFFA0];
	[tilespmem:s16+$0x80] =	vst v8;
	s16 =	smov.u32 s18  }
0x129: {  	v15 =	vld [tilespmem:s18+$0xFFFFFFB0];
	v9 =	vmul.f32 v12, v7  }
0x12a: {  	v10 =	vmul.f32 v10, v7;
	v16 =	vld [tilespmem:s18+$0xFFFFFFC0]  }
.Ltmp1:
0x12b: {  	v11 =	vmul.f32 v11, v7;
	v8 =	vld [tilespmem:s18+$0xFFFFFFD0];
	[tilespmem:s18+$0xFFFFFFF0] =	vst v9;
	(pc) =	sbr.rel @p0 .LBB2_6-.Ltmp1, $4  }
0x12c: {  	[tilespmem:s18+$0xFFFFFF70] =	vst v10;
	v10 =	vmul.f32 v13, v7;
	v9 =	vld [tilespmem:s18+$0xFFFFFFE0]  }
0x12d: {  	[tilespmem:s18+$0xFFFFFF80] =	vst v11;
	v11 =	vmul.f32 v14, v7;
	v12 =	vld [tilespmem:s18+$0x0]  }
0x12e: {  	[tilespmem:s18+$0xFFFFFF90] =	vst v10;
	v14 =	vmul.f32 v15, v7;
	v10 =	vld [tilespmem:s18+$0x10]  }
0x12f: {  	s21 =	sadd.s32 $0x2, s21;
	v15 =	vmov s2;
	[tilespmem:s18+$0xFFFFFFA0] =	vst v11;
	v13 =	vmul.f32 v16, v7;
	v11 =	vld [tilespmem:s18+$0x20]  }
0x130: {  	v16 =	vld [tilespmem:s18+$0x30]  }
0x131: {  	v17 =	vld [tilespmem:s18+$0x40];
	v15 =	vand.u32 $0xFFFFFFFE, v15  }
0x132: {  	v18 =	vld [tilespmem:s18+$0x50];
	[tilespmem:s18+$0xFFFFFFB0] =	vst v14;
	v8 =	vmul.f32 v8, v7;
	v15 =	vbroadcast v15, $0x0  }
0x133: {  	s2 =	sadd.s32 $0x1, s2;
	v20 =	vld [tilespmem:s18+$0x60];
	[tilespmem:s18+$0xFFFFFFC0] =	vst v13;
	v7 =	vmul.f32 v9, v7  }
0x134: {  	s25 =	sadd.s32 $0x120, s18;
	v19 =	vmov s2;
	v9 =	vld [tilespmem:s18+$0x80];
	v12 =	vmul.f32 v12, v6;
	[tilespmem:s18+$0xFFFFFFD0] =	vst v8  }
0x135: {  	v13 =	vld [tilespmem:s25+$0xFFFFFFF0];
	v10 =	vmul.f32 v10, v6;
	[tilespmem:s18+$0xFFFFFFE0] =	vst v7  }
0x136: {  	[tilespmem:s18+$0x0] =	vst v12;
	v12 =	vld [tilespmem:s18+$0x70];
	v8 =	vmul.f32 v11, v6  }
0x137: {  	v14 =	vld [tilespmem:s25+$0xFFFFFF70];
	[tilespmem:s18+$0x10] =	vst v10;
	v7 =	vmul.f32 v16, v6  }
0x138: {  	[tilespmem:s18+$0x20] =	vst v8;
	v8 =	vmul.f32 v17, v6;
	v11 =	vld.idx.msk [tilespmem:v15+s28+$0x0], $0xffff  }
0x139: {  	v10 =	vld.idx.msk [tilespmem:v19+s28+$0x0], $0xffff;
	[tilespmem:s16+$0x30] =	vst v7;
	v7 =	vmul.f32 v18, v6  }
0x13a: {  	v15 =	vld [tilespmem:s25+$0xFFFFFF80];
	[tilespmem:s16+$0x40] =	vst v8;
	v8 =	vmul.f32 v20, v6  }
0x13b: {  	[tilespmem:s16+$0x50] =	vst v7;
	v7 =	vmul.f32 v12, v6;
	v12 =	vld [tilespmem:s25+$0xFFFFFF90]  }
0x13c: {  	v6 =	vmul.f32 v9, v6;
	[tilespmem:s16+$0x60] =	vst v8;
	v8 =	vld [tilespmem:s25+$0xFFFFFFA0]  }
0x13d: {  	[tilespmem:s16+$0x70] =	vst v7;
	v7 =	vld [tilespmem:s25+$0xFFFFFFB0];
	v9 =	vmul.f32 v13, v11  }
0x13e: {  	[tilespmem:s16+$0x80] =	vst v6;
	v6 =	vmul.f32 v14, v11;
	v13 =	vld [tilespmem:s25+$0xFFFFFFC0]  }
0x13f: {  	v14 =	vmul.f32 v15, v11;
	v15 =	vld [tilespmem:s25+$0xFFFFFFD0];
	[tilespmem:s25+$0xFFFFFFF0] =	vst v9  }
0x140: {  	[tilespmem:s25+$0xFFFFFF70] =	vst v6;
	v6 =	vmul.f32 v12, v11;
	v9 =	vld [tilespmem:s25+$0xFFFFFFE0]  }
0x141: {  	[tilespmem:s25+$0xFFFFFF80] =	vst v14;
	v12 =	vld [tilespmem:s25+$0x0];
	v8 =	vmul.f32 v8, v11  }
0x142: {  	[tilespmem:s25+$0xFFFFFF90] =	vst v6;
	v6 =	vmul.f32 v7, v11;
	v7 =	vld [tilespmem:s25+$0x10]  }
0x143: {  	[tilespmem:s25+$0xFFFFFFA0] =	vst v8;
	v8 =	vmul.f32 v13, v11;
	v13 =	vld [tilespmem:s25+$0x20]  }
0x144: {  	v14 =	vld [tilespmem:s25+$0x30];
	[tilespmem:s25+$0xFFFFFFB0] =	vst v6;
	v6 =	vmul.f32 v15, v11  }
0x145: {  	[tilespmem:s25+$0xFFFFFFC0] =	vst v8;
	v8 =	vmul.f32 v9, v11;
	v9 =	vld [tilespmem:s25+$0x40]  }
0x146: {  	v11 =	vld [tilespmem:s25+$0x50];
	[tilespmem:s25+$0xFFFFFFD0] =	vst v6;
	v6 =	vmul.f32 v12, v10  }
0x147: {  	[tilespmem:s25+$0xFFFFFFE0] =	vst v8;
	v7 =	vmul.f32 v7, v10;
	v8 =	vld [tilespmem:s25+$0x60]  }
0x148: {  	v12 =	vld [tilespmem:s25+$0x70];
	[tilespmem:s25+$0x0] =	vst v6;
	v6 =	vmul.f32 v13, v10  }
0x149: {  	v13 =	vld [tilespmem:s25+$0x80];
	[tilespmem:s25+$0x10] =	vst v7;
	v7 =	vmul.f32 v14, v10  }
0x14a: {  	[tilespmem:s25+$0x20] =	vst v6;
	v6 =	vmul.f32 v9, v10  }
0x14b: {  	[tilespmem:s25+$0x30] =	vst v7;
	v7 =	vmul.f32 v11, v10  }
0x14c: {  	[tilespmem:s25+$0x40] =	vst v6;
	v6 =	vmul.f32 v8, v10  }
0x14d: {  	[tilespmem:s25+$0x50] =	vst v7;
	v7 =	vmul.f32 v12, v10  }
0x14e: {  	[tilespmem:s25+$0x60] =	vst v6;
	v6 =	vmul.f32 v13, v10  }
0x14f: {  	[tilespmem:s25+$0x70] =	vst v7  }
0x150: {  	[tilespmem:s25+$0x80] =	vst v6  }
0x151: {  	[spmem:s4] =	stream.indirect.scatter.add.f32 [tilespmem:s26], [sflag:$0x4], $0x90, s17, s22, $0xb8;
	[tilespmem:$0x1F870] =	vst v63  }
0x152: {  	_ =	swait.ge [sflag:s24], $0x2D00  }
0x153: {  	[sflag:s24] =	ssyncset.done $0x0  }
0x154: {  	s18 =	smul.u32 $0x280, s10;
	[sflag:s24] =	ssyncadd.s32 $0xFFFFD300  }
0x155: {  	_ =	swait.ge [sflag:s31], $0x2D00  }
0x156: {  	s2 =	sshra.s32 s18, $0x2;
	[sflag:s31] =	ssyncset.done $0x0  }
0x157: {  	s2 =	sadd.s32 $0x187A0, s2;
	[sflag:s31] =	ssyncadd.s32 $0xFFFFD300  }
0x158: {  	[tilespmem:s26], [sflag:$0x2] =	stream.indirect.gather [hbm4b:s6+s22], $0x90, s2, s22, $0xb8;
	[tilespmem:$0x1F870] =	vst v63  }
0x159: {  	v6 =	vld [tilespmem:s13+$0x18E80];
	_ =	sdelay $0x6  }
0x15a: {  	v7 =	vld.idx.msk [tilespmem:v0+s23+$0x0], $0xffff  }
0x15b: {  	v6 =	vld.idx.msk [tilespmem:v6+s14+$0x0], $0xffff;
	_ =	sdelay $0x1  }
0x15c: {  	v8 =	vld [tilespmem:s13+$0x19650];
	_ =	sdelay $0x2  }
0x15d: {  	v6 =	vadd.f32 v6, v7;
	_ =	sdelay $0x1  }
0x15e: {  	v6 =	vadd.f32 v8, v6;
	_ =	sdelay $0x1  }
0x15f: {  	v7 =	vmul.f32 $2.000000030e-01, v6;
	_ =	sdelay $0x1  }
0x160: {  	v6 =	vmax.f32 v6, v7  }
0x161: {  	v6 =	vsub.f32 v6, v5;
	_ =	sdelay $0x1  }
0x162: {  	v6 =	vmul.f32 $1.442695020e+00, v6;
	_ =	sdelay $0x1  }
0x163: {  	(erf) = vpow2.f32 v6;
	_ =	sdelay $0x8  }
0x164: {  	v6 =	vpop (erf)  }
0x165: {  	[tilespmem:$0x19E20] =	vst v6  }
0x166: {  	v6 =	vld [tilespmem:s12+$0x18F30];
	_ =	sdelay $0x6  }
0x167: {  	v7 =	vld.idx.msk [tilespmem:v1+s23+$0x0], $0xffff  }
0x168: {  	v6 =	vld.idx.msk [tilespmem:v6+s14+$0x0], $0xffff;
	_ =	sdelay $0x1  }
0x169: {  	v8 =	vld [tilespmem:s12+$0x19700];
	_ =	sdelay $0x2  }
0x16a: {  	v6 =	vadd.f32 v6, v7;
	_ =	sdelay $0x1  }
0x16b: {  	v6 =	vadd.f32 v8, v6;
	_ =	sdelay $0x1  }
0x16c: {  	v7 =	vmul.f32 $2.000000030e-01, v6;
	_ =	sdelay $0x1  }
0x16d: {  	v6 =	vmax.f32 v6, v7  }
0x16e: {  	v6 =	vsub.f32 v6, v5;
	_ =	sdelay $0x1  }
0x16f: {  	v6 =	vmul.f32 $1.442695020e+00, v6;
	_ =	sdelay $0x1  }
0x170: {  	(erf) = vpow2.f32 v6;
	_ =	sdelay $0x8  }
0x171: {  	v6 =	vpop (erf)  }
0x172: {  	[tilespmem:$0x19E30] =	vst v6  }
0x173: {  	v6 =	vld [tilespmem:s12+$0x18F40];
	_ =	sdelay $0x6  }
0x174: {  	v7 =	vld.idx.msk [tilespmem:v2+s23+$0x0], $0xffff  }
0x175: {  	v6 =	vld.idx.msk [tilespmem:v6+s14+$0x0], $0xffff;
	_ =	sdelay $0x1  }
0x176: {  	v8 =	vld [tilespmem:s12+$0x19710];
	_ =	sdelay $0x2  }
0x177: {  	v6 =	vadd.f32 v6, v7;
	_ =	sdelay $0x1  }
0x178: {  	v6 =	vadd.f32 v8, v6;
	_ =	sdelay $0x1  }
0x179: {  	v7 =	vmul.f32 $2.000000030e-01, v6;
	_ =	sdelay $0x1  }
0x17a: {  	v6 =	vmax.f32 v6, v7  }
0x17b: {  	v6 =	vsub.f32 v6, v5;
	_ =	sdelay $0x1  }
0x17c: {  	v6 =	vmul.f32 $1.442695020e+00, v6;
	_ =	sdelay $0x1  }
0x17d: {  	(erf) = vpow2.f32 v6;
	_ =	sdelay $0x8  }
0x17e: {  	v6 =	vpop (erf)  }
0x17f: {  	[tilespmem:$0x19E40] =	vst v6  }
0x180: {  	v6 =	vld [tilespmem:s12+$0x18F50];
	_ =	sdelay $0x6  }
0x181: {  	v7 =	vld.idx.msk [tilespmem:v3+s23+$0x0], $0xffff  }
0x182: {  	v6 =	vld.idx.msk [tilespmem:v6+s14+$0x0], $0xffff;
	_ =	sdelay $0x1  }
0x183: {  	v8 =	vld [tilespmem:s12+$0x19720];
	_ =	sdelay $0x2  }
0x184: {  	v6 =	vadd.f32 v6, v7;
	_ =	sdelay $0x1  }
0x185: {  	v6 =	vadd.f32 v8, v6;
	_ =	sdelay $0x1  }
0x186: {  	v7 =	vmul.f32 $2.000000030e-01, v6;
	_ =	sdelay $0x1  }
0x187: {  	v6 =	vmax.f32 v6, v7  }
0x188: {  	v6 =	vsub.f32 v6, v5;
	_ =	sdelay $0x1  }
0x189: {  	v6 =	vmul.f32 $1.442695020e+00, v6;
	_ =	sdelay $0x1  }
0x18a: {  	(erf) = vpow2.f32 v6;
	_ =	sdelay $0x8  }
0x18b: {  	v6 =	vpop (erf)  }
0x18c: {  	[tilespmem:$0x19E50] =	vst v6  }
0x18d: {  	v6 =	vld [tilespmem:s12+$0x18F60];
	_ =	sdelay $0x6  }
0x18e: {  	v7 =	vld.idx.msk [tilespmem:v4+s23+$0x0], $0xffff  }
0x18f: {  	v6 =	vld.idx.msk [tilespmem:v6+s14+$0x0], $0xffff;
	_ =	sdelay $0x1  }
0x190: {  	v8 =	vld [tilespmem:s12+$0x19730];
	_ =	sdelay $0x2  }
0x191: {  	v6 =	vadd.f32 v6, v7;
	_ =	sdelay $0x1  }
0x192: {  	v6 =	vadd.f32 v8, v6;
	_ =	sdelay $0x1  }
0x193: {  	v7 =	vmul.f32 $2.000000030e-01, v6;
	_ =	sdelay $0x1  }
0x194: {  	v6 =	vmax.f32 v6, v7  }
0x195: {  	v6 =	vsub.f32 v6, v5;
	_ =	sdelay $0x1  }
0x196: {  	v6 =	vmul.f32 $1.442695020e+00, v6;
	_ =	sdelay $0x1  }
0x197: {  	(erf) = vpow2.f32 v6;
	_ =	sdelay $0x1  }
0x198: {  	s21 =	simm.s32 $0x0  }
0x199: {  	v6 =	vmov s21  }
0x19a: {  	v6 =	vand.u32 $0xFFFFFFFE, v6  }
0x19b: {  	v6 =	vbroadcast v6, $0x0;
	_ =	sdelay $0x3  }
0x19c: {  	v7 =	vpop (erf)  }
0x19d: {  	[tilespmem:$0x19E60] =	vst v7  }
0x19e: {  	s17 =	simm.s32 $0x19F00;
	v7 =	vld.idx.msk [tilespmem:v6+s28+$0x0], $0xffff  }
0x19f: {  	v6 =	vld [tilespmem:s17+$0xFFFFFFF0]  }
0x1a0: {  	v8 =	vld [tilespmem:s17+$0xFFFFFF70]  }
0x1a1: {  	s25 =	simm.s32 $0x1;
	v9 =	vld [tilespmem:s17+$0xFFFFFF80]  }
0x1a2: {  	v11 =	vmov s25;
	v10 =	vld [tilespmem:s17+$0xFFFFFF90]  }
0x1a3: {  	v12 =	vld [tilespmem:s17+$0xFFFFFFA0]  }
0x1a4: {  	v13 =	vld [tilespmem:s17+$0xFFFFFFB0]  }
0x1a5: {  	v16 =	vld [tilespmem:s17+$0xFFFFFFC0];
	v6 =	vmul.f32 v6, v7  }
0x1a6: {  	v14 =	vmul.f32 v8, v7;
	v8 =	vld [tilespmem:s17+$0xFFFFFFD0]  }
0x1a7: {  	[tilespmem:s17+$0xFFFFFFF0] =	vst v6;
	v6 =	vld.idx.msk [tilespmem:v11+s28+$0x0], $0xffff;
	v11 =	vmul.f32 v9, v7  }
0x1a8: {  	v10 =	vmul.f32 v10, v7;
	[tilespmem:s17+$0xFFFFFF70] =	vst v14;
	v9 =	vld [tilespmem:s17+$0xFFFFFFE0]  }
0x1a9: {  	[tilespmem:s17+$0xFFFFFF80] =	vst v11;
	v11 =	vmul.f32 v12, v7;
	v12 =	vld [tilespmem:s17+$0x0]  }
0x1aa: {  	s2 =	simm.s32 $0x2;
	[tilespmem:s17+$0xFFFFFF90] =	vst v10;
	v10 =	vld [tilespmem:s17+$0x10];
	v14 =	vmul.f32 v13, v7  }
0x1ab: {  	s16 =	simm.s32 $0x4;
	v15 =	vmov s2;
	s12 =	sadd.s32 $0x18E80, s13;
	s13 =	simm.s32 $0x19F00;
	v13 =	vmul.f32 v16, v7;
	[tilespmem:s17+$0xFFFFFFA0] =	vst v11;
	v11 =	vld [tilespmem:s17+$0x20]  }
.LBB2_8:
0x1ac: {  	p0 =	slt.u32 s16, $0x4E;
	v15 =	vand.u32 $0xFFFFFFFE, v15;
	s18 =	sadd.s32 $0x1, s2;
	[tilespmem:s17+$0xFFFFFFB0] =	vst v14;
	v8 =	vmul.f32 v8, v7;
	v14 =	vld [tilespmem:s17+$0x30];
	s2 =	smov.u32 s16  }
0x1ad: {  	v15 =	vbroadcast v15, $0x0;
	v16 =	vmov s18;
	[tilespmem:s17+$0xFFFFFFC0] =	vst v13;
	v7 =	vmul.f32 v9, v7;
	v9 =	vld [tilespmem:s17+$0x40]  }
0x1ae: {  	[tilespmem:s17+$0xFFFFFFD0] =	vst v8;
	v8 =	vmul.f32 v12, v6;
	v12 =	vld [tilespmem:s17+$0x50]  }
0x1af: {  	[tilespmem:s17+$0xFFFFFFE0] =	vst v7;
	v7 =	vmul.f32 v10, v6;
	v10 =	vld [tilespmem:s17+$0x60]  }
0x1b0: {  	[tilespmem:s17+$0x0] =	vst v8;
	v8 =	vmul.f32 v11, v6;
	v11 =	vld [tilespmem:s17+$0x70]  }
0x1b1: {  	[tilespmem:s17+$0x10] =	vst v7;
	v13 =	vmul.f32 v14, v6;
	v14 =	vld [tilespmem:s17+$0x80]  }
0x1b2: {  	v16 =	vld.idx.msk [tilespmem:v16+s28+$0x0], $0xffff;
	[tilespmem:s17+$0x20] =	vst v8;
	v8 =	vmul.f32 v9, v6  }
0x1b3: {  	s17 =	sadd.s32 $0x120, s17;
	v7 =	vld.idx.msk [tilespmem:v15+s28+$0x0], $0xffff;
	[tilespmem:s13+$0x30] =	vst v13;
	v9 =	vmul.f32 v12, v6  }
0x1b4: {  	v12 =	vld [tilespmem:s17+$0xFFFFFFF0];
	[tilespmem:s13+$0x40] =	vst v8;
	v8 =	vmul.f32 v10, v6  }
0x1b5: {  	v10 =	vld [tilespmem:s17+$0xFFFFFF70];
	[tilespmem:s13+$0x50] =	vst v9;
	v9 =	vmul.f32 v11, v6  }
0x1b6: {  	v11 =	vld [tilespmem:s17+$0xFFFFFF80];
	[tilespmem:s13+$0x60] =	vst v8;
	v8 =	vmul.f32 v14, v6  }
0x1b7: {  	v13 =	vld [tilespmem:s17+$0xFFFFFF90];
	[tilespmem:s13+$0x70] =	vst v9  }
0x1b8: {  	v6 =	vmov v16;
	v14 =	vld [tilespmem:s17+$0xFFFFFFA0];
	[tilespmem:s13+$0x80] =	vst v8;
	s13 =	smov.u32 s17  }
0x1b9: {  	v15 =	vld [tilespmem:s17+$0xFFFFFFB0];
	v9 =	vmul.f32 v12, v7  }
0x1ba: {  	v10 =	vmul.f32 v10, v7;
	v16 =	vld [tilespmem:s17+$0xFFFFFFC0]  }
.Ltmp2:
0x1bb: {  	v11 =	vmul.f32 v11, v7;
	v8 =	vld [tilespmem:s17+$0xFFFFFFD0];
	[tilespmem:s17+$0xFFFFFFF0] =	vst v9;
	(pc) =	sbr.rel @p0 .LBB2_8-.Ltmp2, $4  }
0x1bc: {  	[tilespmem:s17+$0xFFFFFF70] =	vst v10;
	v10 =	vmul.f32 v13, v7;
	v9 =	vld [tilespmem:s17+$0xFFFFFFE0]  }
0x1bd: {  	[tilespmem:s17+$0xFFFFFF80] =	vst v11;
	v11 =	vmul.f32 v14, v7;
	v12 =	vld [tilespmem:s17+$0x0]  }
0x1be: {  	[tilespmem:s17+$0xFFFFFF90] =	vst v10;
	v14 =	vmul.f32 v15, v7;
	v10 =	vld [tilespmem:s17+$0x10]  }
0x1bf: {  	s16 =	sadd.s32 $0x2, s16;
	v15 =	vmov s2;
	[tilespmem:s17+$0xFFFFFFA0] =	vst v11;
	v13 =	vmul.f32 v16, v7;
	v11 =	vld [tilespmem:s17+$0x20]  }
0x1c0: {  	v16 =	vld [tilespmem:s17+$0x30]  }
0x1c1: {  	v17 =	vld [tilespmem:s17+$0x40];
	v15 =	vand.u32 $0xFFFFFFFE, v15  }
0x1c2: {  	v18 =	vld [tilespmem:s17+$0x50];
	[tilespmem:s17+$0xFFFFFFB0] =	vst v14;
	v8 =	vmul.f32 v8, v7;
	v15 =	vbroadcast v15, $0x0  }
0x1c3: {  	v20 =	vld [tilespmem:s17+$0x60];
	[tilespmem:s17+$0xFFFFFFC0] =	vst v13;
	v7 =	vmul.f32 v9, v7  }
0x1c4: {  	v37 =	vld [tilespmem:s17+$0x70];
	v12 =	vmul.f32 v12, v6;
	[tilespmem:s17+$0xFFFFFFD0] =	vst v8  }
0x1c5: {  	v38 =	vld [tilespmem:s17+$0x80];
	s25 =	sadd.s32 $0x120, s17;
	v10 =	vmul.f32 v10, v6;
	[tilespmem:s17+$0xFFFFFFE0] =	vst v7  }
0x1c6: {  	v43 =	vld [tilespmem:s25+$0xFFFFFFF0];
	[tilespmem:s17+$0x0] =	vst v12;
	v39 =	vmul.f32 v11, v6  }
0x1c7: {  	v44 =	vld [tilespmem:s25+$0xFFFFFF70];
	[tilespmem:s17+$0x10] =	vst v10;
	v7 =	vmul.f32 v16, v6  }
0x1c8: {  	v42 =	vmul.f32 v17, v6;
	[tilespmem:s17+$0x20] =	vst v39;
	v41 =	vld.idx.msk [tilespmem:v15+s28+$0x0], $0xffff  }
0x1c9: {  	v46 =	vld [tilespmem:s25+$0xFFFFFF80];
	[tilespmem:s13+$0x30] =	vst v7;
	v7 =	vmul.f32 v18, v6  }
0x1ca: {  	v47 =	vld [tilespmem:s25+$0xFFFFFF90];
	v45 =	vmul.f32 v20, v6;
	[tilespmem:s13+$0x40] =	vst v42  }
0x1cb: {  	s2 =	sadd.s32 $0x1, s2;
	v48 =	vld [tilespmem:s25+$0xFFFFFFA0];
	[tilespmem:s13+$0x50] =	vst v7;
	v7 =	vmul.f32 v37, v6  }
0x1cc: {  	v19 =	vmov s2;
	v50 =	vld [tilespmem:s25+$0xFFFFFFC0];
	[tilespmem:s13+$0x60] =	vst v45;
	v6 =	vmul.f32 v38, v6  }
0x1cd: {  	[tilespmem:s13+$0x70] =	vst v7;
	v7 =	vld [tilespmem:s25+$0xFFFFFFB0];
	v49 =	vmul.f32 v43, v41  }
0x1ce: {  	v52 =	vld [tilespmem:s25+$0xFFFFFFD0];
	[tilespmem:s13+$0x80] =	vst v6;
	v6 =	vmul.f32 v44, v41  }
0x1cf: {  	v53 =	vld [tilespmem:s25+$0xFFFFFFE0];
	v51 =	vmul.f32 v46, v41;
	[tilespmem:s25+$0xFFFFFFF0] =	vst v49  }
0x1d0: {  	v54 =	vld [tilespmem:s25+$0x0];
	[tilespmem:s25+$0xFFFFFF70] =	vst v6;
	v6 =	vmul.f32 v47, v41  }
0x1d1: {  	v40 =	vld.idx.msk [tilespmem:v19+s28+$0x0], $0xffff;
	v8 =	vmul.f32 v48, v41;
	[tilespmem:s25+$0xFFFFFF80] =	vst v51  }
0x1d2: {  	[tilespmem:s25+$0xFFFFFF90] =	vst v6;
	v6 =	vmul.f32 v7, v41;
	v7 =	vld [tilespmem:s25+$0x10]  }
0x1d3: {  	v56 =	vld [tilespmem:s25+$0x20];
	v55 =	vmul.f32 v50, v41;
	[tilespmem:s25+$0xFFFFFFA0] =	vst v8  }
0x1d4: {  	v57 =	vld [tilespmem:s25+$0x30];
	[tilespmem:s25+$0xFFFFFFB0] =	vst v6;
	v6 =	vmul.f32 v52, v41  }
0x1d5: {  	v59 =	vld [tilespmem:s25+$0x40];
	v58 =	vmul.f32 v53, v41;
	[tilespmem:s25+$0xFFFFFFC0] =	vst v55  }
0x1d6: {  	v60 =	vld [tilespmem:s25+$0x50];
	[tilespmem:s25+$0xFFFFFFD0] =	vst v6;
	v6 =	vmul.f32 v54, v40  }
0x1d7: {  	v61 =	vld [tilespmem:s25+$0x60];
	[tilespmem:s25+$0xFFFFFFE0] =	vst v58;
	v7 =	vmul.f32 v7, v40  }
0x1d8: {  	v62 =	vld [tilespmem:s25+$0x70];
	[tilespmem:s25+$0x0] =	vst v6;
	v6 =	vmul.f32 v56, v40  }
0x1d9: {  	v63 =	vld [tilespmem:s25+$0x80];
	[tilespmem:s25+$0x10] =	vst v7;
	v7 =	vmul.f32 v57, v40  }
0x1da: {  	[tilespmem:s25+$0x20] =	vst v6;
	v6 =	vmul.f32 v59, v40  }
0x1db: {  	s10 =	sadd.s32 $0x1, s10;
	[tilespmem:s25+$0x30] =	vst v7;
	v7 =	vmul.f32 v60, v40  }
0x1dc: {  	p0 =	sne.s32 s10, $0xB;
	[tilespmem:s25+$0x40] =	vst v6;
	v6 =	vmul.f32 v61, v40  }
.Ltmp3:
0x1dd: {  	[tilespmem:s25+$0x50] =	vst v7;
	v7 =	vmul.f32 v62, v40;
	(pc) =	sbr.rel @p0 .LBB2_5-.Ltmp3, $4  }
0x1de: {  	[tilespmem:s25+$0x60] =	vst v6;
	v6 =	vmul.f32 v63, v40  }
0x1df: {  	[tilespmem:s25+$0x70] =	vst v7  }
0x1e0: {  	[tilespmem:s25+$0x80] =	vst v6  }
0x1e1: {  	[spmem:s4] =	stream.indirect.scatter.add.f32 [tilespmem:s23], [sflag:$0x3], $0x90, s12, s22, $0xb8;
	[tilespmem:$0x1F870] =	vst v63  }
0x1e2: {  	_ =	swait.ge [sflag:s29], $0x2D00  }
0x1e3: {  	[sflag:s29] =	ssyncset.done $0x0  }
0x1e4: {  	[sflag:s29] =	ssyncadd.s32 $0xFFFFD300  }
0x1e5: {  	_ =	swait.ge [sflag:s30], $0x2D00  }
0x1e6: {  	[sflag:s30] =	ssyncset.done $0x0  }
0x1e7: {  	[sflag:s30] =	ssyncadd.s32 $0xFFFFD300  }
0x1e8: {  	[tilespmem:s23], [sflag:$0x1] =	stream.indirect.gather [hbm4b:s6+s22], $0x90, s0, s22, $0xb8;
	[tilespmem:$0x1F870] =	vst v63  }
0x1e9: {  	v6 =	vld [tilespmem:$0x195B0];
	_ =	sdelay $0x6  }
0x1ea: {  	v7 =	vld.idx.msk [tilespmem:v0+s26+$0x0], $0xffff  }
0x1eb: {  	v6 =	vld.idx.msk [tilespmem:v6+s14+$0x0], $0xffff;
	_ =	sdelay $0x1  }
0x1ec: {  	v8 =	vld [tilespmem:$0x19D80];
	_ =	sdelay $0x2  }
0x1ed: {  	v6 =	vadd.f32 v6, v7;
	_ =	sdelay $0x1  }
0x1ee: {  	v6 =	vadd.f32 v8, v6;
	_ =	sdelay $0x1  }
0x1ef: {  	v7 =	vmul.f32 $2.000000030e-01, v6;
	_ =	sdelay $0x1  }
0x1f0: {  	v6 =	vmax.f32 v6, v7  }
0x1f1: {  	v6 =	vsub.f32 v6, v5;
	_ =	sdelay $0x1  }
0x1f2: {  	v6 =	vmul.f32 $1.442695020e+00, v6;
	_ =	sdelay $0x1  }
0x1f3: {  	(erf) = vpow2.f32 v6;
	_ =	sdelay $0x3  }
0x1f4: {  	v6 =	vld [tilespmem:$0x195C0];
	_ =	sdelay $0x4  }
0x1f5: {  	v7 =	vpop (erf)  }
0x1f6: {  	[tilespmem:$0x19E20] =	vst v7  }
0x1f7: {  	v7 =	vld.idx.msk [tilespmem:v1+s26+$0x0], $0xffff  }
0x1f8: {  	v6 =	vld.idx.msk [tilespmem:v6+s14+$0x0], $0xffff;
	_ =	sdelay $0x1  }
0x1f9: {  	v8 =	vld [tilespmem:$0x19D90];
	_ =	sdelay $0x2  }
0x1fa: {  	v6 =	vadd.f32 v6, v7;
	_ =	sdelay $0x1  }
0x1fb: {  	v6 =	vadd.f32 v8, v6;
	_ =	sdelay $0x1  }
0x1fc: {  	v7 =	vmul.f32 $2.000000030e-01, v6;
	_ =	sdelay $0x1  }
0x1fd: {  	v6 =	vmax.f32 v6, v7  }
0x1fe: {  	v6 =	vsub.f32 v6, v5;
	_ =	sdelay $0x1  }
0x1ff: {  	v6 =	vmul.f32 $1.442695020e+00, v6;
	_ =	sdelay $0x1  }
0x200: {  	(erf) = vpow2.f32 v6;
	_ =	sdelay $0x3  }
0x201: {  	v6 =	vld [tilespmem:$0x195D0];
	_ =	sdelay $0x4  }
0x202: {  	v7 =	vpop (erf)  }
0x203: {  	[tilespmem:$0x19E30] =	vst v7  }
0x204: {  	v7 =	vld.idx.msk [tilespmem:v2+s26+$0x0], $0xffff  }
0x205: {  	v6 =	vld.idx.msk [tilespmem:v6+s14+$0x0], $0xffff;
	_ =	sdelay $0x1  }
0x206: {  	v8 =	vld [tilespmem:$0x19DA0];
	_ =	sdelay $0x2  }
0x207: {  	v6 =	vadd.f32 v6, v7;
	_ =	sdelay $0x1  }
0x208: {  	v6 =	vadd.f32 v8, v6;
	_ =	sdelay $0x1  }
0x209: {  	v7 =	vmul.f32 $2.000000030e-01, v6;
	_ =	sdelay $0x1  }
0x20a: {  	v6 =	vmax.f32 v6, v7  }
0x20b: {  	v6 =	vsub.f32 v6, v5;
	_ =	sdelay $0x1  }
0x20c: {  	v6 =	vmul.f32 $1.442695020e+00, v6;
	_ =	sdelay $0x1  }
0x20d: {  	(erf) = vpow2.f32 v6;
	_ =	sdelay $0x3  }
0x20e: {  	v6 =	vld [tilespmem:$0x195E0];
	_ =	sdelay $0x4  }
0x20f: {  	v7 =	vpop (erf)  }
0x210: {  	[tilespmem:$0x19E40] =	vst v7  }
0x211: {  	v7 =	vld.idx.msk [tilespmem:v3+s26+$0x0], $0xffff  }
0x212: {  	v6 =	vld.idx.msk [tilespmem:v6+s14+$0x0], $0xffff;
	_ =	sdelay $0x1  }
0x213: {  	v8 =	vld [tilespmem:$0x19DB0];
	_ =	sdelay $0x2  }
0x214: {  	v6 =	vadd.f32 v6, v7;
	_ =	sdelay $0x1  }
0x215: {  	v6 =	vadd.f32 v8, v6;
	_ =	sdelay $0x1  }
0x216: {  	v7 =	vmul.f32 $2.000000030e-01, v6;
	_ =	sdelay $0x1  }
0x217: {  	v6 =	vmax.f32 v6, v7  }
0x218: {  	v6 =	vsub.f32 v6, v5;
	_ =	sdelay $0x1  }
0x219: {  	v6 =	vmul.f32 $1.442695020e+00, v6;
	_ =	sdelay $0x1  }
0x21a: {  	(erf) = vpow2.f32 v6;
	_ =	sdelay $0x3  }
0x21b: {  	v6 =	vld [tilespmem:$0x195F0];
	_ =	sdelay $0x4  }
0x21c: {  	v7 =	vpop (erf)  }
0x21d: {  	[tilespmem:$0x19E50] =	vst v7  }
0x21e: {  	v7 =	vld.idx.msk [tilespmem:v4+s26+$0x0], $0xffff  }
0x21f: {  	v6 =	vld.idx.msk [tilespmem:v6+s14+$0x0], $0xffff;
	_ =	sdelay $0x1  }
0x220: {  	v8 =	vld [tilespmem:$0x19DC0];
	_ =	sdelay $0x2  }
0x221: {  	v6 =	vadd.f32 v6, v7;
	_ =	sdelay $0x1  }
0x222: {  	v6 =	vadd.f32 v8, v6;
	_ =	sdelay $0x1  }
0x223: {  	v7 =	vmul.f32 $2.000000030e-01, v6;
	_ =	sdelay $0x1  }
0x224: {  	v6 =	vmax.f32 v6, v7  }
0x225: {  	v6 =	vsub.f32 v6, v5;
	_ =	sdelay $0x1  }
0x226: {  	v6 =	vmul.f32 $1.442695020e+00, v6;
	_ =	sdelay $0x1  }
0x227: {  	(erf) = vpow2.f32 v6;
	_ =	sdelay $0x1  }
0x228: {  	s2 =	simm.s32 $0x0  }
0x229: {  	v6 =	vmov s2  }
0x22a: {  	v6 =	vand.u32 $0xFFFFFFFE, v6  }
0x22b: {  	v6 =	vbroadcast v6, $0x0;
	_ =	sdelay $0x3  }
0x22c: {  	v7 =	vpop (erf)  }
0x22d: {  	[tilespmem:$0x19E60] =	vst v7  }
0x22e: {  	s9 =	simm.s32 $0x1CC00;
	v7 =	vld.idx.msk [tilespmem:v6+s28+$0x0], $0xffff  }
0x22f: {  	v6 =	vld [tilespmem:s9+$0xFFFFFFF0]  }
0x230: {  	v8 =	vld [tilespmem:s9+$0xFFFFFF70]  }
0x231: {  	s25 =	simm.s32 $0x1;
	v9 =	vld [tilespmem:s9+$0xFFFFFF80]  }
0x232: {  	v11 =	vmov s25;
	v10 =	vld [tilespmem:s9+$0xFFFFFF90]  }
0x233: {  	v12 =	vld [tilespmem:s9+$0xFFFFFFA0]  }
0x234: {  	v13 =	vld [tilespmem:s9+$0xFFFFFFB0]  }
0x235: {  	v16 =	vld [tilespmem:s9+$0xFFFFFFC0];
	v6 =	vmul.f32 v6, v7  }
0x236: {  	v14 =	vmul.f32 v8, v7;
	v8 =	vld [tilespmem:s9+$0xFFFFFFD0]  }
0x237: {  	v10 =	vmul.f32 v10, v7;
	[tilespmem:s9+$0xFFFFFFF0] =	vst v6;
	v6 =	vld.idx.msk [tilespmem:v11+s28+$0x0], $0xffff  }
0x238: {  	v11 =	vmul.f32 v9, v7;
	[tilespmem:s9+$0xFFFFFF70] =	vst v14;
	v9 =	vld [tilespmem:s9+$0xFFFFFFE0]  }
0x239: {  	v17 =	vmul.f32 v12, v7;
	v12 =	vld [tilespmem:s9+$0x0];
	[tilespmem:s9+$0xFFFFFF90] =	vst v10  }
0x23a: {  	s2 =	simm.s32 $0x2;
	v14 =	vmul.f32 v13, v7;
	[tilespmem:s9+$0xFFFFFF80] =	vst v11;
	v11 =	vld [tilespmem:s9+$0x10]  }
0x23b: {  	s12 =	simm.s32 $0x4;
	s10 =	simm.s32 $0x1CC00;
	v15 =	vmov s2;
	[tilespmem:s9+$0xFFFFFFA0] =	vst v17;
	v13 =	vmul.f32 v16, v7;
	v10 =	vld [tilespmem:s9+$0x20]  }
.LBB2_11:
0x23c: {  	p0 =	slt.u32 s12, $0x4E;
	v15 =	vand.u32 $0xFFFFFFFE, v15;
	s13 =	sadd.s32 $0x1, s2;
	[tilespmem:s9+$0xFFFFFFB0] =	vst v14;
	v8 =	vmul.f32 v8, v7;
	v14 =	vld [tilespmem:s9+$0x30];
	s2 =	smov.u32 s12  }
0x23d: {  	v15 =	vbroadcast v15, $0x0;
	v16 =	vmov s13;
	[tilespmem:s9+$0xFFFFFFC0] =	vst v13;
	v7 =	vmul.f32 v9, v7;
	v9 =	vld [tilespmem:s9+$0x40]  }
0x23e: {  	[tilespmem:s9+$0xFFFFFFD0] =	vst v8;
	v8 =	vmul.f32 v12, v6;
	v12 =	vld [tilespmem:s9+$0x50]  }
0x23f: {  	[tilespmem:s9+$0xFFFFFFE0] =	vst v7;
	v7 =	vmul.f32 v11, v6;
	v11 =	vld [tilespmem:s9+$0x60]  }
0x240: {  	[tilespmem:s9+$0x0] =	vst v8;
	v8 =	vmul.f32 v10, v6;
	v10 =	vld [tilespmem:s9+$0x70]  }
0x241: {  	[tilespmem:s9+$0x10] =	vst v7;
	v13 =	vmul.f32 v14, v6;
	v14 =	vld [tilespmem:s9+$0x80]  }
0x242: {  	v16 =	vld.idx.msk [tilespmem:v16+s28+$0x0], $0xffff;
	[tilespmem:s9+$0x20] =	vst v8;
	v8 =	vmul.f32 v9, v6  }
0x243: {  	s9 =	sadd.s32 $0x120, s9;
	v7 =	vld.idx.msk [tilespmem:v15+s28+$0x0], $0xffff;
	[tilespmem:s10+$0x30] =	vst v13;
	v9 =	vmul.f32 v12, v6  }
0x244: {  	v12 =	vld [tilespmem:s9+$0xFFFFFFF0];
	[tilespmem:s10+$0x40] =	vst v8;
	v8 =	vmul.f32 v11, v6  }
0x245: {  	v11 =	vld [tilespmem:s9+$0xFFFFFF70];
	[tilespmem:s10+$0x50] =	vst v9;
	v9 =	vmul.f32 v10, v6  }
0x246: {  	v10 =	vld [tilespmem:s9+$0xFFFFFF80];
	[tilespmem:s10+$0x60] =	vst v8;
	v8 =	vmul.f32 v14, v6  }
0x247: {  	v13 =	vld [tilespmem:s9+$0xFFFFFF90];
	[tilespmem:s10+$0x70] =	vst v9  }
0x248: {  	v6 =	vmov v16;
	v14 =	vld [tilespmem:s9+$0xFFFFFFA0];
	[tilespmem:s10+$0x80] =	vst v8;
	s10 =	smov.u32 s9  }
0x249: {  	v15 =	vld [tilespmem:s9+$0xFFFFFFB0];
	v9 =	vmul.f32 v12, v7  }
0x24a: {  	v11 =	vmul.f32 v11, v7;
	v16 =	vld [tilespmem:s9+$0xFFFFFFC0]  }
.Ltmp4:
0x24b: {  	v10 =	vmul.f32 v10, v7;
	v8 =	vld [tilespmem:s9+$0xFFFFFFD0];
	[tilespmem:s9+$0xFFFFFFF0] =	vst v9;
	(pc) =	sbr.rel @p0 .LBB2_11-.Ltmp4, $4  }
0x24c: {  	[tilespmem:s9+$0xFFFFFF70] =	vst v11;
	v11 =	vmul.f32 v13, v7;
	v9 =	vld [tilespmem:s9+$0xFFFFFFE0]  }
0x24d: {  	[tilespmem:s9+$0xFFFFFF80] =	vst v10;
	v10 =	vmul.f32 v14, v7;
	v12 =	vld [tilespmem:s9+$0x0]  }
0x24e: {  	[tilespmem:s9+$0xFFFFFF90] =	vst v11;
	v14 =	vmul.f32 v15, v7;
	v11 =	vld [tilespmem:s9+$0x10]  }
0x24f: {  	s12 =	sadd.s32 $0x2, s12;
	v15 =	vmov s2;
	[tilespmem:s9+$0xFFFFFFA0] =	vst v10;
	v13 =	vmul.f32 v16, v7;
	v10 =	vld [tilespmem:s9+$0x20]  }
0x250: {  	v16 =	vld [tilespmem:s9+$0x30]  }
0x251: {  	v17 =	vld [tilespmem:s9+$0x40];
	v15 =	vand.u32 $0xFFFFFFFE, v15  }
0x252: {  	v18 =	vld [tilespmem:s9+$0x50];
	[tilespmem:s9+$0xFFFFFFB0] =	vst v14;
	v8 =	vmul.f32 v8, v7;
	v15 =	vbroadcast v15, $0x0  }
0x253: {  	s2 =	sadd.s32 $0x1, s2;
	v20 =	vld [tilespmem:s9+$0x60];
	[tilespmem:s9+$0xFFFFFFC0] =	vst v13;
	v7 =	vmul.f32 v9, v7  }
0x254: {  	s18 =	sadd.s32 $0x120, s9;
	v19 =	vmov s2;
	v9 =	vld [tilespmem:s9+$0x80];
	v12 =	vmul.f32 v12, v6;
	[tilespmem:s9+$0xFFFFFFD0] =	vst v8  }
0x255: {  	v13 =	vld [tilespmem:s18+$0xFFFFFFF0];
	v11 =	vmul.f32 v11, v6;
	[tilespmem:s9+$0xFFFFFFE0] =	vst v7  }
0x256: {  	[tilespmem:s9+$0x0] =	vst v12;
	v12 =	vld [tilespmem:s9+$0x70];
	v8 =	vmul.f32 v10, v6  }
0x257: {  	v14 =	vld [tilespmem:s18+$0xFFFFFF70];
	[tilespmem:s9+$0x10] =	vst v11;
	v7 =	vmul.f32 v16, v6  }
0x258: {  	[tilespmem:s9+$0x20] =	vst v8;
	v8 =	vmul.f32 v17, v6;
	v11 =	vld.idx.msk [tilespmem:v15+s28+$0x0], $0xffff  }
0x259: {  	v10 =	vld.idx.msk [tilespmem:v19+s28+$0x0], $0xffff;
	[tilespmem:s10+$0x30] =	vst v7;
	v7 =	vmul.f32 v18, v6  }
0x25a: {  	v15 =	vld [tilespmem:s18+$0xFFFFFF80];
	[tilespmem:s10+$0x40] =	vst v8;
	v8 =	vmul.f32 v20, v6  }
0x25b: {  	[tilespmem:s10+$0x50] =	vst v7;
	v7 =	vmul.f32 v12, v6;
	v12 =	vld [tilespmem:s18+$0xFFFFFF90]  }
0x25c: {  	v6 =	vmul.f32 v9, v6;
	[tilespmem:s10+$0x60] =	vst v8;
	v8 =	vld [tilespmem:s18+$0xFFFFFFA0]  }
0x25d: {  	[tilespmem:s10+$0x70] =	vst v7;
	v7 =	vld [tilespmem:s18+$0xFFFFFFB0];
	v9 =	vmul.f32 v13, v11  }
0x25e: {  	[tilespmem:s10+$0x80] =	vst v6;
	v6 =	vmul.f32 v14, v11;
	v13 =	vld [tilespmem:s18+$0xFFFFFFC0]  }
0x25f: {  	v14 =	vmul.f32 v15, v11;
	v15 =	vld [tilespmem:s18+$0xFFFFFFD0];
	[tilespmem:s18+$0xFFFFFFF0] =	vst v9  }
0x260: {  	[tilespmem:s18+$0xFFFFFF70] =	vst v6;
	v6 =	vmul.f32 v12, v11;
	v9 =	vld [tilespmem:s18+$0xFFFFFFE0]  }
0x261: {  	[tilespmem:s18+$0xFFFFFF80] =	vst v14;
	v12 =	vld [tilespmem:s18+$0x0];
	v8 =	vmul.f32 v8, v11  }
0x262: {  	[tilespmem:s18+$0xFFFFFF90] =	vst v6;
	v6 =	vmul.f32 v7, v11;
	v7 =	vld [tilespmem:s18+$0x10]  }
0x263: {  	[tilespmem:s18+$0xFFFFFFA0] =	vst v8;
	v8 =	vmul.f32 v13, v11;
	v13 =	vld [tilespmem:s18+$0x20]  }
0x264: {  	v14 =	vld [tilespmem:s18+$0x30];
	[tilespmem:s18+$0xFFFFFFB0] =	vst v6;
	v6 =	vmul.f32 v15, v11  }
0x265: {  	[tilespmem:s18+$0xFFFFFFC0] =	vst v8;
	v8 =	vmul.f32 v9, v11;
	v9 =	vld [tilespmem:s18+$0x40]  }
0x266: {  	v11 =	vld [tilespmem:s18+$0x50];
	[tilespmem:s18+$0xFFFFFFD0] =	vst v6;
	v6 =	vmul.f32 v12, v10  }
0x267: {  	[tilespmem:s18+$0xFFFFFFE0] =	vst v8;
	v7 =	vmul.f32 v7, v10;
	v8 =	vld [tilespmem:s18+$0x60]  }
0x268: {  	v12 =	vld [tilespmem:s18+$0x70];
	[tilespmem:s18+$0x0] =	vst v6;
	v6 =	vmul.f32 v13, v10  }
0x269: {  	v13 =	vld [tilespmem:s18+$0x80];
	[tilespmem:s18+$0x10] =	vst v7;
	v7 =	vmul.f32 v14, v10  }
0x26a: {  	[tilespmem:s18+$0x20] =	vst v6;
	v6 =	vmul.f32 v9, v10  }
0x26b: {  	[tilespmem:s18+$0x30] =	vst v7;
	v7 =	vmul.f32 v11, v10  }
0x26c: {  	[tilespmem:s18+$0x40] =	vst v6;
	v6 =	vmul.f32 v8, v10  }
0x26d: {  	[tilespmem:s18+$0x50] =	vst v7;
	v7 =	vmul.f32 v12, v10  }
0x26e: {  	[tilespmem:s18+$0x60] =	vst v6;
	v6 =	vmul.f32 v13, v10  }
0x26f: {  	[tilespmem:s18+$0x70] =	vst v7  }
0x270: {  	[tilespmem:s18+$0x80] =	vst v6  }
0x271: {  	[spmem:s4] =	stream.indirect.scatter.add.f32 [tilespmem:s26], [sflag:$0x4], $0x90, s3, s22, $0xb8;
	[tilespmem:$0x1F870] =	vst v63  }
0x272: {  	_ =	swait.ge [sflag:s24], $0x2D00  }
0x273: {  	[sflag:s24] =	ssyncset.done $0x0  }
0x274: {  	[sflag:s24] =	ssyncadd.s32 $0xFFFFD300  }
0x275: {  	v6 =	vld [tilespmem:$0x19600];
	_ =	sdelay $0x6  }
0x276: {  	v7 =	vld.idx.msk [tilespmem:v0+s23+$0x0], $0xffff  }
0x277: {  	v6 =	vld.idx.msk [tilespmem:v6+s14+$0x0], $0xffff;
	_ =	sdelay $0x1  }
0x278: {  	v8 =	vld [tilespmem:$0x19DD0];
	_ =	sdelay $0x2  }
0x279: {  	v6 =	vadd.f32 v6, v7;
	_ =	sdelay $0x1  }
0x27a: {  	v6 =	vadd.f32 v8, v6;
	_ =	sdelay $0x1  }
0x27b: {  	v7 =	vmul.f32 $2.000000030e-01, v6;
	_ =	sdelay $0x1  }
0x27c: {  	v6 =	vmax.f32 v6, v7  }
0x27d: {  	v6 =	vsub.f32 v6, v5;
	_ =	sdelay $0x1  }
0x27e: {  	v6 =	vmul.f32 $1.442695020e+00, v6;
	_ =	sdelay $0x1  }
0x27f: {  	(erf) = vpow2.f32 v6;
	_ =	sdelay $0x3  }
0x280: {  	v6 =	vld [tilespmem:$0x19610];
	_ =	sdelay $0x4  }
0x281: {  	v7 =	vpop (erf)  }
0x282: {  	[tilespmem:$0x19E20] =	vst v7  }
0x283: {  	v7 =	vld.idx.msk [tilespmem:v1+s23+$0x0], $0xffff  }
0x284: {  	v6 =	vld.idx.msk [tilespmem:v6+s14+$0x0], $0xffff;
	_ =	sdelay $0x1  }
0x285: {  	v8 =	vld [tilespmem:$0x19DE0];
	_ =	sdelay $0x2  }
0x286: {  	v6 =	vadd.f32 v6, v7;
	_ =	sdelay $0x1  }
0x287: {  	v6 =	vadd.f32 v8, v6;
	_ =	sdelay $0x1  }
0x288: {  	v7 =	vmul.f32 $2.000000030e-01, v6;
	_ =	sdelay $0x1  }
0x289: {  	v6 =	vmax.f32 v6, v7  }
0x28a: {  	v6 =	vsub.f32 v6, v5;
	_ =	sdelay $0x1  }
0x28b: {  	v6 =	vmul.f32 $1.442695020e+00, v6;
	_ =	sdelay $0x1  }
0x28c: {  	(erf) = vpow2.f32 v6;
	_ =	sdelay $0x3  }
0x28d: {  	v6 =	vld [tilespmem:$0x19620];
	_ =	sdelay $0x4  }
0x28e: {  	v7 =	vpop (erf)  }
0x28f: {  	[tilespmem:$0x19E30] =	vst v7  }
0x290: {  	v7 =	vld.idx.msk [tilespmem:v2+s23+$0x0], $0xffff  }
0x291: {  	v6 =	vld.idx.msk [tilespmem:v6+s14+$0x0], $0xffff;
	_ =	sdelay $0x1  }
0x292: {  	v8 =	vld [tilespmem:$0x19DF0];
	_ =	sdelay $0x2  }
0x293: {  	v6 =	vadd.f32 v6, v7;
	_ =	sdelay $0x1  }
0x294: {  	v6 =	vadd.f32 v8, v6;
	_ =	sdelay $0x1  }
0x295: {  	v7 =	vmul.f32 $2.000000030e-01, v6;
	_ =	sdelay $0x1  }
0x296: {  	v6 =	vmax.f32 v6, v7  }
0x297: {  	v6 =	vsub.f32 v6, v5;
	_ =	sdelay $0x1  }
0x298: {  	v6 =	vmul.f32 $1.442695020e+00, v6;
	_ =	sdelay $0x1  }
0x299: {  	(erf) = vpow2.f32 v6;
	_ =	sdelay $0x3  }
0x29a: {  	v6 =	vld [tilespmem:$0x19630];
	_ =	sdelay $0x4  }
0x29b: {  	v7 =	vpop (erf)  }
0x29c: {  	[tilespmem:$0x19E40] =	vst v7  }
0x29d: {  	v7 =	vld.idx.msk [tilespmem:v3+s23+$0x0], $0xffff  }
0x29e: {  	v6 =	vld.idx.msk [tilespmem:v6+s14+$0x0], $0xffff;
	_ =	sdelay $0x1  }
0x29f: {  	v8 =	vld [tilespmem:$0x19E00];
	_ =	sdelay $0x2  }
0x2a0: {  	v6 =	vadd.f32 v6, v7;
	_ =	sdelay $0x1  }
0x2a1: {  	v6 =	vadd.f32 v8, v6;
	_ =	sdelay $0x1  }
0x2a2: {  	v7 =	vmul.f32 $2.000000030e-01, v6;
	_ =	sdelay $0x1  }
0x2a3: {  	v6 =	vmax.f32 v6, v7  }
0x2a4: {  	v6 =	vsub.f32 v6, v5;
	_ =	sdelay $0x1  }
0x2a5: {  	v6 =	vmul.f32 $1.442695020e+00, v6;
	_ =	sdelay $0x1  }
0x2a6: {  	(erf) = vpow2.f32 v6;
	_ =	sdelay $0x3  }
0x2a7: {  	v6 =	vld [tilespmem:$0x19640];
	_ =	sdelay $0x4  }
0x2a8: {  	v7 =	vpop (erf)  }
0x2a9: {  	[tilespmem:$0x19E50] =	vst v7  }
0x2aa: {  	v7 =	vld.idx.msk [tilespmem:v4+s23+$0x0], $0xffff  }
0x2ab: {  	v6 =	vld.idx.msk [tilespmem:v6+s14+$0x0], $0xffff;
	_ =	sdelay $0x1  }
0x2ac: {  	v8 =	vld [tilespmem:$0x19E10];
	_ =	sdelay $0x2  }
0x2ad: {  	v6 =	vadd.f32 v6, v7;
	_ =	sdelay $0x1  }
0x2ae: {  	v6 =	vadd.f32 v8, v6;
	_ =	sdelay $0x1  }
0x2af: {  	v7 =	vmul.f32 $2.000000030e-01, v6;
	_ =	sdelay $0x1  }
0x2b0: {  	v6 =	vmax.f32 v6, v7  }
0x2b1: {  	v6 =	vsub.f32 v6, v5;
	_ =	sdelay $0x1  }
0x2b2: {  	v6 =	vmul.f32 $1.442695020e+00, v6;
	_ =	sdelay $0x1  }
0x2b3: {  	(erf) = vpow2.f32 v6;
	_ =	sdelay $0x1  }
0x2b4: {  	s21 =	simm.s32 $0x0  }
0x2b5: {  	v6 =	vmov s21  }
0x2b6: {  	v6 =	vand.u32 $0xFFFFFFFE, v6  }
0x2b7: {  	v6 =	vbroadcast v6, $0x0;
	_ =	sdelay $0x3  }
0x2b8: {  	v7 =	vpop (erf)  }
0x2b9: {  	[tilespmem:$0x19E60] =	vst v7  }
0x2ba: {  	s9 =	simm.s32 $0x19F00;
	v7 =	vld.idx.msk [tilespmem:v6+s28+$0x0], $0xffff  }
0x2bb: {  	v6 =	vld [tilespmem:s9+$0xFFFFFFF0]  }
0x2bc: {  	v8 =	vld [tilespmem:s9+$0xFFFFFF70]  }
0x2bd: {  	s25 =	simm.s32 $0x1;
	v9 =	vld [tilespmem:s9+$0xFFFFFF80]  }
0x2be: {  	v11 =	vmov s25;
	v10 =	vld [tilespmem:s9+$0xFFFFFF90]  }
0x2bf: {  	v12 =	vld [tilespmem:s9+$0xFFFFFFA0]  }
0x2c0: {  	v13 =	vld [tilespmem:s9+$0xFFFFFFB0]  }
0x2c1: {  	v16 =	vld [tilespmem:s9+$0xFFFFFFC0];
	v6 =	vmul.f32 v6, v7  }
0x2c2: {  	v14 =	vmul.f32 v8, v7;
	v8 =	vld [tilespmem:s9+$0xFFFFFFD0]  }
0x2c3: {  	v10 =	vmul.f32 v10, v7;
	[tilespmem:s9+$0xFFFFFFF0] =	vst v6;
	v6 =	vld.idx.msk [tilespmem:v11+s28+$0x0], $0xffff  }
0x2c4: {  	v11 =	vmul.f32 v9, v7;
	[tilespmem:s9+$0xFFFFFF70] =	vst v14;
	v9 =	vld [tilespmem:s9+$0xFFFFFFE0]  }
0x2c5: {  	v17 =	vmul.f32 v12, v7;
	v12 =	vld [tilespmem:s9+$0x0];
	[tilespmem:s9+$0xFFFFFF90] =	vst v10  }
0x2c6: {  	s2 =	simm.s32 $0x2;
	v14 =	vmul.f32 v13, v7;
	[tilespmem:s9+$0xFFFFFF80] =	vst v11;
	v11 =	vld [tilespmem:s9+$0x10]  }
0x2c7: {  	s12 =	simm.s32 $0x4;
	s10 =	simm.s32 $0x19F00;
	v15 =	vmov s2;
	[tilespmem:s9+$0xFFFFFFA0] =	vst v17;
	v13 =	vmul.f32 v16, v7;
	v10 =	vld [tilespmem:s9+$0x20]  }
.LBB2_13:
0x2c8: {  	p0 =	slt.u32 s12, $0x4E;
	v15 =	vand.u32 $0xFFFFFFFE, v15;
	s13 =	sadd.s32 $0x1, s2;
	[tilespmem:s9+$0xFFFFFFB0] =	vst v14;
	v8 =	vmul.f32 v8, v7;
	v14 =	vld [tilespmem:s9+$0x30];
	s2 =	smov.u32 s12  }
0x2c9: {  	v15 =	vbroadcast v15, $0x0;
	v16 =	vmov s13;
	[tilespmem:s9+$0xFFFFFFC0] =	vst v13;
	v7 =	vmul.f32 v9, v7;
	v9 =	vld [tilespmem:s9+$0x40]  }
0x2ca: {  	[tilespmem:s9+$0xFFFFFFD0] =	vst v8;
	v8 =	vmul.f32 v12, v6;
	v12 =	vld [tilespmem:s9+$0x50]  }
0x2cb: {  	[tilespmem:s9+$0xFFFFFFE0] =	vst v7;
	v7 =	vmul.f32 v11, v6;
	v11 =	vld [tilespmem:s9+$0x60]  }
0x2cc: {  	[tilespmem:s9+$0x0] =	vst v8;
	v8 =	vmul.f32 v10, v6;
	v10 =	vld [tilespmem:s9+$0x70]  }
0x2cd: {  	[tilespmem:s9+$0x10] =	vst v7;
	v13 =	vmul.f32 v14, v6;
	v14 =	vld [tilespmem:s9+$0x80]  }
0x2ce: {  	v16 =	vld.idx.msk [tilespmem:v16+s28+$0x0], $0xffff;
	[tilespmem:s9+$0x20] =	vst v8;
	v8 =	vmul.f32 v9, v6  }
0x2cf: {  	s9 =	sadd.s32 $0x120, s9;
	v7 =	vld.idx.msk [tilespmem:v15+s28+$0x0], $0xffff;
	[tilespmem:s10+$0x30] =	vst v13;
	v9 =	vmul.f32 v12, v6  }
0x2d0: {  	v12 =	vld [tilespmem:s9+$0xFFFFFFF0];
	[tilespmem:s10+$0x40] =	vst v8;
	v8 =	vmul.f32 v11, v6  }
0x2d1: {  	v11 =	vld [tilespmem:s9+$0xFFFFFF70];
	[tilespmem:s10+$0x50] =	vst v9;
	v9 =	vmul.f32 v10, v6  }
0x2d2: {  	v10 =	vld [tilespmem:s9+$0xFFFFFF80];
	[tilespmem:s10+$0x60] =	vst v8;
	v8 =	vmul.f32 v14, v6  }
0x2d3: {  	v13 =	vld [tilespmem:s9+$0xFFFFFF90];
	[tilespmem:s10+$0x70] =	vst v9  }
0x2d4: {  	v6 =	vmov v16;
	v14 =	vld [tilespmem:s9+$0xFFFFFFA0];
	[tilespmem:s10+$0x80] =	vst v8;
	s10 =	smov.u32 s9  }
0x2d5: {  	v15 =	vld [tilespmem:s9+$0xFFFFFFB0];
	v9 =	vmul.f32 v12, v7  }
0x2d6: {  	v11 =	vmul.f32 v11, v7;
	v16 =	vld [tilespmem:s9+$0xFFFFFFC0]  }
.Ltmp5:
0x2d7: {  	v10 =	vmul.f32 v10, v7;
	v8 =	vld [tilespmem:s9+$0xFFFFFFD0];
	[tilespmem:s9+$0xFFFFFFF0] =	vst v9;
	(pc) =	sbr.rel @p0 .LBB2_13-.Ltmp5, $4  }
0x2d8: {  	[tilespmem:s9+$0xFFFFFF70] =	vst v11;
	v11 =	vmul.f32 v13, v7;
	v9 =	vld [tilespmem:s9+$0xFFFFFFE0]  }
0x2d9: {  	[tilespmem:s9+$0xFFFFFF80] =	vst v10;
	v10 =	vmul.f32 v14, v7;
	v12 =	vld [tilespmem:s9+$0x0]  }
0x2da: {  	[tilespmem:s9+$0xFFFFFF90] =	vst v11;
	v14 =	vmul.f32 v15, v7;
	v11 =	vld [tilespmem:s9+$0x10]  }
0x2db: {  	s12 =	sadd.s32 $0x2, s12;
	v15 =	vmov s2;
	[tilespmem:s9+$0xFFFFFFA0] =	vst v10;
	v13 =	vmul.f32 v16, v7;
	v10 =	vld [tilespmem:s9+$0x20]  }
0x2dc: {  	v16 =	vld [tilespmem:s9+$0x30]  }
0x2dd: {  	v17 =	vld [tilespmem:s9+$0x40];
	v15 =	vand.u32 $0xFFFFFFFE, v15  }
0x2de: {  	v18 =	vld [tilespmem:s9+$0x50];
	[tilespmem:s9+$0xFFFFFFB0] =	vst v14;
	v8 =	vmul.f32 v8, v7;
	v15 =	vbroadcast v15, $0x0  }
0x2df: {  	v20 =	vld [tilespmem:s9+$0x60];
	[tilespmem:s9+$0xFFFFFFC0] =	vst v13;
	v7 =	vmul.f32 v9, v7  }
0x2e0: {  	v37 =	vld [tilespmem:s9+$0x70];
	v12 =	vmul.f32 v12, v6;
	[tilespmem:s9+$0xFFFFFFD0] =	vst v8  }
0x2e1: {  	v38 =	vld [tilespmem:s9+$0x80];
	s25 =	sadd.s32 $0x120, s9;
	v11 =	vmul.f32 v11, v6;
	[tilespmem:s9+$0xFFFFFFE0] =	vst v7  }
0x2e2: {  	v43 =	vld [tilespmem:s25+$0xFFFFFFF0];
	[tilespmem:s9+$0x0] =	vst v12;
	v39 =	vmul.f32 v10, v6  }
0x2e3: {  	v44 =	vld [tilespmem:s25+$0xFFFFFF70];
	[tilespmem:s9+$0x10] =	vst v11;
	v7 =	vmul.f32 v16, v6  }
0x2e4: {  	v42 =	vmul.f32 v17, v6;
	[tilespmem:s9+$0x20] =	vst v39;
	v41 =	vld.idx.msk [tilespmem:v15+s28+$0x0], $0xffff  }
0x2e5: {  	v46 =	vld [tilespmem:s25+$0xFFFFFF80];
	[tilespmem:s10+$0x30] =	vst v7;
	v7 =	vmul.f32 v18, v6  }
0x2e6: {  	v47 =	vld [tilespmem:s25+$0xFFFFFF90];
	v45 =	vmul.f32 v20, v6;
	[tilespmem:s10+$0x40] =	vst v42  }
0x2e7: {  	s2 =	sadd.s32 $0x1, s2;
	v48 =	vld [tilespmem:s25+$0xFFFFFFA0];
	[tilespmem:s10+$0x50] =	vst v7;
	v7 =	vmul.f32 v37, v6  }
0x2e8: {  	v19 =	vmov s2;
	v50 =	vld [tilespmem:s25+$0xFFFFFFC0];
	[tilespmem:s10+$0x60] =	vst v45;
	v6 =	vmul.f32 v38, v6  }
0x2e9: {  	[tilespmem:s10+$0x70] =	vst v7;
	v7 =	vld [tilespmem:s25+$0xFFFFFFB0];
	v49 =	vmul.f32 v43, v41  }
0x2ea: {  	v52 =	vld [tilespmem:s25+$0xFFFFFFD0];
	[tilespmem:s10+$0x80] =	vst v6;
	v6 =	vmul.f32 v44, v41  }
0x2eb: {  	v53 =	vld [tilespmem:s25+$0xFFFFFFE0];
	v51 =	vmul.f32 v46, v41;
	[tilespmem:s25+$0xFFFFFFF0] =	vst v49  }
0x2ec: {  	v54 =	vld [tilespmem:s25+$0x0];
	[tilespmem:s25+$0xFFFFFF70] =	vst v6;
	v6 =	vmul.f32 v47, v41  }
0x2ed: {  	v40 =	vld.idx.msk [tilespmem:v19+s28+$0x0], $0xffff;
	v8 =	vmul.f32 v48, v41;
	[tilespmem:s25+$0xFFFFFF80] =	vst v51  }
0x2ee: {  	[tilespmem:s25+$0xFFFFFF90] =	vst v6;
	v6 =	vmul.f32 v7, v41;
	v7 =	vld [tilespmem:s25+$0x10]  }
0x2ef: {  	v56 =	vld [tilespmem:s25+$0x20];
	v55 =	vmul.f32 v50, v41;
	[tilespmem:s25+$0xFFFFFFA0] =	vst v8  }
0x2f0: {  	v57 =	vld [tilespmem:s25+$0x30];
	[tilespmem:s25+$0xFFFFFFB0] =	vst v6;
	v6 =	vmul.f32 v52, v41  }
0x2f1: {  	v59 =	vld [tilespmem:s25+$0x40];
	v58 =	vmul.f32 v53, v41;
	[tilespmem:s25+$0xFFFFFFC0] =	vst v55  }
0x2f2: {  	v60 =	vld [tilespmem:s25+$0x50];
	[tilespmem:s25+$0xFFFFFFD0] =	vst v6;
	v6 =	vmul.f32 v54, v40  }
0x2f3: {  	v61 =	vld [tilespmem:s25+$0x60];
	[tilespmem:s25+$0xFFFFFFE0] =	vst v58;
	v7 =	vmul.f32 v7, v40  }
0x2f4: {  	v62 =	vld [tilespmem:s25+$0x70];
	[tilespmem:s25+$0x0] =	vst v6;
	v6 =	vmul.f32 v56, v40  }
0x2f5: {  	v63 =	vld [tilespmem:s25+$0x80];
	[tilespmem:s25+$0x10] =	vst v7;
	v7 =	vmul.f32 v57, v40  }
0x2f6: {  	[tilespmem:s25+$0x20] =	vst v6;
	v6 =	vmul.f32 v59, v40  }
0x2f7: {  	[tilespmem:s25+$0x30] =	vst v7;
	v7 =	vmul.f32 v60, v40  }
0x2f8: {  	[tilespmem:s25+$0x40] =	vst v6;
	v6 =	vmul.f32 v61, v40  }
0x2f9: {  	[tilespmem:s25+$0x50] =	vst v7;
	v7 =	vmul.f32 v62, v40  }
0x2fa: {  	[tilespmem:s25+$0x60] =	vst v6;
	v6 =	vmul.f32 v63, v40  }
0x2fb: {  	[tilespmem:s25+$0x70] =	vst v7  }
0x2fc: {  	s5 =	sadd.s32 $0x1, s5;
	[tilespmem:s25+$0x80] =	vst v6  }
0x2fd: {  	[spmem:s4] =	stream.indirect.scatter.add.f32 [tilespmem:s23], [sflag:$0x3], $0x90, s1, s22, $0xb8;
	[tilespmem:$0x1F870] =	vst v63  }
0x2fe: {  	p0 =	sne.s32 s5, $0x5;
	_ =	swait.ge [sflag:s31], $0x2D00  }
.Ltmp6:
0x2ff: {  	[sflag:s31] =	ssyncset.done $0x0;
	(pc) =	sbr.rel @p0 .LBB2_2-.Ltmp6, $4  }
0x300: {  	[sflag:s31] =	ssyncadd.s32 $0xFFFFD300  }
0x301: {  	_ =	swait.ge [sflag:s30], $0x2D00  }
0x302: {  	[sflag:s30] =	ssyncset.done $0x0  }
0x303: {  	[sflag:s30] =	ssyncadd.s32 $0xFFFFD300  }
0x304: {  	[bflag:$0x0] =	sbarrier.arrive $0xFFFF  }
0x305: {  	s2 =	rddreg [dreg:$0x7]  }
0x306: {  	s10 =	rddreg [dreg:$0x9]  }
0x307: {  	s12 =	rddreg [dreg:$0xa]  }
0x308: {  	[hbm:s2], [sflag:s10] =	dma.local [spmem:s12], $0x2BF2  }
0x309: {  	_ =	swait.ge [sflag:s15], $0x2BF2  }
0x30a: {  	s5 =	rddreg [dreg:$0xb]  }
0x30b: {  	s25 =	rddreg [dreg:$0x8];
	s5 =	sadd.s32 $0x1, s5  }
0x30c: {  	p0 =	sne.s32 s5, s25  }
.Ltmp7:
0x30d: {  	_ = 	snop;
	(pc) =	sbr.rel @p0 .LBB2_1-.Ltmp7, $3  }
0x30e: {  	_ =	sdelay $0x1  }
0x30f: {  	[sflag:s15] =	ssyncset.done $0x0  }
0x310: {  	[sflag:s15] =	ssyncadd.s32 $0xFFFFD40E  }
0x311: {  	_ =	sfence.sel $0x180000  }
0x312: {  	[bflag:$0x0] =	sbarrier.arrive $0xFFFF  }
0x313: {  	_ =	strace $0x9000004A  }
0x314: {  	s0 =	stileid.u32;
	[bflag:$0x2] =	sbarrier.arrive $0xFFFF  }
0x315: {  	p0 =	sne.s32 s0, $0x0;
	s0 =	rddreg [dreg:$0x4]  }
0x316: {  	s0 =	sadd.s32 @!p0 $0x100000, s0  }
0x317: {  	[sflag:s0] =	ssyncadd.tile.s32 @!p0 $0x1;
	_ =	shalt  }
.Lfunc_end2:
_tile_overlayer_lowered:
.L_overlay_start_2:
0x318: {  	(tag) =	ssettag $0x2  }
0x319: {  	s0 =	rddreg [dreg:$0x0];
	s2 =	stileid.u32  }
0x31a: {  	s1 =	rddreg [dreg:$0x1];
	p0 =	sne.s32 s2, $0x0  }
0x31b: {  	s3 =	rddreg [dreg:$0x2];
	[bflag:$0x3] =	sbarrier.arrive $0xFFFF;
	s2 =	simm.s32 @!p0 $0x1C05  }
0x31c: {  	[timem:s3], [sflag:s2] =	dma.local @!p0 [hbm:s0], s1  }
0x31d: {  	s0 =	simm.s32 @!p0 $0x5  }
0x31e: {  	_ =	swait.ge @!p0 [sflag:s0], s1  }
0x31f: {  	s1 =	ssub.s32 @!p0 $0x0, s1;
	[sflag:s0] =	ssyncset.done @!p0 $0x0  }
0x320: {  	[sflag:s0] =	ssyncadd.s32 @!p0 s1  }
0x321: {  	[bflag:$0x3] =	sbarrier.arrive $0xFFFF  }
0x322: {  	_ =	shalt  }

// kernel: kernel.8.cloned.1.call-start
scs
__scs_entry_jumppad:
0x0: {  	(pc) =	sbr.rel $0x88, $3  }
0x1: {  	(tag) =	ssettag $0x0;
	lr =	simm.s32 $0x1  }
0x2: {  	[smem:$0x3F8E] =	sst lr;
	_ =	strace $0xD0000000  }
0x3: {  	_ = 	snop  }
0x4: {  	_ = 	snop  }
0x5: {  	_ = 	snop  }
0x6: {  	_ = 	snop  }
0x7: {  	_ = 	snop  }
__scs_overlays_trampoline_lowered:
0x8: {  	[smem:$0x3F9D] =	sst s0  }
0x9: {  	[smem:$0x3F9E] =	sst s1  }
0xa: {  	[smem:$0x3F9F] =	sst s2  }
0xb: {  	[smem:$0x3FA0] =	sst s3  }
0xc: {  	[smem:$0x3FA1] =	sst s4  }
0xd: {  	[smem:$0x3FA2] =	sst s5  }
0xe: {  	[smem:$0x3FA3] =	sst s6  }
0xf: {  	[smem:$0x3FA4] =	sst s7  }
0x10: {  	[smem:$0x3FA5] =	sst s8  }
0x11: {  	[smem:$0x3FA6] =	sst s9;
	s0 =	simm.s32 @!p0 $0x0  }
0x12: {  	s1 =	sld [smem:$0x3F8C];
	s0 =	simm.s32 @p0 $0x1  }
0x13: {  	[smem:$0x3FA7] =	sst s0;
	s0 =	simm.s32 @!p1 $0x0  }
0x14: {  	s2 =	sld [smem:$0x3F8B];
	s0 =	simm.s32 @p1 $0x1  }
0x15: {  	[smem:$0x3FA8] =	sst s0;
	s0 =	simm.s32 @!p2 $0x0  }
0x16: {  	s3 =	sld [smem:$0x3FDB];
	s0 =	simm.s32 @p2 $0x1  }
0x17: {  	s4 =	simm.s32 $0x1BF5;
	[smem:$0x3FAA] =	sst s0  }
0x18: {  	s0 =	sld [smem:$0x3F8D];
	_ =	swait.ge [sflag:s4], $0x0  }
0x19: {  	s7 =	sld [smem:$0x3F8E]  }
0x1a: {  	s8 =	sadd.s32 $0xFFFFE003, lr  }
0x1b: {  	s9 =	sadd.s32 $0xFFFFFEF7, lr;
	s5 =	simm.s32 $0xFFFFFFFF;
	p2 =	slt.u32 s8, $0xFFFFF086  }
0x1c: {  	p1 =	slt.u32 s9, $0xF7A;
	s5 =	simm.s32 @!p2 $0x0  }
0x1d: {  	s5 =	simm.s32 @p1 $0x1;
	p0 =	seq.s32 s7, s2  }
0x1e: {  	s7 =	smul.u32 @!p0 $0xF7A, s2;
	p2 =	seq.s32 @!p0 s5, $0x0  }
0x1f: {  	s9 =	smul.u32 $0xF7A, s1;
	s8 =	simm.s32 @!p0 $0x1BF5;
	p2 =	por !p2, p0  }
0x20: {  	[sflag:s8] =	ssyncset.s32 @!p0 $0xFFFFF086;
	s6 =	sadd.s32 @!p0 s3, s7;
	s7 =	simm.s32 @!p0 $0x108  }
0x21: {  	s3 =	sadd.s32 s3, s9;
	s6 =	sadd.s32 @!p0 $0x88, s6;
	s7 =	simm.s32 @p2 $0x1082  }
0x22: {  	[simem:s7], [sflag:s8] =	dma.local @!p0 [hbm:s6], $0xF7A  }
0x23: {  	s9 =	sor.u32 $0xD0000000, s2;
	s6 =	simm.s32 $0x108;
	_ =	swait.ge @!p0 [sflag:s8], $0x0  }
0x24: {  	s3 =	sadd.s32 $0x88, s3;
	s6 =	simm.s32 @!p1 $0x1082;
	[sflag:s4] =	ssyncset.s32 $0xFFFFF086  }
0x25: {  	[simem:s6], [sflag:s4] =	dma.local [hbm:s3], $0xF7A  }
0x26: {  	[smem:$0x3F8E] =	sst s1;
	(tag) =	ssettag s2;
	_ =	strace s9  }
0x27: {  	s1 =	sld [smem:$0x3F9E]  }
0x28: {  	s2 =	sld [smem:$0x3F9F]  }
0x29: {  	s4 =	sld [smem:$0x3FA1]  }
0x2a: {  	p0 =	seq.s32 s5, $0x0;
	s5 =	sld [smem:$0x3FA2]  }
0x2b: {  	s6 =	sld [smem:$0x3FA3]  }
0x2c: {  	s7 =	sld [smem:$0x3FA4]  }
0x2d: {  	s3 =	simm.s32 $0x108;
	s8 =	sld [smem:$0x3FA5]  }
0x2e: {  	s3 =	simm.s32 @!p0 $0x1082;
	s9 =	sld [smem:$0x3FA6]  }
0x2f: {  	lr =	sadd.s32 s0, s3;
	s0 =	sld [smem:$0x3F9D]  }
0x30: {  	s3 =	sld [smem:$0x3FA0]  }
0x31: {  	[smem:$0x3FA9] =	sst s10  }
0x32: {  	s10 =	sld [smem:$0x3FA7];
	_ =	sdelay $0x3  }
0x33: {  	p0 =	seq.s32 s10, $0x1;
	s10 =	sld [smem:$0x3FA9];
	_ =	sdelay $0x3  }
0x34: {  	[smem:$0x3FA9] =	sst s10  }
0x35: {  	s10 =	sld [smem:$0x3FA8];
	_ =	sdelay $0x3  }
0x36: {  	p1 =	seq.s32 s10, $0x1;
	s10 =	sld [smem:$0x3FA9];
	_ =	sdelay $0x3  }
0x37: {  	[smem:$0x3FA9] =	sst s10  }
0x38: {  	s10 =	sld [smem:$0x3FAA]  }
0x39: {  	_ = 	snop;
	(pc) =	sbr.ind lr, $3  }
0x3a: {  	_ = 	snop  }
0x3b: {  	_ = 	snop  }
0x3c: {  	p2 =	seq.s32 s10, $0x1;
	s10 =	sld [smem:$0x3FA9]  }
0x3d: {  	_ =	shalt  }
0x3e: {  	_ =	shalt  }
0x3f: {  	_ =	shalt  }
0x40: {  	_ =	shalt  }
0x41: {  	_ =	shalt  }
0x42: {  	_ =	shalt  }
0x43: {  	_ =	shalt  }
0x44: {  	_ =	shalt  }
0x45: {  	_ =	shalt  }
0x46: {  	_ =	shalt  }
0x47: {  	_ =	shalt  }
0x48: {  	_ =	shalt  }
0x49: {  	_ =	shalt  }
0x4a: {  	_ =	shalt  }
0x4b: {  	_ =	shalt  }
0x4c: {  	_ =	shalt  }
0x4d: {  	_ =	shalt  }
0x4e: {  	_ =	shalt  }
0x4f: {  	_ =	shalt  }
0x50: {  	_ =	shalt  }
0x51: {  	_ =	shalt  }
0x52: {  	_ =	shalt  }
0x53: {  	_ =	shalt  }
0x54: {  	_ =	shalt  }
0x55: {  	_ =	shalt  }
0x56: {  	_ =	shalt  }
0x57: {  	_ =	shalt  }
0x58: {  	_ =	shalt  }
0x59: {  	_ =	shalt  }
0x5a: {  	_ =	shalt  }
0x5b: {  	_ =	shalt  }
0x5c: {  	_ =	shalt  }
0x5d: {  	_ =	shalt  }
0x5e: {  	_ =	shalt  }
0x5f: {  	_ =	shalt  }
0x60: {  	_ =	shalt  }
0x61: {  	_ =	shalt  }
0x62: {  	_ =	shalt  }
0x63: {  	_ =	shalt  }
0x64: {  	_ =	shalt  }
0x65: {  	_ =	shalt  }
0x66: {  	_ =	shalt  }
0x67: {  	_ =	shalt  }
0x68: {  	_ =	shalt  }
0x69: {  	_ =	shalt  }
0x6a: {  	_ =	shalt  }
0x6b: {  	_ =	shalt  }
0x6c: {  	_ =	shalt  }
0x6d: {  	_ =	shalt  }
0x6e: {  	_ =	shalt  }
0x6f: {  	_ =	shalt  }
0x70: {  	_ =	shalt  }
0x71: {  	_ =	shalt  }
0x72: {  	_ =	shalt  }
0x73: {  	_ =	shalt  }
0x74: {  	_ =	shalt  }
0x75: {  	_ =	shalt  }
0x76: {  	_ =	shalt  }
0x77: {  	_ =	shalt  }
0x78: {  	_ =	shalt  }
0x79: {  	_ =	shalt  }
0x7a: {  	_ =	shalt  }
0x7b: {  	_ =	shalt  }
0x7c: {  	_ =	shalt  }
0x7d: {  	_ =	shalt  }
0x7e: {  	_ =	shalt  }
0x7f: {  	_ =	shalt  }
0x80: {  	_ =	shalt  }
0x81: {  	_ =	shalt  }
0x82: {  	_ =	shalt  }
0x83: {  	_ =	shalt  }
0x84: {  	_ =	shalt  }
0x85: {  	_ =	shalt  }
0x86: {  	_ =	shalt  }
0x87: {  	_ =	shalt  }
.Lfunc_end0:
.L_simem_size_0:
called_computation_lowered:
.L_overlay_start_0:
0x88: {  	s2 =	sld [smem:$0x3FD9]  }
0x89: {  	s3 =	sld [smem:$0x3FFE];
	_ =	sdelay $0x1  }
0x8a: {  	s1 =	srdreg.scid  }
0x8b: {  	s0 =	sand.u32 $0x1, s1  }
0x8c: {  	s14 =	sshll.u32 s0, $0xA;
	s2 =	sadd.s32 s3, s2  }
0x8d: {  	s2 =	sadd.s32 s2, s14  }
0x8e: {  	[smem:$0x3FB5] =	sst s2  }
0x8f: {  	_ = 	snop  }
0x90: {  	s2 =	sld [smem:$0x3FD0];
	_ =	sdelay $0x2  }
0x91: {  	s15 =	simm.s32 $0xA;
	s4 =	simm.s32 $0x10  }
0x92: {  	[smem:s4], [sflag:s15] =	dma.local [hbm:s2], $0x1  }
0x93: {  	_ =	swait.eq [sflag:s15], $0x1  }
0x94: {  	[sflag:s15] =	ssyncset.done $0x0  }
0x95: {  	s16 =	sld [smem:$0x10];
	[sflag:s15] =	ssyncadd.s32 $0xFFFFFFFF  }
0x96: {  	s17 =	sld [smem:$0x11];
	(tm) =	ssettm $0x1  }
0x97: {  	s18 =	sld [smem:$0x3FFB];
	_ =	sdelay $0x3  }
0x98: {  	_ =	strace s18  }
0x99: {  	s4 =	sld [smem:$0x3FFC];
	_ =	sdelay $0x3  }
0x9a: {  	_ =	strace s4  }
0x9b: {  	s4 =	sld [smem:$0x3FFD];
	_ =	sdelay $0x3  }
0x9c: {  	_ =	strace s4  }
0x9d: {  	_ =	strace $0x8FFFFFFF  }
0x9e: {  	s19 =	sld [smem:$0x3FDB];
	_ =	sdelay $0x1  }
0x9f: {  	s5 =	simm.s32 $_scs_section_size  }
0xa0: {  	s6 =	simm.s32 $_size__tile_overlayer_lowered;
	s7 =	simm.s32 $_tile_overlayer_lowered  }
0xa1: {  	s22 =	simm.s32 $0x1BFF;
	s21 =	sshll.u32 s7, $0x1;
	s4 =	sadd.s32 s5, s19  }
0xa2: {  	s8 =	simm.s32 $0x0;
	s20 =	sshll.u32 s6, $0x1;
	s6 =	sadd.s32 s21, s4  }
0xa3: {  	[timem:s8], [sflag:s22] =	dma.local [hbm:s6], s20  }
0xa4: {  	_ =	swait.ge [sflag:s22], s20  }
0xa5: {  	s5 =	ssub.s32 $0x0, s20;
	[sflag:s22] =	ssyncset.done $0x0  }
0xa6: {  	[sflag:s22] =	ssyncadd.s32 s5;
	_ =	sdelay $0x1  }
0xa7: {  	s23 =	simm.s32 $0x1B8B  }
0xa8: {  	_ =	swait.ge [sflag:s23], $0x1  }
0xa9: {  	[sflag:s23] =	ssyncset.done $0x0  }
0xaa: {  	s25 =	simm.s32 $0x1B8E;
	s24 =	sld [smem:$0x3FFE];
	[sflag:s23] =	ssyncadd.s32 $0xFFFFFFFF  }
0xab: {  	s26 =	simm.s32 $execute0_lowered;
	[smem:$0x3FD2] =	sst s25  }
0xac: {  	s6 =	sshll.u32 s26, $0x1;
	_ =	strace $0x80000046;
	[dreg:$0x1] =	wrdreg $0xFFFFFFFF  }
0xad: {  	s28 =	simm.s32 $_size_execute0_lowered;
	s4 =	sadd.s32 s4, s6;
	[dreg:$0x0] =	wrdreg $0x0  }
0xae: {  	s6 =	sshll.u32 s28, $0x1;
	[dreg:$0x2] =	wrdreg s4  }
0xaf: {  	[dreg:$0x3] =	wrdreg s6  }
0xb0: {  	[dreg:$0x4] =	wrdreg $0xC0  }
0xb1: {  	_ =	task [dreg:s8], $0x5FFFF  }
0xb2: {  	[dreg:$0x1] =	wrdreg $0xFFFFFFFF  }
0xb3: {  	[dreg:$0x0] =	wrdreg $0x60  }
0xb4: {  	[dreg:$0x2] =	wrdreg s24  }
0xb5: {  	[dreg:$0x3] =	wrdreg s17  }
0xb6: {  	[dreg:$0x4] =	wrdreg s16  }
0xb7: {  	[dreg:$0x5] =	wrdreg $0x0  }
0xb8: {  	[dreg:$0x6] =	wrdreg $0x9  }
0xb9: {  	_ =	task.clear_ibuf [dreg:s8], $0x7FFFF;
	_ =	strace $0x90000046  }
0xba: {  	s29 =	simm.s32 $0x9;
	_ =	strace $0x80000048  }
0xbb: {  	_ =	swait.ge [sflag:s29], $0x1  }
0xbc: {  	[sflag:s29] =	ssyncadd.s32 $0xFFFFFFFF  }
0xbd: {  	_ =	strace $0x90000048  }
0xbe: {  	_ =	sfence  }
0xbf: {  	s30 =	sld [smem:$0x0];
	_ =	sdelay $0x2  }
0xc0: {  	s31 =	sshll.u32 s1, $0xD;
	s1 =	sshrl.u32 s1, $0x2  }
0xc1: {  	s3 =	sand.u32 $0x4000, s31;
	s1 =	sadd.s32 s1, s30  }
0xc2: {  	s0 =	sor.u32 s3, s0;
	s1 =	sshll.u32 s1, $0x11  }
0xc3: {  	s0 =	sor.u32 s1, s0  }
0xc4: {  	s0 =	sadd.s32 $0x8F2B, s0  }
0xc5: {  	[sflag:s0] =	ssyncadd.remote.s32 $0x1  }
0xc6: {  	_ =	sfence.sel $0xFFFF  }
0xc7: {  	[dreg:$0x0] =	wrdreg $0xFFFFFFFF;
	(pc) =	sbr.abs _section_cstart, $3  }
0xc8: {  	[dreg:$0x1] =	wrdreg $0xFFFFFFFF  }
0xc9: {  	_ =	task.clear_ibuf [dreg:s8], $0x2FFFF;
	_ =	strace $0x9FFFFFFF  }
0xca: {  	(tm) =	ssettm $0x7FFFFFFF  }
0xcb: {  	_ =	shalt  }
tec
execute0_lowered:
.L_overlay_start_1:
0x0: {  	(tag) =	ssettag $0x1  }
0x1: {  	s0 =	rddreg [dreg:$0x0]  }
0x2: {  	s4 =	rddreg [dreg:$0x3];
	s1 =	simm.s32 $0x0  }
0x3: {  	s12 =	stileid.u32;
	s22 =	srdreg.scid;
	s14 =	simm.s32 $0x15F90  }
0x4: {  	s15 =	simm.s32 $0x5;
	s19 =	simm.s32 $0x186B0;
	s20 =	simm.s32 $0x18E80  }
0x5: {  	s28 =	simm.s32 $0x19E20;
	s29 =	simm.s32 $0x2;
	s30 =	simm.s32 $0x3  }
0x6: {  	s31 =	simm.s32 $0x4;
	[smem:$0x7FF] =	sst s1;
	s2 =	smul.u32 $0x15F90, s12  }
0x7: {  	s1 =	sand.u32 $0x1, s22;
	s6 =	sadd.s32 $0x1800, s0;
	s7 =	sadd.s32 $0x2D800, s0  }
0x8: {  	s8 =	sadd.s32 $0x37600, s0;
	s5 =	sadd.s32 $0x41400, s0;
	s11 =	sshll.u32 s12, $0x1  }
0x9: {  	s26 =	sshll.u32 s12, $0x6;
	s22 =	simm.s32 $0x50;
	_ =	strace $0x80000047  }
0xa: {  	s3 =	smul.u32 $0x15F900, s1;
	[dreg:$0x5] =	wrdreg s5;
	s9 =	ssub.s32 $0x2, s1  }
0xb: {  	s1 =	sor.u32 s1, s11;
	s23 =	sshrl.u32 s2, $0x3;
	s10 =	sshrl.u32 s9, $0x1  }
0xc: {  	s11 =	smul.u32 $0x7D, s1;
	s1 =	simm.s32 $0x19600;
	s5 =	sadd.s32 s23, s0  }
0xd: {  	s3 =	sadd.s32 s2, s3;
	s24 =	ssub.s32 s9, s10;
	s2 =	sadd.s32 s2, s4  }
0xe: {  	s10 =	sor.u32 $0x1C05, s26;
	s23 =	simm.s32 $0x19E70;
	s26 =	simm.s32 $0x1CB70  }
0xf: {  	v0 =	vlaneseq.u32;
	s3 =	sshrl.u32 s3, $0x3;
	s5 =	sadd.s32 $0x41600, s5;
	[dreg:$0x9] =	wrdreg s10  }
0x10: {  	v4 =	vmul.u32 $0x90, v0;
	s25 =	smax.u32 s24, $0x1;
	s12 =	sshrl.u32 s2, $0x3;
	[dreg:$0x6] =	wrdreg s5  }
0x11: {  	s24 =	simm.s32 $0x1;
	s0 =	sadd.s32 s3, s0;
	[dreg:$0x8] =	wrdreg s25  }
0x12: {  	v0 =	vadd.s32 $0x80, v4;
	v1 =	vadd.s32 $0x980, v4;
	s3 =	simm.s32 $0x195B0;
	[dreg:$0xa] =	wrdreg s12;
	s0 =	sadd.s32 $0x6D600, s0  }
0x13: {  	v2 =	vadd.s32 $0x1280, v4;
	v3 =	vadd.s32 $0x1B80, v4;
	v4 =	vadd.s32 $0x2480, v4;
	s5 =	simm.s32 $0x0;
	[dreg:$0x7] =	wrdreg s0;
	s0 =	simm.s32 $0x18E30  }
.LBB2_1:
0x14: {  	[dreg:$0xb] =	wrdreg s5  }
0x15: {  	s2 =	rddreg [dreg:$0x1];
	s18 =	simm.s32 $0x0  }
0x16: {  	[tilespmem:s14], [sflag:$0x5] =	stream.linear.gather [hbm4b:s2+s18], $0x2710, $0x38;
	[tilespmem:$0x1F870] =	vst v63  }
0x17: {  	_ =	swait.ge [sflag:s15], $0x2710  }
0x18: {  	[sflag:s15] =	ssyncset.done $0x0  }
0x19: {  	s9 =	simm.s32 $0x186A0;
	s21 =	rddreg [dreg:$0x5];
	[sflag:s15] =	ssyncadd.s32 $0xFFFFD8F0  }
0x1a: {  	[tilespmem:s9], [sflag:$0x5] =	stream.linear.gather [hbm4b:s21+s18], $0x10, $0x38;
	[tilespmem:$0x1F870] =	vst v63  }
0x1b: {  	_ =	swait.ge [sflag:s15], $0x10  }
0x1c: {  	[sflag:s15] =	ssyncset.done $0x0  }
0x1d: {  	s25 =	rddreg [dreg:$0x6];
	[sflag:s15] =	ssyncadd.s32 $0xFFFFFFF0  }
0x1e: {  	[spmem:s12], [sflag:s10] =	dma.local [hbm:s25], $0x2BF2  }
0x1f: {  	_ =	swait.ge [sflag:s15], $0x2BF2  }
0x20: {  	[sflag:s15] =	ssyncset.done $0x0  }
0x21: {  	[sflag:s15] =	ssyncadd.s32 $0xFFFFD40E  }
0x22: {  	[bflag:$0x0] =	sbarrier.arrive $0xFFFF  }
0x23: {  	s5 =	simm.s32 $0x0;
	v5 =	vld [tilespmem:$0x186A0]  }
.LBB2_2:
0x24: {  	s2 =	smul.u32 $0x19, s5;
	_ =	sdelay $0x1  }
0x25: {  	s2 =	sadd.s32 s11, s2  }
0x26: {  	s9 =	smul.u32 $0xA, s2;
	_ =	sdelay $0x1  }
0x27: {  	s16 =	simm.s32 $0x0;
	s10 =	sadd.s32 s7, s9  }
0x28: {  	[tilespmem:s19], [sflag:$0x5] =	stream.linear.gather [hbm4b:s10+s16], $0x7D0, $0x38;
	[tilespmem:$0x1F870] =	vst v63  }
0x29: {  	_ =	swait.ge [sflag:s15], $0x7D0  }
0x2a: {  	[sflag:s15] =	ssyncset.done $0x0  }
0x2b: {  	[sflag:s15] =	ssyncadd.s32 $0xFFFFF830  }
0x2c: {  	s17 =	rddreg [dreg:$0x2]  }
0x2d: {  	s10 =	sadd.s32 s17, s9  }
0x2e: {  	[tilespmem:s20], [sflag:$0x5] =	stream.linear.gather [hbm4b:s10+s16], $0x7D0, $0x38;
	[tilespmem:$0x1F870] =	vst v63  }
0x2f: {  	_ =	swait.ge [sflag:s15], $0x7D0  }
0x30: {  	[sflag:s15] =	ssyncset.done $0x0  }
0x31: {  	s18 =	simm.s32 $0x19650;
	s9 =	sadd.s32 s8, s9;
	[sflag:s15] =	ssyncadd.s32 $0xFFFFF830  }
0x32: {  	[tilespmem:s18], [sflag:$0x5] =	stream.linear.gather [hbm4b:s9+s16], $0x7D0, $0x38;
	[tilespmem:$0x1F870] =	vst v63  }
0x33: {  	_ =	swait.ge [sflag:s15], $0x7D0  }
0x34: {  	[sflag:s15] =	ssyncset.done $0x0  }
0x35: {  	[sflag:s15] =	ssyncadd.s32 $0xFFFFF830  }
0x36: {  	[tilespmem:s23], [sflag:$0x1] =	stream.indirect.gather [hbm4b:s6+s22], $0x90, s19, s22, $0xb8;
	[tilespmem:$0x1F870] =	vst v63  }
0x37: {  	_ =	swait.ge [sflag:s24], $0x2D00  }
0x38: {  	[sflag:s24] =	ssyncset.done $0x0  }
0x39: {  	s21 =	simm.s32 $0x18700;
	[sflag:s24] =	ssyncadd.s32 $0xFFFFD300  }
0x3a: {  	[tilespmem:s26], [sflag:$0x2] =	stream.indirect.gather [hbm4b:s6+s22], $0x90, s21, s22, $0xb8;
	[tilespmem:$0x1F870] =	vst v63  }
0x3b: {  	v6 =	vld [tilespmem:$0x18E80];
	_ =	sdelay $0x6  }
0x3c: {  	v7 =	vld.idx.msk [tilespmem:v0+s23+$0x0], $0xffff  }
0x3d: {  	v6 =	vld.idx.msk [tilespmem:v6+s14+$0x0], $0xffff;
	_ =	sdelay $0x1  }
0x3e: {  	v8 =	vld [tilespmem:$0x19650];
	_ =	sdelay $0x2  }
0x3f: {  	v6 =	vadd.f32 v6, v7;
	_ =	sdelay $0x1  }
0x40: {  	v6 =	vadd.f32 v8, v6;
	_ =	sdelay $0x1  }
0x41: {  	v7 =	vmul.f32 $2.000000030e-01, v6;
	_ =	sdelay $0x1  }
0x42: {  	v6 =	vmax.f32 v6, v7  }
0x43: {  	v6 =	vsub.f32 v6, v5;
	_ =	sdelay $0x1  }
0x44: {  	v6 =	vmul.f32 $1.442695020e+00, v6;
	_ =	sdelay $0x1  }
0x45: {  	(erf) = vpow2.f32 v6;
	_ =	sdelay $0x3  }
0x46: {  	v6 =	vld [tilespmem:$0x18E90];
	_ =	sdelay $0x4  }
0x47: {  	v7 =	vpop (erf)  }
0x48: {  	[tilespmem:$0x19E20] =	vst v7  }
0x49: {  	v7 =	vld.idx.msk [tilespmem:v1+s23+$0x0], $0xffff  }
0x4a: {  	v6 =	vld.idx.msk [tilespmem:v6+s14+$0x0], $0xffff;
	_ =	sdelay $0x1  }
0x4b: {  	v8 =	vld [tilespmem:$0x19660];
	_ =	sdelay $0x2  }
0x4c: {  	v6 =	vadd.f32 v6, v7;
	_ =	sdelay $0x1  }
0x4d: {  	v6 =	vadd.f32 v8, v6;
	_ =	sdelay $0x1  }
0x4e: {  	v7 =	vmul.f32 $2.000000030e-01, v6;
	_ =	sdelay $0x1  }
0x4f: {  	v6 =	vmax.f32 v6, v7  }
0x50: {  	v6 =	vsub.f32 v6, v5;
	_ =	sdelay $0x1  }
0x51: {  	v6 =	vmul.f32 $1.442695020e+00, v6;
	_ =	sdelay $0x1  }
0x52: {  	(erf) = vpow2.f32 v6;
	_ =	sdelay $0x3  }
0x53: {  	v6 =	vld [tilespmem:$0x18EA0];
	_ =	sdelay $0x4  }
0x54: {  	v7 =	vpop (erf)  }
0x55: {  	[tilespmem:$0x19E30] =	vst v7  }
0x56: {  	v7 =	vld.idx.msk [tilespmem:v2+s23+$0x0], $0xffff  }
0x57: {  	v6 =	vld.idx.msk [tilespmem:v6+s14+$0x0], $0xffff;
	_ =	sdelay $0x1  }
0x58: {  	v8 =	vld [tilespmem:$0x19670];
	_ =	sdelay $0x2  }
0x59: {  	v6 =	vadd.f32 v6, v7;
	_ =	sdelay $0x1  }
0x5a: {  	v6 =	vadd.f32 v8, v6;
	_ =	sdelay $0x1  }
0x5b: {  	v7 =	vmul.f32 $2.000000030e-01, v6;
	_ =	sdelay $0x1  }
0x5c: {  	v6 =	vmax.f32 v6, v7  }
0x5d: {  	v6 =	vsub.f32 v6, v5;
	_ =	sdelay $0x1  }
0x5e: {  	v6 =	vmul.f32 $1.442695020e+00, v6;
	_ =	sdelay $0x1  }
0x5f: {  	(erf) = vpow2.f32 v6;
	_ =	sdelay $0x3  }
0x60: {  	v6 =	vld [tilespmem:$0x18EB0];
	_ =	sdelay $0x4  }
0x61: {  	v7 =	vpop (erf)  }
0x62: {  	[tilespmem:$0x19E40] =	vst v7  }
0x63: {  	v7 =	vld.idx.msk [tilespmem:v3+s23+$0x0], $0xffff  }
0x64: {  	v6 =	vld.idx.msk [tilespmem:v6+s14+$0x0], $0xffff;
	_ =	sdelay $0x1  }
0x65: {  	v8 =	vld [tilespmem:$0x19680];
	_ =	sdelay $0x2  }
0x66: {  	v6 =	vadd.f32 v6, v7;
	_ =	sdelay $0x1  }
0x67: {  	v6 =	vadd.f32 v8, v6;
	_ =	sdelay $0x1  }
0x68: {  	v7 =	vmul.f32 $2.000000030e-01, v6;
	_ =	sdelay $0x1  }
0x69: {  	v6 =	vmax.f32 v6, v7  }
0x6a: {  	v6 =	vsub.f32 v6, v5;
	_ =	sdelay $0x1  }
0x6b: {  	v6 =	vmul.f32 $1.442695020e+00, v6;
	_ =	sdelay $0x1  }
0x6c: {  	(erf) = vpow2.f32 v6;
	_ =	sdelay $0x3  }
0x6d: {  	v6 =	vld [tilespmem:$0x18EC0];
	_ =	sdelay $0x4  }
0x6e: {  	v7 =	vpop (erf)  }
0x6f: {  	[tilespmem:$0x19E50] =	vst v7  }
0x70: {  	v7 =	vld.idx.msk [tilespmem:v4+s23+$0x0], $0xffff  }
0x71: {  	v6 =	vld.idx.msk [tilespmem:v6+s14+$0x0], $0xffff;
	_ =	sdelay $0x1  }
0x72: {  	v8 =	vld [tilespmem:$0x19690];
	_ =	sdelay $0x2  }
0x73: {  	v6 =	vadd.f32 v6, v7;
	_ =	sdelay $0x1  }
0x74: {  	v6 =	vadd.f32 v8, v6;
	_ =	sdelay $0x1  }
0x75: {  	v7 =	vmul.f32 $2.000000030e-01, v6;
	_ =	sdelay $0x1  }
0x76: {  	v6 =	vmax.f32 v6, v7  }
0x77: {  	v6 =	vsub.f32 v6, v5;
	_ =	sdelay $0x1  }
0x78: {  	v6 =	vmul.f32 $1.442695020e+00, v6;
	_ =	sdelay $0x1  }
0x79: {  	(erf) = vpow2.f32 v6;
	_ =	sdelay $0x2  }
0x7a: {  	v6 =	vmov s16  }
0x7b: {  	v6 =	vand.u32 $0xFFFFFFFE, v6  }
0x7c: {  	v6 =	vbroadcast v6, $0x0;
	_ =	sdelay $0x3  }
0x7d: {  	v7 =	vpop (erf)  }
0x7e: {  	[tilespmem:$0x19E60] =	vst v7  }
0x7f: {  	s9 =	simm.s32 $0x19F00;
	v7 =	vld.idx.msk [tilespmem:v6+s28+$0x0], $0xffff  }
0x80: {  	v6 =	vld [tilespmem:s9+$0xFFFFFFF0]  }
0x81: {  	v8 =	vld [tilespmem:s9+$0xFFFFFF70]  }
0x82: {  	s25 =	simm.s32 $0x1;
	v9 =	vld [tilespmem:s9+$0xFFFFFF80]  }
0x83: {  	v11 =	vmov s25;
	v10 =	vld [tilespmem:s9+$0xFFFFFF90]  }
0x84: {  	v12 =	vld [tilespmem:s9+$0xFFFFFFA0]  }
0x85: {  	v13 =	vld [tilespmem:s9+$0xFFFFFFB0]  }
0x86: {  	v16 =	vld [tilespmem:s9+$0xFFFFFFC0];
	v6 =	vmul.f32 v6, v7  }
0x87: {  	v14 =	vmul.f32 v8, v7;
	v8 =	vld [tilespmem:s9+$0xFFFFFFD0]  }
0x88: {  	v10 =	vmul.f32 v10, v7;
	[tilespmem:s9+$0xFFFFFFF0] =	vst v6;
	v6 =	vld.idx.msk [tilespmem:v11+s28+$0x0], $0xffff  }
0x89: {  	v11 =	vmul.f32 v9, v7;
	[tilespmem:s9+$0xFFFFFF70] =	vst v14;
	v9 =	vld [tilespmem:s9+$0xFFFFFFE0]  }
0x8a: {  	v17 =	vmul.f32 v12, v7;
	v12 =	vld [tilespmem:s9+$0x0];
	[tilespmem:s9+$0xFFFFFF90] =	vst v10  }
0x8b: {  	s2 =	simm.s32 $0x2;
	v14 =	vmul.f32 v13, v7;
	[tilespmem:s9+$0xFFFFFF80] =	vst v11;
	v11 =	vld [tilespmem:s9+$0x10]  }
0x8c: {  	s12 =	simm.s32 $0x4;
	v15 =	vmov s2;
	s10 =	simm.s32 $0x19F00;
	[tilespmem:s9+$0xFFFFFFA0] =	vst v17;
	v13 =	vmul.f32 v16, v7;
	v10 =	vld [tilespmem:s9+$0x20]  }
.LBB2_3:
0x8d: {  	p0 =	slt.u32 s12, $0x4E;
	v15 =	vand.u32 $0xFFFFFFFE, v15;
	s13 =	sadd.s32 $0x1, s2;
	[tilespmem:s9+$0xFFFFFFB0] =	vst v14;
	v8 =	vmul.f32 v8, v7;
	v14 =	vld [tilespmem:s9+$0x30];
	s2 =	smov.u32 s12  }
0x8e: {  	v15 =	vbroadcast v15, $0x0;
	v16 =	vmov s13;
	[tilespmem:s9+$0xFFFFFFC0] =	vst v13;
	v7 =	vmul.f32 v9, v7;
	v9 =	vld [tilespmem:s9+$0x40]  }
0x8f: {  	[tilespmem:s9+$0xFFFFFFD0] =	vst v8;
	v8 =	vmul.f32 v12, v6;
	v12 =	vld [tilespmem:s9+$0x50]  }
0x90: {  	[tilespmem:s9+$0xFFFFFFE0] =	vst v7;
	v7 =	vmul.f32 v11, v6;
	v11 =	vld [tilespmem:s9+$0x60]  }
0x91: {  	[tilespmem:s9+$0x0] =	vst v8;
	v8 =	vmul.f32 v10, v6;
	v10 =	vld [tilespmem:s9+$0x70]  }
0x92: {  	[tilespmem:s9+$0x10] =	vst v7;
	v13 =	vmul.f32 v14, v6;
	v14 =	vld [tilespmem:s9+$0x80]  }
0x93: {  	v16 =	vld.idx.msk [tilespmem:v16+s28+$0x0], $0xffff;
	[tilespmem:s9+$0x20] =	vst v8;
	v8 =	vmul.f32 v9, v6  }
0x94: {  	s9 =	sadd.s32 $0x120, s9;
	v7 =	vld.idx.msk [tilespmem:v15+s28+$0x0], $0xffff;
	[tilespmem:s10+$0x30] =	vst v13;
	v9 =	vmul.f32 v12, v6  }
0x95: {  	v12 =	vld [tilespmem:s9+$0xFFFFFFF0];
	[tilespmem:s10+$0x40] =	vst v8;
	v8 =	vmul.f32 v11, v6  }
0x96: {  	v11 =	vld [tilespmem:s9+$0xFFFFFF70];
	[tilespmem:s10+$0x50] =	vst v9;
	v9 =	vmul.f32 v10, v6  }
0x97: {  	v10 =	vld [tilespmem:s9+$0xFFFFFF80];
	[tilespmem:s10+$0x60] =	vst v8;
	v8 =	vmul.f32 v14, v6  }
0x98: {  	v13 =	vld [tilespmem:s9+$0xFFFFFF90];
	[tilespmem:s10+$0x70] =	vst v9  }
0x99: {  	v6 =	vmov v16;
	v14 =	vld [tilespmem:s9+$0xFFFFFFA0];
	[tilespmem:s10+$0x80] =	vst v8;
	s10 =	smov.u32 s9  }
0x9a: {  	v15 =	vld [tilespmem:s9+$0xFFFFFFB0];
	v9 =	vmul.f32 v12, v7  }
0x9b: {  	v11 =	vmul.f32 v11, v7;
	v16 =	vld [tilespmem:s9+$0xFFFFFFC0]  }
.Ltmp0:
0x9c: {  	v10 =	vmul.f32 v10, v7;
	v8 =	vld [tilespmem:s9+$0xFFFFFFD0];
	[tilespmem:s9+$0xFFFFFFF0] =	vst v9;
	(pc) =	sbr.rel @p0 .LBB2_3-.Ltmp0, $4  }
0x9d: {  	[tilespmem:s9+$0xFFFFFF70] =	vst v11;
	v11 =	vmul.f32 v13, v7;
	v9 =	vld [tilespmem:s9+$0xFFFFFFE0]  }
0x9e: {  	[tilespmem:s9+$0xFFFFFF80] =	vst v10;
	v10 =	vmul.f32 v14, v7;
	v12 =	vld [tilespmem:s9+$0x0]  }
0x9f: {  	[tilespmem:s9+$0xFFFFFF90] =	vst v11;
	v14 =	vmul.f32 v15, v7;
	v11 =	vld [tilespmem:s9+$0x10]  }
0xa0: {  	s12 =	sadd.s32 $0x2, s12;
	v15 =	vmov s2;
	[tilespmem:s9+$0xFFFFFFA0] =	vst v10;
	v13 =	vmul.f32 v16, v7;
	v10 =	vld [tilespmem:s9+$0x20]  }
0xa1: {  	v16 =	vld [tilespmem:s9+$0x30]  }
0xa2: {  	v17 =	vld [tilespmem:s9+$0x40];
	v15 =	vand.u32 $0xFFFFFFFE, v15  }
0xa3: {  	v18 =	vld [tilespmem:s9+$0x50];
	[tilespmem:s9+$0xFFFFFFB0] =	vst v14;
	v8 =	vmul.f32 v8, v7;
	v15 =	vbroadcast v15, $0x0  }
0xa4: {  	v20 =	vld [tilespmem:s9+$0x60];
	[tilespmem:s9+$0xFFFFFFC0] =	vst v13;
	v7 =	vmul.f32 v9, v7  }
0xa5: {  	v37 =	vld [tilespmem:s9+$0x70];
	v12 =	vmul.f32 v12, v6;
	[tilespmem:s9+$0xFFFFFFD0] =	vst v8  }
0xa6: {  	v38 =	vld [tilespmem:s9+$0x80];
	s25 =	sadd.s32 $0x120, s9;
	v11 =	vmul.f32 v11, v6;
	[tilespmem:s9+$0xFFFFFFE0] =	vst v7  }
0xa7: {  	v43 =	vld [tilespmem:s25+$0xFFFFFFF0];
	[tilespmem:s9+$0x0] =	vst v12;
	v39 =	vmul.f32 v10, v6  }
0xa8: {  	v44 =	vld [tilespmem:s25+$0xFFFFFF70];
	[tilespmem:s9+$0x10] =	vst v11;
	v7 =	vmul.f32 v16, v6  }
0xa9: {  	v42 =	vmul.f32 v17, v6;
	[tilespmem:s9+$0x20] =	vst v39;
	v41 =	vld.idx.msk [tilespmem:v15+s28+$0x0], $0xffff  }
0xaa: {  	v46 =	vld [tilespmem:s25+$0xFFFFFF80];
	[tilespmem:s10+$0x30] =	vst v7;
	v7 =	vmul.f32 v18, v6  }
0xab: {  	v47 =	vld [tilespmem:s25+$0xFFFFFF90];
	v45 =	vmul.f32 v20, v6;
	[tilespmem:s10+$0x40] =	vst v42  }
0xac: {  	s2 =	sadd.s32 $0x1, s2;
	v48 =	vld [tilespmem:s25+$0xFFFFFFA0];
	[tilespmem:s10+$0x50] =	vst v7;
	v7 =	vmul.f32 v37, v6  }
0xad: {  	v19 =	vmov s2;
	v50 =	vld [tilespmem:s25+$0xFFFFFFC0];
	[tilespmem:s10+$0x60] =	vst v45;
	v6 =	vmul.f32 v38, v6  }
0xae: {  	[tilespmem:s10+$0x70] =	vst v7;
	v7 =	vld [tilespmem:s25+$0xFFFFFFB0];
	v49 =	vmul.f32 v43, v41  }
0xaf: {  	v52 =	vld [tilespmem:s25+$0xFFFFFFD0];
	[tilespmem:s10+$0x80] =	vst v6;
	v6 =	vmul.f32 v44, v41  }
0xb0: {  	v53 =	vld [tilespmem:s25+$0xFFFFFFE0];
	v51 =	vmul.f32 v46, v41;
	[tilespmem:s25+$0xFFFFFFF0] =	vst v49  }
0xb1: {  	v54 =	vld [tilespmem:s25+$0x0];
	[tilespmem:s25+$0xFFFFFF70] =	vst v6;
	v6 =	vmul.f32 v47, v41  }
0xb2: {  	v40 =	vld.idx.msk [tilespmem:v19+s28+$0x0], $0xffff;
	v8 =	vmul.f32 v48, v41;
	[tilespmem:s25+$0xFFFFFF80] =	vst v51  }
0xb3: {  	[tilespmem:s25+$0xFFFFFF90] =	vst v6;
	v6 =	vmul.f32 v7, v41;
	v7 =	vld [tilespmem:s25+$0x10]  }
0xb4: {  	v56 =	vld [tilespmem:s25+$0x20];
	v55 =	vmul.f32 v50, v41;
	[tilespmem:s25+$0xFFFFFFA0] =	vst v8  }
0xb5: {  	v57 =	vld [tilespmem:s25+$0x30];
	[tilespmem:s25+$0xFFFFFFB0] =	vst v6;
	v6 =	vmul.f32 v52, v41  }
0xb6: {  	v59 =	vld [tilespmem:s25+$0x40];
	v58 =	vmul.f32 v53, v41;
	[tilespmem:s25+$0xFFFFFFC0] =	vst v55  }
0xb7: {  	v60 =	vld [tilespmem:s25+$0x50];
	[tilespmem:s25+$0xFFFFFFD0] =	vst v6;
	v6 =	vmul.f32 v54, v40  }
0xb8: {  	v61 =	vld [tilespmem:s25+$0x60];
	[tilespmem:s25+$0xFFFFFFE0] =	vst v58;
	v7 =	vmul.f32 v7, v40  }
0xb9: {  	v62 =	vld [tilespmem:s25+$0x70];
	[tilespmem:s25+$0x0] =	vst v6;
	v6 =	vmul.f32 v56, v40  }
0xba: {  	v63 =	vld [tilespmem:s25+$0x80];
	[tilespmem:s25+$0x10] =	vst v7;
	v7 =	vmul.f32 v57, v40  }
0xbb: {  	[tilespmem:s25+$0x20] =	vst v6;
	v6 =	vmul.f32 v59, v40  }
0xbc: {  	[tilespmem:s25+$0x30] =	vst v7;
	v7 =	vmul.f32 v60, v40  }
0xbd: {  	[tilespmem:s25+$0x40] =	vst v6;
	v6 =	vmul.f32 v61, v40  }
0xbe: {  	[tilespmem:s25+$0x50] =	vst v7;
	v7 =	vmul.f32 v62, v40  }
0xbf: {  	[tilespmem:s25+$0x60] =	vst v6;
	v6 =	vmul.f32 v63, v40  }
0xc0: {  	[tilespmem:s25+$0x70] =	vst v7  }
0xc1: {  	s9 =	simm.s32 $0x0;
	s10 =	simm.s32 $0x0;
	[tilespmem:s25+$0x80] =	vst v6  }
0xc2: {  	[spmem:s4] =	stream.indirect.scatter.add.f32 [tilespmem:s23], [sflag:$0x3], $0x90, s20, s22, $0xb8;
	[tilespmem:$0x1F870] =	vst v63  }
.LBB2_5:
0xc3: {  	_ =	swait.ge [sflag:s29], $0x2D00  }
0xc4: {  	[sflag:s29] =	ssyncset.done $0x0  }
0xc5: {  	[sflag:s29] =	ssyncadd.s32 $0xFFFFD300  }
0xc6: {  	s12 =	smul.u32 $0xA0, s10;
	_ =	swait.ge [sflag:s30], $0x2D00  }
0xc7: {  	[sflag:s30] =	ssyncset.done $0x0  }
0xc8: {  	s2 =	sadd.s32 $0x18750, s12;
	[sflag:s30] =	ssyncadd.s32 $0xFFFFD300  }
0xc9: {  	[tilespmem:s23], [sflag:$0x1] =	stream.indirect.gather [hbm4b:s6+s22], $0x90, s2, s22, $0xb8;
	[tilespmem:$0x1F870] =	vst v63  }
0xca: {  	v6 =	vld [tilespmem:s12+$0x18ED0];
	_ =	sdelay $0x6  }
0xcb: {  	v7 =	vld.idx.msk [tilespmem:v0+s26+$0x0], $0xffff  }
0xcc: {  	v6 =	vld.idx.msk [tilespmem:v6+s14+$0x0], $0xffff;
	_ =	sdelay $0x1  }
0xcd: {  	v8 =	vld [tilespmem:s12+$0x196A0];
	_ =	sdelay $0x2  }
0xce: {  	v6 =	vadd.f32 v6, v7;
	_ =	sdelay $0x1  }
0xcf: {  	v6 =	vadd.f32 v8, v6;
	_ =	sdelay $0x1  }
0xd0: {  	v7 =	vmul.f32 $2.000000030e-01, v6;
	_ =	sdelay $0x1  }
0xd1: {  	v6 =	vmax.f32 v6, v7  }
0xd2: {  	v6 =	vsub.f32 v6, v5;
	_ =	sdelay $0x1  }
0xd3: {  	v6 =	vmul.f32 $1.442695020e+00, v6;
	_ =	sdelay $0x1  }
0xd4: {  	(erf) = vpow2.f32 v6;
	_ =	sdelay $0x8  }
0xd5: {  	v6 =	vpop (erf)  }
0xd6: {  	[tilespmem:$0x19E20] =	vst v6  }
0xd7: {  	v6 =	vld [tilespmem:s12+$0x18EE0];
	_ =	sdelay $0x6  }
0xd8: {  	v7 =	vld.idx.msk [tilespmem:v1+s26+$0x0], $0xffff  }
0xd9: {  	v6 =	vld.idx.msk [tilespmem:v6+s14+$0x0], $0xffff;
	_ =	sdelay $0x1  }
0xda: {  	v8 =	vld [tilespmem:s12+$0x196B0];
	_ =	sdelay $0x2  }
0xdb: {  	v6 =	vadd.f32 v6, v7;
	_ =	sdelay $0x1  }
0xdc: {  	v6 =	vadd.f32 v8, v6;
	_ =	sdelay $0x1  }
0xdd: {  	v7 =	vmul.f32 $2.000000030e-01, v6;
	_ =	sdelay $0x1  }
0xde: {  	v6 =	vmax.f32 v6, v7  }
0xdf: {  	v6 =	vsub.f32 v6, v5;
	_ =	sdelay $0x1  }
0xe0: {  	v6 =	vmul.f32 $1.442695020e+00, v6;
	_ =	sdelay $0x1  }
0xe1: {  	(erf) = vpow2.f32 v6;
	_ =	sdelay $0x8  }
0xe2: {  	v6 =	vpop (erf)  }
0xe3: {  	[tilespmem:$0x19E30] =	vst v6  }
0xe4: {  	v6 =	vld [tilespmem:s12+$0x18EF0];
	_ =	sdelay $0x6  }
0xe5: {  	v7 =	vld.idx.msk [tilespmem:v2+s26+$0x0], $0xffff  }
0xe6: {  	v6 =	vld.idx.msk [tilespmem:v6+s14+$0x0], $0xffff;
	_ =	sdelay $0x1  }
0xe7: {  	v8 =	vld [tilespmem:s12+$0x196C0];
	_ =	sdelay $0x2  }
0xe8: {  	v6 =	vadd.f32 v6, v7;
	_ =	sdelay $0x1  }
0xe9: {  	v6 =	vadd.f32 v8, v6;
	_ =	sdelay $0x1  }
0xea: {  	v7 =	vmul.f32 $2.000000030e-01, v6;
	_ =	sdelay $0x1  }
0xeb: {  	v6 =	vmax.f32 v6, v7  }
0xec: {  	v6 =	vsub.f32 v6, v5;
	_ =	sdelay $0x1  }
0xed: {  	v6 =	vmul.f32 $1.442695020e+00, v6;
	_ =	sdelay $0x1  }
0xee: {  	(erf) = vpow2.f32 v6;
	_ =	sdelay $0x8  }
0xef: {  	v6 =	vpop (erf)  }
0xf0: {  	[tilespmem:$0x19E40] =	vst v6  }
0xf1: {  	v6 =	vld [tilespmem:s12+$0x18F00];
	_ =	sdelay $0x6  }
0xf2: {  	v7 =	vld.idx.msk [tilespmem:v3+s26+$0x0], $0xffff  }
0xf3: {  	v6 =	vld.idx.msk [tilespmem:v6+s14+$0x0], $0xffff;
	_ =	sdelay $0x1  }
0xf4: {  	v8 =	vld [tilespmem:s12+$0x196D0];
	_ =	sdelay $0x2  }
0xf5: {  	v6 =	vadd.f32 v6, v7;
	_ =	sdelay $0x1  }
0xf6: {  	v6 =	vadd.f32 v8, v6;
	_ =	sdelay $0x1  }
0xf7: {  	v7 =	vmul.f32 $2.000000030e-01, v6;
	_ =	sdelay $0x1  }
0xf8: {  	v6 =	vmax.f32 v6, v7  }
0xf9: {  	v6 =	vsub.f32 v6, v5;
	_ =	sdelay $0x1  }
0xfa: {  	v6 =	vmul.f32 $1.442695020e+00, v6;
	_ =	sdelay $0x1  }
0xfb: {  	(erf) = vpow2.f32 v6;
	_ =	sdelay $0x8  }
0xfc: {  	v6 =	vpop (erf)  }
0xfd: {  	[tilespmem:$0x19E50] =	vst v6  }
0xfe: {  	v6 =	vld [tilespmem:s12+$0x18F10];
	_ =	sdelay $0x6  }
0xff: {  	v7 =	vld.idx.msk [tilespmem:v4+s26+$0x0], $0xffff  }
0x100: {  	v6 =	vld.idx.msk [tilespmem:v6+s14+$0x0], $0xffff;
	_ =	sdelay $0x1  }
0x101: {  	v8 =	vld [tilespmem:s12+$0x196E0];
	_ =	sdelay $0x2  }
0x102: {  	v6 =	vadd.f32 v6, v7;
	_ =	sdelay $0x1  }
0x103: {  	v6 =	vadd.f32 v8, v6;
	_ =	sdelay $0x1  }
0x104: {  	v7 =	vmul.f32 $2.000000030e-01, v6;
	_ =	sdelay $0x1  }
0x105: {  	v6 =	vmax.f32 v6, v7  }
0x106: {  	v6 =	vsub.f32 v6, v5;
	_ =	sdelay $0x1  }
0x107: {  	v6 =	vmul.f32 $1.442695020e+00, v6;
	_ =	sdelay $0x1  }
0x108: {  	(erf) = vpow2.f32 v6;
	_ =	sdelay $0x2  }
0x109: {  	v6 =	vmov s9  }
0x10a: {  	v6 =	vand.u32 $0xFFFFFFFE, v6  }
0x10b: {  	v6 =	vbroadcast v6, $0x0;
	_ =	sdelay $0x3  }
0x10c: {  	v7 =	vpop (erf)  }
0x10d: {  	[tilespmem:$0x19E60] =	vst v7  }
0x10e: {  	s18 =	simm.s32 $0x1CC00;
	v7 =	vld.idx.msk [tilespmem:v6+s28+$0x0], $0xffff  }
0x10f: {  	v6 =	vld [tilespmem:s18+$0xFFFFFFF0]  }
0x110: {  	v8 =	vld [tilespmem:s18+$0xFFFFFF70]  }
0x111: {  	s25 =	simm.s32 $0x1;
	v9 =	vld [tilespmem:s18+$0xFFFFFF80]  }
0x112: {  	v11 =	vmov s25;
	v10 =	vld [tilespmem:s18+$0xFFFFFF90]  }
0x113: {  	v12 =	vld [tilespmem:s18+$0xFFFFFFA0]  }
0x114: {  	v13 =	vld [tilespmem:s18+$0xFFFFFFB0]  }
0x115: {  	v16 =	vld [tilespmem:s18+$0xFFFFFFC0];
	v6 =	vmul.f32 v6, v7  }
0x116: {  	v14 =	vmul.f32 v8, v7;
	v8 =	vld [tilespmem:s18+$0xFFFFFFD0]  }
0x117: {  	[tilespmem:s18+$0xFFFFFFF0] =	vst v6;
	v6 =	vld.idx.msk [tilespmem:v11+s28+$0x0], $0xffff;
	v11 =	vmul.f32 v9, v7  }
0x118: {  	v10 =	vmul.f32 v10, v7;
	[tilespmem:s18+$0xFFFFFF70] =	vst v14;
	v9 =	vld [tilespmem:s18+$0xFFFFFFE0]  }
0x119: {  	[tilespmem:s18+$0xFFFFFF80] =	vst v11;
	v11 =	vmul.f32 v12, v7;
	v12 =	vld [tilespmem:s18+$0x0]  }
0x11a: {  	s21 =	simm.s32 $0x4;
	s2 =	simm.s32 $0x2;
	[tilespmem:s18+$0xFFFFFF90] =	vst v10;
	v10 =	vld [tilespmem:s18+$0x10];
	v14 =	vmul.f32 v13, v7  }
0x11b: {  	s16 =	simm.s32 $0x1CC00;
	s13 =	sadd.s32 $0xA0, s12;
	s17 =	sadd.s32 $0x18ED0, s12;
	v15 =	vmov s2;
	v13 =	vmul.f32 v16, v7;
	[tilespmem:s18+$0xFFFFFFA0] =	vst v11;
	v11 =	vld [tilespmem:s18+$0x20]  }
.LBB2_6:
0x11c: {  	p0 =	slt.u32 s21, $0x4E;
	v15 =	vand.u32 $0xFFFFFFFE, v15;
	s25 =	sadd.s32 $0x1, s2;
	[tilespmem:s18+$0xFFFFFFB0] =	vst v14;
	v8 =	vmul.f32 v8, v7;
	v14 =	vld [tilespmem:s18+$0x30];
	s2 =	smov.u32 s21  }
0x11d: {  	v15 =	vbroadcast v15, $0x0;
	v16 =	vmov s25;
	[tilespmem:s18+$0xFFFFFFC0] =	vst v13;
	v7 =	vmul.f32 v9, v7;
	v9 =	vld [tilespmem:s18+$0x40]  }
0x11e: {  	[tilespmem:s18+$0xFFFFFFD0] =	vst v8;
	v8 =	vmul.f32 v12, v6;
	v12 =	vld [tilespmem:s18+$0x50]  }
0x11f: {  	[tilespmem:s18+$0xFFFFFFE0] =	vst v7;
	v7 =	vmul.f32 v10, v6;
	v10 =	vld [tilespmem:s18+$0x60]  }
0x120: {  	[tilespmem:s18+$0x0] =	vst v8;
	v8 =	vmul.f32 v11, v6;
	v11 =	vld [tilespmem:s18+$0x70]  }
0x121: {  	[tilespmem:s18+$0x10] =	vst v7;
	v13 =	vmul.f32 v14, v6;
	v14 =	vld [tilespmem:s18+$0x80]  }
0x122: {  	v16 =	vld.idx.msk [tilespmem:v16+s28+$0x0], $0xffff;
	[tilespmem:s18+$0x20] =	vst v8;
	v8 =	vmul.f32 v9, v6  }
0x123: {  	s18 =	sadd.s32 $0x120, s18;
	v7 =	vld.idx.msk [tilespmem:v15+s28+$0x0], $0xffff;
	[tilespmem:s16+$0x30] =	vst v13;
	v9 =	vmul.f32 v12, v6  }
0x124: {  	v12 =	vld [tilespmem:s18+$0xFFFFFFF0];
	[tilespmem:s16+$0x40] =	vst v8;
	v8 =	vmul.f32 v10, v6  }
0x125: {  	v10 =	vld [tilespmem:s18+$0xFFFFFF70];
	[tilespmem:s16+$0x50] =	vst v9;
	v9 =	vmul.f32 v11, v6  }
0x126: {  	v11 =	vld [tilespmem:s18+$0xFFFFFF80];
	[tilespmem:s16+$0x60] =	vst v8;
	v8 =	vmul.f32 v14, v6  }
0x127: {  	v13 =	vld [tilespmem:s18+$0xFFFFFF90];
	[tilespmem:s16+$0x70] =	vst v9  }
0x128: {  	v6 =	vmov v16;
	v14 =	vld [tilespmem:s18+$0xFFFFFFA0];
	[tilespmem:s16+$0x80] =	vst v8;
	s16 =	smov.u32 s18  }
0x129: {  	v15 =	vld [tilespmem:s18+$0xFFFFFFB0];
	v9 =	vmul.f32 v12, v7  }
0x12a: {  	v10 =	vmul.f32 v10, v7;
	v16 =	vld [tilespmem:s18+$0xFFFFFFC0]  }
.Ltmp1:
0x12b: {  	v11 =	vmul.f32 v11, v7;
	v8 =	vld [tilespmem:s18+$0xFFFFFFD0];
	[tilespmem:s18+$0xFFFFFFF0] =	vst v9;
	(pc) =	sbr.rel @p0 .LBB2_6-.Ltmp1, $4  }
0x12c: {  	[tilespmem:s18+$0xFFFFFF70] =	vst v10;
	v10 =	vmul.f32 v13, v7;
	v9 =	vld [tilespmem:s18+$0xFFFFFFE0]  }
0x12d: {  	[tilespmem:s18+$0xFFFFFF80] =	vst v11;
	v11 =	vmul.f32 v14, v7;
	v12 =	vld [tilespmem:s18+$0x0]  }
0x12e: {  	[tilespmem:s18+$0xFFFFFF90] =	vst v10;
	v14 =	vmul.f32 v15, v7;
	v10 =	vld [tilespmem:s18+$0x10]  }
0x12f: {  	s21 =	sadd.s32 $0x2, s21;
	v15 =	vmov s2;
	[tilespmem:s18+$0xFFFFFFA0] =	vst v11;
	v13 =	vmul.f32 v16, v7;
	v11 =	vld [tilespmem:s18+$0x20]  }
0x130: {  	v16 =	vld [tilespmem:s18+$0x30]  }
0x131: {  	v17 =	vld [tilespmem:s18+$0x40];
	v15 =	vand.u32 $0xFFFFFFFE, v15  }
0x132: {  	v18 =	vld [tilespmem:s18+$0x50];
	[tilespmem:s18+$0xFFFFFFB0] =	vst v14;
	v8 =	vmul.f32 v8, v7;
	v15 =	vbroadcast v15, $0x0  }
0x133: {  	s2 =	sadd.s32 $0x1, s2;
	v20 =	vld [tilespmem:s18+$0x60];
	[tilespmem:s18+$0xFFFFFFC0] =	vst v13;
	v7 =	vmul.f32 v9, v7  }
0x134: {  	s25 =	sadd.s32 $0x120, s18;
	v19 =	vmov s2;
	v9 =	vld [tilespmem:s18+$0x80];
	v12 =	vmul.f32 v12, v6;
	[tilespmem:s18+$0xFFFFFFD0] =	vst v8  }
0x135: {  	v13 =	vld [tilespmem:s25+$0xFFFFFFF0];
	v10 =	vmul.f32 v10, v6;
	[tilespmem:s18+$0xFFFFFFE0] =	vst v7  }
0x136: {  	[tilespmem:s18+$0x0] =	vst v12;
	v12 =	vld [tilespmem:s18+$0x70];
	v8 =	vmul.f32 v11, v6  }
0x137: {  	v14 =	vld [tilespmem:s25+$0xFFFFFF70];
	[tilespmem:s18+$0x10] =	vst v10;
	v7 =	vmul.f32 v16, v6  }
0x138: {  	[tilespmem:s18+$0x20] =	vst v8;
	v8 =	vmul.f32 v17, v6;
	v11 =	vld.idx.msk [tilespmem:v15+s28+$0x0], $0xffff  }
0x139: {  	v10 =	vld.idx.msk [tilespmem:v19+s28+$0x0], $0xffff;
	[tilespmem:s16+$0x30] =	vst v7;
	v7 =	vmul.f32 v18, v6  }
0x13a: {  	v15 =	vld [tilespmem:s25+$0xFFFFFF80];
	[tilespmem:s16+$0x40] =	vst v8;
	v8 =	vmul.f32 v20, v6  }
0x13b: {  	[tilespmem:s16+$0x50] =	vst v7;
	v7 =	vmul.f32 v12, v6;
	v12 =	vld [tilespmem:s25+$0xFFFFFF90]  }
0x13c: {  	v6 =	vmul.f32 v9, v6;
	[tilespmem:s16+$0x60] =	vst v8;
	v8 =	vld [tilespmem:s25+$0xFFFFFFA0]  }
0x13d: {  	[tilespmem:s16+$0x70] =	vst v7;
	v7 =	vld [tilespmem:s25+$0xFFFFFFB0];
	v9 =	vmul.f32 v13, v11  }
0x13e: {  	[tilespmem:s16+$0x80] =	vst v6;
	v6 =	vmul.f32 v14, v11;
	v13 =	vld [tilespmem:s25+$0xFFFFFFC0]  }
0x13f: {  	v14 =	vmul.f32 v15, v11;
	v15 =	vld [tilespmem:s25+$0xFFFFFFD0];
	[tilespmem:s25+$0xFFFFFFF0] =	vst v9  }
0x140: {  	[tilespmem:s25+$0xFFFFFF70] =	vst v6;
	v6 =	vmul.f32 v12, v11;
	v9 =	vld [tilespmem:s25+$0xFFFFFFE0]  }
0x141: {  	[tilespmem:s25+$0xFFFFFF80] =	vst v14;
	v12 =	vld [tilespmem:s25+$0x0];
	v8 =	vmul.f32 v8, v11  }
0x142: {  	[tilespmem:s25+$0xFFFFFF90] =	vst v6;
	v6 =	vmul.f32 v7, v11;
	v7 =	vld [tilespmem:s25+$0x10]  }
0x143: {  	[tilespmem:s25+$0xFFFFFFA0] =	vst v8;
	v8 =	vmul.f32 v13, v11;
	v13 =	vld [tilespmem:s25+$0x20]  }
0x144: {  	v14 =	vld [tilespmem:s25+$0x30];
	[tilespmem:s25+$0xFFFFFFB0] =	vst v6;
	v6 =	vmul.f32 v15, v11  }
0x145: {  	[tilespmem:s25+$0xFFFFFFC0] =	vst v8;
	v8 =	vmul.f32 v9, v11;
	v9 =	vld [tilespmem:s25+$0x40]  }
0x146: {  	v11 =	vld [tilespmem:s25+$0x50];
	[tilespmem:s25+$0xFFFFFFD0] =	vst v6;
	v6 =	vmul.f32 v12, v10  }
0x147: {  	[tilespmem:s25+$0xFFFFFFE0] =	vst v8;
	v7 =	vmul.f32 v7, v10;
	v8 =	vld [tilespmem:s25+$0x60]  }
0x148: {  	v12 =	vld [tilespmem:s25+$0x70];
	[tilespmem:s25+$0x0] =	vst v6;
	v6 =	vmul.f32 v13, v10  }
0x149: {  	v13 =	vld [tilespmem:s25+$0x80];
	[tilespmem:s25+$0x10] =	vst v7;
	v7 =	vmul.f32 v14, v10  }
0x14a: {  	[tilespmem:s25+$0x20] =	vst v6;
	v6 =	vmul.f32 v9, v10  }
0x14b: {  	[tilespmem:s25+$0x30] =	vst v7;
	v7 =	vmul.f32 v11, v10  }
0x14c: {  	[tilespmem:s25+$0x40] =	vst v6;
	v6 =	vmul.f32 v8, v10  }
0x14d: {  	[tilespmem:s25+$0x50] =	vst v7;
	v7 =	vmul.f32 v12, v10  }
0x14e: {  	[tilespmem:s25+$0x60] =	vst v6;
	v6 =	vmul.f32 v13, v10  }
0x14f: {  	[tilespmem:s25+$0x70] =	vst v7  }
0x150: {  	[tilespmem:s25+$0x80] =	vst v6  }
0x151: {  	[spmem:s4] =	stream.indirect.scatter.add.f32 [tilespmem:s26], [sflag:$0x4], $0x90, s17, s22, $0xb8;
	[tilespmem:$0x1F870] =	vst v63  }
0x152: {  	_ =	swait.ge [sflag:s24], $0x2D00  }
0x153: {  	[sflag:s24] =	ssyncset.done $0x0  }
0x154: {  	s18 =	smul.u32 $0x280, s10;
	[sflag:s24] =	ssyncadd.s32 $0xFFFFD300  }
0x155: {  	_ =	swait.ge [sflag:s31], $0x2D00  }
0x156: {  	s2 =	sshra.s32 s18, $0x2;
	[sflag:s31] =	ssyncset.done $0x0  }
0x157: {  	s2 =	sadd.s32 $0x187A0, s2;
	[sflag:s31] =	ssyncadd.s32 $0xFFFFD300  }
0x158: {  	[tilespmem:s26], [sflag:$0x2] =	stream.indirect.gather [hbm4b:s6+s22], $0x90, s2, s22, $0xb8;
	[tilespmem:$0x1F870] =	vst v63  }
0x159: {  	v6 =	vld [tilespmem:s13+$0x18E80];
	_ =	sdelay $0x6  }
0x15a: {  	v7 =	vld.idx.msk [tilespmem:v0+s23+$0x0], $0xffff  }
0x15b: {  	v6 =	vld.idx.msk [tilespmem:v6+s14+$0x0], $0xffff;
	_ =	sdelay $0x1  }
0x15c: {  	v8 =	vld [tilespmem:s13+$0x19650];
	_ =	sdelay $0x2  }
0x15d: {  	v6 =	vadd.f32 v6, v7;
	_ =	sdelay $0x1  }
0x15e: {  	v6 =	vadd.f32 v8, v6;
	_ =	sdelay $0x1  }
0x15f: {  	v7 =	vmul.f32 $2.000000030e-01, v6;
	_ =	sdelay $0x1  }
0x160: {  	v6 =	vmax.f32 v6, v7  }
0x161: {  	v6 =	vsub.f32 v6, v5;
	_ =	sdelay $0x1  }
0x162: {  	v6 =	vmul.f32 $1.442695020e+00, v6;
	_ =	sdelay $0x1  }
0x163: {  	(erf) = vpow2.f32 v6;
	_ =	sdelay $0x8  }
0x164: {  	v6 =	vpop (erf)  }
0x165: {  	[tilespmem:$0x19E20] =	vst v6  }
0x166: {  	v6 =	vld [tilespmem:s12+$0x18F30];
	_ =	sdelay $0x6  }
0x167: {  	v7 =	vld.idx.msk [tilespmem:v1+s23+$0x0], $0xffff  }
0x168: {  	v6 =	vld.idx.msk [tilespmem:v6+s14+$0x0], $0xffff;
	_ =	sdelay $0x1  }
0x169: {  	v8 =	vld [tilespmem:s12+$0x19700];
	_ =	sdelay $0x2  }
0x16a: {  	v6 =	vadd.f32 v6, v7;
	_ =	sdelay $0x1  }
0x16b: {  	v6 =	vadd.f32 v8, v6;
	_ =	sdelay $0x1  }
0x16c: {  	v7 =	vmul.f32 $2.000000030e-01, v6;
	_ =	sdelay $0x1  }
0x16d: {  	v6 =	vmax.f32 v6, v7  }
0x16e: {  	v6 =	vsub.f32 v6, v5;
	_ =	sdelay $0x1  }
0x16f: {  	v6 =	vmul.f32 $1.442695020e+00, v6;
	_ =	sdelay $0x1  }
0x170: {  	(erf) = vpow2.f32 v6;
	_ =	sdelay $0x8  }
0x171: {  	v6 =	vpop (erf)  }
0x172: {  	[tilespmem:$0x19E30] =	vst v6  }
0x173: {  	v6 =	vld [tilespmem:s12+$0x18F40];
	_ =	sdelay $0x6  }
0x174: {  	v7 =	vld.idx.msk [tilespmem:v2+s23+$0x0], $0xffff  }
0x175: {  	v6 =	vld.idx.msk [tilespmem:v6+s14+$0x0], $0xffff;
	_ =	sdelay $0x1  }
0x176: {  	v8 =	vld [tilespmem:s12+$0x19710];
	_ =	sdelay $0x2  }
0x177: {  	v6 =	vadd.f32 v6, v7;
	_ =	sdelay $0x1  }
0x178: {  	v6 =	vadd.f32 v8, v6;
	_ =	sdelay $0x1  }
0x179: {  	v7 =	vmul.f32 $2.000000030e-01, v6;
	_ =	sdelay $0x1  }
0x17a: {  	v6 =	vmax.f32 v6, v7  }
0x17b: {  	v6 =	vsub.f32 v6, v5;
	_ =	sdelay $0x1  }
0x17c: {  	v6 =	vmul.f32 $1.442695020e+00, v6;
	_ =	sdelay $0x1  }
0x17d: {  	(erf) = vpow2.f32 v6;
	_ =	sdelay $0x8  }
0x17e: {  	v6 =	vpop (erf)  }
0x17f: {  	[tilespmem:$0x19E40] =	vst v6  }
0x180: {  	v6 =	vld [tilespmem:s12+$0x18F50];
	_ =	sdelay $0x6  }
0x181: {  	v7 =	vld.idx.msk [tilespmem:v3+s23+$0x0], $0xffff  }
0x182: {  	v6 =	vld.idx.msk [tilespmem:v6+s14+$0x0], $0xffff;
	_ =	sdelay $0x1  }
0x183: {  	v8 =	vld [tilespmem:s12+$0x19720];
	_ =	sdelay $0x2  }
0x184: {  	v6 =	vadd.f32 v6, v7;
	_ =	sdelay $0x1  }
0x185: {  	v6 =	vadd.f32 v8, v6;
	_ =	sdelay $0x1  }
0x186: {  	v7 =	vmul.f32 $2.000000030e-01, v6;
	_ =	sdelay $0x1  }
0x187: {  	v6 =	vmax.f32 v6, v7  }
0x188: {  	v6 =	vsub.f32 v6, v5;
	_ =	sdelay $0x1  }
0x189: {  	v6 =	vmul.f32 $1.442695020e+00, v6;
	_ =	sdelay $0x1  }
0x18a: {  	(erf) = vpow2.f32 v6;
	_ =	sdelay $0x8  }
0x18b: {  	v6 =	vpop (erf)  }
0x18c: {  	[tilespmem:$0x19E50] =	vst v6  }
0x18d: {  	v6 =	vld [tilespmem:s12+$0x18F60];
	_ =	sdelay $0x6  }
0x18e: {  	v7 =	vld.idx.msk [tilespmem:v4+s23+$0x0], $0xffff  }
0x18f: {  	v6 =	vld.idx.msk [tilespmem:v6+s14+$0x0], $0xffff;
	_ =	sdelay $0x1  }
0x190: {  	v8 =	vld [tilespmem:s12+$0x19730];
	_ =	sdelay $0x2  }
0x191: {  	v6 =	vadd.f32 v6, v7;
	_ =	sdelay $0x1  }
0x192: {  	v6 =	vadd.f32 v8, v6;
	_ =	sdelay $0x1  }
0x193: {  	v7 =	vmul.f32 $2.000000030e-01, v6;
	_ =	sdelay $0x1  }
0x194: {  	v6 =	vmax.f32 v6, v7  }
0x195: {  	v6 =	vsub.f32 v6, v5;
	_ =	sdelay $0x1  }
0x196: {  	v6 =	vmul.f32 $1.442695020e+00, v6;
	_ =	sdelay $0x1  }
0x197: {  	(erf) = vpow2.f32 v6;
	_ =	sdelay $0x1  }
0x198: {  	s21 =	simm.s32 $0x0  }
0x199: {  	v6 =	vmov s21  }
0x19a: {  	v6 =	vand.u32 $0xFFFFFFFE, v6  }
0x19b: {  	v6 =	vbroadcast v6, $0x0;
	_ =	sdelay $0x3  }
0x19c: {  	v7 =	vpop (erf)  }
0x19d: {  	[tilespmem:$0x19E60] =	vst v7  }
0x19e: {  	s17 =	simm.s32 $0x19F00;
	v7 =	vld.idx.msk [tilespmem:v6+s28+$0x0], $0xffff  }
0x19f: {  	v6 =	vld [tilespmem:s17+$0xFFFFFFF0]  }
0x1a0: {  	v8 =	vld [tilespmem:s17+$0xFFFFFF70]  }
0x1a1: {  	s25 =	simm.s32 $0x1;
	v9 =	vld [tilespmem:s17+$0xFFFFFF80]  }
0x1a2: {  	v11 =	vmov s25;
	v10 =	vld [tilespmem:s17+$0xFFFFFF90]  }
0x1a3: {  	v12 =	vld [tilespmem:s17+$0xFFFFFFA0]  }
0x1a4: {  	v13 =	vld [tilespmem:s17+$0xFFFFFFB0]  }
0x1a5: {  	v16 =	vld [tilespmem:s17+$0xFFFFFFC0];
	v6 =	vmul.f32 v6, v7  }
0x1a6: {  	v14 =	vmul.f32 v8, v7;
	v8 =	vld [tilespmem:s17+$0xFFFFFFD0]  }
0x1a7: {  	[tilespmem:s17+$0xFFFFFFF0] =	vst v6;
	v6 =	vld.idx.msk [tilespmem:v11+s28+$0x0], $0xffff;
	v11 =	vmul.f32 v9, v7  }
0x1a8: {  	v10 =	vmul.f32 v10, v7;
	[tilespmem:s17+$0xFFFFFF70] =	vst v14;
	v9 =	vld [tilespmem:s17+$0xFFFFFFE0]  }
0x1a9: {  	[tilespmem:s17+$0xFFFFFF80] =	vst v11;
	v11 =	vmul.f32 v12, v7;
	v12 =	vld [tilespmem:s17+$0x0]  }
0x1aa: {  	s2 =	simm.s32 $0x2;
	[tilespmem:s17+$0xFFFFFF90] =	vst v10;
	v10 =	vld [tilespmem:s17+$0x10];
	v14 =	vmul.f32 v13, v7  }
0x1ab: {  	s16 =	simm.s32 $0x4;
	v15 =	vmov s2;
	s12 =	sadd.s32 $0x18E80, s13;
	s13 =	simm.s32 $0x19F00;
	v13 =	vmul.f32 v16, v7;
	[tilespmem:s17+$0xFFFFFFA0] =	vst v11;
	v11 =	vld [tilespmem:s17+$0x20]  }
.LBB2_8:
0x1ac: {  	p0 =	slt.u32 s16, $0x4E;
	v15 =	vand.u32 $0xFFFFFFFE, v15;
	s18 =	sadd.s32 $0x1, s2;
	[tilespmem:s17+$0xFFFFFFB0] =	vst v14;
	v8 =	vmul.f32 v8, v7;
	v14 =	vld [tilespmem:s17+$0x30];
	s2 =	smov.u32 s16  }
0x1ad: {  	v15 =	vbroadcast v15, $0x0;
	v16 =	vmov s18;
	[tilespmem:s17+$0xFFFFFFC0] =	vst v13;
	v7 =	vmul.f32 v9, v7;
	v9 =	vld [tilespmem:s17+$0x40]  }
0x1ae: {  	[tilespmem:s17+$0xFFFFFFD0] =	vst v8;
	v8 =	vmul.f32 v12, v6;
	v12 =	vld [tilespmem:s17+$0x50]  }
0x1af: {  	[tilespmem:s17+$0xFFFFFFE0] =	vst v7;
	v7 =	vmul.f32 v10, v6;
	v10 =	vld [tilespmem:s17+$0x60]  }
0x1b0: {  	[tilespmem:s17+$0x0] =	vst v8;
	v8 =	vmul.f32 v11, v6;
	v11 =	vld [tilespmem:s17+$0x70]  }
0x1b1: {  	[tilespmem:s17+$0x10] =	vst v7;
	v13 =	vmul.f32 v14, v6;
	v14 =	vld [tilespmem:s17+$0x80]  }
0x1b2: {  	v16 =	vld.idx.msk [tilespmem:v16+s28+$0x0], $0xffff;
	[tilespmem:s17+$0x20] =	vst v8;
	v8 =	vmul.f32 v9, v6  }
0x1b3: {  	s17 =	sadd.s32 $0x120, s17;
	v7 =	vld.idx.msk [tilespmem:v15+s28+$0x0], $0xffff;
	[tilespmem:s13+$0x30] =	vst v13;
	v9 =	vmul.f32 v12, v6  }
0x1b4: {  	v12 =	vld [tilespmem:s17+$0xFFFFFFF0];
	[tilespmem:s13+$0x40] =	vst v8;
	v8 =	vmul.f32 v10, v6  }
0x1b5: {  	v10 =	vld [tilespmem:s17+$0xFFFFFF70];
	[tilespmem:s13+$0x50] =	vst v9;
	v9 =	vmul.f32 v11, v6  }
0x1b6: {  	v11 =	vld [tilespmem:s17+$0xFFFFFF80];
	[tilespmem:s13+$0x60] =	vst v8;
	v8 =	vmul.f32 v14, v6  }
0x1b7: {  	v13 =	vld [tilespmem:s17+$0xFFFFFF90];
	[tilespmem:s13+$0x70] =	vst v9  }
0x1b8: {  	v6 =	vmov v16;
	v14 =	vld [tilespmem:s17+$0xFFFFFFA0];
	[tilespmem:s13+$0x80] =	vst v8;
	s13 =	smov.u32 s17  }
0x1b9: {  	v15 =	vld [tilespmem:s17+$0xFFFFFFB0];
	v9 =	vmul.f32 v12, v7  }
0x1ba: {  	v10 =	vmul.f32 v10, v7;
	v16 =	vld [tilespmem:s17+$0xFFFFFFC0]  }
.Ltmp2:
0x1bb: {  	v11 =	vmul.f32 v11, v7;
	v8 =	vld [tilespmem:s17+$0xFFFFFFD0];
	[tilespmem:s17+$0xFFFFFFF0] =	vst v9;
	(pc) =	sbr.rel @p0 .LBB2_8-.Ltmp2, $4  }
0x1bc: {  	[tilespmem:s17+$0xFFFFFF70] =	vst v10;
	v10 =	vmul.f32 v13, v7;
	v9 =	vld [tilespmem:s17+$0xFFFFFFE0]  }
0x1bd: {  	[tilespmem:s17+$0xFFFFFF80] =	vst v11;
	v11 =	vmul.f32 v14, v7;
	v12 =	vld [tilespmem:s17+$0x0]  }
0x1be: {  	[tilespmem:s17+$0xFFFFFF90] =	vst v10;
	v14 =	vmul.f32 v15, v7;
	v10 =	vld [tilespmem:s17+$0x10]  }
0x1bf: {  	s16 =	sadd.s32 $0x2, s16;
	v15 =	vmov s2;
	[tilespmem:s17+$0xFFFFFFA0] =	vst v11;
	v13 =	vmul.f32 v16, v7;
	v11 =	vld [tilespmem:s17+$0x20]  }
0x1c0: {  	v16 =	vld [tilespmem:s17+$0x30]  }
0x1c1: {  	v17 =	vld [tilespmem:s17+$0x40];
	v15 =	vand.u32 $0xFFFFFFFE, v15  }
0x1c2: {  	v18 =	vld [tilespmem:s17+$0x50];
	[tilespmem:s17+$0xFFFFFFB0] =	vst v14;
	v8 =	vmul.f32 v8, v7;
	v15 =	vbroadcast v15, $0x0  }
0x1c3: {  	v20 =	vld [tilespmem:s17+$0x60];
	[tilespmem:s17+$0xFFFFFFC0] =	vst v13;
	v7 =	vmul.f32 v9, v7  }
0x1c4: {  	v37 =	vld [tilespmem:s17+$0x70];
	v12 =	vmul.f32 v12, v6;
	[tilespmem:s17+$0xFFFFFFD0] =	vst v8  }
0x1c5: {  	v38 =	vld [tilespmem:s17+$0x80];
	s25 =	sadd.s32 $0x120, s17;
	v10 =	vmul.f32 v10, v6;
	[tilespmem:s17+$0xFFFFFFE0] =	vst v7  }
0x1c6: {  	v43 =	vld [tilespmem:s25+$0xFFFFFFF0];
	[tilespmem:s17+$0x0] =	vst v12;
	v39 =	vmul.f32 v11, v6  }
0x1c7: {  	v44 =	vld [tilespmem:s25+$0xFFFFFF70];
	[tilespmem:s17+$0x10] =	vst v10;
	v7 =	vmul.f32 v16, v6  }
0x1c8: {  	v42 =	vmul.f32 v17, v6;
	[tilespmem:s17+$0x20] =	vst v39;
	v41 =	vld.idx.msk [tilespmem:v15+s28+$0x0], $0xffff  }
0x1c9: {  	v46 =	vld [tilespmem:s25+$0xFFFFFF80];
	[tilespmem:s13+$0x30] =	vst v7;
	v7 =	vmul.f32 v18, v6  }
0x1ca: {  	v47 =	vld [tilespmem:s25+$0xFFFFFF90];
	v45 =	vmul.f32 v20, v6;
	[tilespmem:s13+$0x40] =	vst v42  }
0x1cb: {  	s2 =	sadd.s32 $0x1, s2;
	v48 =	vld [tilespmem:s25+$0xFFFFFFA0];
	[tilespmem:s13+$0x50] =	vst v7;
	v7 =	vmul.f32 v37, v6  }
0x1cc: {  	v19 =	vmov s2;
	v50 =	vld [tilespmem:s25+$0xFFFFFFC0];
	[tilespmem:s13+$0x60] =	vst v45;
	v6 =	vmul.f32 v38, v6  }
0x1cd: {  	[tilespmem:s13+$0x70] =	vst v7;
	v7 =	vld [tilespmem:s25+$0xFFFFFFB0];
	v49 =	vmul.f32 v43, v41  }
0x1ce: {  	v52 =	vld [tilespmem:s25+$0xFFFFFFD0];
	[tilespmem:s13+$0x80] =	vst v6;
	v6 =	vmul.f32 v44, v41  }
0x1cf: {  	v53 =	vld [tilespmem:s25+$0xFFFFFFE0];
	v51 =	vmul.f32 v46, v41;
	[tilespmem:s25+$0xFFFFFFF0] =	vst v49  }
0x1d0: {  	v54 =	vld [tilespmem:s25+$0x0];
	[tilespmem:s25+$0xFFFFFF70] =	vst v6;
	v6 =	vmul.f32 v47, v41  }
0x1d1: {  	v40 =	vld.idx.msk [tilespmem:v19+s28+$0x0], $0xffff;
	v8 =	vmul.f32 v48, v41;
	[tilespmem:s25+$0xFFFFFF80] =	vst v51  }
0x1d2: {  	[tilespmem:s25+$0xFFFFFF90] =	vst v6;
	v6 =	vmul.f32 v7, v41;
	v7 =	vld [tilespmem:s25+$0x10]  }
0x1d3: {  	v56 =	vld [tilespmem:s25+$0x20];
	v55 =	vmul.f32 v50, v41;
	[tilespmem:s25+$0xFFFFFFA0] =	vst v8  }
0x1d4: {  	v57 =	vld [tilespmem:s25+$0x30];
	[tilespmem:s25+$0xFFFFFFB0] =	vst v6;
	v6 =	vmul.f32 v52, v41  }
0x1d5: {  	v59 =	vld [tilespmem:s25+$0x40];
	v58 =	vmul.f32 v53, v41;
	[tilespmem:s25+$0xFFFFFFC0] =	vst v55  }
0x1d6: {  	v60 =	vld [tilespmem:s25+$0x50];
	[tilespmem:s25+$0xFFFFFFD0] =	vst v6;
	v6 =	vmul.f32 v54, v40  }
0x1d7: {  	v61 =	vld [tilespmem:s25+$0x60];
	[tilespmem:s25+$0xFFFFFFE0] =	vst v58;
	v7 =	vmul.f32 v7, v40  }
0x1d8: {  	v62 =	vld [tilespmem:s25+$0x70];
	[tilespmem:s25+$0x0] =	vst v6;
	v6 =	vmul.f32 v56, v40  }
0x1d9: {  	v63 =	vld [tilespmem:s25+$0x80];
	[tilespmem:s25+$0x10] =	vst v7;
	v7 =	vmul.f32 v57, v40  }
0x1da: {  	[tilespmem:s25+$0x20] =	vst v6;
	v6 =	vmul.f32 v59, v40  }
0x1db: {  	s10 =	sadd.s32 $0x1, s10;
	[tilespmem:s25+$0x30] =	vst v7;
	v7 =	vmul.f32 v60, v40  }
0x1dc: {  	p0 =	sne.s32 s10, $0xB;
	[tilespmem:s25+$0x40] =	vst v6;
	v6 =	vmul.f32 v61, v40  }
.Ltmp3:
0x1dd: {  	[tilespmem:s25+$0x50] =	vst v7;
	v7 =	vmul.f32 v62, v40;
	(pc) =	sbr.rel @p0 .LBB2_5-.Ltmp3, $4  }
0x1de: {  	[tilespmem:s25+$0x60] =	vst v6;
	v6 =	vmul.f32 v63, v40  }
0x1df: {  	[tilespmem:s25+$0x70] =	vst v7  }
0x1e0: {  	[tilespmem:s25+$0x80] =	vst v6  }
0x1e1: {  	[spmem:s4] =	stream.indirect.scatter.add.f32 [tilespmem:s23], [sflag:$0x3], $0x90, s12, s22, $0xb8;
	[tilespmem:$0x1F870] =	vst v63  }
0x1e2: {  	_ =	swait.ge [sflag:s29], $0x2D00  }
0x1e3: {  	[sflag:s29] =	ssyncset.done $0x0  }
0x1e4: {  	[sflag:s29] =	ssyncadd.s32 $0xFFFFD300  }
0x1e5: {  	_ =	swait.ge [sflag:s30], $0x2D00  }
0x1e6: {  	[sflag:s30] =	ssyncset.done $0x0  }
0x1e7: {  	[sflag:s30] =	ssyncadd.s32 $0xFFFFD300  }
0x1e8: {  	[tilespmem:s23], [sflag:$0x1] =	stream.indirect.gather [hbm4b:s6+s22], $0x90, s0, s22, $0xb8;
	[tilespmem:$0x1F870] =	vst v63  }
0x1e9: {  	v6 =	vld [tilespmem:$0x195B0];
	_ =	sdelay $0x6  }
0x1ea: {  	v7 =	vld.idx.msk [tilespmem:v0+s26+$0x0], $0xffff  }
0x1eb: {  	v6 =	vld.idx.msk [tilespmem:v6+s14+$0x0], $0xffff;
	_ =	sdelay $0x1  }
0x1ec: {  	v8 =	vld [tilespmem:$0x19D80];
	_ =	sdelay $0x2  }
0x1ed: {  	v6 =	vadd.f32 v6, v7;
	_ =	sdelay $0x1  }
0x1ee: {  	v6 =	vadd.f32 v8, v6;
	_ =	sdelay $0x1  }
0x1ef: {  	v7 =	vmul.f32 $2.000000030e-01, v6;
	_ =	sdelay $0x1  }
0x1f0: {  	v6 =	vmax.f32 v6, v7  }
0x1f1: {  	v6 =	vsub.f32 v6, v5;
	_ =	sdelay $0x1  }
0x1f2: {  	v6 =	vmul.f32 $1.442695020e+00, v6;
	_ =	sdelay $0x1  }
0x1f3: {  	(erf) = vpow2.f32 v6;
	_ =	sdelay $0x3  }
0x1f4: {  	v6 =	vld [tilespmem:$0x195C0];
	_ =	sdelay $0x4  }
0x1f5: {  	v7 =	vpop (erf)  }
0x1f6: {  	[tilespmem:$0x19E20] =	vst v7  }
0x1f7: {  	v7 =	vld.idx.msk [tilespmem:v1+s26+$0x0], $0xffff  }
0x1f8: {  	v6 =	vld.idx.msk [tilespmem:v6+s14+$0x0], $0xffff;
	_ =	sdelay $0x1  }
0x1f9: {  	v8 =	vld [tilespmem:$0x19D90];
	_ =	sdelay $0x2  }
0x1fa: {  	v6 =	vadd.f32 v6, v7;
	_ =	sdelay $0x1  }
0x1fb: {  	v6 =	vadd.f32 v8, v6;
	_ =	sdelay $0x1  }
0x1fc: {  	v7 =	vmul.f32 $2.000000030e-01, v6;
	_ =	sdelay $0x1  }
0x1fd: {  	v6 =	vmax.f32 v6, v7  }
0x1fe: {  	v6 =	vsub.f32 v6, v5;
	_ =	sdelay $0x1  }
0x1ff: {  	v6 =	vmul.f32 $1.442695020e+00, v6;
	_ =	sdelay $0x1  }
0x200: {  	(erf) = vpow2.f32 v6;
	_ =	sdelay $0x3  }
0x201: {  	v6 =	vld [tilespmem:$0x195D0];
	_ =	sdelay $0x4  }
0x202: {  	v7 =	vpop (erf)  }
0x203: {  	[tilespmem:$0x19E30] =	vst v7  }
0x204: {  	v7 =	vld.idx.msk [tilespmem:v2+s26+$0x0], $0xffff  }
0x205: {  	v6 =	vld.idx.msk [tilespmem:v6+s14+$0x0], $0xffff;
	_ =	sdelay $0x1  }
0x206: {  	v8 =	vld [tilespmem:$0x19DA0];
	_ =	sdelay $0x2  }
0x207: {  	v6 =	vadd.f32 v6, v7;
	_ =	sdelay $0x1  }
0x208: {  	v6 =	vadd.f32 v8, v6;
	_ =	sdelay $0x1  }
0x209: {  	v7 =	vmul.f32 $2.000000030e-01, v6;
	_ =	sdelay $0x1  }
0x20a: {  	v6 =	vmax.f32 v6, v7  }
0x20b: {  	v6 =	vsub.f32 v6, v5;
	_ =	sdelay $0x1  }
0x20c: {  	v6 =	vmul.f32 $1.442695020e+00, v6;
	_ =	sdelay $0x1  }
0x20d: {  	(erf) = vpow2.f32 v6;
	_ =	sdelay $0x3  }
0x20e: {  	v6 =	vld [tilespmem:$0x195E0];
	_ =	sdelay $0x4  }
0x20f: {  	v7 =	vpop (erf)  }
0x210: {  	[tilespmem:$0x19E40] =	vst v7  }
0x211: {  	v7 =	vld.idx.msk [tilespmem:v3+s26+$0x0], $0xffff  }
0x212: {  	v6 =	vld.idx.msk [tilespmem:v6+s14+$0x0], $0xffff;
	_ =	sdelay $0x1  }
0x213: {  	v8 =	vld [tilespmem:$0x19DB0];
	_ =	sdelay $0x2  }
0x214: {  	v6 =	vadd.f32 v6, v7;
	_ =	sdelay $0x1  }
0x215: {  	v6 =	vadd.f32 v8, v6;
	_ =	sdelay $0x1  }
0x216: {  	v7 =	vmul.f32 $2.000000030e-01, v6;
	_ =	sdelay $0x1  }
0x217: {  	v6 =	vmax.f32 v6, v7  }
0x218: {  	v6 =	vsub.f32 v6, v5;
	_ =	sdelay $0x1  }
0x219: {  	v6 =	vmul.f32 $1.442695020e+00, v6;
	_ =	sdelay $0x1  }
0x21a: {  	(erf) = vpow2.f32 v6;
	_ =	sdelay $0x3  }
0x21b: {  	v6 =	vld [tilespmem:$0x195F0];
	_ =	sdelay $0x4  }
0x21c: {  	v7 =	vpop (erf)  }
0x21d: {  	[tilespmem:$0x19E50] =	vst v7  }
0x21e: {  	v7 =	vld.idx.msk [tilespmem:v4+s26+$0x0], $0xffff  }
0x21f: {  	v6 =	vld.idx.msk [tilespmem:v6+s14+$0x0], $0xffff;
	_ =	sdelay $0x1  }
0x220: {  	v8 =	vld [tilespmem:$0x19DC0];
	_ =	sdelay $0x2  }
0x221: {  	v6 =	vadd.f32 v6, v7;
	_ =	sdelay $0x1  }
0x222: {  	v6 =	vadd.f32 v8, v6;
	_ =	sdelay $0x1  }
0x223: {  	v7 =	vmul.f32 $2.000000030e-01, v6;
	_ =	sdelay $0x1  }
0x224: {  	v6 =	vmax.f32 v6, v7  }
0x225: {  	v6 =	vsub.f32 v6, v5;
	_ =	sdelay $0x1  }
0x226: {  	v6 =	vmul.f32 $1.442695020e+00, v6;
	_ =	sdelay $0x1  }
0x227: {  	(erf) = vpow2.f32 v6;
	_ =	sdelay $0x1  }
0x228: {  	s2 =	simm.s32 $0x0  }
0x229: {  	v6 =	vmov s2  }
0x22a: {  	v6 =	vand.u32 $0xFFFFFFFE, v6  }
0x22b: {  	v6 =	vbroadcast v6, $0x0;
	_ =	sdelay $0x3  }
0x22c: {  	v7 =	vpop (erf)  }
0x22d: {  	[tilespmem:$0x19E60] =	vst v7  }
0x22e: {  	s9 =	simm.s32 $0x1CC00;
	v7 =	vld.idx.msk [tilespmem:v6+s28+$0x0], $0xffff  }
0x22f: {  	v6 =	vld [tilespmem:s9+$0xFFFFFFF0]  }
0x230: {  	v8 =	vld [tilespmem:s9+$0xFFFFFF70]  }
0x231: {  	s25 =	simm.s32 $0x1;
	v9 =	vld [tilespmem:s9+$0xFFFFFF80]  }
0x232: {  	v11 =	vmov s25;
	v10 =	vld [tilespmem:s9+$0xFFFFFF90]  }
0x233: {  	v12 =	vld [tilespmem:s9+$0xFFFFFFA0]  }
0x234: {  	v13 =	vld [tilespmem:s9+$0xFFFFFFB0]  }
0x235: {  	v16 =	vld [tilespmem:s9+$0xFFFFFFC0];
	v6 =	vmul.f32 v6, v7  }
0x236: {  	v14 =	vmul.f32 v8, v7;
	v8 =	vld [tilespmem:s9+$0xFFFFFFD0]  }
0x237: {  	v10 =	vmul.f32 v10, v7;
	[tilespmem:s9+$0xFFFFFFF0] =	vst v6;
	v6 =	vld.idx.msk [tilespmem:v11+s28+$0x0], $0xffff  }
0x238: {  	v11 =	vmul.f32 v9, v7;
	[tilespmem:s9+$0xFFFFFF70] =	vst v14;
	v9 =	vld [tilespmem:s9+$0xFFFFFFE0]  }
0x239: {  	v17 =	vmul.f32 v12, v7;
	v12 =	vld [tilespmem:s9+$0x0];
	[tilespmem:s9+$0xFFFFFF90] =	vst v10  }
0x23a: {  	s2 =	simm.s32 $0x2;
	v14 =	vmul.f32 v13, v7;
	[tilespmem:s9+$0xFFFFFF80] =	vst v11;
	v11 =	vld [tilespmem:s9+$0x10]  }
0x23b: {  	s12 =	simm.s32 $0x4;
	s10 =	simm.s32 $0x1CC00;
	v15 =	vmov s2;
	[tilespmem:s9+$0xFFFFFFA0] =	vst v17;
	v13 =	vmul.f32 v16, v7;
	v10 =	vld [tilespmem:s9+$0x20]  }
.LBB2_11:
0x23c: {  	p0 =	slt.u32 s12, $0x4E;
	v15 =	vand.u32 $0xFFFFFFFE, v15;
	s13 =	sadd.s32 $0x1, s2;
	[tilespmem:s9+$0xFFFFFFB0] =	vst v14;
	v8 =	vmul.f32 v8, v7;
	v14 =	vld [tilespmem:s9+$0x30];
	s2 =	smov.u32 s12  }
0x23d: {  	v15 =	vbroadcast v15, $0x0;
	v16 =	vmov s13;
	[tilespmem:s9+$0xFFFFFFC0] =	vst v13;
	v7 =	vmul.f32 v9, v7;
	v9 =	vld [tilespmem:s9+$0x40]  }
0x23e: {  	[tilespmem:s9+$0xFFFFFFD0] =	vst v8;
	v8 =	vmul.f32 v12, v6;
	v12 =	vld [tilespmem:s9+$0x50]  }
0x23f: {  	[tilespmem:s9+$0xFFFFFFE0] =	vst v7;
	v7 =	vmul.f32 v11, v6;
	v11 =	vld [tilespmem:s9+$0x60]  }
0x240: {  	[tilespmem:s9+$0x0] =	vst v8;
	v8 =	vmul.f32 v10, v6;
	v10 =	vld [tilespmem:s9+$0x70]  }
0x241: {  	[tilespmem:s9+$0x10] =	vst v7;
	v13 =	vmul.f32 v14, v6;
	v14 =	vld [tilespmem:s9+$0x80]  }
0x242: {  	v16 =	vld.idx.msk [tilespmem:v16+s28+$0x0], $0xffff;
	[tilespmem:s9+$0x20] =	vst v8;
	v8 =	vmul.f32 v9, v6  }
0x243: {  	s9 =	sadd.s32 $0x120, s9;
	v7 =	vld.idx.msk [tilespmem:v15+s28+$0x0], $0xffff;
	[tilespmem:s10+$0x30] =	vst v13;
	v9 =	vmul.f32 v12, v6  }
0x244: {  	v12 =	vld [tilespmem:s9+$0xFFFFFFF0];
	[tilespmem:s10+$0x40] =	vst v8;
	v8 =	vmul.f32 v11, v6  }
0x245: {  	v11 =	vld [tilespmem:s9+$0xFFFFFF70];
	[tilespmem:s10+$0x50] =	vst v9;
	v9 =	vmul.f32 v10, v6  }
0x246: {  	v10 =	vld [tilespmem:s9+$0xFFFFFF80];
	[tilespmem:s10+$0x60] =	vst v8;
	v8 =	vmul.f32 v14, v6  }
0x247: {  	v13 =	vld [tilespmem:s9+$0xFFFFFF90];
	[tilespmem:s10+$0x70] =	vst v9  }
0x248: {  	v6 =	vmov v16;
	v14 =	vld [tilespmem:s9+$0xFFFFFFA0];
	[tilespmem:s10+$0x80] =	vst v8;
	s10 =	smov.u32 s9  }
0x249: {  	v15 =	vld [tilespmem:s9+$0xFFFFFFB0];
	v9 =	vmul.f32 v12, v7  }
0x24a: {  	v11 =	vmul.f32 v11, v7;
	v16 =	vld [tilespmem:s9+$0xFFFFFFC0]  }
.Ltmp4:
0x24b: {  	v10 =	vmul.f32 v10, v7;
	v8 =	vld [tilespmem:s9+$0xFFFFFFD0];
	[tilespmem:s9+$0xFFFFFFF0] =	vst v9;
	(pc) =	sbr.rel @p0 .LBB2_11-.Ltmp4, $4  }
0x24c: {  	[tilespmem:s9+$0xFFFFFF70] =	vst v11;
	v11 =	vmul.f32 v13, v7;
	v9 =	vld [tilespmem:s9+$0xFFFFFFE0]  }
0x24d: {  	[tilespmem:s9+$0xFFFFFF80] =	vst v10;
	v10 =	vmul.f32 v14, v7;
	v12 =	vld [tilespmem:s9+$0x0]  }
0x24e: {  	[tilespmem:s9+$0xFFFFFF90] =	vst v11;
	v14 =	vmul.f32 v15, v7;
	v11 =	vld [tilespmem:s9+$0x10]  }
0x24f: {  	s12 =	sadd.s32 $0x2, s12;
	v15 =	vmov s2;
	[tilespmem:s9+$0xFFFFFFA0] =	vst v10;
	v13 =	vmul.f32 v16, v7;
	v10 =	vld [tilespmem:s9+$0x20]  }
0x250: {  	v16 =	vld [tilespmem:s9+$0x30]  }
0x251: {  	v17 =	vld [tilespmem:s9+$0x40];
	v15 =	vand.u32 $0xFFFFFFFE, v15  }
0x252: {  	v18 =	vld [tilespmem:s9+$0x50];
	[tilespmem:s9+$0xFFFFFFB0] =	vst v14;
	v8 =	vmul.f32 v8, v7;
	v15 =	vbroadcast v15, $0x0  }
0x253: {  	s2 =	sadd.s32 $0x1, s2;
	v20 =	vld [tilespmem:s9+$0x60];
	[tilespmem:s9+$0xFFFFFFC0] =	vst v13;
	v7 =	vmul.f32 v9, v7  }
0x254: {  	s18 =	sadd.s32 $0x120, s9;
	v19 =	vmov s2;
	v9 =	vld [tilespmem:s9+$0x80];
	v12 =	vmul.f32 v12, v6;
	[tilespmem:s9+$0xFFFFFFD0] =	vst v8  }
0x255: {  	v13 =	vld [tilespmem:s18+$0xFFFFFFF0];
	v11 =	vmul.f32 v11, v6;
	[tilespmem:s9+$0xFFFFFFE0] =	vst v7  }
0x256: {  	[tilespmem:s9+$0x0] =	vst v12;
	v12 =	vld [tilespmem:s9+$0x70];
	v8 =	vmul.f32 v10, v6  }
0x257: {  	v14 =	vld [tilespmem:s18+$0xFFFFFF70];
	[tilespmem:s9+$0x10] =	vst v11;
	v7 =	vmul.f32 v16, v6  }
0x258: {  	[tilespmem:s9+$0x20] =	vst v8;
	v8 =	vmul.f32 v17, v6;
	v11 =	vld.idx.msk [tilespmem:v15+s28+$0x0], $0xffff  }
0x259: {  	v10 =	vld.idx.msk [tilespmem:v19+s28+$0x0], $0xffff;
	[tilespmem:s10+$0x30] =	vst v7;
	v7 =	vmul.f32 v18, v6  }
0x25a: {  	v15 =	vld [tilespmem:s18+$0xFFFFFF80];
	[tilespmem:s10+$0x40] =	vst v8;
	v8 =	vmul.f32 v20, v6  }
0x25b: {  	[tilespmem:s10+$0x50] =	vst v7;
	v7 =	vmul.f32 v12, v6;
	v12 =	vld [tilespmem:s18+$0xFFFFFF90]  }
0x25c: {  	v6 =	vmul.f32 v9, v6;
	[tilespmem:s10+$0x60] =	vst v8;
	v8 =	vld [tilespmem:s18+$0xFFFFFFA0]  }
0x25d: {  	[tilespmem:s10+$0x70] =	vst v7;
	v7 =	vld [tilespmem:s18+$0xFFFFFFB0];
	v9 =	vmul.f32 v13, v11  }
0x25e: {  	[tilespmem:s10+$0x80] =	vst v6;
	v6 =	vmul.f32 v14, v11;
	v13 =	vld [tilespmem:s18+$0xFFFFFFC0]  }
0x25f: {  	v14 =	vmul.f32 v15, v11;
	v15 =	vld [tilespmem:s18+$0xFFFFFFD0];
	[tilespmem:s18+$0xFFFFFFF0] =	vst v9  }
0x260: {  	[tilespmem:s18+$0xFFFFFF70] =	vst v6;
	v6 =	vmul.f32 v12, v11;
	v9 =	vld [tilespmem:s18+$0xFFFFFFE0]  }
0x261: {  	[tilespmem:s18+$0xFFFFFF80] =	vst v14;
	v12 =	vld [tilespmem:s18+$0x0];
	v8 =	vmul.f32 v8, v11  }
0x262: {  	[tilespmem:s18+$0xFFFFFF90] =	vst v6;
	v6 =	vmul.f32 v7, v11;
	v7 =	vld [tilespmem:s18+$0x10]  }
0x263: {  	[tilespmem:s18+$0xFFFFFFA0] =	vst v8;
	v8 =	vmul.f32 v13, v11;
	v13 =	vld [tilespmem:s18+$0x20]  }
0x264: {  	v14 =	vld [tilespmem:s18+$0x30];
	[tilespmem:s18+$0xFFFFFFB0] =	vst v6;
	v6 =	vmul.f32 v15, v11  }
0x265: {  	[tilespmem:s18+$0xFFFFFFC0] =	vst v8;
	v8 =	vmul.f32 v9, v11;
	v9 =	vld [tilespmem:s18+$0x40]  }
0x266: {  	v11 =	vld [tilespmem:s18+$0x50];
	[tilespmem:s18+$0xFFFFFFD0] =	vst v6;
	v6 =	vmul.f32 v12, v10  }
0x267: {  	[tilespmem:s18+$0xFFFFFFE0] =	vst v8;
	v7 =	vmul.f32 v7, v10;
	v8 =	vld [tilespmem:s18+$0x60]  }
0x268: {  	v12 =	vld [tilespmem:s18+$0x70];
	[tilespmem:s18+$0x0] =	vst v6;
	v6 =	vmul.f32 v13, v10  }
0x269: {  	v13 =	vld [tilespmem:s18+$0x80];
	[tilespmem:s18+$0x10] =	vst v7;
	v7 =	vmul.f32 v14, v10  }
0x26a: {  	[tilespmem:s18+$0x20] =	vst v6;
	v6 =	vmul.f32 v9, v10  }
0x26b: {  	[tilespmem:s18+$0x30] =	vst v7;
	v7 =	vmul.f32 v11, v10  }
0x26c: {  	[tilespmem:s18+$0x40] =	vst v6;
	v6 =	vmul.f32 v8, v10  }
0x26d: {  	[tilespmem:s18+$0x50] =	vst v7;
	v7 =	vmul.f32 v12, v10  }
0x26e: {  	[tilespmem:s18+$0x60] =	vst v6;
	v6 =	vmul.f32 v13, v10  }
0x26f: {  	[tilespmem:s18+$0x70] =	vst v7  }
0x270: {  	[tilespmem:s18+$0x80] =	vst v6  }
0x271: {  	[spmem:s4] =	stream.indirect.scatter.add.f32 [tilespmem:s26], [sflag:$0x4], $0x90, s3, s22, $0xb8;
	[tilespmem:$0x1F870] =	vst v63  }
0x272: {  	_ =	swait.ge [sflag:s24], $0x2D00  }
0x273: {  	[sflag:s24] =	ssyncset.done $0x0  }
0x274: {  	[sflag:s24] =	ssyncadd.s32 $0xFFFFD300  }
0x275: {  	v6 =	vld [tilespmem:$0x19600];
	_ =	sdelay $0x6  }
0x276: {  	v7 =	vld.idx.msk [tilespmem:v0+s23+$0x0], $0xffff  }
0x277: {  	v6 =	vld.idx.msk [tilespmem:v6+s14+$0x0], $0xffff;
	_ =	sdelay $0x1  }
0x278: {  	v8 =	vld [tilespmem:$0x19DD0];
	_ =	sdelay $0x2  }
0x279: {  	v6 =	vadd.f32 v6, v7;
	_ =	sdelay $0x1  }
0x27a: {  	v6 =	vadd.f32 v8, v6;
	_ =	sdelay $0x1  }
0x27b: {  	v7 =	vmul.f32 $2.000000030e-01, v6;
	_ =	sdelay $0x1  }
0x27c: {  	v6 =	vmax.f32 v6, v7  }
0x27d: {  	v6 =	vsub.f32 v6, v5;
	_ =	sdelay $0x1  }
0x27e: {  	v6 =	vmul.f32 $1.442695020e+00, v6;
	_ =	sdelay $0x1  }
0x27f: {  	(erf) = vpow2.f32 v6;
	_ =	sdelay $0x3  }
0x280: {  	v6 =	vld [tilespmem:$0x19610];
	_ =	sdelay $0x4  }
0x281: {  	v7 =	vpop (erf)  }
0x282: {  	[tilespmem:$0x19E20] =	vst v7  }
0x283: {  	v7 =	vld.idx.msk [tilespmem:v1+s23+$0x0], $0xffff  }
0x284: {  	v6 =	vld.idx.msk [tilespmem:v6+s14+$0x0], $0xffff;
	_ =	sdelay $0x1  }
0x285: {  	v8 =	vld [tilespmem:$0x19DE0];
	_ =	sdelay $0x2  }
0x286: {  	v6 =	vadd.f32 v6, v7;
	_ =	sdelay $0x1  }
0x287: {  	v6 =	vadd.f32 v8, v6;
	_ =	sdelay $0x1  }
0x288: {  	v7 =	vmul.f32 $2.000000030e-01, v6;
	_ =	sdelay $0x1  }
0x289: {  	v6 =	vmax.f32 v6, v7  }
0x28a: {  	v6 =	vsub.f32 v6, v5;
	_ =	sdelay $0x1  }
0x28b: {  	v6 =	vmul.f32 $1.442695020e+00, v6;
	_ =	sdelay $0x1  }
0x28c: {  	(erf) = vpow2.f32 v6;
	_ =	sdelay $0x3  }
0x28d: {  	v6 =	vld [tilespmem:$0x19620];
	_ =	sdelay $0x4  }
0x28e: {  	v7 =	vpop (erf)  }
0x28f: {  	[tilespmem:$0x19E30] =	vst v7  }
0x290: {  	v7 =	vld.idx.msk [tilespmem:v2+s23+$0x0], $0xffff  }
0x291: {  	v6 =	vld.idx.msk [tilespmem:v6+s14+$0x0], $0xffff;
	_ =	sdelay $0x1  }
0x292: {  	v8 =	vld [tilespmem:$0x19DF0];
	_ =	sdelay $0x2  }
0x293: {  	v6 =	vadd.f32 v6, v7;
	_ =	sdelay $0x1  }
0x294: {  	v6 =	vadd.f32 v8, v6;
	_ =	sdelay $0x1  }
0x295: {  	v7 =	vmul.f32 $2.000000030e-01, v6;
	_ =	sdelay $0x1  }
0x296: {  	v6 =	vmax.f32 v6, v7  }
0x297: {  	v6 =	vsub.f32 v6, v5;
	_ =	sdelay $0x1  }
0x298: {  	v6 =	vmul.f32 $1.442695020e+00, v6;
	_ =	sdelay $0x1  }
0x299: {  	(erf) = vpow2.f32 v6;
	_ =	sdelay $0x3  }
0x29a: {  	v6 =	vld [tilespmem:$0x19630];
	_ =	sdelay $0x4  }
0x29b: {  	v7 =	vpop (erf)  }
0x29c: {  	[tilespmem:$0x19E40] =	vst v7  }
0x29d: {  	v7 =	vld.idx.msk [tilespmem:v3+s23+$0x0], $0xffff  }
0x29e: {  	v6 =	vld.idx.msk [tilespmem:v6+s14+$0x0], $0xffff;
	_ =	sdelay $0x1  }
0x29f: {  	v8 =	vld [tilespmem:$0x19E00];
	_ =	sdelay $0x2  }
0x2a0: {  	v6 =	vadd.f32 v6, v7;
	_ =	sdelay $0x1  }
0x2a1: {  	v6 =	vadd.f32 v8, v6;
	_ =	sdelay $0x1  }
0x2a2: {  	v7 =	vmul.f32 $2.000000030e-01, v6;
	_ =	sdelay $0x1  }
0x2a3: {  	v6 =	vmax.f32 v6, v7  }
0x2a4: {  	v6 =	vsub.f32 v6, v5;
	_ =	sdelay $0x1  }
0x2a5: {  	v6 =	vmul.f32 $1.442695020e+00, v6;
	_ =	sdelay $0x1  }
0x2a6: {  	(erf) = vpow2.f32 v6;
	_ =	sdelay $0x3  }
0x2a7: {  	v6 =	vld [tilespmem:$0x19640];
	_ =	sdelay $0x4  }
0x2a8: {  	v7 =	vpop (erf)  }
0x2a9: {  	[tilespmem:$0x19E50] =	vst v7  }
0x2aa: {  	v7 =	vld.idx.msk [tilespmem:v4+s23+$0x0], $0xffff  }
0x2ab: {  	v6 =	vld.idx.msk [tilespmem:v6+s14+$0x0], $0xffff;
	_ =	sdelay $0x1  }
0x2ac: {  	v8 =	vld [tilespmem:$0x19E10];
	_ =	sdelay $0x2  }
0x2ad: {  	v6 =	vadd.f32 v6, v7;
	_ =	sdelay $0x1  }
0x2ae: {  	v6 =	vadd.f32 v8, v6;
	_ =	sdelay $0x1  }
0x2af: {  	v7 =	vmul.f32 $2.000000030e-01, v6;
	_ =	sdelay $0x1  }
0x2b0: {  	v6 =	vmax.f32 v6, v7  }
0x2b1: {  	v6 =	vsub.f32 v6, v5;
	_ =	sdelay $0x1  }
0x2b2: {  	v6 =	vmul.f32 $1.442695020e+00, v6;
	_ =	sdelay $0x1  }
0x2b3: {  	(erf) = vpow2.f32 v6;
	_ =	sdelay $0x1  }
0x2b4: {  	s21 =	simm.s32 $0x0  }
0x2b5: {  	v6 =	vmov s21  }
0x2b6: {  	v6 =	vand.u32 $0xFFFFFFFE, v6  }
0x2b7: {  	v6 =	vbroadcast v6, $0x0;
	_ =	sdelay $0x3  }
0x2b8: {  	v7 =	vpop (erf)  }
0x2b9: {  	[tilespmem:$0x19E60] =	vst v7  }
0x2ba: {  	s9 =	simm.s32 $0x19F00;
	v7 =	vld.idx.msk [tilespmem:v6+s28+$0x0], $0xffff  }
0x2bb: {  	v6 =	vld [tilespmem:s9+$0xFFFFFFF0]  }
0x2bc: {  	v8 =	vld [tilespmem:s9+$0xFFFFFF70]  }
0x2bd: {  	s25 =	simm.s32 $0x1;
	v9 =	vld [tilespmem:s9+$0xFFFFFF80]  }
0x2be: {  	v11 =	vmov s25;
	v10 =	vld [tilespmem:s9+$0xFFFFFF90]  }
0x2bf: {  	v12 =	vld [tilespmem:s9+$0xFFFFFFA0]  }
0x2c0: {  	v13 =	vld [tilespmem:s9+$0xFFFFFFB0]  }
0x2c1: {  	v16 =	vld [tilespmem:s9+$0xFFFFFFC0];
	v6 =	vmul.f32 v6, v7  }
0x2c2: {  	v14 =	vmul.f32 v8, v7;
	v8 =	vld [tilespmem:s9+$0xFFFFFFD0]  }
0x2c3: {  	v10 =	vmul.f32 v10, v7;
	[tilespmem:s9+$0xFFFFFFF0] =	vst v6;
	v6 =	vld.idx.msk [tilespmem:v11+s28+$0x0], $0xffff  }
0x2c4: {  	v11 =	vmul.f32 v9, v7;
	[tilespmem:s9+$0xFFFFFF70] =	vst v14;
	v9 =	vld [tilespmem:s9+$0xFFFFFFE0]  }
0x2c5: {  	v17 =	vmul.f32 v12, v7;
	v12 =	vld [tilespmem:s9+$0x0];
	[tilespmem:s9+$0xFFFFFF90] =	vst v10  }
0x2c6: {  	s2 =	simm.s32 $0x2;
	v14 =	vmul.f32 v13, v7;
	[tilespmem:s9+$0xFFFFFF80] =	vst v11;
	v11 =	vld [tilespmem:s9+$0x10]  }
0x2c7: {  	s12 =	simm.s32 $0x4;
	s10 =	simm.s32 $0x19F00;
	v15 =	vmov s2;
	[tilespmem:s9+$0xFFFFFFA0] =	vst v17;
	v13 =	vmul.f32 v16, v7;
	v10 =	vld [tilespmem:s9+$0x20]  }
.LBB2_13:
0x2c8: {  	p0 =	slt.u32 s12, $0x4E;
	v15 =	vand.u32 $0xFFFFFFFE, v15;
	s13 =	sadd.s32 $0x1, s2;
	[tilespmem:s9+$0xFFFFFFB0] =	vst v14;
	v8 =	vmul.f32 v8, v7;
	v14 =	vld [tilespmem:s9+$0x30];
	s2 =	smov.u32 s12  }
0x2c9: {  	v15 =	vbroadcast v15, $0x0;
	v16 =	vmov s13;
	[tilespmem:s9+$0xFFFFFFC0] =	vst v13;
	v7 =	vmul.f32 v9, v7;
	v9 =	vld [tilespmem:s9+$0x40]  }
0x2ca: {  	[tilespmem:s9+$0xFFFFFFD0] =	vst v8;
	v8 =	vmul.f32 v12, v6;
	v12 =	vld [tilespmem:s9+$0x50]  }
0x2cb: {  	[tilespmem:s9+$0xFFFFFFE0] =	vst v7;
	v7 =	vmul.f32 v11, v6;
	v11 =	vld [tilespmem:s9+$0x60]  }
0x2cc: {  	[tilespmem:s9+$0x0] =	vst v8;
	v8 =	vmul.f32 v10, v6;
	v10 =	vld [tilespmem:s9+$0x70]  }
0x2cd: {  	[tilespmem:s9+$0x10] =	vst v7;
	v13 =	vmul.f32 v14, v6;
	v14 =	vld [tilespmem:s9+$0x80]  }
0x2ce: {  	v16 =	vld.idx.msk [tilespmem:v16+s28+$0x0], $0xffff;
	[tilespmem:s9+$0x20] =	vst v8;
	v8 =	vmul.f32 v9, v6  }
0x2cf: {  	s9 =	sadd.s32 $0x120, s9;
	v7 =	vld.idx.msk [tilespmem:v15+s28+$0x0], $0xffff;
	[tilespmem:s10+$0x30] =	vst v13;
	v9 =	vmul.f32 v12, v6  }
0x2d0: {  	v12 =	vld [tilespmem:s9+$0xFFFFFFF0];
	[tilespmem:s10+$0x40] =	vst v8;
	v8 =	vmul.f32 v11, v6  }
0x2d1: {  	v11 =	vld [tilespmem:s9+$0xFFFFFF70];
	[tilespmem:s10+$0x50] =	vst v9;
	v9 =	vmul.f32 v10, v6  }
0x2d2: {  	v10 =	vld [tilespmem:s9+$0xFFFFFF80];
	[tilespmem:s10+$0x60] =	vst v8;
	v8 =	vmul.f32 v14, v6  }
0x2d3: {  	v13 =	vld [tilespmem:s9+$0xFFFFFF90];
	[tilespmem:s10+$0x70] =	vst v9  }
0x2d4: {  	v6 =	vmov v16;
	v14 =	vld [tilespmem:s9+$0xFFFFFFA0];
	[tilespmem:s10+$0x80] =	vst v8;
	s10 =	smov.u32 s9  }
0x2d5: {  	v15 =	vld [tilespmem:s9+$0xFFFFFFB0];
	v9 =	vmul.f32 v12, v7  }
0x2d6: {  	v11 =	vmul.f32 v11, v7;
	v16 =	vld [tilespmem:s9+$0xFFFFFFC0]  }
.Ltmp5:
0x2d7: {  	v10 =	vmul.f32 v10, v7;
	v8 =	vld [tilespmem:s9+$0xFFFFFFD0];
	[tilespmem:s9+$0xFFFFFFF0] =	vst v9;
	(pc) =	sbr.rel @p0 .LBB2_13-.Ltmp5, $4  }
0x2d8: {  	[tilespmem:s9+$0xFFFFFF70] =	vst v11;
	v11 =	vmul.f32 v13, v7;
	v9 =	vld [tilespmem:s9+$0xFFFFFFE0]  }
0x2d9: {  	[tilespmem:s9+$0xFFFFFF80] =	vst v10;
	v10 =	vmul.f32 v14, v7;
	v12 =	vld [tilespmem:s9+$0x0]  }
0x2da: {  	[tilespmem:s9+$0xFFFFFF90] =	vst v11;
	v14 =	vmul.f32 v15, v7;
	v11 =	vld [tilespmem:s9+$0x10]  }
0x2db: {  	s12 =	sadd.s32 $0x2, s12;
	v15 =	vmov s2;
	[tilespmem:s9+$0xFFFFFFA0] =	vst v10;
	v13 =	vmul.f32 v16, v7;
	v10 =	vld [tilespmem:s9+$0x20]  }
0x2dc: {  	v16 =	vld [tilespmem:s9+$0x30]  }
0x2dd: {  	v17 =	vld [tilespmem:s9+$0x40];
	v15 =	vand.u32 $0xFFFFFFFE, v15  }
0x2de: {  	v18 =	vld [tilespmem:s9+$0x50];
	[tilespmem:s9+$0xFFFFFFB0] =	vst v14;
	v8 =	vmul.f32 v8, v7;
	v15 =	vbroadcast v15, $0x0  }
0x2df: {  	v20 =	vld [tilespmem:s9+$0x60];
	[tilespmem:s9+$0xFFFFFFC0] =	vst v13;
	v7 =	vmul.f32 v9, v7  }
0x2e0: {  	v37 =	vld [tilespmem:s9+$0x70];
	v12 =	vmul.f32 v12, v6;
	[tilespmem:s9+$0xFFFFFFD0] =	vst v8  }
0x2e1: {  	v38 =	vld [tilespmem:s9+$0x80];
	s25 =	sadd.s32 $0x120, s9;
	v11 =	vmul.f32 v11, v6;
	[tilespmem:s9+$0xFFFFFFE0] =	vst v7  }
0x2e2: {  	v43 =	vld [tilespmem:s25+$0xFFFFFFF0];
	[tilespmem:s9+$0x0] =	vst v12;
	v39 =	vmul.f32 v10, v6  }
0x2e3: {  	v44 =	vld [tilespmem:s25+$0xFFFFFF70];
	[tilespmem:s9+$0x10] =	vst v11;
	v7 =	vmul.f32 v16, v6  }
0x2e4: {  	v42 =	vmul.f32 v17, v6;
	[tilespmem:s9+$0x20] =	vst v39;
	v41 =	vld.idx.msk [tilespmem:v15+s28+$0x0], $0xffff  }
0x2e5: {  	v46 =	vld [tilespmem:s25+$0xFFFFFF80];
	[tilespmem:s10+$0x30] =	vst v7;
	v7 =	vmul.f32 v18, v6  }
0x2e6: {  	v47 =	vld [tilespmem:s25+$0xFFFFFF90];
	v45 =	vmul.f32 v20, v6;
	[tilespmem:s10+$0x40] =	vst v42  }
0x2e7: {  	s2 =	sadd.s32 $0x1, s2;
	v48 =	vld [tilespmem:s25+$0xFFFFFFA0];
	[tilespmem:s10+$0x50] =	vst v7;
	v7 =	vmul.f32 v37, v6  }
0x2e8: {  	v19 =	vmov s2;
	v50 =	vld [tilespmem:s25+$0xFFFFFFC0];
	[tilespmem:s10+$0x60] =	vst v45;
	v6 =	vmul.f32 v38, v6  }
0x2e9: {  	[tilespmem:s10+$0x70] =	vst v7;
	v7 =	vld [tilespmem:s25+$0xFFFFFFB0];
	v49 =	vmul.f32 v43, v41  }
0x2ea: {  	v52 =	vld [tilespmem:s25+$0xFFFFFFD0];
	[tilespmem:s10+$0x80] =	vst v6;
	v6 =	vmul.f32 v44, v41  }
0x2eb: {  	v53 =	vld [tilespmem:s25+$0xFFFFFFE0];
	v51 =	vmul.f32 v46, v41;
	[tilespmem:s25+$0xFFFFFFF0] =	vst v49  }
0x2ec: {  	v54 =	vld [tilespmem:s25+$0x0];
	[tilespmem:s25+$0xFFFFFF70] =	vst v6;
	v6 =	vmul.f32 v47, v41  }
0x2ed: {  	v40 =	vld.idx.msk [tilespmem:v19+s28+$0x0], $0xffff;
	v8 =	vmul.f32 v48, v41;
	[tilespmem:s25+$0xFFFFFF80] =	vst v51  }
0x2ee: {  	[tilespmem:s25+$0xFFFFFF90] =	vst v6;
	v6 =	vmul.f32 v7, v41;
	v7 =	vld [tilespmem:s25+$0x10]  }
0x2ef: {  	v56 =	vld [tilespmem:s25+$0x20];
	v55 =	vmul.f32 v50, v41;
	[tilespmem:s25+$0xFFFFFFA0] =	vst v8  }
0x2f0: {  	v57 =	vld [tilespmem:s25+$0x30];
	[tilespmem:s25+$0xFFFFFFB0] =	vst v6;
	v6 =	vmul.f32 v52, v41  }
0x2f1: {  	v59 =	vld [tilespmem:s25+$0x40];
	v58 =	vmul.f32 v53, v41;
	[tilespmem:s25+$0xFFFFFFC0] =	vst v55  }
0x2f2: {  	v60 =	vld [tilespmem:s25+$0x50];
	[tilespmem:s25+$0xFFFFFFD0] =	vst v6;
	v6 =	vmul.f32 v54, v40  }
0x2f3: {  	v61 =	vld [tilespmem:s25+$0x60];
	[tilespmem:s25+$0xFFFFFFE0] =	vst v58;
	v7 =	vmul.f32 v7, v40  }
0x2f4: {  	v62 =	vld [tilespmem:s25+$0x70];
	[tilespmem:s25+$0x0] =	vst v6;
	v6 =	vmul.f32 v56, v40  }
0x2f5: {  	v63 =	vld [tilespmem:s25+$0x80];
	[tilespmem:s25+$0x10] =	vst v7;
	v7 =	vmul.f32 v57, v40  }
0x2f6: {  	[tilespmem:s25+$0x20] =	vst v6;
	v6 =	vmul.f32 v59, v40  }
0x2f7: {  	[tilespmem:s25+$0x30] =	vst v7;
	v7 =	vmul.f32 v60, v40  }
0x2f8: {  	[tilespmem:s25+$0x40] =	vst v6;
	v6 =	vmul.f32 v61, v40  }
0x2f9: {  	[tilespmem:s25+$0x50] =	vst v7;
	v7 =	vmul.f32 v62, v40  }
0x2fa: {  	[tilespmem:s25+$0x60] =	vst v6;
	v6 =	vmul.f32 v63, v40  }
0x2fb: {  	[tilespmem:s25+$0x70] =	vst v7  }
0x2fc: {  	s5 =	sadd.s32 $0x1, s5;
	[tilespmem:s25+$0x80] =	vst v6  }
0x2fd: {  	[spmem:s4] =	stream.indirect.scatter.add.f32 [tilespmem:s23], [sflag:$0x3], $0x90, s1, s22, $0xb8;
	[tilespmem:$0x1F870] =	vst v63  }
0x2fe: {  	p0 =	sne.s32 s5, $0x5;
	_ =	swait.ge [sflag:s31], $0x2D00  }
.Ltmp6:
0x2ff: {  	[sflag:s31] =	ssyncset.done $0x0;
	(pc) =	sbr.rel @p0 .LBB2_2-.Ltmp6, $4  }
0x300: {  	[sflag:s31] =	ssyncadd.s32 $0xFFFFD300  }
0x301: {  	_ =	swait.ge [sflag:s30], $0x2D00  }
0x302: {  	[sflag:s30] =	ssyncset.done $0x0  }
0x303: {  	[sflag:s30] =	ssyncadd.s32 $0xFFFFD300  }
0x304: {  	[bflag:$0x0] =	sbarrier.arrive $0xFFFF  }
0x305: {  	s2 =	rddreg [dreg:$0x7]  }
0x306: {  	s10 =	rddreg [dreg:$0x9]  }
0x307: {  	s12 =	rddreg [dreg:$0xa]  }
0x308: {  	[hbm:s2], [sflag:s10] =	dma.local [spmem:s12], $0x2BF2  }
0x309: {  	_ =	swait.ge [sflag:s15], $0x2BF2  }
0x30a: {  	s5 =	rddreg [dreg:$0xb]  }
0x30b: {  	s25 =	rddreg [dreg:$0x8];
	s5 =	sadd.s32 $0x1, s5  }
0x30c: {  	p0 =	sne.s32 s5, s25  }
.Ltmp7:
0x30d: {  	_ = 	snop;
	(pc) =	sbr.rel @p0 .LBB2_1-.Ltmp7, $3  }
0x30e: {  	_ =	sdelay $0x1  }
0x30f: {  	[sflag:s15] =	ssyncset.done $0x0  }
0x310: {  	[sflag:s15] =	ssyncadd.s32 $0xFFFFD40E  }
0x311: {  	_ =	sfence.sel $0x180000  }
0x312: {  	[bflag:$0x0] =	sbarrier.arrive $0xFFFF  }
0x313: {  	_ =	strace $0x90000047  }
0x314: {  	s0 =	stileid.u32;
	[bflag:$0x2] =	sbarrier.arrive $0xFFFF  }
0x315: {  	p0 =	sne.s32 s0, $0x0;
	s0 =	rddreg [dreg:$0x4]  }
0x316: {  	s0 =	sadd.s32 @!p0 $0x100000, s0  }
0x317: {  	[sflag:s0] =	ssyncadd.tile.s32 @!p0 $0x1;
	_ =	shalt  }
.Lfunc_end2:
_tile_overlayer_lowered:
.L_overlay_start_2:
0x318: {  	(tag) =	ssettag $0x2  }
0x319: {  	s0 =	rddreg [dreg:$0x0];
	s2 =	stileid.u32  }
0x31a: {  	s1 =	rddreg [dreg:$0x1];
	p0 =	sne.s32 s2, $0x0  }
0x31b: {  	s3 =	rddreg [dreg:$0x2];
	[bflag:$0x3] =	sbarrier.arrive $0xFFFF;
	s2 =	simm.s32 @!p0 $0x1C05  }
0x31c: {  	[timem:s3], [sflag:s2] =	dma.local @!p0 [hbm:s0], s1  }
0x31d: {  	s0 =	simm.s32 @!p0 $0x5  }
0x31e: {  	_ =	swait.ge @!p0 [sflag:s0], s1  }
0x31f: {  	s1 =	ssub.s32 @!p0 $0x0, s1;
	[sflag:s0] =	ssyncset.done @!p0 $0x0  }
0x320: {  	[sflag:s0] =	ssyncadd.s32 @!p0 s1  }
0x321: {  	[bflag:$0x3] =	sbarrier.arrive $0xFFFF  }
0x322: {  	_ =	shalt  }

</sc_bundles>
